<compile_context>
chip_gen: v7x
topology: tpu7x:2x2x1
jax: 0.10.2.dev20260603
libtpu: 0.0.44.dev20260713+nightly
codegen_flags: <defaults>
</compile_context>

<pallas_src>
import jax
import jax.numpy as jnp
from jax import lax
from jax.experimental import pallas as pl
from jax.experimental.pallas import tpu as pltpu
from jax.experimental.pallas import tpu_sc as plsc

B, O, F, V, D = 1024, 50, 26, 100000, 64
H = D // 16
N = B * O * F
LN_EPS = 1e-5

G = 16
GW = 8
CH = G * GW
NC, NS = 2, 16
NW = NC * NS
PER_W = N // NW
CPW = PER_W // CH
NB = 5
NSUP = CPW // NB


def _sc_gather_body(tab_ref, idx_ref, out_ref, idx_v, rows_v, gsem, wsem):
    wid = lax.axis_index("s") * NC + lax.axis_index("c")
    base_ch = wid * CPW
    pltpu.sync_copy(idx_ref.at[wid], idx_v)

    def start_gathers(j, b):
        for k in range(GW):
            ivec = idx_v[j, pl.ds(k * G, G)]
            pltpu.async_copy(tab_ref.at[ivec],
                             rows_v.at[b, pl.ds(k * G, G)], gsem.at[b])

    def wait_gathers(b):
        pltpu.make_async_copy(tab_ref.at[pl.ds(0, CH)], rows_v.at[b],
                              gsem.at[b]).wait()

    for b in range(NB):
        start_gathers(b, b)

    def super_step(g, carry):
        for b in range(NB):
            j = g * NB + b
            wait_gathers(b)
            pltpu.async_copy(rows_v.at[b],
                             out_ref.at[pl.ds((base_ch + j) * CH, CH)],
                             wsem.at[b])

            @pl.when(g < NSUP - 1)
            def _():
                pltpu.make_async_copy(
                    rows_v.at[b],
                    out_ref.at[pl.ds((base_ch + j) * CH, CH)],
                    wsem.at[b]).wait()
                start_gathers(j + NB, b)
        return carry

    lax.fori_loop(0, NSUP, super_step, 0)
    for b in range(NB):
        j = (NSUP - 1) * NB + b
        pltpu.make_async_copy(rows_v.at[b],
                              out_ref.at[pl.ds((base_ch + j) * CH, CH)],
                              wsem.at[b]).wait()


def _make_sc_gather():
    return pl.kernel(
        _sc_gather_body,
        out_type=jax.ShapeDtypeStruct((N, 2 * D), jnp.float32),
        mesh=plsc.VectorSubcoreMesh(core_axis_name="c", subcore_axis_name="s"),
        compiler_params=pltpu.CompilerParams(use_tc_tiling_on_sc=True),
        scratch_types=[
            pltpu.VMEM((CPW, 2 * D), jnp.int32),
            pltpu.VMEM((NB, CH, 2 * D), jnp.float32),
            pltpu.SemaphoreType.DMA((NB,)),
            pltpu.SemaphoreType.DMA((NB,)),
        ],
    )


def _slot_body(ctx_ref, w1_ref, b1_ref, w2_ref, b2_ref, w_ref):
    h = jnp.dot(ctx_ref[...], w1_ref[...], preferred_element_type=jnp.float32)
    h = h + b1_ref[...]
    sp = jnp.maximum(h, 0.0) + jnp.log(1.0 + jnp.exp(-jnp.abs(h)))
    m = h * jnp.tanh(sp)
    logits = jnp.dot(m, w2_ref[...], preferred_element_type=jnp.float32)
    logits = logits + b2_ref[...]
    mx = jnp.max(logits, axis=-1, keepdims=True)
    e = jnp.exp(logits - mx)
    w_ref[...] = e / jnp.sum(e, axis=-1, keepdims=True)


_slot = pl.pallas_call(
    _slot_body,
    out_shape=jax.ShapeDtypeStruct((B, F), jnp.float32),
)


RB = 400


def _mix_body(g_ref, wexp_ref, lnw_ref, lnb_ref, avg_ref, out_ref):
    wexp = wexp_ref[...]
    avg = avg_ref[...]
    acc = jnp.zeros((RB, D), jnp.float32)
    for f in range(F):
        e = g_ref[f][:, 0:D]
        mu = jnp.dot(e, avg, preferred_element_type=jnp.float32)
        c = e - mu
        var = jnp.dot(c * c, avg, preferred_element_type=jnp.float32)
        nrm = c * lax.rsqrt(var + LN_EPS)
        sc = nrm * lnw_ref[f : f + 1, :] + lnb_ref[f : f + 1, :]
        acc = acc + wexp[:, f : f + 1] * sc
    out_ref[...] = acc


_mix = pl.pallas_call(
    _mix_body,
    grid=(B * O // RB,),
    in_specs=[
        pl.BlockSpec((F, RB, 2 * D), lambda i: (0, i, 0)),
        pl.BlockSpec((RB, F), lambda i: (i, 0)),
        pl.BlockSpec((F, D), lambda i: (0, 0)),
        pl.BlockSpec((F, D), lambda i: (0, 0)),
        pl.BlockSpec((D, D), lambda i: (0, 0)),
    ],
    out_specs=pl.BlockSpec((RB, D), lambda i: (i, 0)),
    out_shape=jax.ShapeDtypeStruct((B * O, D), jnp.float32),
)


def kernel(context, object_map, tables, ln_w, ln_b, W1, b1, W2, b2):
    om = object_map.astype(jnp.int32)
    idx = om.transpose(2, 0, 1).reshape(F, B * O)
    idx = idx + (jnp.arange(F, dtype=jnp.int32) * V)[:, None]
    idx3d = idx.reshape(NW, CPW, 2 * D)

    tab_pad = jnp.concatenate(
        [tables, jnp.zeros_like(tables)], axis=-1).reshape(F * V, 2 * D)
    gathered = _make_sc_gather()(tab_pad, idx3d)

    w = _slot(context, W1, b1.reshape(1, H), W2, b2.reshape(1, F))
    wexp = jnp.repeat(w, O, axis=0)
    avg = jnp.full((D, D), 1.0 / D, dtype=jnp.float32)

    out = _mix(gathered.reshape(F, B * O, 2 * D), wexp, ln_w, ln_b, avg)
    return out.reshape(B, O, D)

# --- scband reference (transcript-rebuilt; emitter-appended) ---
"""Pipeline reference for scband-object-encoder-7172595384844 (READ-ONLY COPY).

The authoritative reference and input builder live on the scoring server;
editing this copy changes nothing except your own understanding.
"""

import jax, jax.numpy as jnp
import numpy as np

B, O, F, V, D = 1024, 50, 26, 100000, 64
H = D // 16
PAD_IDX = 0
LN_EPS = 1e-5


def setup_inputs(seed: int = 0) -> dict:
    key = jax.random.key(seed)
    ks = jax.random.split(key, 9)
    context = jax.random.normal(ks[0], (B, D), dtype=jnp.float32)
    object_map = jax.random.randint(ks[1], (B, O, F), 0, V)
    # F embedding tables stacked: [F, V, D]; pad_idx row zeroed like nn.Embedding(padding_idx=0)
    tables = jax.random.normal(ks[2], (F, V, D), dtype=jnp.float32) * 0.02
    tables = tables.at[:, PAD_IDX, :].set(0.0)
    # per-feature LayerNorm affine params
    ln_w = jnp.ones((F, D), dtype=jnp.float32)
    ln_b = jnp.zeros((F, D), dtype=jnp.float32)
    # slot_attn: Linear(D, D//16) -> Mish -> Linear(D//16, F)
    W1 = jax.random.normal(ks[3], (D, H), dtype=jnp.float32) * (1.0 / np.sqrt(D))
    b1 = jnp.zeros((H,), dtype=jnp.float32)
    W2 = jax.random.normal(ks[4], (H, F), dtype=jnp.float32) * (1.0 / np.sqrt(H))
    b2 = jnp.zeros((F,), dtype=jnp.float32)
    return {"context": context, "object_map": object_map, "tables": tables,
            "ln_w": ln_w, "ln_b": ln_b, "W1": W1, "b1": b1, "W2": W2, "b2": b2}


def _mish(x):
    return x * jnp.tanh(jax.nn.softplus(x))


def reference(context, object_map, tables, ln_w, ln_b, W1, b1, W2, b2):
    # per-feature embedding lookup: tables[f][object_map[..., f]] -> [B, F, O, D]
    emb = jax.vmap(lambda t, idx: jnp.take(t, idx, axis=0), in_axes=(0, 2), out_axes=1)(tables, object_map)
    # per-feature LayerNorm over embed dim
    mu = jnp.mean(emb, axis=-1, keepdims=True)
    var = jnp.var(emb, axis=-1, keepdims=True)
    emb = (emb - mu) / jnp.sqrt(var + LN_EPS)
    emb = emb * ln_w[None, :, None, :] + ln_b[None, :, None, :]
    # slot attention over features
    h = context @ W1 + b1
    h = _mish(h)
    logits = h @ W2 + b2
    slot_weight = jax.nn.softmax(logits, axis=-1)  # [B, F]
    # einsum 'bsoi, bs -> boi'
    return jnp.einsum('bsoi,bs->boi', emb, slot_weight)

if __name__ == "__main__":
    import jax
    _d = setup_inputs()
    print(jax.jit(kernel)(*tuple(_d.values())))

</pallas_src>

<mosaic_0001>
#map = affine_map<(d0, d1) -> (0, 0)>
#map1 = affine_map<(d0, d1) -> (0, 0, 0)>
module attributes {stable_mosaic.version = 14 : i64} {
  func.func @_sc_gather_body(%arg0: i32, %arg1: i32, %arg2: memref<2600000x128xf32, #tpu.memory_space<hbm>>, %arg3: memref<32x325x128xi32, #tpu.memory_space<hbm>>, %arg4: memref<1331200x128xf32, #tpu.memory_space<hbm>>, %arg5: memref<325x128xi32, #tpu.memory_space<vmem>>, %arg6: memref<5x128x128xf32, #tpu.memory_space<vmem>>, %arg7: memref<5x!tpu.dma_semaphore, #tpu.memory_space<semaphore_mem>>, %arg8: memref<5x!tpu.dma_semaphore, #tpu.memory_space<semaphore_mem>>) attributes {dimension_semantics = [#tpu.dimension_semantics<core_parallel>, #tpu.dimension_semantics<subcore_parallel>], iteration_bounds = array<i64: 2, 16>, scalar_prefetch = 0 : i64, scratch_operands = 4 : i64, tpu.core_type = #tpu.core_type<sc_vector_subcore>, window_params = [{transform_indices = #map}, {transform_indices = #map1}, {transform_indices = #map}]} {
    %mul3A = arith.constant 2 : i32
    %mul3A_0 = arith.muli %arg1, %mul3A : i32
    %add3A = arith.addi %mul3A_0, %arg0 : i32
    %mul3A_1 = arith.constant 325 : i32
    %mul3A_2 = arith.muli %add3A, %mul3A_1 : i32
    "tpu.region"() ({
      %run_scoped3A = tpu.sem_alloc : memref<!tpu.dma_semaphore, #tpu.memory_space<semaphore_mem>>
      %dma_start3A_745 = arith.constant 0 : i32
      %dma_start3A_746 = arith.constant 0 : i32
      %dma_start3A_747 = tpu.memref_slice %arg3[%add3A, %dma_start3A_745, %dma_start3A_746] : memref<32x325x128xi32, #tpu.memory_space<hbm>> -> memref<1x325x128xi32, #tpu.memory_space<hbm>>
      %dma_start3A_748 = tpu.memref_squeeze %dma_start3A_747 : memref<1x325x128xi32, #tpu.memory_space<hbm>> -> memref<325x128xi32, #tpu.memory_space<hbm>>
      %dma_start3A_749 = arith.constant 0 : i32
      %dma_start3A_750 = arith.constant 0 : i32
      %dma_start3A_751 = tpu.memref_slice %arg3[%add3A, %dma_start3A_749, %dma_start3A_750] : memref<32x325x128xi32, #tpu.memory_space<hbm>> -> memref<1x325x128xi32, #tpu.memory_space<hbm>>
      %dma_start3A_752 = tpu.memref_squeeze %dma_start3A_751 : memref<1x325x128xi32, #tpu.memory_space<hbm>> -> memref<325x128xi32, #tpu.memory_space<hbm>>
      tpu.enqueue_dma source(%dma_start3A_752 : memref<325x128xi32, #tpu.memory_space<hbm>>) target(%arg5 : memref<325x128xi32, #tpu.memory_space<vmem>>) target_semaphore(%run_scoped3A : memref<!tpu.dma_semaphore, #tpu.memory_space<semaphore_mem>>)
      %dma_wait3A_753 = arith.constant 0 : i32
      %dma_wait3A_754 = arith.constant 0 : i32
      %dma_wait3A_755 = tpu.memref_slice %arg3[%add3A, %dma_wait3A_753, %dma_wait3A_754] : memref<32x325x128xi32, #tpu.memory_space<hbm>> -> memref<1x325x128xi32, #tpu.memory_space<hbm>>
      %dma_wait3A_756 = tpu.memref_squeeze %dma_wait3A_755 : memref<1x325x128xi32, #tpu.memory_space<hbm>> -> memref<325x128xi32, #tpu.memory_space<hbm>>
      %dma_wait3A_757 = arith.constant 0 : i32
      %dma_wait3A_758 = arith.constant 0 : i32
      %dma_wait3A_759 = tpu.memref_slice %arg3[%add3A, %dma_wait3A_757, %dma_wait3A_758] : memref<32x325x128xi32, #tpu.memory_space<hbm>> -> memref<1x325x128xi32, #tpu.memory_space<hbm>>
      %dma_wait3A_760 = tpu.memref_squeeze %dma_wait3A_759 : memref<1x325x128xi32, #tpu.memory_space<hbm>> -> memref<325x128xi32, #tpu.memory_space<hbm>>
      tpu.wait_dma2 semaphore(%run_scoped3A : memref<!tpu.dma_semaphore, #tpu.memory_space<semaphore_mem>>) src(%dma_wait3A_760 : memref<325x128xi32, #tpu.memory_space<hbm>>) dst(%arg5 : memref<325x128xi32, #tpu.memory_space<vmem>>)
      tpu.yield
    }) : () -> ()
    %get3A = arith.constant 0 : i32
    %get3A_3 = arith.index_cast %get3A : i32 to index
    %get3A_4 = arith.constant 0 : index
    %get3A_5 = tpu.vector_load %arg5[%get3A_3, %get3A_4] {strides = array<i32>} : memref<325x128xi32, #tpu.memory_space<vmem>>, vector<1x16xi32>,
    %get3A_6 = vector.shape_cast %get3A_5 : vector<1x16xi32> to vector<16xi32>
    %dma_start3A = arith.constant 0 : i32
    %dma_start3A_7 = arith.constant 0 : i32
    %dma_start3A_8 = arith.constant 0 : i32
    %dma_start3A_9 = arith.constant 0 : i32
    %dma_start3A_10 = tpu.memref_slice %arg6[%dma_start3A, %dma_start3A_8, %dma_start3A_9] : memref<5x128x128xf32, #tpu.memory_space<vmem>> -> memref<1x16x128xf32, #tpu.memory_space<vmem>>
    %dma_start3A_11 = tpu.memref_squeeze %dma_start3A_10 : memref<1x16x128xf32, #tpu.memory_space<vmem>> -> memref<16x128xf32, #tpu.memory_space<vmem>>
    %dma_start3A_12 = arith.constant 0 : i32
    %dma_start3A_13 = arith.constant 0 : i32
    %dma_start3A_14 = tpu.memref_slice %arg2[%dma_start3A_12, %dma_start3A_13] : memref<2600000x128xf32, #tpu.memory_space<hbm>> -> memref<2600000x128xf32, #tpu.memory_space<hbm>>
    %dma_start3A_15 = tpu.memref_slice %arg7[%dma_start3A_7] : memref<5x!tpu.dma_semaphore, #tpu.memory_space<semaphore_mem>> -> memref<1x!tpu.dma_semaphore, #tpu.memory_space<semaphore_mem>>
    %dma_start3A_16 = tpu.memref_squeeze %dma_start3A_15 : memref<1x!tpu.dma_semaphore, #tpu.memory_space<semaphore_mem>> -> memref<!tpu.dma_semaphore, #tpu.memory_space<semaphore_mem>>
    tpu.enqueue_indirect_dma source(%dma_start3A_14 : memref<2600000x128xf32, #tpu.memory_space<hbm>>) target(%dma_start3A_11 : memref<16x128xf32, #tpu.memory_space<vmem>>) offsets(%get3A_6 : vector<16xi32>) semaphore(%dma_start3A_16 : memref<!tpu.dma_semaphore, #tpu.memory_space<semaphore_mem>>)
    %get3A_17 = arith.constant 0 : i32
    %get3A_18 = arith.index_cast %get3A_17 : i32 to index
    %get3A_19 = arith.constant 16 : index
    %get3A_20 = tpu.vector_load %arg5[%get3A_18, %get3A_19] {strides = array<i32>} : memref<325x128xi32, #tpu.memory_space<vmem>>, vector<1x16xi32>,
    %get3A_21 = vector.shape_cast %get3A_20 : vector<1x16xi32> to vector<16xi32>
    %dma_start3A_22 = arith.constant 0 : i32
    %dma_start3A_23 = arith.constant 0 : i32
    %dma_start3A_24 = arith.constant 16 : i32
    %dma_start3A_25 = arith.constant 0 : i32
    %dma_start3A_26 = tpu.memref_slice %arg6[%dma_start3A_22, %dma_start3A_24, %dma_start3A_25] : memref<5x128x128xf32, #tpu.memory_space<vmem>> -> memref<1x16x128xf32, #tpu.memory_space<vmem>>
    %dma_start3A_27 = tpu.memref_squeeze %dma_start3A_26 : memref<1x16x128xf32, #tpu.memory_space<vmem>> -> memref<16x128xf32, #tpu.memory_space<vmem>>
    %dma_start3A_28 = arith.constant 0 : i32
    %dma_start3A_29 = arith.constant 0 : i32
    %dma_start3A_30 = tpu.memref_slice %arg2[%dma_start3A_28, %dma_start3A_29] : memref<2600000x128xf32, #tpu.memory_space<hbm>> -> memref<2600000x128xf32, #tpu.memory_space<hbm>>
    %dma_start3A_31 = tpu.memref_slice %arg7[%dma_start3A_23] : memref<5x!tpu.dma_semaphore, #tpu.memory_space<semaphore_mem>> -> memref<1x!tpu.dma_semaphore, #tpu.memory_space<semaphore_mem>>
    %dma_start3A_32 = tpu.memref_squeeze %dma_start3A_31 : memref<1x!tpu.dma_semaphore, #tpu.memory_space<semaphore_mem>> -> memref<!tpu.dma_semaphore, #tpu.memory_space<semaphore_mem>>
    tpu.enqueue_indirect_dma source(%dma_start3A_30 : memref<2600000x128xf32, #tpu.memory_space<hbm>>) target(%dma_start3A_27 : memref<16x128xf32, #tpu.memory_space<vmem>>) offsets(%get3A_21 : vector<16xi32>) semaphore(%dma_start3A_32 : memref<!tpu.dma_semaphore, #tpu.memory_space<semaphore_mem>>)
    %get3A_33 = arith.constant 0 : i32
    %get3A_34 = arith.index_cast %get3A_33 : i32 to index
    %get3A_35 = arith.constant 32 : index
    %get3A_36 = tpu.vector_load %arg5[%get3A_34, %get3A_35] {strides = array<i32>} : memref<325x128xi32, #tpu.memory_space<vmem>>, vector<1x16xi32>,
    %get3A_37 = vector.shape_cast %get3A_36 : vector<1x16xi32> to vector<16xi32>
    %dma_start3A_38 = arith.constant 0 : i32
    %dma_start3A_39 = arith.constant 0 : i32
    %dma_start3A_40 = arith.constant 32 : i32
    %dma_start3A_41 = arith.constant 0 : i32
    %dma_start3A_42 = tpu.memref_slice %arg6[%dma_start3A_38, %dma_start3A_40, %dma_start3A_41] : memref<5x128x128xf32, #tpu.memory_space<vmem>> -> memref<1x16x128xf32, #tpu.memory_space<vmem>>
    %dma_start3A_43 = tpu.memref_squeeze %dma_start3A_42 : memref<1x16x128xf32, #tpu.memory_space<vmem>> -> memref<16x128xf32, #tpu.memory_space<vmem>>
    %dma_start3A_44 = arith.constant 0 : i32
    %dma_start3A_45 = arith.constant 0 : i32
    %dma_start3A_46 = tpu.memref_slice %arg2[%dma_start3A_44, %dma_start3A_45] : memref<2600000x128xf32, #tpu.memory_space<hbm>> -> memref<2600000x128xf32, #tpu.memory_space<hbm>>
    %dma_start3A_47 = tpu.memref_slice %arg7[%dma_start3A_39] : memref<5x!tpu.dma_semaphore, #tpu.memory_space<semaphore_mem>> -> memref<1x!tpu.dma_semaphore, #tpu.memory_space<semaphore_mem>>
    %dma_start3A_48 = tpu.memref_squeeze %dma_start3A_47 : memref<1x!tpu.dma_semaphore, #tpu.memory_space<semaphore_mem>> -> memref<!tpu.dma_semaphore, #tpu.memory_space<semaphore_mem>>
    tpu.enqueue_indirect_dma source(%dma_start3A_46 : memref<2600000x128xf32, #tpu.memory_space<hbm>>) target(%dma_start3A_43 : memref<16x128xf32, #tpu.memory_space<vmem>>) offsets(%get3A_37 : vector<16xi32>) semaphore(%dma_start3A_48 : memref<!tpu.dma_semaphore, #tpu.memory_space<semaphore_mem>>)
    %get3A_49 = arith.constant 0 : i32
    %get3A_50 = arith.index_cast %get3A_49 : i32 to index
    %get3A_51 = arith.constant 48 : index
    %get3A_52 = tpu.vector_load %arg5[%get3A_50, %get3A_51] {strides = array<i32>} : memref<325x128xi32, #tpu.memory_space<vmem>>, vector<1x16xi32>,
    %get3A_53 = vector.shape_cast %get3A_52 : vector<1x16xi32> to vector<16xi32>
    %dma_start3A_54 = arith.constant 0 : i32
    %dma_start3A_55 = arith.constant 0 : i32
    %dma_start3A_56 = arith.constant 48 : i32
    %dma_start3A_57 = arith.constant 0 : i32
    %dma_start3A_58 = tpu.memref_slice %arg6[%dma_start3A_54, %dma_start3A_56, %dma_start3A_57] : memref<5x128x128xf32, #tpu.memory_space<vmem>> -> memref<1x16x128xf32, #tpu.memory_space<vmem>>
    %dma_start3A_59 = tpu.memref_squeeze %dma_start3A_58 : memref<1x16x128xf32, #tpu.memory_space<vmem>> -> memref<16x128xf32, #tpu.memory_space<vmem>>
    %dma_start3A_60 = arith.constant 0 : i32
    %dma_start3A_61 = arith.constant 0 : i32
    %dma_start3A_62 = tpu.memref_slice %arg2[%dma_start3A_60, %dma_start3A_61] : memref<2600000x128xf32, #tpu.memory_space<hbm>> -> memref<2600000x128xf32, #tpu.memory_space<hbm>>
    %dma_start3A_63 = tpu.memref_slice %arg7[%dma_start3A_55] : memref<5x!tpu.dma_semaphore, #tpu.memory_space<semaphore_mem>> -> memref<1x!tpu.dma_semaphore, #tpu.memory_space<semaphore_mem>>
    %dma_start3A_64 = tpu.memref_squeeze %dma_start3A_63 : memref<1x!tpu.dma_semaphore, #tpu.memory_space<semaphore_mem>> -> memref<!tpu.dma_semaphore, #tpu.memory_space<semaphore_mem>>
    tpu.enqueue_indirect_dma source(%dma_start3A_62 : memref<2600000x128xf32, #tpu.memory_space<hbm>>) target(%dma_start3A_59 : memref<16x128xf32, #tpu.memory_space<vmem>>) offsets(%get3A_53 : vector<16xi32>) semaphore(%dma_start3A_64 : memref<!tpu.dma_semaphore, #tpu.memory_space<semaphore_mem>>)
    %get3A_65 = arith.constant 0 : i32
    %get3A_66 = arith.index_cast %get3A_65 : i32 to index
    %get3A_67 = arith.constant 64 : index
    %get3A_68 = tpu.vector_load %arg5[%get3A_66, %get3A_67] {strides = array<i32>} : memref<325x128xi32, #tpu.memory_space<vmem>>, vector<1x16xi32>,
    %get3A_69 = vector.shape_cast %get3A_68 : vector<1x16xi32> to vector<16xi32>
    %dma_start3A_70 = arith.constant 0 : i32
    %dma_start3A_71 = arith.constant 0 : i32
    %dma_start3A_72 = arith.constant 64 : i32
    %dma_start3A_73 = arith.constant 0 : i32
    %dma_start3A_74 = tpu.memref_slice %arg6[%dma_start3A_70, %dma_start3A_72, %dma_start3A_73] : memref<5x128x128xf32, #tpu.memory_space<vmem>> -> memref<1x16x128xf32, #tpu.memory_space<vmem>>
    %dma_start3A_75 = tpu.memref_squeeze %dma_start3A_74 : memref<1x16x128xf32, #tpu.memory_space<vmem>> -> memref<16x128xf32, #tpu.memory_space<vmem>>
    %dma_start3A_76 = arith.constant 0 : i32
    %dma_start3A_77 = arith.constant 0 : i32
    %dma_start3A_78 = tpu.memref_slice %arg2[%dma_start3A_76, %dma_start3A_77] : memref<2600000x128xf32, #tpu.memory_space<hbm>> -> memref<2600000x128xf32, #tpu.memory_space<hbm>>
    %dma_start3A_79 = tpu.memref_slice %arg7[%dma_start3A_71] : memref<5x!tpu.dma_semaphore, #tpu.memory_space<semaphore_mem>> -> memref<1x!tpu.dma_semaphore, #tpu.memory_space<semaphore_mem>>
    %dma_start3A_80 = tpu.memref_squeeze %dma_start3A_79 : memref<1x!tpu.dma_semaphore, #tpu.memory_space<semaphore_mem>> -> memref<!tpu.dma_semaphore, #tpu.memory_space<semaphore_mem>>
    tpu.enqueue_indirect_dma source(%dma_start3A_78 : memref<2600000x128xf32, #tpu.memory_space<hbm>>) target(%dma_start3A_75 : memref<16x128xf32, #tpu.memory_space<vmem>>) offsets(%get3A_69 : vector<16xi32>) semaphore(%dma_start3A_80 : memref<!tpu.dma_semaphore, #tpu.memory_space<semaphore_mem>>)
    %get3A_81 = arith.constant 0 : i32
    %get3A_82 = arith.index_cast %get3A_81 : i32 to index
    %get3A_83 = arith.constant 80 : index
    %get3A_84 = tpu.vector_load %arg5[%get3A_82, %get3A_83] {strides = array<i32>} : memref<325x128xi32, #tpu.memory_space<vmem>>, vector<1x16xi32>,
    %get3A_85 = vector.shape_cast %get3A_84 : vector<1x16xi32> to vector<16xi32>
    %dma_start3A_86 = arith.constant 0 : i32
    %dma_start3A_87 = arith.constant 0 : i32
    %dma_start3A_88 = arith.constant 80 : i32
    %dma_start3A_89 = arith.constant 0 : i32
    %dma_start3A_90 = tpu.memref_slice %arg6[%dma_start3A_86, %dma_start3A_88, %dma_start3A_89] : memref<5x128x128xf32, #tpu.memory_space<vmem>> -> memref<1x16x128xf32, #tpu.memory_space<vmem>>
    %dma_start3A_91 = tpu.memref_squeeze %dma_start3A_90 : memref<1x16x128xf32, #tpu.memory_space<vmem>> -> memref<16x128xf32, #tpu.memory_space<vmem>>
    %dma_start3A_92 = arith.constant 0 : i32
    %dma_start3A_93 = arith.constant 0 : i32
    %dma_start3A_94 = tpu.memref_slice %arg2[%dma_start3A_92, %dma_start3A_93] : memref<2600000x128xf32, #tpu.memory_space<hbm>> -> memref<2600000x128xf32, #tpu.memory_space<hbm>>
    %dma_start3A_95 = tpu.memref_slice %arg7[%dma_start3A_87] : memref<5x!tpu.dma_semaphore, #tpu.memory_space<semaphore_mem>> -> memref<1x!tpu.dma_semaphore, #tpu.memory_space<semaphore_mem>>
    %dma_start3A_96 = tpu.memref_squeeze %dma_start3A_95 : memref<1x!tpu.dma_semaphore, #tpu.memory_space<semaphore_mem>> -> memref<!tpu.dma_semaphore, #tpu.memory_space<semaphore_mem>>
    tpu.enqueue_indirect_dma source(%dma_start3A_94 : memref<2600000x128xf32, #tpu.memory_space<hbm>>) target(%dma_start3A_91 : memref<16x128xf32, #tpu.memory_space<vmem>>) offsets(%get3A_85 : vector<16xi32>) semaphore(%dma_start3A_96 : memref<!tpu.dma_semaphore, #tpu.memory_space<semaphore_mem>>)
    %get3A_97 = arith.constant 0 : i32
    %get3A_98 = arith.index_cast %get3A_97 : i32 to index
    %get3A_99 = arith.constant 96 : index
    %get3A_100 = tpu.vector_load %arg5[%get3A_98, %get3A_99] {strides = array<i32>} : memref<325x128xi32, #tpu.memory_space<vmem>>, vector<1x16xi32>,
    %get3A_101 = vector.shape_cast %get3A_100 : vector<1x16xi32> to vector<16xi32>
    %dma_start3A_102 = arith.constant 0 : i32
    %dma_start3A_103 = arith.constant 0 : i32
    %dma_start3A_104 = arith.constant 96 : i32
    %dma_start3A_105 = arith.constant 0 : i32
    %dma_start3A_106 = tpu.memref_slice %arg6[%dma_start3A_102, %dma_start3A_104, %dma_start3A_105] : memref<5x128x128xf32, #tpu.memory_space<vmem>> -> memref<1x16x128xf32, #tpu.memory_space<vmem>>
    %dma_start3A_107 = tpu.memref_squeeze %dma_start3A_106 : memref<1x16x128xf32, #tpu.memory_space<vmem>> -> memref<16x128xf32, #tpu.memory_space<vmem>>
    %dma_start3A_108 = arith.constant 0 : i32
    %dma_start3A_109 = arith.constant 0 : i32
    %dma_start3A_110 = tpu.memref_slice %arg2[%dma_start3A_108, %dma_start3A_109] : memref<2600000x128xf32, #tpu.memory_space<hbm>> -> memref<2600000x128xf32, #tpu.memory_space<hbm>>
    %dma_start3A_111 = tpu.memref_slice %arg7[%dma_start3A_103] : memref<5x!tpu.dma_semaphore, #tpu.memory_space<semaphore_mem>> -> memref<1x!tpu.dma_semaphore, #tpu.memory_space<semaphore_mem>>
    %dma_start3A_112 = tpu.memref_squeeze %dma_start3A_111 : memref<1x!tpu.dma_semaphore, #tpu.memory_space<semaphore_mem>> -> memref<!tpu.dma_semaphore, #tpu.memory_space<semaphore_mem>>
    tpu.enqueue_indirect_dma source(%dma_start3A_110 : memref<2600000x128xf32, #tpu.memory_space<hbm>>) target(%dma_start3A_107 : memref<16x128xf32, #tpu.memory_space<vmem>>) offsets(%get3A_101 : vector<16xi32>) semaphore(%dma_start3A_112 : memref<!tpu.dma_semaphore, #tpu.memory_space<semaphore_mem>>)
    %get3A_113 = arith.constant 0 : i32
    %get3A_114 = arith.index_cast %get3A_113 : i32 to index
    %get3A_115 = arith.constant 112 : index
    %get3A_116 = tpu.vector_load %arg5[%get3A_114, %get3A_115] {strides = array<i32>} : memref<325x128xi32, #tpu.memory_space<vmem>>, vector<1x16xi32>,
    %get3A_117 = vector.shape_cast %get3A_116 : vector<1x16xi32> to vector<16xi32>
    %dma_start3A_118 = arith.constant 0 : i32
    %dma_start3A_119 = arith.constant 0 : i32
    %dma_start3A_120 = arith.constant 112 : i32
    %dma_start3A_121 = arith.constant 0 : i32
    %dma_start3A_122 = tpu.memref_slice %arg6[%dma_start3A_118, %dma_start3A_120, %dma_start3A_121] : memref<5x128x128xf32, #tpu.memory_space<vmem>> -> memref<1x16x128xf32, #tpu.memory_space<vmem>>
    %dma_start3A_123 = tpu.memref_squeeze %dma_start3A_122 : memref<1x16x128xf32, #tpu.memory_space<vmem>> -> memref<16x128xf32, #tpu.memory_space<vmem>>
    %dma_start3A_124 = arith.constant 0 : i32
    %dma_start3A_125 = arith.constant 0 : i32
    %dma_start3A_126 = tpu.memref_slice %arg2[%dma_start3A_124, %dma_start3A_125] : memref<2600000x128xf32, #tpu.memory_space<hbm>> -> memref<2600000x128xf32, #tpu.memory_space<hbm>>
    %dma_start3A_127 = tpu.memref_slice %arg7[%dma_start3A_119] : memref<5x!tpu.dma_semaphore, #tpu.memory_space<semaphore_mem>> -> memref<1x!tpu.dma_semaphore, #tpu.memory_space<semaphore_mem>>
    %dma_start3A_128 = tpu.memref_squeeze %dma_start3A_127 : memref<1x!tpu.dma_semaphore, #tpu.memory_space<semaphore_mem>> -> memref<!tpu.dma_semaphore, #tpu.memory_space<semaphore_mem>>
    tpu.enqueue_indirect_dma source(%dma_start3A_126 : memref<2600000x128xf32, #tpu.memory_space<hbm>>) target(%dma_start3A_123 : memref<16x128xf32, #tpu.memory_space<vmem>>) offsets(%get3A_117 : vector<16xi32>) semaphore(%dma_start3A_128 : memref<!tpu.dma_semaphore, #tpu.memory_space<semaphore_mem>>)
    %get3A_129 = arith.constant 1 : i32
    %get3A_130 = arith.index_cast %get3A_129 : i32 to index
    %get3A_131 = arith.constant 0 : index
    %get3A_132 = tpu.vector_load %arg5[%get3A_130, %get3A_131] {strides = array<i32>} : memref<325x128xi32, #tpu.memory_space<vmem>>, vector<1x16xi32>,
    %get3A_133 = vector.shape_cast %get3A_132 : vector<1x16xi32> to vector<16xi32>
    %dma_start3A_134 = arith.constant 1 : i32
    %dma_start3A_135 = arith.constant 1 : i32
    %dma_start3A_136 = arith.constant 0 : i32
    %dma_start3A_137 = arith.constant 0 : i32
    %dma_start3A_138 = tpu.memref_slice %arg6[%dma_start3A_134, %dma_start3A_136, %dma_start3A_137] : memref<5x128x128xf32, #tpu.memory_space<vmem>> -> memref<1x16x128xf32, #tpu.memory_space<vmem>>
    %dma_start3A_139 = tpu.memref_squeeze %dma_start3A_138 : memref<1x16x128xf32, #tpu.memory_space<vmem>> -> memref<16x128xf32, #tpu.memory_space<vmem>>
    %dma_start3A_140 = arith.constant 0 : i32
    %dma_start3A_141 = arith.constant 0 : i32
    %dma_start3A_142 = tpu.memref_slice %arg2[%dma_start3A_140, %dma_start3A_141] : memref<2600000x128xf32, #tpu.memory_space<hbm>> -> memref<2600000x128xf32, #tpu.memory_space<hbm>>
    %dma_start3A_143 = tpu.memref_slice %arg7[%dma_start3A_135] : memref<5x!tpu.dma_semaphore, #tpu.memory_space<semaphore_mem>> -> memref<1x!tpu.dma_semaphore, #tpu.memory_space<semaphore_mem>>
    %dma_start3A_144 = tpu.memref_squeeze %dma_start3A_143 : memref<1x!tpu.dma_semaphore, #tpu.memory_space<semaphore_mem>> -> memref<!tpu.dma_semaphore, #tpu.memory_space<semaphore_mem>>
    tpu.enqueue_indirect_dma source(%dma_start3A_142 : memref<2600000x128xf32, #tpu.memory_space<hbm>>) target(%dma_start3A_139 : memref<16x128xf32, #tpu.memory_space<vmem>>) offsets(%get3A_133 : vector<16xi32>) semaphore(%dma_start3A_144 : memref<!tpu.dma_semaphore, #tpu.memory_space<semaphore_mem>>)
    %get3A_145 = arith.constant 1 : i32
    %get3A_146 = arith.index_cast %get3A_145 : i32 to index
    %get3A_147 = arith.constant 16 : index
    %get3A_148 = tpu.vector_load %arg5[%get3A_146, %get3A_147] {strides = array<i32>} : memref<325x128xi32, #tpu.memory_space<vmem>>, vector<1x16xi32>,
    %get3A_149 = vector.shape_cast %get3A_148 : vector<1x16xi32> to vector<16xi32>
    %dma_start3A_150 = arith.constant 1 : i32
    %dma_start3A_151 = arith.constant 1 : i32
    %dma_start3A_152 = arith.constant 16 : i32
    %dma_start3A_153 = arith.constant 0 : i32
    %dma_start3A_154 = tpu.memref_slice %arg6[%dma_start3A_150, %dma_start3A_152, %dma_start3A_153] : memref<5x128x128xf32, #tpu.memory_space<vmem>> -> memref<1x16x128xf32, #tpu.memory_space<vmem>>
    %dma_start3A_155 = tpu.memref_squeeze %dma_start3A_154 : memref<1x16x128xf32, #tpu.memory_space<vmem>> -> memref<16x128xf32, #tpu.memory_space<vmem>>
    %dma_start3A_156 = arith.constant 0 : i32
    %dma_start3A_157 = arith.constant 0 : i32
    %dma_start3A_158 = tpu.memref_slice %arg2[%dma_start3A_156, %dma_start3A_157] : memref<2600000x128xf32, #tpu.memory_space<hbm>> -> memref<2600000x128xf32, #tpu.memory_space<hbm>>
    %dma_start3A_159 = tpu.memref_slice %arg7[%dma_start3A_151] : memref<5x!tpu.dma_semaphore, #tpu.memory_space<semaphore_mem>> -> memref<1x!tpu.dma_semaphore, #tpu.memory_space<semaphore_mem>>
    %dma_start3A_160 = tpu.memref_squeeze %dma_start3A_159 : memref<1x!tpu.dma_semaphore, #tpu.memory_space<semaphore_mem>> -> memref<!tpu.dma_semaphore, #tpu.memory_space<semaphore_mem>>
    tpu.enqueue_indirect_dma source(%dma_start3A_158 : memref<2600000x128xf32, #tpu.memory_space<hbm>>) target(%dma_start3A_155 : memref<16x128xf32, #tpu.memory_space<vmem>>) offsets(%get3A_149 : vector<16xi32>) semaphore(%dma_start3A_160 : memref<!tpu.dma_semaphore, #tpu.memory_space<semaphore_mem>>)
    %get3A_161 = arith.constant 1 : i32
    %get3A_162 = arith.index_cast %get3A_161 : i32 to index
    %get3A_163 = arith.constant 32 : index
    %get3A_164 = tpu.vector_load %arg5[%get3A_162, %get3A_163] {strides = array<i32>} : memref<325x128xi32, #tpu.memory_space<vmem>>, vector<1x16xi32>,
    %get3A_165 = vector.shape_cast %get3A_164 : vector<1x16xi32> to vector<16xi32>
    %dma_start3A_166 = arith.constant 1 : i32
    %dma_start3A_167 = arith.constant 1 : i32
    %dma_start3A_168 = arith.constant 32 : i32
    %dma_start3A_169 = arith.constant 0 : i32
    %dma_start3A_170 = tpu.memref_slice %arg6[%dma_start3A_166, %dma_start3A_168, %dma_start3A_169] : memref<5x128x128xf32, #tpu.memory_space<vmem>> -> memref<1x16x128xf32, #tpu.memory_space<vmem>>
    %dma_start3A_171 = tpu.memref_squeeze %dma_start3A_170 : memref<1x16x128xf32, #tpu.memory_space<vmem>> -> memref<16x128xf32, #tpu.memory_space<vmem>>
    %dma_start3A_172 = arith.constant 0 : i32
    %dma_start3A_173 = arith.constant 0 : i32
    %dma_start3A_174 = tpu.memref_slice %arg2[%dma_start3A_172, %dma_start3A_173] : memref<2600000x128xf32, #tpu.memory_space<hbm>> -> memref<2600000x128xf32, #tpu.memory_space<hbm>>
    %dma_start3A_175 = tpu.memref_slice %arg7[%dma_start3A_167] : memref<5x!tpu.dma_semaphore, #tpu.memory_space<semaphore_mem>> -> memref<1x!tpu.dma_semaphore, #tpu.memory_space<semaphore_mem>>
    %dma_start3A_176 = tpu.memref_squeeze %dma_start3A_175 : memref<1x!tpu.dma_semaphore, #tpu.memory_space<semaphore_mem>> -> memref<!tpu.dma_semaphore, #tpu.memory_space<semaphore_mem>>
    tpu.enqueue_indirect_dma source(%dma_start3A_174 : memref<2600000x128xf32, #tpu.memory_space<hbm>>) target(%dma_start3A_171 : memref<16x128xf32, #tpu.memory_space<vmem>>) offsets(%get3A_165 : vector<16xi32>) semaphore(%dma_start3A_176 : memref<!tpu.dma_semaphore, #tpu.memory_space<semaphore_mem>>)
    %get3A_177 = arith.constant 1 : i32
    %get3A_178 = arith.index_cast %get3A_177 : i32 to index
    %get3A_179 = arith.constant 48 : index
    %get3A_180 = tpu.vector_load %arg5[%get3A_178, %get3A_179] {strides = array<i32>} : memref<325x128xi32, #tpu.memory_space<vmem>>, vector<1x16xi32>,
    %get3A_181 = vector.shape_cast %get3A_180 : vector<1x16xi32> to vector<16xi32>
    %dma_start3A_182 = arith.constant 1 : i32
    %dma_start3A_183 = arith.constant 1 : i32
    %dma_start3A_184 = arith.constant 48 : i32
    %dma_start3A_185 = arith.constant 0 : i32
    %dma_start3A_186 = tpu.memref_slice %arg6[%dma_start3A_182, %dma_start3A_184, %dma_start3A_185] : memref<5x128x128xf32, #tpu.memory_space<vmem>> -> memref<1x16x128xf32, #tpu.memory_space<vmem>>
    %dma_start3A_187 = tpu.memref_squeeze %dma_start3A_186 : memref<1x16x128xf32, #tpu.memory_space<vmem>> -> memref<16x128xf32, #tpu.memory_space<vmem>>
    %dma_start3A_188 = arith.constant 0 : i32
    %dma_start3A_189 = arith.constant 0 : i32
    %dma_start3A_190 = tpu.memref_slice %arg2[%dma_start3A_188, %dma_start3A_189] : memref<2600000x128xf32, #tpu.memory_space<hbm>> -> memref<2600000x128xf32, #tpu.memory_space<hbm>>
    %dma_start3A_191 = tpu.memref_slice %arg7[%dma_start3A_183] : memref<5x!tpu.dma_semaphore, #tpu.memory_space<semaphore_mem>> -> memref<1x!tpu.dma_semaphore, #tpu.memory_space<semaphore_mem>>
    %dma_start3A_192 = tpu.memref_squeeze %dma_start3A_191 : memref<1x!tpu.dma_semaphore, #tpu.memory_space<semaphore_mem>> -> memref<!tpu.dma_semaphore, #tpu.memory_space<semaphore_mem>>
    tpu.enqueue_indirect_dma source(%dma_start3A_190 : memref<2600000x128xf32, #tpu.memory_space<hbm>>) target(%dma_start3A_187 : memref<16x128xf32, #tpu.memory_space<vmem>>) offsets(%get3A_181 : vector<16xi32>) semaphore(%dma_start3A_192 : memref<!tpu.dma_semaphore, #tpu.memory_space<semaphore_mem>>)
    %get3A_193 = arith.constant 1 : i32
    %get3A_194 = arith.index_cast %get3A_193 : i32 to index
    %get3A_195 = arith.constant 64 : index
    %get3A_196 = tpu.vector_load %arg5[%get3A_194, %get3A_195] {strides = array<i32>} : memref<325x128xi32, #tpu.memory_space<vmem>>, vector<1x16xi32>,
    %get3A_197 = vector.shape_cast %get3A_196 : vector<1x16xi32> to vector<16xi32>
    %dma_start3A_198 = arith.constant 1 : i32
    %dma_start3A_199 = arith.constant 1 : i32
    %dma_start3A_200 = arith.constant 64 : i32
    %dma_start3A_201 = arith.constant 0 : i32
    %dma_start3A_202 = tpu.memref_slice %arg6[%dma_start3A_198, %dma_start3A_200, %dma_start3A_201] : memref<5x128x128xf32, #tpu.memory_space<vmem>> -> memref<1x16x128xf32, #tpu.memory_space<vmem>>
    %dma_start3A_203 = tpu.memref_squeeze %dma_start3A_202 : memref<1x16x128xf32, #tpu.memory_space<vmem>> -> memref<16x128xf32, #tpu.memory_space<vmem>>
    %dma_start3A_204 = arith.constant 0 : i32
    %dma_start3A_205 = arith.constant 0 : i32
    %dma_start3A_206 = tpu.memref_slice %arg2[%dma_start3A_204, %dma_start3A_205] : memref<2600000x128xf32, #tpu.memory_space<hbm>> -> memref<2600000x128xf32, #tpu.memory_space<hbm>>
    %dma_start3A_207 = tpu.memref_slice %arg7[%dma_start3A_199] : memref<5x!tpu.dma_semaphore, #tpu.memory_space<semaphore_mem>> -> memref<1x!tpu.dma_semaphore, #tpu.memory_space<semaphore_mem>>
    %dma_start3A_208 = tpu.memref_squeeze %dma_start3A_207 : memref<1x!tpu.dma_semaphore, #tpu.memory_space<semaphore_mem>> -> memref<!tpu.dma_semaphore, #tpu.memory_space<semaphore_mem>>
    tpu.enqueue_indirect_dma source(%dma_start3A_206 : memref<2600000x128xf32, #tpu.memory_space<hbm>>) target(%dma_start3A_203 : memref<16x128xf32, #tpu.memory_space<vmem>>) offsets(%get3A_197 : vector<16xi32>) semaphore(%dma_start3A_208 : memref<!tpu.dma_semaphore, #tpu.memory_space<semaphore_mem>>)
    %get3A_209 = arith.constant 1 : i32
    %get3A_210 = arith.index_cast %get3A_209 : i32 to index
    %get3A_211 = arith.constant 80 : index
    %get3A_212 = tpu.vector_load %arg5[%get3A_210, %get3A_211] {strides = array<i32>} : memref<325x128xi32, #tpu.memory_space<vmem>>, vector<1x16xi32>,
    %get3A_213 = vector.shape_cast %get3A_212 : vector<1x16xi32> to vector<16xi32>
    %dma_start3A_214 = arith.constant 1 : i32
    %dma_start3A_215 = arith.constant 1 : i32
    %dma_start3A_216 = arith.constant 80 : i32
    %dma_start3A_217 = arith.constant 0 : i32
    %dma_start3A_218 = tpu.memref_slice %arg6[%dma_start3A_214, %dma_start3A_216, %dma_start3A_217] : memref<5x128x128xf32, #tpu.memory_space<vmem>> -> memref<1x16x128xf32, #tpu.memory_space<vmem>>
    %dma_start3A_219 = tpu.memref_squeeze %dma_start3A_218 : memref<1x16x128xf32, #tpu.memory_space<vmem>> -> memref<16x128xf32, #tpu.memory_space<vmem>>
    %dma_start3A_220 = arith.constant 0 : i32
    %dma_start3A_221 = arith.constant 0 : i32
    %dma_start3A_222 = tpu.memref_slice %arg2[%dma_start3A_220, %dma_start3A_221] : memref<2600000x128xf32, #tpu.memory_space<hbm>> -> memref<2600000x128xf32, #tpu.memory_space<hbm>>
    %dma_start3A_223 = tpu.memref_slice %arg7[%dma_start3A_215] : memref<5x!tpu.dma_semaphore, #tpu.memory_space<semaphore_mem>> -> memref<1x!tpu.dma_semaphore, #tpu.memory_space<semaphore_mem>>
    %dma_start3A_224 = tpu.memref_squeeze %dma_start3A_223 : memref<1x!tpu.dma_semaphore, #tpu.memory_space<semaphore_mem>> -> memref<!tpu.dma_semaphore, #tpu.memory_space<semaphore_mem>>
    tpu.enqueue_indirect_dma source(%dma_start3A_222 : memref<2600000x128xf32, #tpu.memory_space<hbm>>) target(%dma_start3A_219 : memref<16x128xf32, #tpu.memory_space<vmem>>) offsets(%get3A_213 : vector<16xi32>) semaphore(%dma_start3A_224 : memref<!tpu.dma_semaphore, #tpu.memory_space<semaphore_mem>>)
    %get3A_225 = arith.constant 1 : i32
    %get3A_226 = arith.index_cast %get3A_225 : i32 to index
    %get3A_227 = arith.constant 96 : index
    %get3A_228 = tpu.vector_load %arg5[%get3A_226, %get3A_227] {strides = array<i32>} : memref<325x128xi32, #tpu.memory_space<vmem>>, vector<1x16xi32>,
    %get3A_229 = vector.shape_cast %get3A_228 : vector<1x16xi32> to vector<16xi32>
    %dma_start3A_230 = arith.constant 1 : i32
    %dma_start3A_231 = arith.constant 1 : i32
    %dma_start3A_232 = arith.constant 96 : i32
    %dma_start3A_233 = arith.constant 0 : i32
    %dma_start3A_234 = tpu.memref_slice %arg6[%dma_start3A_230, %dma_start3A_232, %dma_start3A_233] : memref<5x128x128xf32, #tpu.memory_space<vmem>> -> memref<1x16x128xf32, #tpu.memory_space<vmem>>
    %dma_start3A_235 = tpu.memref_squeeze %dma_start3A_234 : memref<1x16x128xf32, #tpu.memory_space<vmem>> -> memref<16x128xf32, #tpu.memory_space<vmem>>
    %dma_start3A_236 = arith.constant 0 : i32
    %dma_start3A_237 = arith.constant 0 : i32
    %dma_start3A_238 = tpu.memref_slice %arg2[%dma_start3A_236, %dma_start3A_237] : memref<2600000x128xf32, #tpu.memory_space<hbm>> -> memref<2600000x128xf32, #tpu.memory_space<hbm>>
    %dma_start3A_239 = tpu.memref_slice %arg7[%dma_start3A_231] : memref<5x!tpu.dma_semaphore, #tpu.memory_space<semaphore_mem>> -> memref<1x!tpu.dma_semaphore, #tpu.memory_space<semaphore_mem>>
    %dma_start3A_240 = tpu.memref_squeeze %dma_start3A_239 : memref<1x!tpu.dma_semaphore, #tpu.memory_space<semaphore_mem>> -> memref<!tpu.dma_semaphore, #tpu.memory_space<semaphore_mem>>
    tpu.enqueue_indirect_dma source(%dma_start3A_238 : memref<2600000x128xf32, #tpu.memory_space<hbm>>) target(%dma_start3A_235 : memref<16x128xf32, #tpu.memory_space<vmem>>) offsets(%get3A_229 : vector<16xi32>) semaphore(%dma_start3A_240 : memref<!tpu.dma_semaphore, #tpu.memory_space<semaphore_mem>>)
    %get3A_241 = arith.constant 1 : i32
    %get3A_242 = arith.index_cast %get3A_241 : i32 to index
    %get3A_243 = arith.constant 112 : index
    %get3A_244 = tpu.vector_load %arg5[%get3A_242, %get3A_243] {strides = array<i32>} : memref<325x128xi32, #tpu.memory_space<vmem>>, vector<1x16xi32>,
    %get3A_245 = vector.shape_cast %get3A_244 : vector<1x16xi32> to vector<16xi32>
    %dma_start3A_246 = arith.constant 1 : i32
    %dma_start3A_247 = arith.constant 1 : i32
    %dma_start3A_248 = arith.constant 112 : i32
    %dma_start3A_249 = arith.constant 0 : i32
    %dma_start3A_250 = tpu.memref_slice %arg6[%dma_start3A_246, %dma_start3A_248, %dma_start3A_249] : memref<5x128x128xf32, #tpu.memory_space<vmem>> -> memref<1x16x128xf32, #tpu.memory_space<vmem>>
    %dma_start3A_251 = tpu.memref_squeeze %dma_start3A_250 : memref<1x16x128xf32, #tpu.memory_space<vmem>> -> memref<16x128xf32, #tpu.memory_space<vmem>>
    %dma_start3A_252 = arith.constant 0 : i32
    %dma_start3A_253 = arith.constant 0 : i32
    %dma_start3A_254 = tpu.memref_slice %arg2[%dma_start3A_252, %dma_start3A_253] : memref<2600000x128xf32, #tpu.memory_space<hbm>> -> memref<2600000x128xf32, #tpu.memory_space<hbm>>
    %dma_start3A_255 = tpu.memref_slice %arg7[%dma_start3A_247] : memref<5x!tpu.dma_semaphore, #tpu.memory_space<semaphore_mem>> -> memref<1x!tpu.dma_semaphore, #tpu.memory_space<semaphore_mem>>
    %dma_start3A_256 = tpu.memref_squeeze %dma_start3A_255 : memref<1x!tpu.dma_semaphore, #tpu.memory_space<semaphore_mem>> -> memref<!tpu.dma_semaphore, #tpu.memory_space<semaphore_mem>>
    tpu.enqueue_indirect_dma source(%dma_start3A_254 : memref<2600000x128xf32, #tpu.memory_space<hbm>>) target(%dma_start3A_251 : memref<16x128xf32, #tpu.memory_space<vmem>>) offsets(%get3A_245 : vector<16xi32>) semaphore(%dma_start3A_256 : memref<!tpu.dma_semaphore, #tpu.memory_space<semaphore_mem>>)
    %get3A_257 = arith.constant 2 : i32
    %get3A_258 = arith.index_cast %get3A_257 : i32 to index
    %get3A_259 = arith.constant 0 : index
    %get3A_260 = tpu.vector_load %arg5[%get3A_258, %get3A_259] {strides = array<i32>} : memref<325x128xi32, #tpu.memory_space<vmem>>, vector<1x16xi32>,
    %get3A_261 = vector.shape_cast %get3A_260 : vector<1x16xi32> to vector<16xi32>
    %dma_start3A_262 = arith.constant 2 : i32
    %dma_start3A_263 = arith.constant 2 : i32
    %dma_start3A_264 = arith.constant 0 : i32
    %dma_start3A_265 = arith.constant 0 : i32
    %dma_start3A_266 = tpu.memref_slice %arg6[%dma_start3A_262, %dma_start3A_264, %dma_start3A_265] : memref<5x128x128xf32, #tpu.memory_space<vmem>> -> memref<1x16x128xf32, #tpu.memory_space<vmem>>
    %dma_start3A_267 = tpu.memref_squeeze %dma_start3A_266 : memref<1x16x128xf32, #tpu.memory_space<vmem>> -> memref<16x128xf32, #tpu.memory_space<vmem>>
    %dma_start3A_268 = arith.constant 0 : i32
    %dma_start3A_269 = arith.constant 0 : i32
    %dma_start3A_270 = tpu.memref_slice %arg2[%dma_start3A_268, %dma_start3A_269] : memref<2600000x128xf32, #tpu.memory_space<hbm>> -> memref<2600000x128xf32, #tpu.memory_space<hbm>>
    %dma_start3A_271 = tpu.memref_slice %arg7[%dma_start3A_263] : memref<5x!tpu.dma_semaphore, #tpu.memory_space<semaphore_mem>> -> memref<1x!tpu.dma_semaphore, #tpu.memory_space<semaphore_mem>>
    %dma_start3A_272 = tpu.memref_squeeze %dma_start3A_271 : memref<1x!tpu.dma_semaphore, #tpu.memory_space<semaphore_mem>> -> memref<!tpu.dma_semaphore, #tpu.memory_space<semaphore_mem>>
    tpu.enqueue_indirect_dma source(%dma_start3A_270 : memref<2600000x128xf32, #tpu.memory_space<hbm>>) target(%dma_start3A_267 : memref<16x128xf32, #tpu.memory_space<vmem>>) offsets(%get3A_261 : vector<16xi32>) semaphore(%dma_start3A_272 : memref<!tpu.dma_semaphore, #tpu.memory_space<semaphore_mem>>)
    %get3A_273 = arith.constant 2 : i32
    %get3A_274 = arith.index_cast %get3A_273 : i32 to index
    %get3A_275 = arith.constant 16 : index
    %get3A_276 = tpu.vector_load %arg5[%get3A_274, %get3A_275] {strides = array<i32>} : memref<325x128xi32, #tpu.memory_space<vmem>>, vector<1x16xi32>,
    %get3A_277 = vector.shape_cast %get3A_276 : vector<1x16xi32> to vector<16xi32>
    %dma_start3A_278 = arith.constant 2 : i32
    %dma_start3A_279 = arith.constant 2 : i32
    %dma_start3A_280 = arith.constant 16 : i32
    %dma_start3A_281 = arith.constant 0 : i32
    %dma_start3A_282 = tpu.memref_slice %arg6[%dma_start3A_278, %dma_start3A_280, %dma_start3A_281] : memref<5x128x128xf32, #tpu.memory_space<vmem>> -> memref<1x16x128xf32, #tpu.memory_space<vmem>>
    %dma_start3A_283 = tpu.memref_squeeze %dma_start3A_282 : memref<1x16x128xf32, #tpu.memory_space<vmem>> -> memref<16x128xf32, #tpu.memory_space<vmem>>
    %dma_start3A_284 = arith.constant 0 : i32
    %dma_start3A_285 = arith.constant 0 : i32
    %dma_start3A_286 = tpu.memref_slice %arg2[%dma_start3A_284, %dma_start3A_285] : memref<2600000x128xf32, #tpu.memory_space<hbm>> -> memref<2600000x128xf32, #tpu.memory_space<hbm>>
    %dma_start3A_287 = tpu.memref_slice %arg7[%dma_start3A_279] : memref<5x!tpu.dma_semaphore, #tpu.memory_space<semaphore_mem>> -> memref<1x!tpu.dma_semaphore, #tpu.memory_space<semaphore_mem>>
    %dma_start3A_288 = tpu.memref_squeeze %dma_start3A_287 : memref<1x!tpu.dma_semaphore, #tpu.memory_space<semaphore_mem>> -> memref<!tpu.dma_semaphore, #tpu.memory_space<semaphore_mem>>
    tpu.enqueue_indirect_dma source(%dma_start3A_286 : memref<2600000x128xf32, #tpu.memory_space<hbm>>) target(%dma_start3A_283 : memref<16x128xf32, #tpu.memory_space<vmem>>) offsets(%get3A_277 : vector<16xi32>) semaphore(%dma_start3A_288 : memref<!tpu.dma_semaphore, #tpu.memory_space<semaphore_mem>>)
    %get3A_289 = arith.constant 2 : i32
    %get3A_290 = arith.index_cast %get3A_289 : i32 to index
    %get3A_291 = arith.constant 32 : index
    %get3A_292 = tpu.vector_load %arg5[%get3A_290, %get3A_291] {strides = array<i32>} : memref<325x128xi32, #tpu.memory_space<vmem>>, vector<1x16xi32>,
    %get3A_293 = vector.shape_cast %get3A_292 : vector<1x16xi32> to vector<16xi32>
    %dma_start3A_294 = arith.constant 2 : i32
    %dma_start3A_295 = arith.constant 2 : i32
    %dma_start3A_296 = arith.constant 32 : i32
    %dma_start3A_297 = arith.constant 0 : i32
    %dma_start3A_298 = tpu.memref_slice %arg6[%dma_start3A_294, %dma_start3A_296, %dma_start3A_297] : memref<5x128x128xf32, #tpu.memory_space<vmem>> -> memref<1x16x128xf32, #tpu.memory_space<vmem>>
    %dma_start3A_299 = tpu.memref_squeeze %dma_start3A_298 : memref<1x16x128xf32, #tpu.memory_space<vmem>> -> memref<16x128xf32, #tpu.memory_space<vmem>>
    %dma_start3A_300 = arith.constant 0 : i32
    %dma_start3A_301 = arith.constant 0 : i32
    %dma_start3A_302 = tpu.memref_slice %arg2[%dma_start3A_300, %dma_start3A_301] : memref<2600000x128xf32, #tpu.memory_space<hbm>> -> memref<2600000x128xf32, #tpu.memory_space<hbm>>
    %dma_start3A_303 = tpu.memref_slice %arg7[%dma_start3A_295] : memref<5x!tpu.dma_semaphore, #tpu.memory_space<semaphore_mem>> -> memref<1x!tpu.dma_semaphore, #tpu.memory_space<semaphore_mem>>
    %dma_start3A_304 = tpu.memref_squeeze %dma_start3A_303 : memref<1x!tpu.dma_semaphore, #tpu.memory_space<semaphore_mem>> -> memref<!tpu.dma_semaphore, #tpu.memory_space<semaphore_mem>>
    tpu.enqueue_indirect_dma source(%dma_start3A_302 : memref<2600000x128xf32, #tpu.memory_space<hbm>>) target(%dma_start3A_299 : memref<16x128xf32, #tpu.memory_space<vmem>>) offsets(%get3A_293 : vector<16xi32>) semaphore(%dma_start3A_304 : memref<!tpu.dma_semaphore, #tpu.memory_space<semaphore_mem>>)
    %get3A_305 = arith.constant 2 : i32
    %get3A_306 = arith.index_cast %get3A_305 : i32 to index
    %get3A_307 = arith.constant 48 : index
    %get3A_308 = tpu.vector_load %arg5[%get3A_306, %get3A_307] {strides = array<i32>} : memref<325x128xi32, #tpu.memory_space<vmem>>, vector<1x16xi32>,
    %get3A_309 = vector.shape_cast %get3A_308 : vector<1x16xi32> to vector<16xi32>
    %dma_start3A_310 = arith.constant 2 : i32
    %dma_start3A_311 = arith.constant 2 : i32
    %dma_start3A_312 = arith.constant 48 : i32
    %dma_start3A_313 = arith.constant 0 : i32
    %dma_start3A_314 = tpu.memref_slice %arg6[%dma_start3A_310, %dma_start3A_312, %dma_start3A_313] : memref<5x128x128xf32, #tpu.memory_space<vmem>> -> memref<1x16x128xf32, #tpu.memory_space<vmem>>
    %dma_start3A_315 = tpu.memref_squeeze %dma_start3A_314 : memref<1x16x128xf32, #tpu.memory_space<vmem>> -> memref<16x128xf32, #tpu.memory_space<vmem>>
    %dma_start3A_316 = arith.constant 0 : i32
    %dma_start3A_317 = arith.constant 0 : i32
    %dma_start3A_318 = tpu.memref_slice %arg2[%dma_start3A_316, %dma_start3A_317] : memref<2600000x128xf32, #tpu.memory_space<hbm>> -> memref<2600000x128xf32, #tpu.memory_space<hbm>>
    %dma_start3A_319 = tpu.memref_slice %arg7[%dma_start3A_311] : memref<5x!tpu.dma_semaphore, #tpu.memory_space<semaphore_mem>> -> memref<1x!tpu.dma_semaphore, #tpu.memory_space<semaphore_mem>>
    %dma_start3A_320 = tpu.memref_squeeze %dma_start3A_319 : memref<1x!tpu.dma_semaphore, #tpu.memory_space<semaphore_mem>> -> memref<!tpu.dma_semaphore, #tpu.memory_space<semaphore_mem>>
    tpu.enqueue_indirect_dma source(%dma_start3A_318 : memref<2600000x128xf32, #tpu.memory_space<hbm>>) target(%dma_start3A_315 : memref<16x128xf32, #tpu.memory_space<vmem>>) offsets(%get3A_309 : vector<16xi32>) semaphore(%dma_start3A_320 : memref<!tpu.dma_semaphore, #tpu.memory_space<semaphore_mem>>)
    %get3A_321 = arith.constant 2 : i32
    %get3A_322 = arith.index_cast %get3A_321 : i32 to index
    %get3A_323 = arith.constant 64 : index
    %get3A_324 = tpu.vector_load %arg5[%get3A_322, %get3A_323] {strides = array<i32>} : memref<325x128xi32, #tpu.memory_space<vmem>>, vector<1x16xi32>,
    %get3A_325 = vector.shape_cast %get3A_324 : vector<1x16xi32> to vector<16xi32>
    %dma_start3A_326 = arith.constant 2 : i32
    %dma_start3A_327 = arith.constant 2 : i32
    %dma_start3A_328 = arith.constant 64 : i32
    %dma_start3A_329 = arith.constant 0 : i32
    %dma_start3A_330 = tpu.memref_slice %arg6[%dma_start3A_326, %dma_start3A_328, %dma_start3A_329] : memref<5x128x128xf32, #tpu.memory_space<vmem>> -> memref<1x16x128xf32, #tpu.memory_space<vmem>>
    %dma_start3A_331 = tpu.memref_squeeze %dma_start3A_330 : memref<1x16x128xf32, #tpu.memory_space<vmem>> -> memref<16x128xf32, #tpu.memory_space<vmem>>
    %dma_start3A_332 = arith.constant 0 : i32
    %dma_start3A_333 = arith.constant 0 : i32
    %dma_start3A_334 = tpu.memref_slice %arg2[%dma_start3A_332, %dma_start3A_333] : memref<2600000x128xf32, #tpu.memory_space<hbm>> -> memref<2600000x128xf32, #tpu.memory_space<hbm>>
    %dma_start3A_335 = tpu.memref_slice %arg7[%dma_start3A_327] : memref<5x!tpu.dma_semaphore, #tpu.memory_space<semaphore_mem>> -> memref<1x!tpu.dma_semaphore, #tpu.memory_space<semaphore_mem>>
    %dma_start3A_336 = tpu.memref_squeeze %dma_start3A_335 : memref<1x!tpu.dma_semaphore, #tpu.memory_space<semaphore_mem>> -> memref<!tpu.dma_semaphore, #tpu.memory_space<semaphore_mem>>
    tpu.enqueue_indirect_dma source(%dma_start3A_334 : memref<2600000x128xf32, #tpu.memory_space<hbm>>) target(%dma_start3A_331 : memref<16x128xf32, #tpu.memory_space<vmem>>) offsets(%get3A_325 : vector<16xi32>) semaphore(%dma_start3A_336 : memref<!tpu.dma_semaphore, #tpu.memory_space<semaphore_mem>>)
    %get3A_337 = arith.constant 2 : i32
    %get3A_338 = arith.index_cast %get3A_337 : i32 to index
    %get3A_339 = arith.constant 80 : index
    %get3A_340 = tpu.vector_load %arg5[%get3A_338, %get3A_339] {strides = array<i32>} : memref<325x128xi32, #tpu.memory_space<vmem>>, vector<1x16xi32>,
    %get3A_341 = vector.shape_cast %get3A_340 : vector<1x16xi32> to vector<16xi32>
    %dma_start3A_342 = arith.constant 2 : i32
    %dma_start3A_343 = arith.constant 2 : i32
    %dma_start3A_344 = arith.constant 80 : i32
    %dma_start3A_345 = arith.constant 0 : i32
    %dma_start3A_346 = tpu.memref_slice %arg6[%dma_start3A_342, %dma_start3A_344, %dma_start3A_345] : memref<5x128x128xf32, #tpu.memory_space<vmem>> -> memref<1x16x128xf32, #tpu.memory_space<vmem>>
    %dma_start3A_347 = tpu.memref_squeeze %dma_start3A_346 : memref<1x16x128xf32, #tpu.memory_space<vmem>> -> memref<16x128xf32, #tpu.memory_space<vmem>>
    %dma_start3A_348 = arith.constant 0 : i32
    %dma_start3A_349 = arith.constant 0 : i32
    %dma_start3A_350 = tpu.memref_slice %arg2[%dma_start3A_348, %dma_start3A_349] : memref<2600000x128xf32, #tpu.memory_space<hbm>> -> memref<2600000x128xf32, #tpu.memory_space<hbm>>
    %dma_start3A_351 = tpu.memref_slice %arg7[%dma_start3A_343] : memref<5x!tpu.dma_semaphore, #tpu.memory_space<semaphore_mem>> -> memref<1x!tpu.dma_semaphore, #tpu.memory_space<semaphore_mem>>
    %dma_start3A_352 = tpu.memref_squeeze %dma_start3A_351 : memref<1x!tpu.dma_semaphore, #tpu.memory_space<semaphore_mem>> -> memref<!tpu.dma_semaphore, #tpu.memory_space<semaphore_mem>>
    tpu.enqueue_indirect_dma source(%dma_start3A_350 : memref<2600000x128xf32, #tpu.memory_space<hbm>>) target(%dma_start3A_347 : memref<16x128xf32, #tpu.memory_space<vmem>>) offsets(%get3A_341 : vector<16xi32>) semaphore(%dma_start3A_352 : memref<!tpu.dma_semaphore, #tpu.memory_space<semaphore_mem>>)
    %get3A_353 = arith.constant 2 : i32
    %get3A_354 = arith.index_cast %get3A_353 : i32 to index
    %get3A_355 = arith.constant 96 : index
    %get3A_356 = tpu.vector_load %arg5[%get3A_354, %get3A_355] {strides = array<i32>} : memref<325x128xi32, #tpu.memory_space<vmem>>, vector<1x16xi32>,
    %get3A_357 = vector.shape_cast %get3A_356 : vector<1x16xi32> to vector<16xi32>
    %dma_start3A_358 = arith.constant 2 : i32
    %dma_start3A_359 = arith.constant 2 : i32
    %dma_start3A_360 = arith.constant 96 : i32
    %dma_start3A_361 = arith.constant 0 : i32
    %dma_start3A_362 = tpu.memref_slice %arg6[%dma_start3A_358, %dma_start3A_360, %dma_start3A_361] : memref<5x128x128xf32, #tpu.memory_space<vmem>> -> memref<1x16x128xf32, #tpu.memory_space<vmem>>
    %dma_start3A_363 = tpu.memref_squeeze %dma_start3A_362 : memref<1x16x128xf32, #tpu.memory_space<vmem>> -> memref<16x128xf32, #tpu.memory_space<vmem>>
    %dma_start3A_364 = arith.constant 0 : i32
    %dma_start3A_365 = arith.constant 0 : i32
    %dma_start3A_366 = tpu.memref_slice %arg2[%dma_start3A_364, %dma_start3A_365] : memref<2600000x128xf32, #tpu.memory_space<hbm>> -> memref<2600000x128xf32, #tpu.memory_space<hbm>>
    %dma_start3A_367 = tpu.memref_slice %arg7[%dma_start3A_359] : memref<5x!tpu.dma_semaphore, #tpu.memory_space<semaphore_mem>> -> memref<1x!tpu.dma_semaphore, #tpu.memory_space<semaphore_mem>>
    %dma_start3A_368 = tpu.memref_squeeze %dma_start3A_367 : memref<1x!tpu.dma_semaphore, #tpu.memory_space<semaphore_mem>> -> memref<!tpu.dma_semaphore, #tpu.memory_space<semaphore_mem>>
    tpu.enqueue_indirect_dma source(%dma_start3A_366 : memref<2600000x128xf32, #tpu.memory_space<hbm>>) target(%dma_start3A_363 : memref<16x128xf32, #tpu.memory_space<vmem>>) offsets(%get3A_357 : vector<16xi32>) semaphore(%dma_start3A_368 : memref<!tpu.dma_semaphore, #tpu.memory_space<semaphore_mem>>)
    %get3A_369 = arith.constant 2 : i32
    %get3A_370 = arith.index_cast %get3A_369 : i32 to index
    %get3A_371 = arith.constant 112 : index
    %get3A_372 = tpu.vector_load %arg5[%get3A_370, %get3A_371] {strides = array<i32>} : memref<325x128xi32, #tpu.memory_space<vmem>>, vector<1x16xi32>,
    %get3A_373 = vector.shape_cast %get3A_372 : vector<1x16xi32> to vector<16xi32>
    %dma_start3A_374 = arith.constant 2 : i32
    %dma_start3A_375 = arith.constant 2 : i32
    %dma_start3A_376 = arith.constant 112 : i32
    %dma_start3A_377 = arith.constant 0 : i32
    %dma_start3A_378 = tpu.memref_slice %arg6[%dma_start3A_374, %dma_start3A_376, %dma_start3A_377] : memref<5x128x128xf32, #tpu.memory_space<vmem>> -> memref<1x16x128xf32, #tpu.memory_space<vmem>>
    %dma_start3A_379 = tpu.memref_squeeze %dma_start3A_378 : memref<1x16x128xf32, #tpu.memory_space<vmem>> -> memref<16x128xf32, #tpu.memory_space<vmem>>
    %dma_start3A_380 = arith.constant 0 : i32
    %dma_start3A_381 = arith.constant 0 : i32
    %dma_start3A_382 = tpu.memref_slice %arg2[%dma_start3A_380, %dma_start3A_381] : memref<2600000x128xf32, #tpu.memory_space<hbm>> -> memref<2600000x128xf32, #tpu.memory_space<hbm>>
    %dma_start3A_383 = tpu.memref_slice %arg7[%dma_start3A_375] : memref<5x!tpu.dma_semaphore, #tpu.memory_space<semaphore_mem>> -> memref<1x!tpu.dma_semaphore, #tpu.memory_space<semaphore_mem>>
    %dma_start3A_384 = tpu.memref_squeeze %dma_start3A_383 : memref<1x!tpu.dma_semaphore, #tpu.memory_space<semaphore_mem>> -> memref<!tpu.dma_semaphore, #tpu.memory_space<semaphore_mem>>
    tpu.enqueue_indirect_dma source(%dma_start3A_382 : memref<2600000x128xf32, #tpu.memory_space<hbm>>) target(%dma_start3A_379 : memref<16x128xf32, #tpu.memory_space<vmem>>) offsets(%get3A_373 : vector<16xi32>) semaphore(%dma_start3A_384 : memref<!tpu.dma_semaphore, #tpu.memory_space<semaphore_mem>>)
    %get3A_385 = arith.constant 3 : i32
    %get3A_386 = arith.index_cast %get3A_385 : i32 to index
    %get3A_387 = arith.constant 0 : index
    %get3A_388 = tpu.vector_load %arg5[%get3A_386, %get3A_387] {strides = array<i32>} : memref<325x128xi32, #tpu.memory_space<vmem>>, vector<1x16xi32>,
    %get3A_389 = vector.shape_cast %get3A_388 : vector<1x16xi32> to vector<16xi32>
    %dma_start3A_390 = arith.constant 3 : i32
    %dma_start3A_391 = arith.constant 3 : i32
    %dma_start3A_392 = arith.constant 0 : i32
    %dma_start3A_393 = arith.constant 0 : i32
    %dma_start3A_394 = tpu.memref_slice %arg6[%dma_start3A_390, %dma_start3A_392, %dma_start3A_393] : memref<5x128x128xf32, #tpu.memory_space<vmem>> -> memref<1x16x128xf32, #tpu.memory_space<vmem>>
    %dma_start3A_395 = tpu.memref_squeeze %dma_start3A_394 : memref<1x16x128xf32, #tpu.memory_space<vmem>> -> memref<16x128xf32, #tpu.memory_space<vmem>>
    %dma_start3A_396 = arith.constant 0 : i32
    %dma_start3A_397 = arith.constant 0 : i32
    %dma_start3A_398 = tpu.memref_slice %arg2[%dma_start3A_396, %dma_start3A_397] : memref<2600000x128xf32, #tpu.memory_space<hbm>> -> memref<2600000x128xf32, #tpu.memory_space<hbm>>
    %dma_start3A_399 = tpu.memref_slice %arg7[%dma_start3A_391] : memref<5x!tpu.dma_semaphore, #tpu.memory_space<semaphore_mem>> -> memref<1x!tpu.dma_semaphore, #tpu.memory_space<semaphore_mem>>
    %dma_start3A_400 = tpu.memref_squeeze %dma_start3A_399 : memref<1x!tpu.dma_semaphore, #tpu.memory_space<semaphore_mem>> -> memref<!tpu.dma_semaphore, #tpu.memory_space<semaphore_mem>>
    tpu.enqueue_indirect_dma source(%dma_start3A_398 : memref<2600000x128xf32, #tpu.memory_space<hbm>>) target(%dma_start3A_395 : memref<16x128xf32, #tpu.memory_space<vmem>>) offsets(%get3A_389 : vector<16xi32>) semaphore(%dma_start3A_400 : memref<!tpu.dma_semaphore, #tpu.memory_space<semaphore_mem>>)
    %get3A_401 = arith.constant 3 : i32
    %get3A_402 = arith.index_cast %get3A_401 : i32 to index
    %get3A_403 = arith.constant 16 : index
    %get3A_404 = tpu.vector_load %arg5[%get3A_402, %get3A_403] {strides = array<i32>} : memref<325x128xi32, #tpu.memory_space<vmem>>, vector<1x16xi32>,
    %get3A_405 = vector.shape_cast %get3A_404 : vector<1x16xi32> to vector<16xi32>
    %dma_start3A_406 = arith.constant 3 : i32
    %dma_start3A_407 = arith.constant 3 : i32
    %dma_start3A_408 = arith.constant 16 : i32
    %dma_start3A_409 = arith.constant 0 : i32
    %dma_start3A_410 = tpu.memref_slice %arg6[%dma_start3A_406, %dma_start3A_408, %dma_start3A_409] : memref<5x128x128xf32, #tpu.memory_space<vmem>> -> memref<1x16x128xf32, #tpu.memory_space<vmem>>
    %dma_start3A_411 = tpu.memref_squeeze %dma_start3A_410 : memref<1x16x128xf32, #tpu.memory_space<vmem>> -> memref<16x128xf32, #tpu.memory_space<vmem>>
    %dma_start3A_412 = arith.constant 0 : i32
    %dma_start3A_413 = arith.constant 0 : i32
    %dma_start3A_414 = tpu.memref_slice %arg2[%dma_start3A_412, %dma_start3A_413] : memref<2600000x128xf32, #tpu.memory_space<hbm>> -> memref<2600000x128xf32, #tpu.memory_space<hbm>>
    %dma_start3A_415 = tpu.memref_slice %arg7[%dma_start3A_407] : memref<5x!tpu.dma_semaphore, #tpu.memory_space<semaphore_mem>> -> memref<1x!tpu.dma_semaphore, #tpu.memory_space<semaphore_mem>>
    %dma_start3A_416 = tpu.memref_squeeze %dma_start3A_415 : memref<1x!tpu.dma_semaphore, #tpu.memory_space<semaphore_mem>> -> memref<!tpu.dma_semaphore, #tpu.memory_space<semaphore_mem>>
    tpu.enqueue_indirect_dma source(%dma_start3A_414 : memref<2600000x128xf32, #tpu.memory_space<hbm>>) target(%dma_start3A_411 : memref<16x128xf32, #tpu.memory_space<vmem>>) offsets(%get3A_405 : vector<16xi32>) semaphore(%dma_start3A_416 : memref<!tpu.dma_semaphore, #tpu.memory_space<semaphore_mem>>)
    %get3A_417 = arith.constant 3 : i32
    %get3A_418 = arith.index_cast %get3A_417 : i32 to index
    %get3A_419 = arith.constant 32 : index
    %get3A_420 = tpu.vector_load %arg5[%get3A_418, %get3A_419] {strides = array<i32>} : memref<325x128xi32, #tpu.memory_space<vmem>>, vector<1x16xi32>,
    %get3A_421 = vector.shape_cast %get3A_420 : vector<1x16xi32> to vector<16xi32>
    %dma_start3A_422 = arith.constant 3 : i32
    %dma_start3A_423 = arith.constant 3 : i32
    %dma_start3A_424 = arith.constant 32 : i32
    %dma_start3A_425 = arith.constant 0 : i32
    %dma_start3A_426 = tpu.memref_slice %arg6[%dma_start3A_422, %dma_start3A_424, %dma_start3A_425] : memref<5x128x128xf32, #tpu.memory_space<vmem>> -> memref<1x16x128xf32, #tpu.memory_space<vmem>>
    %dma_start3A_427 = tpu.memref_squeeze %dma_start3A_426 : memref<1x16x128xf32, #tpu.memory_space<vmem>> -> memref<16x128xf32, #tpu.memory_space<vmem>>
    %dma_start3A_428 = arith.constant 0 : i32
    %dma_start3A_429 = arith.constant 0 : i32
    %dma_start3A_430 = tpu.memref_slice %arg2[%dma_start3A_428, %dma_start3A_429] : memref<2600000x128xf32, #tpu.memory_space<hbm>> -> memref<2600000x128xf32, #tpu.memory_space<hbm>>
    %dma_start3A_431 = tpu.memref_slice %arg7[%dma_start3A_423] : memref<5x!tpu.dma_semaphore, #tpu.memory_space<semaphore_mem>> -> memref<1x!tpu.dma_semaphore, #tpu.memory_space<semaphore_mem>>
    %dma_start3A_432 = tpu.memref_squeeze %dma_start3A_431 : memref<1x!tpu.dma_semaphore, #tpu.memory_space<semaphore_mem>> -> memref<!tpu.dma_semaphore, #tpu.memory_space<semaphore_mem>>
    tpu.enqueue_indirect_dma source(%dma_start3A_430 : memref<2600000x128xf32, #tpu.memory_space<hbm>>) target(%dma_start3A_427 : memref<16x128xf32, #tpu.memory_space<vmem>>) offsets(%get3A_421 : vector<16xi32>) semaphore(%dma_start3A_432 : memref<!tpu.dma_semaphore, #tpu.memory_space<semaphore_mem>>)
    %get3A_433 = arith.constant 3 : i32
    %get3A_434 = arith.index_cast %get3A_433 : i32 to index
    %get3A_435 = arith.constant 48 : index
    %get3A_436 = tpu.vector_load %arg5[%get3A_434, %get3A_435] {strides = array<i32>} : memref<325x128xi32, #tpu.memory_space<vmem>>, vector<1x16xi32>,
    %get3A_437 = vector.shape_cast %get3A_436 : vector<1x16xi32> to vector<16xi32>
    %dma_start3A_438 = arith.constant 3 : i32
    %dma_start3A_439 = arith.constant 3 : i32
    %dma_start3A_440 = arith.constant 48 : i32
    %dma_start3A_441 = arith.constant 0 : i32
    %dma_start3A_442 = tpu.memref_slice %arg6[%dma_start3A_438, %dma_start3A_440, %dma_start3A_441] : memref<5x128x128xf32, #tpu.memory_space<vmem>> -> memref<1x16x128xf32, #tpu.memory_space<vmem>>
    %dma_start3A_443 = tpu.memref_squeeze %dma_start3A_442 : memref<1x16x128xf32, #tpu.memory_space<vmem>> -> memref<16x128xf32, #tpu.memory_space<vmem>>
    %dma_start3A_444 = arith.constant 0 : i32
    %dma_start3A_445 = arith.constant 0 : i32
    %dma_start3A_446 = tpu.memref_slice %arg2[%dma_start3A_444, %dma_start3A_445] : memref<2600000x128xf32, #tpu.memory_space<hbm>> -> memref<2600000x128xf32, #tpu.memory_space<hbm>>
    %dma_start3A_447 = tpu.memref_slice %arg7[%dma_start3A_439] : memref<5x!tpu.dma_semaphore, #tpu.memory_space<semaphore_mem>> -> memref<1x!tpu.dma_semaphore, #tpu.memory_space<semaphore_mem>>
    %dma_start3A_448 = tpu.memref_squeeze %dma_start3A_447 : memref<1x!tpu.dma_semaphore, #tpu.memory_space<semaphore_mem>> -> memref<!tpu.dma_semaphore, #tpu.memory_space<semaphore_mem>>
    tpu.enqueue_indirect_dma source(%dma_start3A_446 : memref<2600000x128xf32, #tpu.memory_space<hbm>>) target(%dma_start3A_443 : memref<16x128xf32, #tpu.memory_space<vmem>>) offsets(%get3A_437 : vector<16xi32>) semaphore(%dma_start3A_448 : memref<!tpu.dma_semaphore, #tpu.memory_space<semaphore_mem>>)
    %get3A_449 = arith.constant 3 : i32
    %get3A_450 = arith.index_cast %get3A_449 : i32 to index
    %get3A_451 = arith.constant 64 : index
    %get3A_452 = tpu.vector_load %arg5[%get3A_450, %get3A_451] {strides = array<i32>} : memref<325x128xi32, #tpu.memory_space<vmem>>, vector<1x16xi32>,
    %get3A_453 = vector.shape_cast %get3A_452 : vector<1x16xi32> to vector<16xi32>
    %dma_start3A_454 = arith.constant 3 : i32
    %dma_start3A_455 = arith.constant 3 : i32
    %dma_start3A_456 = arith.constant 64 : i32
    %dma_start3A_457 = arith.constant 0 : i32
    %dma_start3A_458 = tpu.memref_slice %arg6[%dma_start3A_454, %dma_start3A_456, %dma_start3A_457] : memref<5x128x128xf32, #tpu.memory_space<vmem>> -> memref<1x16x128xf32, #tpu.memory_space<vmem>>
    %dma_start3A_459 = tpu.memref_squeeze %dma_start3A_458 : memref<1x16x128xf32, #tpu.memory_space<vmem>> -> memref<16x128xf32, #tpu.memory_space<vmem>>
    %dma_start3A_460 = arith.constant 0 : i32
    %dma_start3A_461 = arith.constant 0 : i32
    %dma_start3A_462 = tpu.memref_slice %arg2[%dma_start3A_460, %dma_start3A_461] : memref<2600000x128xf32, #tpu.memory_space<hbm>> -> memref<2600000x128xf32, #tpu.memory_space<hbm>>
    %dma_start3A_463 = tpu.memref_slice %arg7[%dma_start3A_455] : memref<5x!tpu.dma_semaphore, #tpu.memory_space<semaphore_mem>> -> memref<1x!tpu.dma_semaphore, #tpu.memory_space<semaphore_mem>>
    %dma_start3A_464 = tpu.memref_squeeze %dma_start3A_463 : memref<1x!tpu.dma_semaphore, #tpu.memory_space<semaphore_mem>> -> memref<!tpu.dma_semaphore, #tpu.memory_space<semaphore_mem>>
    tpu.enqueue_indirect_dma source(%dma_start3A_462 : memref<2600000x128xf32, #tpu.memory_space<hbm>>) target(%dma_start3A_459 : memref<16x128xf32, #tpu.memory_space<vmem>>) offsets(%get3A_453 : vector<16xi32>) semaphore(%dma_start3A_464 : memref<!tpu.dma_semaphore, #tpu.memory_space<semaphore_mem>>)
    %get3A_465 = arith.constant 3 : i32
    %get3A_466 = arith.index_cast %get3A_465 : i32 to index
    %get3A_467 = arith.constant 80 : index
    %get3A_468 = tpu.vector_load %arg5[%get3A_466, %get3A_467] {strides = array<i32>} : memref<325x128xi32, #tpu.memory_space<vmem>>, vector<1x16xi32>,
    %get3A_469 = vector.shape_cast %get3A_468 : vector<1x16xi32> to vector<16xi32>
    %dma_start3A_470 = arith.constant 3 : i32
    %dma_start3A_471 = arith.constant 3 : i32
    %dma_start3A_472 = arith.constant 80 : i32
    %dma_start3A_473 = arith.constant 0 : i32
    %dma_start3A_474 = tpu.memref_slice %arg6[%dma_start3A_470, %dma_start3A_472, %dma_start3A_473] : memref<5x128x128xf32, #tpu.memory_space<vmem>> -> memref<1x16x128xf32, #tpu.memory_space<vmem>>
    %dma_start3A_475 = tpu.memref_squeeze %dma_start3A_474 : memref<1x16x128xf32, #tpu.memory_space<vmem>> -> memref<16x128xf32, #tpu.memory_space<vmem>>
    %dma_start3A_476 = arith.constant 0 : i32
    %dma_start3A_477 = arith.constant 0 : i32
    %dma_start3A_478 = tpu.memref_slice %arg2[%dma_start3A_476, %dma_start3A_477] : memref<2600000x128xf32, #tpu.memory_space<hbm>> -> memref<2600000x128xf32, #tpu.memory_space<hbm>>
    %dma_start3A_479 = tpu.memref_slice %arg7[%dma_start3A_471] : memref<5x!tpu.dma_semaphore, #tpu.memory_space<semaphore_mem>> -> memref<1x!tpu.dma_semaphore, #tpu.memory_space<semaphore_mem>>
    %dma_start3A_480 = tpu.memref_squeeze %dma_start3A_479 : memref<1x!tpu.dma_semaphore, #tpu.memory_space<semaphore_mem>> -> memref<!tpu.dma_semaphore, #tpu.memory_space<semaphore_mem>>
    tpu.enqueue_indirect_dma source(%dma_start3A_478 : memref<2600000x128xf32, #tpu.memory_space<hbm>>) target(%dma_start3A_475 : memref<16x128xf32, #tpu.memory_space<vmem>>) offsets(%get3A_469 : vector<16xi32>) semaphore(%dma_start3A_480 : memref<!tpu.dma_semaphore, #tpu.memory_space<semaphore_mem>>)
    %get3A_481 = arith.constant 3 : i32
    %get3A_482 = arith.index_cast %get3A_481 : i32 to index
    %get3A_483 = arith.constant 96 : index
    %get3A_484 = tpu.vector_load %arg5[%get3A_482, %get3A_483] {strides = array<i32>} : memref<325x128xi32, #tpu.memory_space<vmem>>, vector<1x16xi32>,
    %get3A_485 = vector.shape_cast %get3A_484 : vector<1x16xi32> to vector<16xi32>
    %dma_start3A_486 = arith.constant 3 : i32
    %dma_start3A_487 = arith.constant 3 : i32
    %dma_start3A_488 = arith.constant 96 : i32
    %dma_start3A_489 = arith.constant 0 : i32
    %dma_start3A_490 = tpu.memref_slice %arg6[%dma_start3A_486, %dma_start3A_488, %dma_start3A_489] : memref<5x128x128xf32, #tpu.memory_space<vmem>> -> memref<1x16x128xf32, #tpu.memory_space<vmem>>
    %dma_start3A_491 = tpu.memref_squeeze %dma_start3A_490 : memref<1x16x128xf32, #tpu.memory_space<vmem>> -> memref<16x128xf32, #tpu.memory_space<vmem>>
    %dma_start3A_492 = arith.constant 0 : i32
    %dma_start3A_493 = arith.constant 0 : i32
    %dma_start3A_494 = tpu.memref_slice %arg2[%dma_start3A_492, %dma_start3A_493] : memref<2600000x128xf32, #tpu.memory_space<hbm>> -> memref<2600000x128xf32, #tpu.memory_space<hbm>>
    %dma_start3A_495 = tpu.memref_slice %arg7[%dma_start3A_487] : memref<5x!tpu.dma_semaphore, #tpu.memory_space<semaphore_mem>> -> memref<1x!tpu.dma_semaphore, #tpu.memory_space<semaphore_mem>>
    %dma_start3A_496 = tpu.memref_squeeze %dma_start3A_495 : memref<1x!tpu.dma_semaphore, #tpu.memory_space<semaphore_mem>> -> memref<!tpu.dma_semaphore, #tpu.memory_space<semaphore_mem>>
    tpu.enqueue_indirect_dma source(%dma_start3A_494 : memref<2600000x128xf32, #tpu.memory_space<hbm>>) target(%dma_start3A_491 : memref<16x128xf32, #tpu.memory_space<vmem>>) offsets(%get3A_485 : vector<16xi32>) semaphore(%dma_start3A_496 : memref<!tpu.dma_semaphore, #tpu.memory_space<semaphore_mem>>)
    %get3A_497 = arith.constant 3 : i32
    %get3A_498 = arith.index_cast %get3A_497 : i32 to index
    %get3A_499 = arith.constant 112 : index
    %get3A_500 = tpu.vector_load %arg5[%get3A_498, %get3A_499] {strides = array<i32>} : memref<325x128xi32, #tpu.memory_space<vmem>>, vector<1x16xi32>,
    %get3A_501 = vector.shape_cast %get3A_500 : vector<1x16xi32> to vector<16xi32>
    %dma_start3A_502 = arith.constant 3 : i32
    %dma_start3A_503 = arith.constant 3 : i32
    %dma_start3A_504 = arith.constant 112 : i32
    %dma_start3A_505 = arith.constant 0 : i32
    %dma_start3A_506 = tpu.memref_slice %arg6[%dma_start3A_502, %dma_start3A_504, %dma_start3A_505] : memref<5x128x128xf32, #tpu.memory_space<vmem>> -> memref<1x16x128xf32, #tpu.memory_space<vmem>>
    %dma_start3A_507 = tpu.memref_squeeze %dma_start3A_506 : memref<1x16x128xf32, #tpu.memory_space<vmem>> -> memref<16x128xf32, #tpu.memory_space<vmem>>
    %dma_start3A_508 = arith.constant 0 : i32
    %dma_start3A_509 = arith.constant 0 : i32
    %dma_start3A_510 = tpu.memref_slice %arg2[%dma_start3A_508, %dma_start3A_509] : memref<2600000x128xf32, #tpu.memory_space<hbm>> -> memref<2600000x128xf32, #tpu.memory_space<hbm>>
    %dma_start3A_511 = tpu.memref_slice %arg7[%dma_start3A_503] : memref<5x!tpu.dma_semaphore, #tpu.memory_space<semaphore_mem>> -> memref<1x!tpu.dma_semaphore, #tpu.memory_space<semaphore_mem>>
    %dma_start3A_512 = tpu.memref_squeeze %dma_start3A_511 : memref<1x!tpu.dma_semaphore, #tpu.memory_space<semaphore_mem>> -> memref<!tpu.dma_semaphore, #tpu.memory_space<semaphore_mem>>
    tpu.enqueue_indirect_dma source(%dma_start3A_510 : memref<2600000x128xf32, #tpu.memory_space<hbm>>) target(%dma_start3A_507 : memref<16x128xf32, #tpu.memory_space<vmem>>) offsets(%get3A_501 : vector<16xi32>) semaphore(%dma_start3A_512 : memref<!tpu.dma_semaphore, #tpu.memory_space<semaphore_mem>>)
    %get3A_513 = arith.constant 4 : i32
    %get3A_514 = arith.index_cast %get3A_513 : i32 to index
    %get3A_515 = arith.constant 0 : index
    %get3A_516 = tpu.vector_load %arg5[%get3A_514, %get3A_515] {strides = array<i32>} : memref<325x128xi32, #tpu.memory_space<vmem>>, vector<1x16xi32>,
    %get3A_517 = vector.shape_cast %get3A_516 : vector<1x16xi32> to vector<16xi32>
    %dma_start3A_518 = arith.constant 4 : i32
    %dma_start3A_519 = arith.constant 4 : i32
    %dma_start3A_520 = arith.constant 0 : i32
    %dma_start3A_521 = arith.constant 0 : i32
    %dma_start3A_522 = tpu.memref_slice %arg6[%dma_start3A_518, %dma_start3A_520, %dma_start3A_521] : memref<5x128x128xf32, #tpu.memory_space<vmem>> -> memref<1x16x128xf32, #tpu.memory_space<vmem>>
    %dma_start3A_523 = tpu.memref_squeeze %dma_start3A_522 : memref<1x16x128xf32, #tpu.memory_space<vmem>> -> memref<16x128xf32, #tpu.memory_space<vmem>>
    %dma_start3A_524 = arith.constant 0 : i32
    %dma_start3A_525 = arith.constant 0 : i32
    %dma_start3A_526 = tpu.memref_slice %arg2[%dma_start3A_524, %dma_start3A_525] : memref<2600000x128xf32, #tpu.memory_space<hbm>> -> memref<2600000x128xf32, #tpu.memory_space<hbm>>
    %dma_start3A_527 = tpu.memref_slice %arg7[%dma_start3A_519] : memref<5x!tpu.dma_semaphore, #tpu.memory_space<semaphore_mem>> -> memref<1x!tpu.dma_semaphore, #tpu.memory_space<semaphore_mem>>
    %dma_start3A_528 = tpu.memref_squeeze %dma_start3A_527 : memref<1x!tpu.dma_semaphore, #tpu.memory_space<semaphore_mem>> -> memref<!tpu.dma_semaphore, #tpu.memory_space<semaphore_mem>>
    tpu.enqueue_indirect_dma source(%dma_start3A_526 : memref<2600000x128xf32, #tpu.memory_space<hbm>>) target(%dma_start3A_523 : memref<16x128xf32, #tpu.memory_space<vmem>>) offsets(%get3A_517 : vector<16xi32>) semaphore(%dma_start3A_528 : memref<!tpu.dma_semaphore, #tpu.memory_space<semaphore_mem>>)
    %get3A_529 = arith.constant 4 : i32
    %get3A_530 = arith.index_cast %get3A_529 : i32 to index
    %get3A_531 = arith.constant 16 : index
    %get3A_532 = tpu.vector_load %arg5[%get3A_530, %get3A_531] {strides = array<i32>} : memref<325x128xi32, #tpu.memory_space<vmem>>, vector<1x16xi32>,
    %get3A_533 = vector.shape_cast %get3A_532 : vector<1x16xi32> to vector<16xi32>
    %dma_start3A_534 = arith.constant 4 : i32
    %dma_start3A_535 = arith.constant 4 : i32
    %dma_start3A_536 = arith.constant 16 : i32
    %dma_start3A_537 = arith.constant 0 : i32
    %dma_start3A_538 = tpu.memref_slice %arg6[%dma_start3A_534, %dma_start3A_536, %dma_start3A_537] : memref<5x128x128xf32, #tpu.memory_space<vmem>> -> memref<1x16x128xf32, #tpu.memory_space<vmem>>
    %dma_start3A_539 = tpu.memref_squeeze %dma_start3A_538 : memref<1x16x128xf32, #tpu.memory_space<vmem>> -> memref<16x128xf32, #tpu.memory_space<vmem>>
    %dma_start3A_540 = arith.constant 0 : i32
    %dma_start3A_541 = arith.constant 0 : i32
    %dma_start3A_542 = tpu.memref_slice %arg2[%dma_start3A_540, %dma_start3A_541] : memref<2600000x128xf32, #tpu.memory_space<hbm>> -> memref<2600000x128xf32, #tpu.memory_space<hbm>>
    %dma_start3A_543 = tpu.memref_slice %arg7[%dma_start3A_535] : memref<5x!tpu.dma_semaphore, #tpu.memory_space<semaphore_mem>> -> memref<1x!tpu.dma_semaphore, #tpu.memory_space<semaphore_mem>>
    %dma_start3A_544 = tpu.memref_squeeze %dma_start3A_543 : memref<1x!tpu.dma_semaphore, #tpu.memory_space<semaphore_mem>> -> memref<!tpu.dma_semaphore, #tpu.memory_space<semaphore_mem>>
    tpu.enqueue_indirect_dma source(%dma_start3A_542 : memref<2600000x128xf32, #tpu.memory_space<hbm>>) target(%dma_start3A_539 : memref<16x128xf32, #tpu.memory_space<vmem>>) offsets(%get3A_533 : vector<16xi32>) semaphore(%dma_start3A_544 : memref<!tpu.dma_semaphore, #tpu.memory_space<semaphore_mem>>)
    %get3A_545 = arith.constant 4 : i32
    %get3A_546 = arith.index_cast %get3A_545 : i32 to index
    %get3A_547 = arith.constant 32 : index
    %get3A_548 = tpu.vector_load %arg5[%get3A_546, %get3A_547] {strides = array<i32>} : memref<325x128xi32, #tpu.memory_space<vmem>>, vector<1x16xi32>,
    %get3A_549 = vector.shape_cast %get3A_548 : vector<1x16xi32> to vector<16xi32>
    %dma_start3A_550 = arith.constant 4 : i32
    %dma_start3A_551 = arith.constant 4 : i32
    %dma_start3A_552 = arith.constant 32 : i32
    %dma_start3A_553 = arith.constant 0 : i32
    %dma_start3A_554 = tpu.memref_slice %arg6[%dma_start3A_550, %dma_start3A_552, %dma_start3A_553] : memref<5x128x128xf32, #tpu.memory_space<vmem>> -> memref<1x16x128xf32, #tpu.memory_space<vmem>>
    %dma_start3A_555 = tpu.memref_squeeze %dma_start3A_554 : memref<1x16x128xf32, #tpu.memory_space<vmem>> -> memref<16x128xf32, #tpu.memory_space<vmem>>
    %dma_start3A_556 = arith.constant 0 : i32
    %dma_start3A_557 = arith.constant 0 : i32
    %dma_start3A_558 = tpu.memref_slice %arg2[%dma_start3A_556, %dma_start3A_557] : memref<2600000x128xf32, #tpu.memory_space<hbm>> -> memref<2600000x128xf32, #tpu.memory_space<hbm>>
    %dma_start3A_559 = tpu.memref_slice %arg7[%dma_start3A_551] : memref<5x!tpu.dma_semaphore, #tpu.memory_space<semaphore_mem>> -> memref<1x!tpu.dma_semaphore, #tpu.memory_space<semaphore_mem>>
    %dma_start3A_560 = tpu.memref_squeeze %dma_start3A_559 : memref<1x!tpu.dma_semaphore, #tpu.memory_space<semaphore_mem>> -> memref<!tpu.dma_semaphore, #tpu.memory_space<semaphore_mem>>
    tpu.enqueue_indirect_dma source(%dma_start3A_558 : memref<2600000x128xf32, #tpu.memory_space<hbm>>) target(%dma_start3A_555 : memref<16x128xf32, #tpu.memory_space<vmem>>) offsets(%get3A_549 : vector<16xi32>) semaphore(%dma_start3A_560 : memref<!tpu.dma_semaphore, #tpu.memory_space<semaphore_mem>>)
    %get3A_561 = arith.constant 4 : i32
    %get3A_562 = arith.index_cast %get3A_561 : i32 to index
    %get3A_563 = arith.constant 48 : index
    %get3A_564 = tpu.vector_load %arg5[%get3A_562, %get3A_563] {strides = array<i32>} : memref<325x128xi32, #tpu.memory_space<vmem>>, vector<1x16xi32>,
    %get3A_565 = vector.shape_cast %get3A_564 : vector<1x16xi32> to vector<16xi32>
    %dma_start3A_566 = arith.constant 4 : i32
    %dma_start3A_567 = arith.constant 4 : i32
    %dma_start3A_568 = arith.constant 48 : i32
    %dma_start3A_569 = arith.constant 0 : i32
    %dma_start3A_570 = tpu.memref_slice %arg6[%dma_start3A_566, %dma_start3A_568, %dma_start3A_569] : memref<5x128x128xf32, #tpu.memory_space<vmem>> -> memref<1x16x128xf32, #tpu.memory_space<vmem>>
    %dma_start3A_571 = tpu.memref_squeeze %dma_start3A_570 : memref<1x16x128xf32, #tpu.memory_space<vmem>> -> memref<16x128xf32, #tpu.memory_space<vmem>>
    %dma_start3A_572 = arith.constant 0 : i32
    %dma_start3A_573 = arith.constant 0 : i32
    %dma_start3A_574 = tpu.memref_slice %arg2[%dma_start3A_572, %dma_start3A_573] : memref<2600000x128xf32, #tpu.memory_space<hbm>> -> memref<2600000x128xf32, #tpu.memory_space<hbm>>
    %dma_start3A_575 = tpu.memref_slice %arg7[%dma_start3A_567] : memref<5x!tpu.dma_semaphore, #tpu.memory_space<semaphore_mem>> -> memref<1x!tpu.dma_semaphore, #tpu.memory_space<semaphore_mem>>
    %dma_start3A_576 = tpu.memref_squeeze %dma_start3A_575 : memref<1x!tpu.dma_semaphore, #tpu.memory_space<semaphore_mem>> -> memref<!tpu.dma_semaphore, #tpu.memory_space<semaphore_mem>>
    tpu.enqueue_indirect_dma source(%dma_start3A_574 : memref<2600000x128xf32, #tpu.memory_space<hbm>>) target(%dma_start3A_571 : memref<16x128xf32, #tpu.memory_space<vmem>>) offsets(%get3A_565 : vector<16xi32>) semaphore(%dma_start3A_576 : memref<!tpu.dma_semaphore, #tpu.memory_space<semaphore_mem>>)
    %get3A_577 = arith.constant 4 : i32
    %get3A_578 = arith.index_cast %get3A_577 : i32 to index
    %get3A_579 = arith.constant 64 : index
    %get3A_580 = tpu.vector_load %arg5[%get3A_578, %get3A_579] {strides = array<i32>} : memref<325x128xi32, #tpu.memory_space<vmem>>, vector<1x16xi32>,
    %get3A_581 = vector.shape_cast %get3A_580 : vector<1x16xi32> to vector<16xi32>
    %dma_start3A_582 = arith.constant 4 : i32
    %dma_start3A_583 = arith.constant 4 : i32
    %dma_start3A_584 = arith.constant 64 : i32
    %dma_start3A_585 = arith.constant 0 : i32
    %dma_start3A_586 = tpu.memref_slice %arg6[%dma_start3A_582, %dma_start3A_584, %dma_start3A_585] : memref<5x128x128xf32, #tpu.memory_space<vmem>> -> memref<1x16x128xf32, #tpu.memory_space<vmem>>
    %dma_start3A_587 = tpu.memref_squeeze %dma_start3A_586 : memref<1x16x128xf32, #tpu.memory_space<vmem>> -> memref<16x128xf32, #tpu.memory_space<vmem>>
    %dma_start3A_588 = arith.constant 0 : i32
    %dma_start3A_589 = arith.constant 0 : i32
    %dma_start3A_590 = tpu.memref_slice %arg2[%dma_start3A_588, %dma_start3A_589] : memref<2600000x128xf32, #tpu.memory_space<hbm>> -> memref<2600000x128xf32, #tpu.memory_space<hbm>>
    %dma_start3A_591 = tpu.memref_slice %arg7[%dma_start3A_583] : memref<5x!tpu.dma_semaphore, #tpu.memory_space<semaphore_mem>> -> memref<1x!tpu.dma_semaphore, #tpu.memory_space<semaphore_mem>>
    %dma_start3A_592 = tpu.memref_squeeze %dma_start3A_591 : memref<1x!tpu.dma_semaphore, #tpu.memory_space<semaphore_mem>> -> memref<!tpu.dma_semaphore, #tpu.memory_space<semaphore_mem>>
    tpu.enqueue_indirect_dma source(%dma_start3A_590 : memref<2600000x128xf32, #tpu.memory_space<hbm>>) target(%dma_start3A_587 : memref<16x128xf32, #tpu.memory_space<vmem>>) offsets(%get3A_581 : vector<16xi32>) semaphore(%dma_start3A_592 : memref<!tpu.dma_semaphore, #tpu.memory_space<semaphore_mem>>)
    %get3A_593 = arith.constant 4 : i32
    %get3A_594 = arith.index_cast %get3A_593 : i32 to index
    %get3A_595 = arith.constant 80 : index
    %get3A_596 = tpu.vector_load %arg5[%get3A_594, %get3A_595] {strides = array<i32>} : memref<325x128xi32, #tpu.memory_space<vmem>>, vector<1x16xi32>,
    %get3A_597 = vector.shape_cast %get3A_596 : vector<1x16xi32> to vector<16xi32>
    %dma_start3A_598 = arith.constant 4 : i32
    %dma_start3A_599 = arith.constant 4 : i32
    %dma_start3A_600 = arith.constant 80 : i32
    %dma_start3A_601 = arith.constant 0 : i32
    %dma_start3A_602 = tpu.memref_slice %arg6[%dma_start3A_598, %dma_start3A_600, %dma_start3A_601] : memref<5x128x128xf32, #tpu.memory_space<vmem>> -> memref<1x16x128xf32, #tpu.memory_space<vmem>>
    %dma_start3A_603 = tpu.memref_squeeze %dma_start3A_602 : memref<1x16x128xf32, #tpu.memory_space<vmem>> -> memref<16x128xf32, #tpu.memory_space<vmem>>
    %dma_start3A_604 = arith.constant 0 : i32
    %dma_start3A_605 = arith.constant 0 : i32
    %dma_start3A_606 = tpu.memref_slice %arg2[%dma_start3A_604, %dma_start3A_605] : memref<2600000x128xf32, #tpu.memory_space<hbm>> -> memref<2600000x128xf32, #tpu.memory_space<hbm>>
    %dma_start3A_607 = tpu.memref_slice %arg7[%dma_start3A_599] : memref<5x!tpu.dma_semaphore, #tpu.memory_space<semaphore_mem>> -> memref<1x!tpu.dma_semaphore, #tpu.memory_space<semaphore_mem>>
    %dma_start3A_608 = tpu.memref_squeeze %dma_start3A_607 : memref<1x!tpu.dma_semaphore, #tpu.memory_space<semaphore_mem>> -> memref<!tpu.dma_semaphore, #tpu.memory_space<semaphore_mem>>
    tpu.enqueue_indirect_dma source(%dma_start3A_606 : memref<2600000x128xf32, #tpu.memory_space<hbm>>) target(%dma_start3A_603 : memref<16x128xf32, #tpu.memory_space<vmem>>) offsets(%get3A_597 : vector<16xi32>) semaphore(%dma_start3A_608 : memref<!tpu.dma_semaphore, #tpu.memory_space<semaphore_mem>>)
    %get3A_609 = arith.constant 4 : i32
    %get3A_610 = arith.index_cast %get3A_609 : i32 to index
    %get3A_611 = arith.constant 96 : index
    %get3A_612 = tpu.vector_load %arg5[%get3A_610, %get3A_611] {strides = array<i32>} : memref<325x128xi32, #tpu.memory_space<vmem>>, vector<1x16xi32>,
    %get3A_613 = vector.shape_cast %get3A_612 : vector<1x16xi32> to vector<16xi32>
    %dma_start3A_614 = arith.constant 4 : i32
    %dma_start3A_615 = arith.constant 4 : i32
    %dma_start3A_616 = arith.constant 96 : i32
    %dma_start3A_617 = arith.constant 0 : i32
    %dma_start3A_618 = tpu.memref_slice %arg6[%dma_start3A_614, %dma_start3A_616, %dma_start3A_617] : memref<5x128x128xf32, #tpu.memory_space<vmem>> -> memref<1x16x128xf32, #tpu.memory_space<vmem>>
    %dma_start3A_619 = tpu.memref_squeeze %dma_start3A_618 : memref<1x16x128xf32, #tpu.memory_space<vmem>> -> memref<16x128xf32, #tpu.memory_space<vmem>>
    %dma_start3A_620 = arith.constant 0 : i32
    %dma_start3A_621 = arith.constant 0 : i32
    %dma_start3A_622 = tpu.memref_slice %arg2[%dma_start3A_620, %dma_start3A_621] : memref<2600000x128xf32, #tpu.memory_space<hbm>> -> memref<2600000x128xf32, #tpu.memory_space<hbm>>
    %dma_start3A_623 = tpu.memref_slice %arg7[%dma_start3A_615] : memref<5x!tpu.dma_semaphore, #tpu.memory_space<semaphore_mem>> -> memref<1x!tpu.dma_semaphore, #tpu.memory_space<semaphore_mem>>
    %dma_start3A_624 = tpu.memref_squeeze %dma_start3A_623 : memref<1x!tpu.dma_semaphore, #tpu.memory_space<semaphore_mem>> -> memref<!tpu.dma_semaphore, #tpu.memory_space<semaphore_mem>>
    tpu.enqueue_indirect_dma source(%dma_start3A_622 : memref<2600000x128xf32, #tpu.memory_space<hbm>>) target(%dma_start3A_619 : memref<16x128xf32, #tpu.memory_space<vmem>>) offsets(%get3A_613 : vector<16xi32>) semaphore(%dma_start3A_624 : memref<!tpu.dma_semaphore, #tpu.memory_space<semaphore_mem>>)
    %get3A_625 = arith.constant 4 : i32
    %get3A_626 = arith.index_cast %get3A_625 : i32 to index
    %get3A_627 = arith.constant 112 : index
    %get3A_628 = tpu.vector_load %arg5[%get3A_626, %get3A_627] {strides = array<i32>} : memref<325x128xi32, #tpu.memory_space<vmem>>, vector<1x16xi32>,
    %get3A_629 = vector.shape_cast %get3A_628 : vector<1x16xi32> to vector<16xi32>
    %dma_start3A_630 = arith.constant 4 : i32
    %dma_start3A_631 = arith.constant 4 : i32
    %dma_start3A_632 = arith.constant 112 : i32
    %dma_start3A_633 = arith.constant 0 : i32
    %dma_start3A_634 = tpu.memref_slice %arg6[%dma_start3A_630, %dma_start3A_632, %dma_start3A_633] : memref<5x128x128xf32, #tpu.memory_space<vmem>> -> memref<1x16x128xf32, #tpu.memory_space<vmem>>
    %dma_start3A_635 = tpu.memref_squeeze %dma_start3A_634 : memref<1x16x128xf32, #tpu.memory_space<vmem>> -> memref<16x128xf32, #tpu.memory_space<vmem>>
    %dma_start3A_636 = arith.constant 0 : i32
    %dma_start3A_637 = arith.constant 0 : i32
    %dma_start3A_638 = tpu.memref_slice %arg2[%dma_start3A_636, %dma_start3A_637] : memref<2600000x128xf32, #tpu.memory_space<hbm>> -> memref<2600000x128xf32, #tpu.memory_space<hbm>>
    %dma_start3A_639 = tpu.memref_slice %arg7[%dma_start3A_631] : memref<5x!tpu.dma_semaphore, #tpu.memory_space<semaphore_mem>> -> memref<1x!tpu.dma_semaphore, #tpu.memory_space<semaphore_mem>>
    %dma_start3A_640 = tpu.memref_squeeze %dma_start3A_639 : memref<1x!tpu.dma_semaphore, #tpu.memory_space<semaphore_mem>> -> memref<!tpu.dma_semaphore, #tpu.memory_space<semaphore_mem>>
    tpu.enqueue_indirect_dma source(%dma_start3A_638 : memref<2600000x128xf32, #tpu.memory_space<hbm>>) target(%dma_start3A_635 : memref<16x128xf32, #tpu.memory_space<vmem>>) offsets(%get3A_629 : vector<16xi32>) semaphore(%dma_start3A_640 : memref<!tpu.dma_semaphore, #tpu.memory_space<semaphore_mem>>)
    %scan3A = arith.constant 0 : i32
    %scan3A_641 = arith.constant 0 : i32
    %scan3A_642 = arith.constant 65 : i32
    %scan3A_643 = arith.addi %scan3A_641, %scan3A_642 : i32
    %scan3A_644 = arith.constant 1 : i32
    scf.for %scan3A_745 = %scan3A_641 to %scan3A_643 step %scan3A_644  : i32 {
      %mul3A_746 = arith.constant 5 : i32
      %mul3A_747 = arith.muli %scan3A_745, %mul3A_746 : i32
      %add3A_748 = arith.constant 0 : i32
      %add3A_749 = arith.addi %mul3A_747, %add3A_748 : i32
      %dma_wait3A_750 = arith.constant 0 : i32
      %dma_wait3A_751 = arith.constant 0 : i32
      %dma_wait3A_752 = arith.constant 0 : i32
      %dma_wait3A_753 = arith.constant 0 : i32
      %dma_wait3A_754 = tpu.memref_slice %arg6[%dma_wait3A_750, %dma_wait3A_752, %dma_wait3A_753] : memref<5x128x128xf32, #tpu.memory_space<vmem>> -> memref<1x128x128xf32, #tpu.memory_space<vmem>>
      %dma_wait3A_755 = tpu.memref_squeeze %dma_wait3A_754 : memref<1x128x128xf32, #tpu.memory_space<vmem>> -> memref<128x128xf32, #tpu.memory_space<vmem>>
      %dma_wait3A_756 = arith.constant 0 : i32
      %dma_wait3A_757 = arith.constant 0 : i32
      %dma_wait3A_758 = tpu.memref_slice %arg2[%dma_wait3A_756, %dma_wait3A_757] : memref<2600000x128xf32, #tpu.memory_space<hbm>> -> memref<128x128xf32, #tpu.memory_space<hbm>>
      %dma_wait3A_759 = tpu.memref_slice %arg7[%dma_wait3A_751] : memref<5x!tpu.dma_semaphore, #tpu.memory_space<semaphore_mem>> -> memref<1x!tpu.dma_semaphore, #tpu.memory_space<semaphore_mem>>
      %dma_wait3A_760 = tpu.memref_squeeze %dma_wait3A_759 : memref<1x!tpu.dma_semaphore, #tpu.memory_space<semaphore_mem>> -> memref<!tpu.dma_semaphore, #tpu.memory_space<semaphore_mem>>
      %dma_wait3A_761 = arith.constant 0 : i32
      %dma_wait3A_762 = arith.constant 0 : i32
      %dma_wait3A_763 = tpu.memref_slice %arg6[%dma_wait3A_750, %dma_wait3A_761, %dma_wait3A_762] : memref<5x128x128xf32, #tpu.memory_space<vmem>> -> memref<1x128x128xf32, #tpu.memory_space<vmem>>
      %dma_wait3A_764 = tpu.memref_squeeze %dma_wait3A_763 : memref<1x128x128xf32, #tpu.memory_space<vmem>> -> memref<128x128xf32, #tpu.memory_space<vmem>>
      %dma_wait3A_765 = arith.constant 0 : i32
      %dma_wait3A_766 = arith.constant 0 : i32
      %dma_wait3A_767 = tpu.memref_slice %arg2[%dma_wait3A_765, %dma_wait3A_766] : memref<2600000x128xf32, #tpu.memory_space<hbm>> -> memref<128x128xf32, #tpu.memory_space<hbm>>
      tpu.wait_dma2 semaphore(%dma_wait3A_760 : memref<!tpu.dma_semaphore, #tpu.memory_space<semaphore_mem>>) src(%dma_wait3A_767 : memref<128x128xf32, #tpu.memory_space<hbm>>) dst(%dma_wait3A_764 : memref<128x128xf32, #tpu.memory_space<vmem>>)
      %add3A_768 = arith.addi %mul3A_2, %add3A_749 : i32
      %mul3A_769 = arith.constant 128 : i32
      %mul3A_770 = arith.muli %add3A_768, %mul3A_769 : i32
      %dma_start3A_771 = arith.constant 0 : i32
      %dma_start3A_772 = arith.constant 0 : i32
      %dma_start3A_773 = arith.constant 0 : i32
      %dma_start3A_774 = arith.constant 0 : i32
      %dma_start3A_775 = tpu.memref_slice %arg6[%dma_start3A_771, %dma_start3A_773, %dma_start3A_774] : memref<5x128x128xf32, #tpu.memory_space<vmem>> -> memref<1x128x128xf32, #tpu.memory_space<vmem>>
      %dma_start3A_776 = tpu.memref_squeeze %dma_start3A_775 : memref<1x128x128xf32, #tpu.memory_space<vmem>> -> memref<128x128xf32, #tpu.memory_space<vmem>>
      %dma_start3A_777 = arith.constant 0 : i32
      %dma_start3A_778 = tpu.memref_slice %arg4[%mul3A_770, %dma_start3A_777] : memref<1331200x128xf32, #tpu.memory_space<hbm>> -> memref<128x128xf32, #tpu.memory_space<hbm>>
      %dma_start3A_779 = tpu.memref_slice %arg8[%dma_start3A_772] : memref<5x!tpu.dma_semaphore, #tpu.memory_space<semaphore_mem>> -> memref<1x!tpu.dma_semaphore, #tpu.memory_space<semaphore_mem>>
      %dma_start3A_780 = tpu.memref_squeeze %dma_start3A_779 : memref<1x!tpu.dma_semaphore, #tpu.memory_space<semaphore_mem>> -> memref<!tpu.dma_semaphore, #tpu.memory_space<semaphore_mem>>
      %dma_start3A_781 = arith.constant 0 : i32
      %dma_start3A_782 = tpu.memref_slice %arg4[%mul3A_770, %dma_start3A_781] : memref<1331200x128xf32, #tpu.memory_space<hbm>> -> memref<128x128xf32, #tpu.memory_space<hbm>>
      %dma_start3A_783 = arith.constant 0 : i32
      %dma_start3A_784 = arith.constant 0 : i32
      %dma_start3A_785 = tpu.memref_slice %arg6[%dma_start3A_771, %dma_start3A_783, %dma_start3A_784] : memref<5x128x128xf32, #tpu.memory_space<vmem>> -> memref<1x128x128xf32, #tpu.memory_space<vmem>>
      %dma_start3A_786 = tpu.memref_squeeze %dma_start3A_785 : memref<1x128x128xf32, #tpu.memory_space<vmem>> -> memref<128x128xf32, #tpu.memory_space<vmem>>
      tpu.enqueue_dma source(%dma_start3A_786 : memref<128x128xf32, #tpu.memory_space<vmem>>) target(%dma_start3A_782 : memref<128x128xf32, #tpu.memory_space<hbm>>) target_semaphore(%dma_start3A_780 : memref<!tpu.dma_semaphore, #tpu.memory_space<semaphore_mem>>)
      %lt3A = arith.constant 64 : i32
      %lt3A_787 = arith.cmpi slt, %scan3A_745, %lt3A : i32
      %convert_element_type3A = arith.extui %lt3A_787 : i1 to i32
      %cond3A = arith.constant 0 : i32
      %cond3A_788 = arith.cmpi ne, %convert_element_type3A, %cond3A : i32
      scf.if %cond3A_788 {
        %add3A_973 = arith.addi %mul3A_2, %add3A_749 : i32
        %mul3A_974 = arith.constant 128 : i32
        %mul3A_975 = arith.muli %add3A_973, %mul3A_974 : i32
        %dma_wait3A_976 = arith.constant 0 : i32
        %dma_wait3A_977 = arith.constant 0 : i32
        %dma_wait3A_978 = arith.constant 0 : i32
        %dma_wait3A_979 = arith.constant 0 : i32
        %dma_wait3A_980 = tpu.memref_slice %arg6[%dma_wait3A_976, %dma_wait3A_978, %dma_wait3A_979] : memref<5x128x128xf32, #tpu.memory_space<vmem>> -> memref<1x128x128xf32, #tpu.memory_space<vmem>>
        %dma_wait3A_981 = tpu.memref_squeeze %dma_wait3A_980 : memref<1x128x128xf32, #tpu.memory_space<vmem>> -> memref<128x128xf32, #tpu.memory_space<vmem>>
        %dma_wait3A_982 = arith.constant 0 : i32
        %dma_wait3A_983 = tpu.memref_slice %arg4[%mul3A_975, %dma_wait3A_982] : memref<1331200x128xf32, #tpu.memory_space<hbm>> -> memref<128x128xf32, #tpu.memory_space<hbm>>
        %dma_wait3A_984 = tpu.memref_slice %arg8[%dma_wait3A_977] : memref<5x!tpu.dma_semaphore, #tpu.memory_space<semaphore_mem>> -> memref<1x!tpu.dma_semaphore, #tpu.memory_space<semaphore_mem>>
        %dma_wait3A_985 = tpu.memref_squeeze %dma_wait3A_984 : memref<1x!tpu.dma_semaphore, #tpu.memory_space<semaphore_mem>> -> memref<!tpu.dma_semaphore, #tpu.memory_space<semaphore_mem>>
        %dma_wait3A_986 = arith.constant 0 : i32
        %dma_wait3A_987 = tpu.memref_slice %arg4[%mul3A_975, %dma_wait3A_986] : memref<1331200x128xf32, #tpu.memory_space<hbm>> -> memref<128x128xf32, #tpu.memory_space<hbm>>
        %dma_wait3A_988 = arith.constant 0 : i32
        %dma_wait3A_989 = arith.constant 0 : i32
        %dma_wait3A_990 = tpu.memref_slice %arg6[%dma_wait3A_976, %dma_wait3A_988, %dma_wait3A_989] : memref<5x128x128xf32, #tpu.memory_space<vmem>> -> memref<1x128x128xf32, #tpu.memory_space<vmem>>
        %dma_wait3A_991 = tpu.memref_squeeze %dma_wait3A_990 : memref<1x128x128xf32, #tpu.memory_space<vmem>> -> memref<128x128xf32, #tpu.memory_space<vmem>>
        tpu.wait_dma2 semaphore(%dma_wait3A_985 : memref<!tpu.dma_semaphore, #tpu.memory_space<semaphore_mem>>) src(%dma_wait3A_991 : memref<128x128xf32, #tpu.memory_space<vmem>>) dst(%dma_wait3A_987 : memref<128x128xf32, #tpu.memory_space<hbm>>)
        %add3A_992 = arith.constant 5 : i32
        %add3A_993 = arith.addi %add3A_749, %add3A_992 : i32
        %get3A_994 = arith.index_cast %add3A_993 : i32 to index
        %get3A_995 = arith.constant 0 : index
        %get3A_996 = tpu.vector_load %arg5[%get3A_994, %get3A_995] {strides = array<i32>} : memref<325x128xi32, #tpu.memory_space<vmem>>, vector<1x16xi32>,
        %get3A_997 = vector.shape_cast %get3A_996 : vector<1x16xi32> to vector<16xi32>
        %dma_start3A_998 = arith.constant 0 : i32
        %dma_start3A_999 = arith.constant 0 : i32
        %dma_start3A_1000 = arith.constant 0 : i32
        %dma_start3A_1001 = arith.constant 0 : i32
        %dma_start3A_1002 = tpu.memref_slice %arg6[%dma_start3A_998, %dma_start3A_1000, %dma_start3A_1001] : memref<5x128x128xf32, #tpu.memory_space<vmem>> -> memref<1x16x128xf32, #tpu.memory_space<vmem>>
        %dma_start3A_1003 = tpu.memref_squeeze %dma_start3A_1002 : memref<1x16x128xf32, #tpu.memory_space<vmem>> -> memref<16x128xf32, #tpu.memory_space<vmem>>
        %dma_start3A_1004 = arith.constant 0 : i32
        %dma_start3A_1005 = arith.constant 0 : i32
        %dma_start3A_1006 = tpu.memref_slice %arg2[%dma_start3A_1004, %dma_start3A_1005] : memref<2600000x128xf32, #tpu.memory_space<hbm>> -> memref<2600000x128xf32, #tpu.memory_space<hbm>>
        %dma_start3A_1007 = tpu.memref_slice %arg7[%dma_start3A_999] : memref<5x!tpu.dma_semaphore, #tpu.memory_space<semaphore_mem>> -> memref<1x!tpu.dma_semaphore, #tpu.memory_space<semaphore_mem>>
        %dma_start3A_1008 = tpu.memref_squeeze %dma_start3A_1007 : memref<1x!tpu.dma_semaphore, #tpu.memory_space<semaphore_mem>> -> memref<!tpu.dma_semaphore, #tpu.memory_space<semaphore_mem>>
        tpu.enqueue_indirect_dma source(%dma_start3A_1006 : memref<2600000x128xf32, #tpu.memory_space<hbm>>) target(%dma_start3A_1003 : memref<16x128xf32, #tpu.memory_space<vmem>>) offsets(%get3A_997 : vector<16xi32>) semaphore(%dma_start3A_1008 : memref<!tpu.dma_semaphore, #tpu.memory_space<semaphore_mem>>)
        %get3A_1009 = arith.index_cast %add3A_993 : i32 to index
        %get3A_1010 = arith.constant 16 : index
        %get3A_1011 = tpu.vector_load %arg5[%get3A_1009, %get3A_1010] {strides = array<i32>} : memref<325x128xi32, #tpu.memory_space<vmem>>, vector<1x16xi32>,
        %get3A_1012 = vector.shape_cast %get3A_1011 : vector<1x16xi32> to vector<16xi32>
        %dma_start3A_1013 = arith.constant 0 : i32
        %dma_start3A_1014 = arith.constant 0 : i32
        %dma_start3A_1015 = arith.constant 16 : i32
        %dma_start3A_1016 = arith.constant 0 : i32
        %dma_start3A_1017 = tpu.memref_slice %arg6[%dma_start3A_1013, %dma_start3A_1015, %dma_start3A_1016] : memref<5x128x128xf32, #tpu.memory_space<vmem>> -> memref<1x16x128xf32, #tpu.memory_space<vmem>>
        %dma_start3A_1018 = tpu.memref_squeeze %dma_start3A_1017 : memref<1x16x128xf32, #tpu.memory_space<vmem>> -> memref<16x128xf32, #tpu.memory_space<vmem>>
        %dma_start3A_1019 = arith.constant 0 : i32
        %dma_start3A_1020 = arith.constant 0 : i32
        %dma_start3A_1021 = tpu.memref_slice %arg2[%dma_start3A_1019, %dma_start3A_1020] : memref<2600000x128xf32, #tpu.memory_space<hbm>> -> memref<2600000x128xf32, #tpu.memory_space<hbm>>
        %dma_start3A_1022 = tpu.memref_slice %arg7[%dma_start3A_1014] : memref<5x!tpu.dma_semaphore, #tpu.memory_space<semaphore_mem>> -> memref<1x!tpu.dma_semaphore, #tpu.memory_space<semaphore_mem>>
        %dma_start3A_1023 = tpu.memref_squeeze %dma_start3A_1022 : memref<1x!tpu.dma_semaphore, #tpu.memory_space<semaphore_mem>> -> memref<!tpu.dma_semaphore, #tpu.memory_space<semaphore_mem>>
        tpu.enqueue_indirect_dma source(%dma_start3A_1021 : memref<2600000x128xf32, #tpu.memory_space<hbm>>) target(%dma_start3A_1018 : memref<16x128xf32, #tpu.memory_space<vmem>>) offsets(%get3A_1012 : vector<16xi32>) semaphore(%dma_start3A_1023 : memref<!tpu.dma_semaphore, #tpu.memory_space<semaphore_mem>>)
        %get3A_1024 = arith.index_cast %add3A_993 : i32 to index
        %get3A_1025 = arith.constant 32 : index
        %get3A_1026 = tpu.vector_load %arg5[%get3A_1024, %get3A_1025] {strides = array<i32>} : memref<325x128xi32, #tpu.memory_space<vmem>>, vector<1x16xi32>,
        %get3A_1027 = vector.shape_cast %get3A_1026 : vector<1x16xi32> to vector<16xi32>
        %dma_start3A_1028 = arith.constant 0 : i32
        %dma_start3A_1029 = arith.constant 0 : i32
        %dma_start3A_1030 = arith.constant 32 : i32
        %dma_start3A_1031 = arith.constant 0 : i32
        %dma_start3A_1032 = tpu.memref_slice %arg6[%dma_start3A_1028, %dma_start3A_1030, %dma_start3A_1031] : memref<5x128x128xf32, #tpu.memory_space<vmem>> -> memref<1x16x128xf32, #tpu.memory_space<vmem>>
        %dma_start3A_1033 = tpu.memref_squeeze %dma_start3A_1032 : memref<1x16x128xf32, #tpu.memory_space<vmem>> -> memref<16x128xf32, #tpu.memory_space<vmem>>
        %dma_start3A_1034 = arith.constant 0 : i32
        %dma_start3A_1035 = arith.constant 0 : i32
        %dma_start3A_1036 = tpu.memref_slice %arg2[%dma_start3A_1034, %dma_start3A_1035] : memref<2600000x128xf32, #tpu.memory_space<hbm>> -> memref<2600000x128xf32, #tpu.memory_space<hbm>>
        %dma_start3A_1037 = tpu.memref_slice %arg7[%dma_start3A_1029] : memref<5x!tpu.dma_semaphore, #tpu.memory_space<semaphore_mem>> -> memref<1x!tpu.dma_semaphore, #tpu.memory_space<semaphore_mem>>
        %dma_start3A_1038 = tpu.memref_squeeze %dma_start3A_1037 : memref<1x!tpu.dma_semaphore, #tpu.memory_space<semaphore_mem>> -> memref<!tpu.dma_semaphore, #tpu.memory_space<semaphore_mem>>
        tpu.enqueue_indirect_dma source(%dma_start3A_1036 : memref<2600000x128xf32, #tpu.memory_space<hbm>>) target(%dma_start3A_1033 : memref<16x128xf32, #tpu.memory_space<vmem>>) offsets(%get3A_1027 : vector<16xi32>) semaphore(%dma_start3A_1038 : memref<!tpu.dma_semaphore, #tpu.memory_space<semaphore_mem>>)
        %get3A_1039 = arith.index_cast %add3A_993 : i32 to index
        %get3A_1040 = arith.constant 48 : index
        %get3A_1041 = tpu.vector_load %arg5[%get3A_1039, %get3A_1040] {strides = array<i32>} : memref<325x128xi32, #tpu.memory_space<vmem>>, vector<1x16xi32>,
        %get3A_1042 = vector.shape_cast %get3A_1041 : vector<1x16xi32> to vector<16xi32>
        %dma_start3A_1043 = arith.constant 0 : i32
        %dma_start3A_1044 = arith.constant 0 : i32
        %dma_start3A_1045 = arith.constant 48 : i32
        %dma_start3A_1046 = arith.constant 0 : i32
        %dma_start3A_1047 = tpu.memref_slice %arg6[%dma_start3A_1043, %dma_start3A_1045, %dma_start3A_1046] : memref<5x128x128xf32, #tpu.memory_space<vmem>> -> memref<1x16x128xf32, #tpu.memory_space<vmem>>
        %dma_start3A_1048 = tpu.memref_squeeze %dma_start3A_1047 : memref<1x16x128xf32, #tpu.memory_space<vmem>> -> memref<16x128xf32, #tpu.memory_space<vmem>>
        %dma_start3A_1049 = arith.constant 0 : i32
        %dma_start3A_1050 = arith.constant 0 : i32
        %dma_start3A_1051 = tpu.memref_slice %arg2[%dma_start3A_1049, %dma_start3A_1050] : memref<2600000x128xf32, #tpu.memory_space<hbm>> -> memref<2600000x128xf32, #tpu.memory_space<hbm>>
        %dma_start3A_1052 = tpu.memref_slice %arg7[%dma_start3A_1044] : memref<5x!tpu.dma_semaphore, #tpu.memory_space<semaphore_mem>> -> memref<1x!tpu.dma_semaphore, #tpu.memory_space<semaphore_mem>>
        %dma_start3A_1053 = tpu.memref_squeeze %dma_start3A_1052 : memref<1x!tpu.dma_semaphore, #tpu.memory_space<semaphore_mem>> -> memref<!tpu.dma_semaphore, #tpu.memory_space<semaphore_mem>>
        tpu.enqueue_indirect_dma source(%dma_start3A_1051 : memref<2600000x128xf32, #tpu.memory_space<hbm>>) target(%dma_start3A_1048 : memref<16x128xf32, #tpu.memory_space<vmem>>) offsets(%get3A_1042 : vector<16xi32>) semaphore(%dma_start3A_1053 : memref<!tpu.dma_semaphore, #tpu.memory_space<semaphore_mem>>)
        %get3A_1054 = arith.index_cast %add3A_993 : i32 to index
        %get3A_1055 = arith.constant 64 : index
        %get3A_1056 = tpu.vector_load %arg5[%get3A_1054, %get3A_1055] {strides = array<i32>} : memref<325x128xi32, #tpu.memory_space<vmem>>, vector<1x16xi32>,
        %get3A_1057 = vector.shape_cast %get3A_1056 : vector<1x16xi32> to vector<16xi32>
        %dma_start3A_1058 = arith.constant 0 : i32
        %dma_start3A_1059 = arith.constant 0 : i32
        %dma_start3A_1060 = arith.constant 64 : i32
        %dma_start3A_1061 = arith.constant 0 : i32
        %dma_start3A_1062 = tpu.memref_slice %arg6[%dma_start3A_1058, %dma_start3A_1060, %dma_start3A_1061] : memref<5x128x128xf32, #tpu.memory_space<vmem>> -> memref<1x16x128xf32, #tpu.memory_space<vmem>>
        %dma_start3A_1063 = tpu.memref_squeeze %dma_start3A_1062 : memref<1x16x128xf32, #tpu.memory_space<vmem>> -> memref<16x128xf32, #tpu.memory_space<vmem>>
        %dma_start3A_1064 = arith.constant 0 : i32
        %dma_start3A_1065 = arith.constant 0 : i32
        %dma_start3A_1066 = tpu.memref_slice %arg2[%dma_start3A_1064, %dma_start3A_1065] : memref<2600000x128xf32, #tpu.memory_space<hbm>> -> memref<2600000x128xf32, #tpu.memory_space<hbm>>
        %dma_start3A_1067 = tpu.memref_slice %arg7[%dma_start3A_1059] : memref<5x!tpu.dma_semaphore, #tpu.memory_space<semaphore_mem>> -> memref<1x!tpu.dma_semaphore, #tpu.memory_space<semaphore_mem>>
        %dma_start3A_1068 = tpu.memref_squeeze %dma_start3A_1067 : memref<1x!tpu.dma_semaphore, #tpu.memory_space<semaphore_mem>> -> memref<!tpu.dma_semaphore, #tpu.memory_space<semaphore_mem>>
        tpu.enqueue_indirect_dma source(%dma_start3A_1066 : memref<2600000x128xf32, #tpu.memory_space<hbm>>) target(%dma_start3A_1063 : memref<16x128xf32, #tpu.memory_space<vmem>>) offsets(%get3A_1057 : vector<16xi32>) semaphore(%dma_start3A_1068 : memref<!tpu.dma_semaphore, #tpu.memory_space<semaphore_mem>>)
        %get3A_1069 = arith.index_cast %add3A_993 : i32 to index
        %get3A_1070 = arith.constant 80 : index
        %get3A_1071 = tpu.vector_load %arg5[%get3A_1069, %get3A_1070] {strides = array<i32>} : memref<325x128xi32, #tpu.memory_space<vmem>>, vector<1x16xi32>,
        %get3A_1072 = vector.shape_cast %get3A_1071 : vector<1x16xi32> to vector<16xi32>
        %dma_start3A_1073 = arith.constant 0 : i32
        %dma_start3A_1074 = arith.constant 0 : i32
        %dma_start3A_1075 = arith.constant 80 : i32
        %dma_start3A_1076 = arith.constant 0 : i32
        %dma_start3A_1077 = tpu.memref_slice %arg6[%dma_start3A_1073, %dma_start3A_1075, %dma_start3A_1076] : memref<5x128x128xf32, #tpu.memory_space<vmem>> -> memref<1x16x128xf32, #tpu.memory_space<vmem>>
        %dma_start3A_1078 = tpu.memref_squeeze %dma_start3A_1077 : memref<1x16x128xf32, #tpu.memory_space<vmem>> -> memref<16x128xf32, #tpu.memory_space<vmem>>
        %dma_start3A_1079 = arith.constant 0 : i32
        %dma_start3A_1080 = arith.constant 0 : i32
        %dma_start3A_1081 = tpu.memref_slice %arg2[%dma_start3A_1079, %dma_start3A_1080] : memref<2600000x128xf32, #tpu.memory_space<hbm>> -> memref<2600000x128xf32, #tpu.memory_space<hbm>>
        %dma_start3A_1082 = tpu.memref_slice %arg7[%dma_start3A_1074] : memref<5x!tpu.dma_semaphore, #tpu.memory_space<semaphore_mem>> -> memref<1x!tpu.dma_semaphore, #tpu.memory_space<semaphore_mem>>
        %dma_start3A_1083 = tpu.memref_squeeze %dma_start3A_1082 : memref<1x!tpu.dma_semaphore, #tpu.memory_space<semaphore_mem>> -> memref<!tpu.dma_semaphore, #tpu.memory_space<semaphore_mem>>
        tpu.enqueue_indirect_dma source(%dma_start3A_1081 : memref<2600000x128xf32, #tpu.memory_space<hbm>>) target(%dma_start3A_1078 : memref<16x128xf32, #tpu.memory_space<vmem>>) offsets(%get3A_1072 : vector<16xi32>) semaphore(%dma_start3A_1083 : memref<!tpu.dma_semaphore, #tpu.memory_space<semaphore_mem>>)
        %get3A_1084 = arith.index_cast %add3A_993 : i32 to index
        %get3A_1085 = arith.constant 96 : index
        %get3A_1086 = tpu.vector_load %arg5[%get3A_1084, %get3A_1085] {strides = array<i32>} : memref<325x128xi32, #tpu.memory_space<vmem>>, vector<1x16xi32>,
        %get3A_1087 = vector.shape_cast %get3A_1086 : vector<1x16xi32> to vector<16xi32>
        %dma_start3A_1088 = arith.constant 0 : i32
        %dma_start3A_1089 = arith.constant 0 : i32
        %dma_start3A_1090 = arith.constant 96 : i32
        %dma_start3A_1091 = arith.constant 0 : i32
        %dma_start3A_1092 = tpu.memref_slice %arg6[%dma_start3A_1088, %dma_start3A_1090, %dma_start3A_1091] : memref<5x128x128xf32, #tpu.memory_space<vmem>> -> memref<1x16x128xf32, #tpu.memory_space<vmem>>
        %dma_start3A_1093 = tpu.memref_squeeze %dma_start3A_1092 : memref<1x16x128xf32, #tpu.memory_space<vmem>> -> memref<16x128xf32, #tpu.memory_space<vmem>>
        %dma_start3A_1094 = arith.constant 0 : i32
        %dma_start3A_1095 = arith.constant 0 : i32
        %dma_start3A_1096 = tpu.memref_slice %arg2[%dma_start3A_1094, %dma_start3A_1095] : memref<2600000x128xf32, #tpu.memory_space<hbm>> -> memref<2600000x128xf32, #tpu.memory_space<hbm>>
        %dma_start3A_1097 = tpu.memref_slice %arg7[%dma_start3A_1089] : memref<5x!tpu.dma_semaphore, #tpu.memory_space<semaphore_mem>> -> memref<1x!tpu.dma_semaphore, #tpu.memory_space<semaphore_mem>>
        %dma_start3A_1098 = tpu.memref_squeeze %dma_start3A_1097 : memref<1x!tpu.dma_semaphore, #tpu.memory_space<semaphore_mem>> -> memref<!tpu.dma_semaphore, #tpu.memory_space<semaphore_mem>>
        tpu.enqueue_indirect_dma source(%dma_start3A_1096 : memref<2600000x128xf32, #tpu.memory_space<hbm>>) target(%dma_start3A_1093 : memref<16x128xf32, #tpu.memory_space<vmem>>) offsets(%get3A_1087 : vector<16xi32>) semaphore(%dma_start3A_1098 : memref<!tpu.dma_semaphore, #tpu.memory_space<semaphore_mem>>)
        %get3A_1099 = arith.index_cast %add3A_993 : i32 to index
        %get3A_1100 = arith.constant 112 : index
        %get3A_1101 = tpu.vector_load %arg5[%get3A_1099, %get3A_1100] {strides = array<i32>} : memref<325x128xi32, #tpu.memory_space<vmem>>, vector<1x16xi32>,
        %get3A_1102 = vector.shape_cast %get3A_1101 : vector<1x16xi32> to vector<16xi32>
        %dma_start3A_1103 = arith.constant 0 : i32
        %dma_start3A_1104 = arith.constant 0 : i32
        %dma_start3A_1105 = arith.constant 112 : i32
        %dma_start3A_1106 = arith.constant 0 : i32
        %dma_start3A_1107 = tpu.memref_slice %arg6[%dma_start3A_1103, %dma_start3A_1105, %dma_start3A_1106] : memref<5x128x128xf32, #tpu.memory_space<vmem>> -> memref<1x16x128xf32, #tpu.memory_space<vmem>>
        %dma_start3A_1108 = tpu.memref_squeeze %dma_start3A_1107 : memref<1x16x128xf32, #tpu.memory_space<vmem>> -> memref<16x128xf32, #tpu.memory_space<vmem>>
        %dma_start3A_1109 = arith.constant 0 : i32
        %dma_start3A_1110 = arith.constant 0 : i32
        %dma_start3A_1111 = tpu.memref_slice %arg2[%dma_start3A_1109, %dma_start3A_1110] : memref<2600000x128xf32, #tpu.memory_space<hbm>> -> memref<2600000x128xf32, #tpu.memory_space<hbm>>
        %dma_start3A_1112 = tpu.memref_slice %arg7[%dma_start3A_1104] : memref<5x!tpu.dma_semaphore, #tpu.memory_space<semaphore_mem>> -> memref<1x!tpu.dma_semaphore, #tpu.memory_space<semaphore_mem>>
        %dma_start3A_1113 = tpu.memref_squeeze %dma_start3A_1112 : memref<1x!tpu.dma_semaphore, #tpu.memory_space<semaphore_mem>> -> memref<!tpu.dma_semaphore, #tpu.memory_space<semaphore_mem>>
        tpu.enqueue_indirect_dma source(%dma_start3A_1111 : memref<2600000x128xf32, #tpu.memory_space<hbm>>) target(%dma_start3A_1108 : memref<16x128xf32, #tpu.memory_space<vmem>>) offsets(%get3A_1102 : vector<16xi32>) semaphore(%dma_start3A_1113 : memref<!tpu.dma_semaphore, #tpu.memory_space<semaphore_mem>>)
      } else {
      }
      %mul3A_789 = arith.constant 5 : i32
      %mul3A_790 = arith.muli %scan3A_745, %mul3A_789 : i32
      %add3A_791 = arith.constant 1 : i32
      %add3A_792 = arith.addi %mul3A_790, %add3A_791 : i32
      %dma_wait3A_793 = arith.constant 1 : i32
      %dma_wait3A_794 = arith.constant 1 : i32
      %dma_wait3A_795 = arith.constant 0 : i32
      %dma_wait3A_796 = arith.constant 0 : i32
      %dma_wait3A_797 = tpu.memref_slice %arg6[%dma_wait3A_793, %dma_wait3A_795, %dma_wait3A_796] : memref<5x128x128xf32, #tpu.memory_space<vmem>> -> memref<1x128x128xf32, #tpu.memory_space<vmem>>
      %dma_wait3A_798 = tpu.memref_squeeze %dma_wait3A_797 : memref<1x128x128xf32, #tpu.memory_space<vmem>> -> memref<128x128xf32, #tpu.memory_space<vmem>>
      %dma_wait3A_799 = arith.constant 0 : i32
      %dma_wait3A_800 = arith.constant 0 : i32
      %dma_wait3A_801 = tpu.memref_slice %arg2[%dma_wait3A_799, %dma_wait3A_800] : memref<2600000x128xf32, #tpu.memory_space<hbm>> -> memref<128x128xf32, #tpu.memory_space<hbm>>
      %dma_wait3A_802 = tpu.memref_slice %arg7[%dma_wait3A_794] : memref<5x!tpu.dma_semaphore, #tpu.memory_space<semaphore_mem>> -> memref<1x!tpu.dma_semaphore, #tpu.memory_space<semaphore_mem>>
      %dma_wait3A_803 = tpu.memref_squeeze %dma_wait3A_802 : memref<1x!tpu.dma_semaphore, #tpu.memory_space<semaphore_mem>> -> memref<!tpu.dma_semaphore, #tpu.memory_space<semaphore_mem>>
      %dma_wait3A_804 = arith.constant 0 : i32
      %dma_wait3A_805 = arith.constant 0 : i32
      %dma_wait3A_806 = tpu.memref_slice %arg6[%dma_wait3A_793, %dma_wait3A_804, %dma_wait3A_805] : memref<5x128x128xf32, #tpu.memory_space<vmem>> -> memref<1x128x128xf32, #tpu.memory_space<vmem>>
      %dma_wait3A_807 = tpu.memref_squeeze %dma_wait3A_806 : memref<1x128x128xf32, #tpu.memory_space<vmem>> -> memref<128x128xf32, #tpu.memory_space<vmem>>
      %dma_wait3A_808 = arith.constant 0 : i32
      %dma_wait3A_809 = arith.constant 0 : i32
      %dma_wait3A_810 = tpu.memref_slice %arg2[%dma_wait3A_808, %dma_wait3A_809] : memref<2600000x128xf32, #tpu.memory_space<hbm>> -> memref<128x128xf32, #tpu.memory_space<hbm>>
      tpu.wait_dma2 semaphore(%dma_wait3A_803 : memref<!tpu.dma_semaphore, #tpu.memory_space<semaphore_mem>>) src(%dma_wait3A_810 : memref<128x128xf32, #tpu.memory_space<hbm>>) dst(%dma_wait3A_807 : memref<128x128xf32, #tpu.memory_space<vmem>>)
      %add3A_811 = arith.addi %mul3A_2, %add3A_792 : i32
      %mul3A_812 = arith.constant 128 : i32
      %mul3A_813 = arith.muli %add3A_811, %mul3A_812 : i32
      %dma_start3A_814 = arith.constant 1 : i32
      %dma_start3A_815 = arith.constant 1 : i32
      %dma_start3A_816 = arith.constant 0 : i32
      %dma_start3A_817 = arith.constant 0 : i32
      %dma_start3A_818 = tpu.memref_slice %arg6[%dma_start3A_814, %dma_start3A_816, %dma_start3A_817] : memref<5x128x128xf32, #tpu.memory_space<vmem>> -> memref<1x128x128xf32, #tpu.memory_space<vmem>>
      %dma_start3A_819 = tpu.memref_squeeze %dma_start3A_818 : memref<1x128x128xf32, #tpu.memory_space<vmem>> -> memref<128x128xf32, #tpu.memory_space<vmem>>
      %dma_start3A_820 = arith.constant 0 : i32
      %dma_start3A_821 = tpu.memref_slice %arg4[%mul3A_813, %dma_start3A_820] : memref<1331200x128xf32, #tpu.memory_space<hbm>> -> memref<128x128xf32, #tpu.memory_space<hbm>>
      %dma_start3A_822 = tpu.memref_slice %arg8[%dma_start3A_815] : memref<5x!tpu.dma_semaphore, #tpu.memory_space<semaphore_mem>> -> memref<1x!tpu.dma_semaphore, #tpu.memory_space<semaphore_mem>>
      %dma_start3A_823 = tpu.memref_squeeze %dma_start3A_822 : memref<1x!tpu.dma_semaphore, #tpu.memory_space<semaphore_mem>> -> memref<!tpu.dma_semaphore, #tpu.memory_space<semaphore_mem>>
      %dma_start3A_824 = arith.constant 0 : i32
      %dma_start3A_825 = tpu.memref_slice %arg4[%mul3A_813, %dma_start3A_824] : memref<1331200x128xf32, #tpu.memory_space<hbm>> -> memref<128x128xf32, #tpu.memory_space<hbm>>
      %dma_start3A_826 = arith.constant 0 : i32
      %dma_start3A_827 = arith.constant 0 : i32
      %dma_start3A_828 = tpu.memref_slice %arg6[%dma_start3A_814, %dma_start3A_826, %dma_start3A_827] : memref<5x128x128xf32, #tpu.memory_space<vmem>> -> memref<1x128x128xf32, #tpu.memory_space<vmem>>
      %dma_start3A_829 = tpu.memref_squeeze %dma_start3A_828 : memref<1x128x128xf32, #tpu.memory_space<vmem>> -> memref<128x128xf32, #tpu.memory_space<vmem>>
      tpu.enqueue_dma source(%dma_start3A_829 : memref<128x128xf32, #tpu.memory_space<vmem>>) target(%dma_start3A_825 : memref<128x128xf32, #tpu.memory_space<hbm>>) target_semaphore(%dma_start3A_823 : memref<!tpu.dma_semaphore, #tpu.memory_space<semaphore_mem>>)
      %lt3A_830 = arith.constant 64 : i32
      %lt3A_831 = arith.cmpi slt, %scan3A_745, %lt3A_830 : i32
      %convert_element_type3A_832 = arith.extui %lt3A_831 : i1 to i32
      %cond3A_833 = arith.constant 0 : i32
      %cond3A_834 = arith.cmpi ne, %convert_element_type3A_832, %cond3A_833 : i32
      scf.if %cond3A_834 {
        %add3A_973 = arith.addi %mul3A_2, %add3A_792 : i32
        %mul3A_974 = arith.constant 128 : i32
        %mul3A_975 = arith.muli %add3A_973, %mul3A_974 : i32
        %dma_wait3A_976 = arith.constant 1 : i32
        %dma_wait3A_977 = arith.constant 1 : i32
        %dma_wait3A_978 = arith.constant 0 : i32
        %dma_wait3A_979 = arith.constant 0 : i32
        %dma_wait3A_980 = tpu.memref_slice %arg6[%dma_wait3A_976, %dma_wait3A_978, %dma_wait3A_979] : memref<5x128x128xf32, #tpu.memory_space<vmem>> -> memref<1x128x128xf32, #tpu.memory_space<vmem>>
        %dma_wait3A_981 = tpu.memref_squeeze %dma_wait3A_980 : memref<1x128x128xf32, #tpu.memory_space<vmem>> -> memref<128x128xf32, #tpu.memory_space<vmem>>
        %dma_wait3A_982 = arith.constant 0 : i32
        %dma_wait3A_983 = tpu.memref_slice %arg4[%mul3A_975, %dma_wait3A_982] : memref<1331200x128xf32, #tpu.memory_space<hbm>> -> memref<128x128xf32, #tpu.memory_space<hbm>>
        %dma_wait3A_984 = tpu.memref_slice %arg8[%dma_wait3A_977] : memref<5x!tpu.dma_semaphore, #tpu.memory_space<semaphore_mem>> -> memref<1x!tpu.dma_semaphore, #tpu.memory_space<semaphore_mem>>
        %dma_wait3A_985 = tpu.memref_squeeze %dma_wait3A_984 : memref<1x!tpu.dma_semaphore, #tpu.memory_space<semaphore_mem>> -> memref<!tpu.dma_semaphore, #tpu.memory_space<semaphore_mem>>
        %dma_wait3A_986 = arith.constant 0 : i32
        %dma_wait3A_987 = tpu.memref_slice %arg4[%mul3A_975, %dma_wait3A_986] : memref<1331200x128xf32, #tpu.memory_space<hbm>> -> memref<128x128xf32, #tpu.memory_space<hbm>>
        %dma_wait3A_988 = arith.constant 0 : i32
        %dma_wait3A_989 = arith.constant 0 : i32
        %dma_wait3A_990 = tpu.memref_slice %arg6[%dma_wait3A_976, %dma_wait3A_988, %dma_wait3A_989] : memref<5x128x128xf32, #tpu.memory_space<vmem>> -> memref<1x128x128xf32, #tpu.memory_space<vmem>>
        %dma_wait3A_991 = tpu.memref_squeeze %dma_wait3A_990 : memref<1x128x128xf32, #tpu.memory_space<vmem>> -> memref<128x128xf32, #tpu.memory_space<vmem>>
        tpu.wait_dma2 semaphore(%dma_wait3A_985 : memref<!tpu.dma_semaphore, #tpu.memory_space<semaphore_mem>>) src(%dma_wait3A_991 : memref<128x128xf32, #tpu.memory_space<vmem>>) dst(%dma_wait3A_987 : memref<128x128xf32, #tpu.memory_space<hbm>>)
        %add3A_992 = arith.constant 5 : i32
        %add3A_993 = arith.addi %add3A_792, %add3A_992 : i32
        %get3A_994 = arith.index_cast %add3A_993 : i32 to index
        %get3A_995 = arith.constant 0 : index
        %get3A_996 = tpu.vector_load %arg5[%get3A_994, %get3A_995] {strides = array<i32>} : memref<325x128xi32, #tpu.memory_space<vmem>>, vector<1x16xi32>,
        %get3A_997 = vector.shape_cast %get3A_996 : vector<1x16xi32> to vector<16xi32>
        %dma_start3A_998 = arith.constant 1 : i32
        %dma_start3A_999 = arith.constant 1 : i32
        %dma_start3A_1000 = arith.constant 0 : i32
        %dma_start3A_1001 = arith.constant 0 : i32
        %dma_start3A_1002 = tpu.memref_slice %arg6[%dma_start3A_998, %dma_start3A_1000, %dma_start3A_1001] : memref<5x128x128xf32, #tpu.memory_space<vmem>> -> memref<1x16x128xf32, #tpu.memory_space<vmem>>
        %dma_start3A_1003 = tpu.memref_squeeze %dma_start3A_1002 : memref<1x16x128xf32, #tpu.memory_space<vmem>> -> memref<16x128xf32, #tpu.memory_space<vmem>>
        %dma_start3A_1004 = arith.constant 0 : i32
        %dma_start3A_1005 = arith.constant 0 : i32
        %dma_start3A_1006 = tpu.memref_slice %arg2[%dma_start3A_1004, %dma_start3A_1005] : memref<2600000x128xf32, #tpu.memory_space<hbm>> -> memref<2600000x128xf32, #tpu.memory_space<hbm>>
        %dma_start3A_1007 = tpu.memref_slice %arg7[%dma_start3A_999] : memref<5x!tpu.dma_semaphore, #tpu.memory_space<semaphore_mem>> -> memref<1x!tpu.dma_semaphore, #tpu.memory_space<semaphore_mem>>
        %dma_start3A_1008 = tpu.memref_squeeze %dma_start3A_1007 : memref<1x!tpu.dma_semaphore, #tpu.memory_space<semaphore_mem>> -> memref<!tpu.dma_semaphore, #tpu.memory_space<semaphore_mem>>
        tpu.enqueue_indirect_dma source(%dma_start3A_1006 : memref<2600000x128xf32, #tpu.memory_space<hbm>>) target(%dma_start3A_1003 : memref<16x128xf32, #tpu.memory_space<vmem>>) offsets(%get3A_997 : vector<16xi32>) semaphore(%dma_start3A_1008 : memref<!tpu.dma_semaphore, #tpu.memory_space<semaphore_mem>>)
        %get3A_1009 = arith.index_cast %add3A_993 : i32 to index
        %get3A_1010 = arith.constant 16 : index
        %get3A_1011 = tpu.vector_load %arg5[%get3A_1009, %get3A_1010] {strides = array<i32>} : memref<325x128xi32, #tpu.memory_space<vmem>>, vector<1x16xi32>,
        %get3A_1012 = vector.shape_cast %get3A_1011 : vector<1x16xi32> to vector<16xi32>
        %dma_start3A_1013 = arith.constant 1 : i32
        %dma_start3A_1014 = arith.constant 1 : i32
        %dma_start3A_1015 = arith.constant 16 : i32
        %dma_start3A_1016 = arith.constant 0 : i32
        %dma_start3A_1017 = tpu.memref_slice %arg6[%dma_start3A_1013, %dma_start3A_1015, %dma_start3A_1016] : memref<5x128x128xf32, #tpu.memory_space<vmem>> -> memref<1x16x128xf32, #tpu.memory_space<vmem>>
        %dma_start3A_1018 = tpu.memref_squeeze %dma_start3A_1017 : memref<1x16x128xf32, #tpu.memory_space<vmem>> -> memref<16x128xf32, #tpu.memory_space<vmem>>
        %dma_start3A_1019 = arith.constant 0 : i32
        %dma_start3A_1020 = arith.constant 0 : i32
        %dma_start3A_1021 = tpu.memref_slice %arg2[%dma_start3A_1019, %dma_start3A_1020] : memref<2600000x128xf32, #tpu.memory_space<hbm>> -> memref<2600000x128xf32, #tpu.memory_space<hbm>>
        %dma_start3A_1022 = tpu.memref_slice %arg7[%dma_start3A_1014] : memref<5x!tpu.dma_semaphore, #tpu.memory_space<semaphore_mem>> -> memref<1x!tpu.dma_semaphore, #tpu.memory_space<semaphore_mem>>
        %dma_start3A_1023 = tpu.memref_squeeze %dma_start3A_1022 : memref<1x!tpu.dma_semaphore, #tpu.memory_space<semaphore_mem>> -> memref<!tpu.dma_semaphore, #tpu.memory_space<semaphore_mem>>
        tpu.enqueue_indirect_dma source(%dma_start3A_1021 : memref<2600000x128xf32, #tpu.memory_space<hbm>>) target(%dma_start3A_1018 : memref<16x128xf32, #tpu.memory_space<vmem>>) offsets(%get3A_1012 : vector<16xi32>) semaphore(%dma_start3A_1023 : memref<!tpu.dma_semaphore, #tpu.memory_space<semaphore_mem>>)
        %get3A_1024 = arith.index_cast %add3A_993 : i32 to index
        %get3A_1025 = arith.constant 32 : index
        %get3A_1026 = tpu.vector_load %arg5[%get3A_1024, %get3A_1025] {strides = array<i32>} : memref<325x128xi32, #tpu.memory_space<vmem>>, vector<1x16xi32>,
        %get3A_1027 = vector.shape_cast %get3A_1026 : vector<1x16xi32> to vector<16xi32>
        %dma_start3A_1028 = arith.constant 1 : i32
        %dma_start3A_1029 = arith.constant 1 : i32
        %dma_start3A_1030 = arith.constant 32 : i32
        %dma_start3A_1031 = arith.constant 0 : i32
        %dma_start3A_1032 = tpu.memref_slice %arg6[%dma_start3A_1028, %dma_start3A_1030, %dma_start3A_1031] : memref<5x128x128xf32, #tpu.memory_space<vmem>> -> memref<1x16x128xf32, #tpu.memory_space<vmem>>
        %dma_start3A_1033 = tpu.memref_squeeze %dma_start3A_1032 : memref<1x16x128xf32, #tpu.memory_space<vmem>> -> memref<16x128xf32, #tpu.memory_space<vmem>>
        %dma_start3A_1034 = arith.constant 0 : i32
        %dma_start3A_1035 = arith.constant 0 : i32
        %dma_start3A_1036 = tpu.memref_slice %arg2[%dma_start3A_1034, %dma_start3A_1035] : memref<2600000x128xf32, #tpu.memory_space<hbm>> -> memref<2600000x128xf32, #tpu.memory_space<hbm>>
        %dma_start3A_1037 = tpu.memref_slice %arg7[%dma_start3A_1029] : memref<5x!tpu.dma_semaphore, #tpu.memory_space<semaphore_mem>> -> memref<1x!tpu.dma_semaphore, #tpu.memory_space<semaphore_mem>>
        %dma_start3A_1038 = tpu.memref_squeeze %dma_start3A_1037 : memref<1x!tpu.dma_semaphore, #tpu.memory_space<semaphore_mem>> -> memref<!tpu.dma_semaphore, #tpu.memory_space<semaphore_mem>>
        tpu.enqueue_indirect_dma source(%dma_start3A_1036 : memref<2600000x128xf32, #tpu.memory_space<hbm>>) target(%dma_start3A_1033 : memref<16x128xf32, #tpu.memory_space<vmem>>) offsets(%get3A_1027 : vector<16xi32>) semaphore(%dma_start3A_1038 : memref<!tpu.dma_semaphore, #tpu.memory_space<semaphore_mem>>)
        %get3A_1039 = arith.index_cast %add3A_993 : i32 to index
        %get3A_1040 = arith.constant 48 : index
        %get3A_1041 = tpu.vector_load %arg5[%get3A_1039, %get3A_1040] {strides = array<i32>} : memref<325x128xi32, #tpu.memory_space<vmem>>, vector<1x16xi32>,
        %get3A_1042 = vector.shape_cast %get3A_1041 : vector<1x16xi32> to vector<16xi32>
        %dma_start3A_1043 = arith.constant 1 : i32
        %dma_start3A_1044 = arith.constant 1 : i32
        %dma_start3A_1045 = arith.constant 48 : i32
        %dma_start3A_1046 = arith.constant 0 : i32
        %dma_start3A_1047 = tpu.memref_slice %arg6[%dma_start3A_1043, %dma_start3A_1045, %dma_start3A_1046] : memref<5x128x128xf32, #tpu.memory_space<vmem>> -> memref<1x16x128xf32, #tpu.memory_space<vmem>>
        %dma_start3A_1048 = tpu.memref_squeeze %dma_start3A_1047 : memref<1x16x128xf32, #tpu.memory_space<vmem>> -> memref<16x128xf32, #tpu.memory_space<vmem>>
        %dma_start3A_1049 = arith.constant 0 : i32
        %dma_start3A_1050 = arith.constant 0 : i32
        %dma_start3A_1051 = tpu.memref_slice %arg2[%dma_start3A_1049, %dma_start3A_1050] : memref<2600000x128xf32, #tpu.memory_space<hbm>> -> memref<2600000x128xf32, #tpu.memory_space<hbm>>
        %dma_start3A_1052 = tpu.memref_slice %arg7[%dma_start3A_1044] : memref<5x!tpu.dma_semaphore, #tpu.memory_space<semaphore_mem>> -> memref<1x!tpu.dma_semaphore, #tpu.memory_space<semaphore_mem>>
        %dma_start3A_1053 = tpu.memref_squeeze %dma_start3A_1052 : memref<1x!tpu.dma_semaphore, #tpu.memory_space<semaphore_mem>> -> memref<!tpu.dma_semaphore, #tpu.memory_space<semaphore_mem>>
        tpu.enqueue_indirect_dma source(%dma_start3A_1051 : memref<2600000x128xf32, #tpu.memory_space<hbm>>) target(%dma_start3A_1048 : memref<16x128xf32, #tpu.memory_space<vmem>>) offsets(%get3A_1042 : vector<16xi32>) semaphore(%dma_start3A_1053 : memref<!tpu.dma_semaphore, #tpu.memory_space<semaphore_mem>>)
        %get3A_1054 = arith.index_cast %add3A_993 : i32 to index
        %get3A_1055 = arith.constant 64 : index
        %get3A_1056 = tpu.vector_load %arg5[%get3A_1054, %get3A_1055] {strides = array<i32>} : memref<325x128xi32, #tpu.memory_space<vmem>>, vector<1x16xi32>,
        %get3A_1057 = vector.shape_cast %get3A_1056 : vector<1x16xi32> to vector<16xi32>
        %dma_start3A_1058 = arith.constant 1 : i32
        %dma_start3A_1059 = arith.constant 1 : i32
        %dma_start3A_1060 = arith.constant 64 : i32
        %dma_start3A_1061 = arith.constant 0 : i32
        %dma_start3A_1062 = tpu.memref_slice %arg6[%dma_start3A_1058, %dma_start3A_1060, %dma_start3A_1061] : memref<5x128x128xf32, #tpu.memory_space<vmem>> -> memref<1x16x128xf32, #tpu.memory_space<vmem>>
        %dma_start3A_1063 = tpu.memref_squeeze %dma_start3A_1062 : memref<1x16x128xf32, #tpu.memory_space<vmem>> -> memref<16x128xf32, #tpu.memory_space<vmem>>
        %dma_start3A_1064 = arith.constant 0 : i32
        %dma_start3A_1065 = arith.constant 0 : i32
        %dma_start3A_1066 = tpu.memref_slice %arg2[%dma_start3A_1064, %dma_start3A_1065] : memref<2600000x128xf32, #tpu.memory_space<hbm>> -> memref<2600000x128xf32, #tpu.memory_space<hbm>>
        %dma_start3A_1067 = tpu.memref_slice %arg7[%dma_start3A_1059] : memref<5x!tpu.dma_semaphore, #tpu.memory_space<semaphore_mem>> -> memref<1x!tpu.dma_semaphore, #tpu.memory_space<semaphore_mem>>
        %dma_start3A_1068 = tpu.memref_squeeze %dma_start3A_1067 : memref<1x!tpu.dma_semaphore, #tpu.memory_space<semaphore_mem>> -> memref<!tpu.dma_semaphore, #tpu.memory_space<semaphore_mem>>
        tpu.enqueue_indirect_dma source(%dma_start3A_1066 : memref<2600000x128xf32, #tpu.memory_space<hbm>>) target(%dma_start3A_1063 : memref<16x128xf32, #tpu.memory_space<vmem>>) offsets(%get3A_1057 : vector<16xi32>) semaphore(%dma_start3A_1068 : memref<!tpu.dma_semaphore, #tpu.memory_space<semaphore_mem>>)
        %get3A_1069 = arith.index_cast %add3A_993 : i32 to index
        %get3A_1070 = arith.constant 80 : index
        %get3A_1071 = tpu.vector_load %arg5[%get3A_1069, %get3A_1070] {strides = array<i32>} : memref<325x128xi32, #tpu.memory_space<vmem>>, vector<1x16xi32>,
        %get3A_1072 = vector.shape_cast %get3A_1071 : vector<1x16xi32> to vector<16xi32>
        %dma_start3A_1073 = arith.constant 1 : i32
        %dma_start3A_1074 = arith.constant 1 : i32
        %dma_start3A_1075 = arith.constant 80 : i32
        %dma_start3A_1076 = arith.constant 0 : i32
        %dma_start3A_1077 = tpu.memref_slice %arg6[%dma_start3A_1073, %dma_start3A_1075, %dma_start3A_1076] : memref<5x128x128xf32, #tpu.memory_space<vmem>> -> memref<1x16x128xf32, #tpu.memory_space<vmem>>
        %dma_start3A_1078 = tpu.memref_squeeze %dma_start3A_1077 : memref<1x16x128xf32, #tpu.memory_space<vmem>> -> memref<16x128xf32, #tpu.memory_space<vmem>>
        %dma_start3A_1079 = arith.constant 0 : i32
        %dma_start3A_1080 = arith.constant 0 : i32
        %dma_start3A_1081 = tpu.memref_slice %arg2[%dma_start3A_1079, %dma_start3A_1080] : memref<2600000x128xf32, #tpu.memory_space<hbm>> -> memref<2600000x128xf32, #tpu.memory_space<hbm>>
        %dma_start3A_1082 = tpu.memref_slice %arg7[%dma_start3A_1074] : memref<5x!tpu.dma_semaphore, #tpu.memory_space<semaphore_mem>> -> memref<1x!tpu.dma_semaphore, #tpu.memory_space<semaphore_mem>>
        %dma_start3A_1083 = tpu.memref_squeeze %dma_start3A_1082 : memref<1x!tpu.dma_semaphore, #tpu.memory_space<semaphore_mem>> -> memref<!tpu.dma_semaphore, #tpu.memory_space<semaphore_mem>>
        tpu.enqueue_indirect_dma source(%dma_start3A_1081 : memref<2600000x128xf32, #tpu.memory_space<hbm>>) target(%dma_start3A_1078 : memref<16x128xf32, #tpu.memory_space<vmem>>) offsets(%get3A_1072 : vector<16xi32>) semaphore(%dma_start3A_1083 : memref<!tpu.dma_semaphore, #tpu.memory_space<semaphore_mem>>)
        %get3A_1084 = arith.index_cast %add3A_993 : i32 to index
        %get3A_1085 = arith.constant 96 : index
        %get3A_1086 = tpu.vector_load %arg5[%get3A_1084, %get3A_1085] {strides = array<i32>} : memref<325x128xi32, #tpu.memory_space<vmem>>, vector<1x16xi32>,
        %get3A_1087 = vector.shape_cast %get3A_1086 : vector<1x16xi32> to vector<16xi32>
        %dma_start3A_1088 = arith.constant 1 : i32
        %dma_start3A_1089 = arith.constant 1 : i32
        %dma_start3A_1090 = arith.constant 96 : i32
        %dma_start3A_1091 = arith.constant 0 : i32
        %dma_start3A_1092 = tpu.memref_slice %arg6[%dma_start3A_1088, %dma_start3A_1090, %dma_start3A_1091] : memref<5x128x128xf32, #tpu.memory_space<vmem>> -> memref<1x16x128xf32, #tpu.memory_space<vmem>>
        %dma_start3A_1093 = tpu.memref_squeeze %dma_start3A_1092 : memref<1x16x128xf32, #tpu.memory_space<vmem>> -> memref<16x128xf32, #tpu.memory_space<vmem>>
        %dma_start3A_1094 = arith.constant 0 : i32
        %dma_start3A_1095 = arith.constant 0 : i32
        %dma_start3A_1096 = tpu.memref_slice %arg2[%dma_start3A_1094, %dma_start3A_1095] : memref<2600000x128xf32, #tpu.memory_space<hbm>> -> memref<2600000x128xf32, #tpu.memory_space<hbm>>
        %dma_start3A_1097 = tpu.memref_slice %arg7[%dma_start3A_1089] : memref<5x!tpu.dma_semaphore, #tpu.memory_space<semaphore_mem>> -> memref<1x!tpu.dma_semaphore, #tpu.memory_space<semaphore_mem>>
        %dma_start3A_1098 = tpu.memref_squeeze %dma_start3A_1097 : memref<1x!tpu.dma_semaphore, #tpu.memory_space<semaphore_mem>> -> memref<!tpu.dma_semaphore, #tpu.memory_space<semaphore_mem>>
        tpu.enqueue_indirect_dma source(%dma_start3A_1096 : memref<2600000x128xf32, #tpu.memory_space<hbm>>) target(%dma_start3A_1093 : memref<16x128xf32, #tpu.memory_space<vmem>>) offsets(%get3A_1087 : vector<16xi32>) semaphore(%dma_start3A_1098 : memref<!tpu.dma_semaphore, #tpu.memory_space<semaphore_mem>>)
        %get3A_1099 = arith.index_cast %add3A_993 : i32 to index
        %get3A_1100 = arith.constant 112 : index
        %get3A_1101 = tpu.vector_load %arg5[%get3A_1099, %get3A_1100] {strides = array<i32>} : memref<325x128xi32, #tpu.memory_space<vmem>>, vector<1x16xi32>,
        %get3A_1102 = vector.shape_cast %get3A_1101 : vector<1x16xi32> to vector<16xi32>
        %dma_start3A_1103 = arith.constant 1 : i32
        %dma_start3A_1104 = arith.constant 1 : i32
        %dma_start3A_1105 = arith.constant 112 : i32
        %dma_start3A_1106 = arith.constant 0 : i32
        %dma_start3A_1107 = tpu.memref_slice %arg6[%dma_start3A_1103, %dma_start3A_1105, %dma_start3A_1106] : memref<5x128x128xf32, #tpu.memory_space<vmem>> -> memref<1x16x128xf32, #tpu.memory_space<vmem>>
        %dma_start3A_1108 = tpu.memref_squeeze %dma_start3A_1107 : memref<1x16x128xf32, #tpu.memory_space<vmem>> -> memref<16x128xf32, #tpu.memory_space<vmem>>
        %dma_start3A_1109 = arith.constant 0 : i32
        %dma_start3A_1110 = arith.constant 0 : i32
        %dma_start3A_1111 = tpu.memref_slice %arg2[%dma_start3A_1109, %dma_start3A_1110] : memref<2600000x128xf32, #tpu.memory_space<hbm>> -> memref<2600000x128xf32, #tpu.memory_space<hbm>>
        %dma_start3A_1112 = tpu.memref_slice %arg7[%dma_start3A_1104] : memref<5x!tpu.dma_semaphore, #tpu.memory_space<semaphore_mem>> -> memref<1x!tpu.dma_semaphore, #tpu.memory_space<semaphore_mem>>
        %dma_start3A_1113 = tpu.memref_squeeze %dma_start3A_1112 : memref<1x!tpu.dma_semaphore, #tpu.memory_space<semaphore_mem>> -> memref<!tpu.dma_semaphore, #tpu.memory_space<semaphore_mem>>
        tpu.enqueue_indirect_dma source(%dma_start3A_1111 : memref<2600000x128xf32, #tpu.memory_space<hbm>>) target(%dma_start3A_1108 : memref<16x128xf32, #tpu.memory_space<vmem>>) offsets(%get3A_1102 : vector<16xi32>) semaphore(%dma_start3A_1113 : memref<!tpu.dma_semaphore, #tpu.memory_space<semaphore_mem>>)
      } else {
      }
      %mul3A_835 = arith.constant 5 : i32
      %mul3A_836 = arith.muli %scan3A_745, %mul3A_835 : i32
      %add3A_837 = arith.constant 2 : i32
      %add3A_838 = arith.addi %mul3A_836, %add3A_837 : i32
      %dma_wait3A_839 = arith.constant 2 : i32
      %dma_wait3A_840 = arith.constant 2 : i32
      %dma_wait3A_841 = arith.constant 0 : i32
      %dma_wait3A_842 = arith.constant 0 : i32
      %dma_wait3A_843 = tpu.memref_slice %arg6[%dma_wait3A_839, %dma_wait3A_841, %dma_wait3A_842] : memref<5x128x128xf32, #tpu.memory_space<vmem>> -> memref<1x128x128xf32, #tpu.memory_space<vmem>>
      %dma_wait3A_844 = tpu.memref_squeeze %dma_wait3A_843 : memref<1x128x128xf32, #tpu.memory_space<vmem>> -> memref<128x128xf32, #tpu.memory_space<vmem>>
      %dma_wait3A_845 = arith.constant 0 : i32
      %dma_wait3A_846 = arith.constant 0 : i32
      %dma_wait3A_847 = tpu.memref_slice %arg2[%dma_wait3A_845, %dma_wait3A_846] : memref<2600000x128xf32, #tpu.memory_space<hbm>> -> memref<128x128xf32, #tpu.memory_space<hbm>>
      %dma_wait3A_848 = tpu.memref_slice %arg7[%dma_wait3A_840] : memref<5x!tpu.dma_semaphore, #tpu.memory_space<semaphore_mem>> -> memref<1x!tpu.dma_semaphore, #tpu.memory_space<semaphore_mem>>
      %dma_wait3A_849 = tpu.memref_squeeze %dma_wait3A_848 : memref<1x!tpu.dma_semaphore, #tpu.memory_space<semaphore_mem>> -> memref<!tpu.dma_semaphore, #tpu.memory_space<semaphore_mem>>
      %dma_wait3A_850 = arith.constant 0 : i32
      %dma_wait3A_851 = arith.constant 0 : i32
      %dma_wait3A_852 = tpu.memref_slice %arg6[%dma_wait3A_839, %dma_wait3A_850, %dma_wait3A_851] : memref<5x128x128xf32, #tpu.memory_space<vmem>> -> memref<1x128x128xf32, #tpu.memory_space<vmem>>
      %dma_wait3A_853 = tpu.memref_squeeze %dma_wait3A_852 : memref<1x128x128xf32, #tpu.memory_space<vmem>> -> memref<128x128xf32, #tpu.memory_space<vmem>>
      %dma_wait3A_854 = arith.constant 0 : i32
      %dma_wait3A_855 = arith.constant 0 : i32
      %dma_wait3A_856 = tpu.memref_slice %arg2[%dma_wait3A_854, %dma_wait3A_855] : memref<2600000x128xf32, #tpu.memory_space<hbm>> -> memref<128x128xf32, #tpu.memory_space<hbm>>
      tpu.wait_dma2 semaphore(%dma_wait3A_849 : memref<!tpu.dma_semaphore, #tpu.memory_space<semaphore_mem>>) src(%dma_wait3A_856 : memref<128x128xf32, #tpu.memory_space<hbm>>) dst(%dma_wait3A_853 : memref<128x128xf32, #tpu.memory_space<vmem>>)
      %add3A_857 = arith.addi %mul3A_2, %add3A_838 : i32
      %mul3A_858 = arith.constant 128 : i32
      %mul3A_859 = arith.muli %add3A_857, %mul3A_858 : i32
      %dma_start3A_860 = arith.constant 2 : i32
      %dma_start3A_861 = arith.constant 2 : i32
      %dma_start3A_862 = arith.constant 0 : i32
      %dma_start3A_863 = arith.constant 0 : i32
      %dma_start3A_864 = tpu.memref_slice %arg6[%dma_start3A_860, %dma_start3A_862, %dma_start3A_863] : memref<5x128x128xf32, #tpu.memory_space<vmem>> -> memref<1x128x128xf32, #tpu.memory_space<vmem>>
      %dma_start3A_865 = tpu.memref_squeeze %dma_start3A_864 : memref<1x128x128xf32, #tpu.memory_space<vmem>> -> memref<128x128xf32, #tpu.memory_space<vmem>>
      %dma_start3A_866 = arith.constant 0 : i32
      %dma_start3A_867 = tpu.memref_slice %arg4[%mul3A_859, %dma_start3A_866] : memref<1331200x128xf32, #tpu.memory_space<hbm>> -> memref<128x128xf32, #tpu.memory_space<hbm>>
      %dma_start3A_868 = tpu.memref_slice %arg8[%dma_start3A_861] : memref<5x!tpu.dma_semaphore, #tpu.memory_space<semaphore_mem>> -> memref<1x!tpu.dma_semaphore, #tpu.memory_space<semaphore_mem>>
      %dma_start3A_869 = tpu.memref_squeeze %dma_start3A_868 : memref<1x!tpu.dma_semaphore, #tpu.memory_space<semaphore_mem>> -> memref<!tpu.dma_semaphore, #tpu.memory_space<semaphore_mem>>
      %dma_start3A_870 = arith.constant 0 : i32
      %dma_start3A_871 = tpu.memref_slice %arg4[%mul3A_859, %dma_start3A_870] : memref<1331200x128xf32, #tpu.memory_space<hbm>> -> memref<128x128xf32, #tpu.memory_space<hbm>>
      %dma_start3A_872 = arith.constant 0 : i32
      %dma_start3A_873 = arith.constant 0 : i32
      %dma_start3A_874 = tpu.memref_slice %arg6[%dma_start3A_860, %dma_start3A_872, %dma_start3A_873] : memref<5x128x128xf32, #tpu.memory_space<vmem>> -> memref<1x128x128xf32, #tpu.memory_space<vmem>>
      %dma_start3A_875 = tpu.memref_squeeze %dma_start3A_874 : memref<1x128x128xf32, #tpu.memory_space<vmem>> -> memref<128x128xf32, #tpu.memory_space<vmem>>
      tpu.enqueue_dma source(%dma_start3A_875 : memref<128x128xf32, #tpu.memory_space<vmem>>) target(%dma_start3A_871 : memref<128x128xf32, #tpu.memory_space<hbm>>) target_semaphore(%dma_start3A_869 : memref<!tpu.dma_semaphore, #tpu.memory_space<semaphore_mem>>)
      %lt3A_876 = arith.constant 64 : i32
      %lt3A_877 = arith.cmpi slt, %scan3A_745, %lt3A_876 : i32
      %convert_element_type3A_878 = arith.extui %lt3A_877 : i1 to i32
      %cond3A_879 = arith.constant 0 : i32
      %cond3A_880 = arith.cmpi ne, %convert_element_type3A_878, %cond3A_879 : i32
      scf.if %cond3A_880 {
        %add3A_973 = arith.addi %mul3A_2, %add3A_838 : i32
        %mul3A_974 = arith.constant 128 : i32
        %mul3A_975 = arith.muli %add3A_973, %mul3A_974 : i32
        %dma_wait3A_976 = arith.constant 2 : i32
        %dma_wait3A_977 = arith.constant 2 : i32
        %dma_wait3A_978 = arith.constant 0 : i32
        %dma_wait3A_979 = arith.constant 0 : i32
        %dma_wait3A_980 = tpu.memref_slice %arg6[%dma_wait3A_976, %dma_wait3A_978, %dma_wait3A_979] : memref<5x128x128xf32, #tpu.memory_space<vmem>> -> memref<1x128x128xf32, #tpu.memory_space<vmem>>
        %dma_wait3A_981 = tpu.memref_squeeze %dma_wait3A_980 : memref<1x128x128xf32, #tpu.memory_space<vmem>> -> memref<128x128xf32, #tpu.memory_space<vmem>>
        %dma_wait3A_982 = arith.constant 0 : i32
        %dma_wait3A_983 = tpu.memref_slice %arg4[%mul3A_975, %dma_wait3A_982] : memref<1331200x128xf32, #tpu.memory_space<hbm>> -> memref<128x128xf32, #tpu.memory_space<hbm>>
        %dma_wait3A_984 = tpu.memref_slice %arg8[%dma_wait3A_977] : memref<5x!tpu.dma_semaphore, #tpu.memory_space<semaphore_mem>> -> memref<1x!tpu.dma_semaphore, #tpu.memory_space<semaphore_mem>>
        %dma_wait3A_985 = tpu.memref_squeeze %dma_wait3A_984 : memref<1x!tpu.dma_semaphore, #tpu.memory_space<semaphore_mem>> -> memref<!tpu.dma_semaphore, #tpu.memory_space<semaphore_mem>>
        %dma_wait3A_986 = arith.constant 0 : i32
        %dma_wait3A_987 = tpu.memref_slice %arg4[%mul3A_975, %dma_wait3A_986] : memref<1331200x128xf32, #tpu.memory_space<hbm>> -> memref<128x128xf32, #tpu.memory_space<hbm>>
        %dma_wait3A_988 = arith.constant 0 : i32
        %dma_wait3A_989 = arith.constant 0 : i32
        %dma_wait3A_990 = tpu.memref_slice %arg6[%dma_wait3A_976, %dma_wait3A_988, %dma_wait3A_989] : memref<5x128x128xf32, #tpu.memory_space<vmem>> -> memref<1x128x128xf32, #tpu.memory_space<vmem>>
        %dma_wait3A_991 = tpu.memref_squeeze %dma_wait3A_990 : memref<1x128x128xf32, #tpu.memory_space<vmem>> -> memref<128x128xf32, #tpu.memory_space<vmem>>
        tpu.wait_dma2 semaphore(%dma_wait3A_985 : memref<!tpu.dma_semaphore, #tpu.memory_space<semaphore_mem>>) src(%dma_wait3A_991 : memref<128x128xf32, #tpu.memory_space<vmem>>) dst(%dma_wait3A_987 : memref<128x128xf32, #tpu.memory_space<hbm>>)
        %add3A_992 = arith.constant 5 : i32
        %add3A_993 = arith.addi %add3A_838, %add3A_992 : i32
        %get3A_994 = arith.index_cast %add3A_993 : i32 to index
        %get3A_995 = arith.constant 0 : index
        %get3A_996 = tpu.vector_load %arg5[%get3A_994, %get3A_995] {strides = array<i32>} : memref<325x128xi32, #tpu.memory_space<vmem>>, vector<1x16xi32>,
        %get3A_997 = vector.shape_cast %get3A_996 : vector<1x16xi32> to vector<16xi32>
        %dma_start3A_998 = arith.constant 2 : i32
        %dma_start3A_999 = arith.constant 2 : i32
        %dma_start3A_1000 = arith.constant 0 : i32
        %dma_start3A_1001 = arith.constant 0 : i32
        %dma_start3A_1002 = tpu.memref_slice %arg6[%dma_start3A_998, %dma_start3A_1000, %dma_start3A_1001] : memref<5x128x128xf32, #tpu.memory_space<vmem>> -> memref<1x16x128xf32, #tpu.memory_space<vmem>>
        %dma_start3A_1003 = tpu.memref_squeeze %dma_start3A_1002 : memref<1x16x128xf32, #tpu.memory_space<vmem>> -> memref<16x128xf32, #tpu.memory_space<vmem>>
        %dma_start3A_1004 = arith.constant 0 : i32
        %dma_start3A_1005 = arith.constant 0 : i32
        %dma_start3A_1006 = tpu.memref_slice %arg2[%dma_start3A_1004, %dma_start3A_1005] : memref<2600000x128xf32, #tpu.memory_space<hbm>> -> memref<2600000x128xf32, #tpu.memory_space<hbm>>
        %dma_start3A_1007 = tpu.memref_slice %arg7[%dma_start3A_999] : memref<5x!tpu.dma_semaphore, #tpu.memory_space<semaphore_mem>> -> memref<1x!tpu.dma_semaphore, #tpu.memory_space<semaphore_mem>>
        %dma_start3A_1008 = tpu.memref_squeeze %dma_start3A_1007 : memref<1x!tpu.dma_semaphore, #tpu.memory_space<semaphore_mem>> -> memref<!tpu.dma_semaphore, #tpu.memory_space<semaphore_mem>>
        tpu.enqueue_indirect_dma source(%dma_start3A_1006 : memref<2600000x128xf32, #tpu.memory_space<hbm>>) target(%dma_start3A_1003 : memref<16x128xf32, #tpu.memory_space<vmem>>) offsets(%get3A_997 : vector<16xi32>) semaphore(%dma_start3A_1008 : memref<!tpu.dma_semaphore, #tpu.memory_space<semaphore_mem>>)
        %get3A_1009 = arith.index_cast %add3A_993 : i32 to index
        %get3A_1010 = arith.constant 16 : index
        %get3A_1011 = tpu.vector_load %arg5[%get3A_1009, %get3A_1010] {strides = array<i32>} : memref<325x128xi32, #tpu.memory_space<vmem>>, vector<1x16xi32>,
        %get3A_1012 = vector.shape_cast %get3A_1011 : vector<1x16xi32> to vector<16xi32>
        %dma_start3A_1013 = arith.constant 2 : i32
        %dma_start3A_1014 = arith.constant 2 : i32
        %dma_start3A_1015 = arith.constant 16 : i32
        %dma_start3A_1016 = arith.constant 0 : i32
        %dma_start3A_1017 = tpu.memref_slice %arg6[%dma_start3A_1013, %dma_start3A_1015, %dma_start3A_1016] : memref<5x128x128xf32, #tpu.memory_space<vmem>> -> memref<1x16x128xf32, #tpu.memory_space<vmem>>
        %dma_start3A_1018 = tpu.memref_squeeze %dma_start3A_1017 : memref<1x16x128xf32, #tpu.memory_space<vmem>> -> memref<16x128xf32, #tpu.memory_space<vmem>>
        %dma_start3A_1019 = arith.constant 0 : i32
        %dma_start3A_1020 = arith.constant 0 : i32
        %dma_start3A_1021 = tpu.memref_slice %arg2[%dma_start3A_1019, %dma_start3A_1020] : memref<2600000x128xf32, #tpu.memory_space<hbm>> -> memref<2600000x128xf32, #tpu.memory_space<hbm>>
        %dma_start3A_1022 = tpu.memref_slice %arg7[%dma_start3A_1014] : memref<5x!tpu.dma_semaphore, #tpu.memory_space<semaphore_mem>> -> memref<1x!tpu.dma_semaphore, #tpu.memory_space<semaphore_mem>>
        %dma_start3A_1023 = tpu.memref_squeeze %dma_start3A_1022 : memref<1x!tpu.dma_semaphore, #tpu.memory_space<semaphore_mem>> -> memref<!tpu.dma_semaphore, #tpu.memory_space<semaphore_mem>>
        tpu.enqueue_indirect_dma source(%dma_start3A_1021 : memref<2600000x128xf32, #tpu.memory_space<hbm>>) target(%dma_start3A_1018 : memref<16x128xf32, #tpu.memory_space<vmem>>) offsets(%get3A_1012 : vector<16xi32>) semaphore(%dma_start3A_1023 : memref<!tpu.dma_semaphore, #tpu.memory_space<semaphore_mem>>)
        %get3A_1024 = arith.index_cast %add3A_993 : i32 to index
        %get3A_1025 = arith.constant 32 : index
        %get3A_1026 = tpu.vector_load %arg5[%get3A_1024, %get3A_1025] {strides = array<i32>} : memref<325x128xi32, #tpu.memory_space<vmem>>, vector<1x16xi32>,
        %get3A_1027 = vector.shape_cast %get3A_1026 : vector<1x16xi32> to vector<16xi32>
        %dma_start3A_1028 = arith.constant 2 : i32
        %dma_start3A_1029 = arith.constant 2 : i32
        %dma_start3A_1030 = arith.constant 32 : i32
        %dma_start3A_1031 = arith.constant 0 : i32
        %dma_start3A_1032 = tpu.memref_slice %arg6[%dma_start3A_1028, %dma_start3A_1030, %dma_start3A_1031] : memref<5x128x128xf32, #tpu.memory_space<vmem>> -> memref<1x16x128xf32, #tpu.memory_space<vmem>>
        %dma_start3A_1033 = tpu.memref_squeeze %dma_start3A_1032 : memref<1x16x128xf32, #tpu.memory_space<vmem>> -> memref<16x128xf32, #tpu.memory_space<vmem>>
        %dma_start3A_1034 = arith.constant 0 : i32
        %dma_start3A_1035 = arith.constant 0 : i32
        %dma_start3A_1036 = tpu.memref_slice %arg2[%dma_start3A_1034, %dma_start3A_1035] : memref<2600000x128xf32, #tpu.memory_space<hbm>> -> memref<2600000x128xf32, #tpu.memory_space<hbm>>
        %dma_start3A_1037 = tpu.memref_slice %arg7[%dma_start3A_1029] : memref<5x!tpu.dma_semaphore, #tpu.memory_space<semaphore_mem>> -> memref<1x!tpu.dma_semaphore, #tpu.memory_space<semaphore_mem>>
        %dma_start3A_1038 = tpu.memref_squeeze %dma_start3A_1037 : memref<1x!tpu.dma_semaphore, #tpu.memory_space<semaphore_mem>> -> memref<!tpu.dma_semaphore, #tpu.memory_space<semaphore_mem>>
        tpu.enqueue_indirect_dma source(%dma_start3A_1036 : memref<2600000x128xf32, #tpu.memory_space<hbm>>) target(%dma_start3A_1033 : memref<16x128xf32, #tpu.memory_space<vmem>>) offsets(%get3A_1027 : vector<16xi32>) semaphore(%dma_start3A_1038 : memref<!tpu.dma_semaphore, #tpu.memory_space<semaphore_mem>>)
        %get3A_1039 = arith.index_cast %add3A_993 : i32 to index
        %get3A_1040 = arith.constant 48 : index
        %get3A_1041 = tpu.vector_load %arg5[%get3A_1039, %get3A_1040] {strides = array<i32>} : memref<325x128xi32, #tpu.memory_space<vmem>>, vector<1x16xi32>,
        %get3A_1042 = vector.shape_cast %get3A_1041 : vector<1x16xi32> to vector<16xi32>
        %dma_start3A_1043 = arith.constant 2 : i32
        %dma_start3A_1044 = arith.constant 2 : i32
        %dma_start3A_1045 = arith.constant 48 : i32
        %dma_start3A_1046 = arith.constant 0 : i32
        %dma_start3A_1047 = tpu.memref_slice %arg6[%dma_start3A_1043, %dma_start3A_1045, %dma_start3A_1046] : memref<5x128x128xf32, #tpu.memory_space<vmem>> -> memref<1x16x128xf32, #tpu.memory_space<vmem>>
        %dma_start3A_1048 = tpu.memref_squeeze %dma_start3A_1047 : memref<1x16x128xf32, #tpu.memory_space<vmem>> -> memref<16x128xf32, #tpu.memory_space<vmem>>
        %dma_start3A_1049 = arith.constant 0 : i32
        %dma_start3A_1050 = arith.constant 0 : i32
        %dma_start3A_1051 = tpu.memref_slice %arg2[%dma_start3A_1049, %dma_start3A_1050] : memref<2600000x128xf32, #tpu.memory_space<hbm>> -> memref<2600000x128xf32, #tpu.memory_space<hbm>>
        %dma_start3A_1052 = tpu.memref_slice %arg7[%dma_start3A_1044] : memref<5x!tpu.dma_semaphore, #tpu.memory_space<semaphore_mem>> -> memref<1x!tpu.dma_semaphore, #tpu.memory_space<semaphore_mem>>
        %dma_start3A_1053 = tpu.memref_squeeze %dma_start3A_1052 : memref<1x!tpu.dma_semaphore, #tpu.memory_space<semaphore_mem>> -> memref<!tpu.dma_semaphore, #tpu.memory_space<semaphore_mem>>
        tpu.enqueue_indirect_dma source(%dma_start3A_1051 : memref<2600000x128xf32, #tpu.memory_space<hbm>>) target(%dma_start3A_1048 : memref<16x128xf32, #tpu.memory_space<vmem>>) offsets(%get3A_1042 : vector<16xi32>) semaphore(%dma_start3A_1053 : memref<!tpu.dma_semaphore, #tpu.memory_space<semaphore_mem>>)
        %get3A_1054 = arith.index_cast %add3A_993 : i32 to index
        %get3A_1055 = arith.constant 64 : index
        %get3A_1056 = tpu.vector_load %arg5[%get3A_1054, %get3A_1055] {strides = array<i32>} : memref<325x128xi32, #tpu.memory_space<vmem>>, vector<1x16xi32>,
        %get3A_1057 = vector.shape_cast %get3A_1056 : vector<1x16xi32> to vector<16xi32>
        %dma_start3A_1058 = arith.constant 2 : i32
        %dma_start3A_1059 = arith.constant 2 : i32
        %dma_start3A_1060 = arith.constant 64 : i32
        %dma_start3A_1061 = arith.constant 0 : i32
        %dma_start3A_1062 = tpu.memref_slice %arg6[%dma_start3A_1058, %dma_start3A_1060, %dma_start3A_1061] : memref<5x128x128xf32, #tpu.memory_space<vmem>> -> memref<1x16x128xf32, #tpu.memory_space<vmem>>
        %dma_start3A_1063 = tpu.memref_squeeze %dma_start3A_1062 : memref<1x16x128xf32, #tpu.memory_space<vmem>> -> memref<16x128xf32, #tpu.memory_space<vmem>>
        %dma_start3A_1064 = arith.constant 0 : i32
        %dma_start3A_1065 = arith.constant 0 : i32
        %dma_start3A_1066 = tpu.memref_slice %arg2[%dma_start3A_1064, %dma_start3A_1065] : memref<2600000x128xf32, #tpu.memory_space<hbm>> -> memref<2600000x128xf32, #tpu.memory_space<hbm>>
        %dma_start3A_1067 = tpu.memref_slice %arg7[%dma_start3A_1059] : memref<5x!tpu.dma_semaphore, #tpu.memory_space<semaphore_mem>> -> memref<1x!tpu.dma_semaphore, #tpu.memory_space<semaphore_mem>>
        %dma_start3A_1068 = tpu.memref_squeeze %dma_start3A_1067 : memref<1x!tpu.dma_semaphore, #tpu.memory_space<semaphore_mem>> -> memref<!tpu.dma_semaphore, #tpu.memory_space<semaphore_mem>>
        tpu.enqueue_indirect_dma source(%dma_start3A_1066 : memref<2600000x128xf32, #tpu.memory_space<hbm>>) target(%dma_start3A_1063 : memref<16x128xf32, #tpu.memory_space<vmem>>) offsets(%get3A_1057 : vector<16xi32>) semaphore(%dma_start3A_1068 : memref<!tpu.dma_semaphore, #tpu.memory_space<semaphore_mem>>)
        %get3A_1069 = arith.index_cast %add3A_993 : i32 to index
        %get3A_1070 = arith.constant 80 : index
        %get3A_1071 = tpu.vector_load %arg5[%get3A_1069, %get3A_1070] {strides = array<i32>} : memref<325x128xi32, #tpu.memory_space<vmem>>, vector<1x16xi32>,
        %get3A_1072 = vector.shape_cast %get3A_1071 : vector<1x16xi32> to vector<16xi32>
        %dma_start3A_1073 = arith.constant 2 : i32
        %dma_start3A_1074 = arith.constant 2 : i32
        %dma_start3A_1075 = arith.constant 80 : i32
        %dma_start3A_1076 = arith.constant 0 : i32
        %dma_start3A_1077 = tpu.memref_slice %arg6[%dma_start3A_1073, %dma_start3A_1075, %dma_start3A_1076] : memref<5x128x128xf32, #tpu.memory_space<vmem>> -> memref<1x16x128xf32, #tpu.memory_space<vmem>>
        %dma_start3A_1078 = tpu.memref_squeeze %dma_start3A_1077 : memref<1x16x128xf32, #tpu.memory_space<vmem>> -> memref<16x128xf32, #tpu.memory_space<vmem>>
        %dma_start3A_1079 = arith.constant 0 : i32
        %dma_start3A_1080 = arith.constant 0 : i32
        %dma_start3A_1081 = tpu.memref_slice %arg2[%dma_start3A_1079, %dma_start3A_1080] : memref<2600000x128xf32, #tpu.memory_space<hbm>> -> memref<2600000x128xf32, #tpu.memory_space<hbm>>
        %dma_start3A_1082 = tpu.memref_slice %arg7[%dma_start3A_1074] : memref<5x!tpu.dma_semaphore, #tpu.memory_space<semaphore_mem>> -> memref<1x!tpu.dma_semaphore, #tpu.memory_space<semaphore_mem>>
        %dma_start3A_1083 = tpu.memref_squeeze %dma_start3A_1082 : memref<1x!tpu.dma_semaphore, #tpu.memory_space<semaphore_mem>> -> memref<!tpu.dma_semaphore, #tpu.memory_space<semaphore_mem>>
        tpu.enqueue_indirect_dma source(%dma_start3A_1081 : memref<2600000x128xf32, #tpu.memory_space<hbm>>) target(%dma_start3A_1078 : memref<16x128xf32, #tpu.memory_space<vmem>>) offsets(%get3A_1072 : vector<16xi32>) semaphore(%dma_start3A_1083 : memref<!tpu.dma_semaphore, #tpu.memory_space<semaphore_mem>>)
        %get3A_1084 = arith.index_cast %add3A_993 : i32 to index
        %get3A_1085 = arith.constant 96 : index
        %get3A_1086 = tpu.vector_load %arg5[%get3A_1084, %get3A_1085] {strides = array<i32>} : memref<325x128xi32, #tpu.memory_space<vmem>>, vector<1x16xi32>,
        %get3A_1087 = vector.shape_cast %get3A_1086 : vector<1x16xi32> to vector<16xi32>
        %dma_start3A_1088 = arith.constant 2 : i32
        %dma_start3A_1089 = arith.constant 2 : i32
        %dma_start3A_1090 = arith.constant 96 : i32
        %dma_start3A_1091 = arith.constant 0 : i32
        %dma_start3A_1092 = tpu.memref_slice %arg6[%dma_start3A_1088, %dma_start3A_1090, %dma_start3A_1091] : memref<5x128x128xf32, #tpu.memory_space<vmem>> -> memref<1x16x128xf32, #tpu.memory_space<vmem>>
        %dma_start3A_1093 = tpu.memref_squeeze %dma_start3A_1092 : memref<1x16x128xf32, #tpu.memory_space<vmem>> -> memref<16x128xf32, #tpu.memory_space<vmem>>
        %dma_start3A_1094 = arith.constant 0 : i32
        %dma_start3A_1095 = arith.constant 0 : i32
        %dma_start3A_1096 = tpu.memref_slice %arg2[%dma_start3A_1094, %dma_start3A_1095] : memref<2600000x128xf32, #tpu.memory_space<hbm>> -> memref<2600000x128xf32, #tpu.memory_space<hbm>>
        %dma_start3A_1097 = tpu.memref_slice %arg7[%dma_start3A_1089] : memref<5x!tpu.dma_semaphore, #tpu.memory_space<semaphore_mem>> -> memref<1x!tpu.dma_semaphore, #tpu.memory_space<semaphore_mem>>
        %dma_start3A_1098 = tpu.memref_squeeze %dma_start3A_1097 : memref<1x!tpu.dma_semaphore, #tpu.memory_space<semaphore_mem>> -> memref<!tpu.dma_semaphore, #tpu.memory_space<semaphore_mem>>
        tpu.enqueue_indirect_dma source(%dma_start3A_1096 : memref<2600000x128xf32, #tpu.memory_space<hbm>>) target(%dma_start3A_1093 : memref<16x128xf32, #tpu.memory_space<vmem>>) offsets(%get3A_1087 : vector<16xi32>) semaphore(%dma_start3A_1098 : memref<!tpu.dma_semaphore, #tpu.memory_space<semaphore_mem>>)
        %get3A_1099 = arith.index_cast %add3A_993 : i32 to index
        %get3A_1100 = arith.constant 112 : index
        %get3A_1101 = tpu.vector_load %arg5[%get3A_1099, %get3A_1100] {strides = array<i32>} : memref<325x128xi32, #tpu.memory_space<vmem>>, vector<1x16xi32>,
        %get3A_1102 = vector.shape_cast %get3A_1101 : vector<1x16xi32> to vector<16xi32>
        %dma_start3A_1103 = arith.constant 2 : i32
        %dma_start3A_1104 = arith.constant 2 : i32
        %dma_start3A_1105 = arith.constant 112 : i32
        %dma_start3A_1106 = arith.constant 0 : i32
        %dma_start3A_1107 = tpu.memref_slice %arg6[%dma_start3A_1103, %dma_start3A_1105, %dma_start3A_1106] : memref<5x128x128xf32, #tpu.memory_space<vmem>> -> memref<1x16x128xf32, #tpu.memory_space<vmem>>
        %dma_start3A_1108 = tpu.memref_squeeze %dma_start3A_1107 : memref<1x16x128xf32, #tpu.memory_space<vmem>> -> memref<16x128xf32, #tpu.memory_space<vmem>>
        %dma_start3A_1109 = arith.constant 0 : i32
        %dma_start3A_1110 = arith.constant 0 : i32
        %dma_start3A_1111 = tpu.memref_slice %arg2[%dma_start3A_1109, %dma_start3A_1110] : memref<2600000x128xf32, #tpu.memory_space<hbm>> -> memref<2600000x128xf32, #tpu.memory_space<hbm>>
        %dma_start3A_1112 = tpu.memref_slice %arg7[%dma_start3A_1104] : memref<5x!tpu.dma_semaphore, #tpu.memory_space<semaphore_mem>> -> memref<1x!tpu.dma_semaphore, #tpu.memory_space<semaphore_mem>>
        %dma_start3A_1113 = tpu.memref_squeeze %dma_start3A_1112 : memref<1x!tpu.dma_semaphore, #tpu.memory_space<semaphore_mem>> -> memref<!tpu.dma_semaphore, #tpu.memory_space<semaphore_mem>>
        tpu.enqueue_indirect_dma source(%dma_start3A_1111 : memref<2600000x128xf32, #tpu.memory_space<hbm>>) target(%dma_start3A_1108 : memref<16x128xf32, #tpu.memory_space<vmem>>) offsets(%get3A_1102 : vector<16xi32>) semaphore(%dma_start3A_1113 : memref<!tpu.dma_semaphore, #tpu.memory_space<semaphore_mem>>)
      } else {
      }
      %mul3A_881 = arith.constant 5 : i32
      %mul3A_882 = arith.muli %scan3A_745, %mul3A_881 : i32
      %add3A_883 = arith.constant 3 : i32
      %add3A_884 = arith.addi %mul3A_882, %add3A_883 : i32
      %dma_wait3A_885 = arith.constant 3 : i32
      %dma_wait3A_886 = arith.constant 3 : i32
      %dma_wait3A_887 = arith.constant 0 : i32
      %dma_wait3A_888 = arith.constant 0 : i32
      %dma_wait3A_889 = tpu.memref_slice %arg6[%dma_wait3A_885, %dma_wait3A_887, %dma_wait3A_888] : memref<5x128x128xf32, #tpu.memory_space<vmem>> -> memref<1x128x128xf32, #tpu.memory_space<vmem>>
      %dma_wait3A_890 = tpu.memref_squeeze %dma_wait3A_889 : memref<1x128x128xf32, #tpu.memory_space<vmem>> -> memref<128x128xf32, #tpu.memory_space<vmem>>
      %dma_wait3A_891 = arith.constant 0 : i32
      %dma_wait3A_892 = arith.constant 0 : i32
      %dma_wait3A_893 = tpu.memref_slice %arg2[%dma_wait3A_891, %dma_wait3A_892] : memref<2600000x128xf32, #tpu.memory_space<hbm>> -> memref<128x128xf32, #tpu.memory_space<hbm>>
      %dma_wait3A_894 = tpu.memref_slice %arg7[%dma_wait3A_886] : memref<5x!tpu.dma_semaphore, #tpu.memory_space<semaphore_mem>> -> memref<1x!tpu.dma_semaphore, #tpu.memory_space<semaphore_mem>>
      %dma_wait3A_895 = tpu.memref_squeeze %dma_wait3A_894 : memref<1x!tpu.dma_semaphore, #tpu.memory_space<semaphore_mem>> -> memref<!tpu.dma_semaphore, #tpu.memory_space<semaphore_mem>>
      %dma_wait3A_896 = arith.constant 0 : i32
      %dma_wait3A_897 = arith.constant 0 : i32
      %dma_wait3A_898 = tpu.memref_slice %arg6[%dma_wait3A_885, %dma_wait3A_896, %dma_wait3A_897] : memref<5x128x128xf32, #tpu.memory_space<vmem>> -> memref<1x128x128xf32, #tpu.memory_space<vmem>>
      %dma_wait3A_899 = tpu.memref_squeeze %dma_wait3A_898 : memref<1x128x128xf32, #tpu.memory_space<vmem>> -> memref<128x128xf32, #tpu.memory_space<vmem>>
      %dma_wait3A_900 = arith.constant 0 : i32
      %dma_wait3A_901 = arith.constant 0 : i32
      %dma_wait3A_902 = tpu.memref_slice %arg2[%dma_wait3A_900, %dma_wait3A_901] : memref<2600000x128xf32, #tpu.memory_space<hbm>> -> memref<128x128xf32, #tpu.memory_space<hbm>>
      tpu.wait_dma2 semaphore(%dma_wait3A_895 : memref<!tpu.dma_semaphore, #tpu.memory_space<semaphore_mem>>) src(%dma_wait3A_902 : memref<128x128xf32, #tpu.memory_space<hbm>>) dst(%dma_wait3A_899 : memref<128x128xf32, #tpu.memory_space<vmem>>)
      %add3A_903 = arith.addi %mul3A_2, %add3A_884 : i32
      %mul3A_904 = arith.constant 128 : i32
      %mul3A_905 = arith.muli %add3A_903, %mul3A_904 : i32
      %dma_start3A_906 = arith.constant 3 : i32
      %dma_start3A_907 = arith.constant 3 : i32
      %dma_start3A_908 = arith.constant 0 : i32
      %dma_start3A_909 = arith.constant 0 : i32
      %dma_start3A_910 = tpu.memref_slice %arg6[%dma_start3A_906, %dma_start3A_908, %dma_start3A_909] : memref<5x128x128xf32, #tpu.memory_space<vmem>> -> memref<1x128x128xf32, #tpu.memory_space<vmem>>
      %dma_start3A_911 = tpu.memref_squeeze %dma_start3A_910 : memref<1x128x128xf32, #tpu.memory_space<vmem>> -> memref<128x128xf32, #tpu.memory_space<vmem>>
      %dma_start3A_912 = arith.constant 0 : i32
      %dma_start3A_913 = tpu.memref_slice %arg4[%mul3A_905, %dma_start3A_912] : memref<1331200x128xf32, #tpu.memory_space<hbm>> -> memref<128x128xf32, #tpu.memory_space<hbm>>
      %dma_start3A_914 = tpu.memref_slice %arg8[%dma_start3A_907] : memref<5x!tpu.dma_semaphore, #tpu.memory_space<semaphore_mem>> -> memref<1x!tpu.dma_semaphore, #tpu.memory_space<semaphore_mem>>
      %dma_start3A_915 = tpu.memref_squeeze %dma_start3A_914 : memref<1x!tpu.dma_semaphore, #tpu.memory_space<semaphore_mem>> -> memref<!tpu.dma_semaphore, #tpu.memory_space<semaphore_mem>>
      %dma_start3A_916 = arith.constant 0 : i32
      %dma_start3A_917 = tpu.memref_slice %arg4[%mul3A_905, %dma_start3A_916] : memref<1331200x128xf32, #tpu.memory_space<hbm>> -> memref<128x128xf32, #tpu.memory_space<hbm>>
      %dma_start3A_918 = arith.constant 0 : i32
      %dma_start3A_919 = arith.constant 0 : i32
      %dma_start3A_920 = tpu.memref_slice %arg6[%dma_start3A_906, %dma_start3A_918, %dma_start3A_919] : memref<5x128x128xf32, #tpu.memory_space<vmem>> -> memref<1x128x128xf32, #tpu.memory_space<vmem>>
      %dma_start3A_921 = tpu.memref_squeeze %dma_start3A_920 : memref<1x128x128xf32, #tpu.memory_space<vmem>> -> memref<128x128xf32, #tpu.memory_space<vmem>>
      tpu.enqueue_dma source(%dma_start3A_921 : memref<128x128xf32, #tpu.memory_space<vmem>>) target(%dma_start3A_917 : memref<128x128xf32, #tpu.memory_space<hbm>>) target_semaphore(%dma_start3A_915 : memref<!tpu.dma_semaphore, #tpu.memory_space<semaphore_mem>>)
      %lt3A_922 = arith.constant 64 : i32
      %lt3A_923 = arith.cmpi slt, %scan3A_745, %lt3A_922 : i32
      %convert_element_type3A_924 = arith.extui %lt3A_923 : i1 to i32
      %cond3A_925 = arith.constant 0 : i32
      %cond3A_926 = arith.cmpi ne, %convert_element_type3A_924, %cond3A_925 : i32
      scf.if %cond3A_926 {
        %add3A_973 = arith.addi %mul3A_2, %add3A_884 : i32
        %mul3A_974 = arith.constant 128 : i32
        %mul3A_975 = arith.muli %add3A_973, %mul3A_974 : i32
        %dma_wait3A_976 = arith.constant 3 : i32
        %dma_wait3A_977 = arith.constant 3 : i32
        %dma_wait3A_978 = arith.constant 0 : i32
        %dma_wait3A_979 = arith.constant 0 : i32
        %dma_wait3A_980 = tpu.memref_slice %arg6[%dma_wait3A_976, %dma_wait3A_978, %dma_wait3A_979] : memref<5x128x128xf32, #tpu.memory_space<vmem>> -> memref<1x128x128xf32, #tpu.memory_space<vmem>>
        %dma_wait3A_981 = tpu.memref_squeeze %dma_wait3A_980 : memref<1x128x128xf32, #tpu.memory_space<vmem>> -> memref<128x128xf32, #tpu.memory_space<vmem>>
        %dma_wait3A_982 = arith.constant 0 : i32
        %dma_wait3A_983 = tpu.memref_slice %arg4[%mul3A_975, %dma_wait3A_982] : memref<1331200x128xf32, #tpu.memory_space<hbm>> -> memref<128x128xf32, #tpu.memory_space<hbm>>
        %dma_wait3A_984 = tpu.memref_slice %arg8[%dma_wait3A_977] : memref<5x!tpu.dma_semaphore, #tpu.memory_space<semaphore_mem>> -> memref<1x!tpu.dma_semaphore, #tpu.memory_space<semaphore_mem>>
        %dma_wait3A_985 = tpu.memref_squeeze %dma_wait3A_984 : memref<1x!tpu.dma_semaphore, #tpu.memory_space<semaphore_mem>> -> memref<!tpu.dma_semaphore, #tpu.memory_space<semaphore_mem>>
        %dma_wait3A_986 = arith.constant 0 : i32
        %dma_wait3A_987 = tpu.memref_slice %arg4[%mul3A_975, %dma_wait3A_986] : memref<1331200x128xf32, #tpu.memory_space<hbm>> -> memref<128x128xf32, #tpu.memory_space<hbm>>
        %dma_wait3A_988 = arith.constant 0 : i32
        %dma_wait3A_989 = arith.constant 0 : i32
        %dma_wait3A_990 = tpu.memref_slice %arg6[%dma_wait3A_976, %dma_wait3A_988, %dma_wait3A_989] : memref<5x128x128xf32, #tpu.memory_space<vmem>> -> memref<1x128x128xf32, #tpu.memory_space<vmem>>
        %dma_wait3A_991 = tpu.memref_squeeze %dma_wait3A_990 : memref<1x128x128xf32, #tpu.memory_space<vmem>> -> memref<128x128xf32, #tpu.memory_space<vmem>>
        tpu.wait_dma2 semaphore(%dma_wait3A_985 : memref<!tpu.dma_semaphore, #tpu.memory_space<semaphore_mem>>) src(%dma_wait3A_991 : memref<128x128xf32, #tpu.memory_space<vmem>>) dst(%dma_wait3A_987 : memref<128x128xf32, #tpu.memory_space<hbm>>)
        %add3A_992 = arith.constant 5 : i32
        %add3A_993 = arith.addi %add3A_884, %add3A_992 : i32
        %get3A_994 = arith.index_cast %add3A_993 : i32 to index
        %get3A_995 = arith.constant 0 : index
        %get3A_996 = tpu.vector_load %arg5[%get3A_994, %get3A_995] {strides = array<i32>} : memref<325x128xi32, #tpu.memory_space<vmem>>, vector<1x16xi32>,
        %get3A_997 = vector.shape_cast %get3A_996 : vector<1x16xi32> to vector<16xi32>
        %dma_start3A_998 = arith.constant 3 : i32
        %dma_start3A_999 = arith.constant 3 : i32
        %dma_start3A_1000 = arith.constant 0 : i32
        %dma_start3A_1001 = arith.constant 0 : i32
        %dma_start3A_1002 = tpu.memref_slice %arg6[%dma_start3A_998, %dma_start3A_1000, %dma_start3A_1001] : memref<5x128x128xf32, #tpu.memory_space<vmem>> -> memref<1x16x128xf32, #tpu.memory_space<vmem>>
        %dma_start3A_1003 = tpu.memref_squeeze %dma_start3A_1002 : memref<1x16x128xf32, #tpu.memory_space<vmem>> -> memref<16x128xf32, #tpu.memory_space<vmem>>
        %dma_start3A_1004 = arith.constant 0 : i32
        %dma_start3A_1005 = arith.constant 0 : i32
        %dma_start3A_1006 = tpu.memref_slice %arg2[%dma_start3A_1004, %dma_start3A_1005] : memref<2600000x128xf32, #tpu.memory_space<hbm>> -> memref<2600000x128xf32, #tpu.memory_space<hbm>>
        %dma_start3A_1007 = tpu.memref_slice %arg7[%dma_start3A_999] : memref<5x!tpu.dma_semaphore, #tpu.memory_space<semaphore_mem>> -> memref<1x!tpu.dma_semaphore, #tpu.memory_space<semaphore_mem>>
        %dma_start3A_1008 = tpu.memref_squeeze %dma_start3A_1007 : memref<1x!tpu.dma_semaphore, #tpu.memory_space<semaphore_mem>> -> memref<!tpu.dma_semaphore, #tpu.memory_space<semaphore_mem>>
        tpu.enqueue_indirect_dma source(%dma_start3A_1006 : memref<2600000x128xf32, #tpu.memory_space<hbm>>) target(%dma_start3A_1003 : memref<16x128xf32, #tpu.memory_space<vmem>>) offsets(%get3A_997 : vector<16xi32>) semaphore(%dma_start3A_1008 : memref<!tpu.dma_semaphore, #tpu.memory_space<semaphore_mem>>)
        %get3A_1009 = arith.index_cast %add3A_993 : i32 to index
        %get3A_1010 = arith.constant 16 : index
        %get3A_1011 = tpu.vector_load %arg5[%get3A_1009, %get3A_1010] {strides = array<i32>} : memref<325x128xi32, #tpu.memory_space<vmem>>, vector<1x16xi32>,
        %get3A_1012 = vector.shape_cast %get3A_1011 : vector<1x16xi32> to vector<16xi32>
        %dma_start3A_1013 = arith.constant 3 : i32
        %dma_start3A_1014 = arith.constant 3 : i32
        %dma_start3A_1015 = arith.constant 16 : i32
        %dma_start3A_1016 = arith.constant 0 : i32
        %dma_start3A_1017 = tpu.memref_slice %arg6[%dma_start3A_1013, %dma_start3A_1015, %dma_start3A_1016] : memref<5x128x128xf32, #tpu.memory_space<vmem>> -> memref<1x16x128xf32, #tpu.memory_space<vmem>>
        %dma_start3A_1018 = tpu.memref_squeeze %dma_start3A_1017 : memref<1x16x128xf32, #tpu.memory_space<vmem>> -> memref<16x128xf32, #tpu.memory_space<vmem>>
        %dma_start3A_1019 = arith.constant 0 : i32
        %dma_start3A_1020 = arith.constant 0 : i32
        %dma_start3A_1021 = tpu.memref_slice %arg2[%dma_start3A_1019, %dma_start3A_1020] : memref<2600000x128xf32, #tpu.memory_space<hbm>> -> memref<2600000x128xf32, #tpu.memory_space<hbm>>
        %dma_start3A_1022 = tpu.memref_slice %arg7[%dma_start3A_1014] : memref<5x!tpu.dma_semaphore, #tpu.memory_space<semaphore_mem>> -> memref<1x!tpu.dma_semaphore, #tpu.memory_space<semaphore_mem>>
        %dma_start3A_1023 = tpu.memref_squeeze %dma_start3A_1022 : memref<1x!tpu.dma_semaphore, #tpu.memory_space<semaphore_mem>> -> memref<!tpu.dma_semaphore, #tpu.memory_space<semaphore_mem>>
        tpu.enqueue_indirect_dma source(%dma_start3A_1021 : memref<2600000x128xf32, #tpu.memory_space<hbm>>) target(%dma_start3A_1018 : memref<16x128xf32, #tpu.memory_space<vmem>>) offsets(%get3A_1012 : vector<16xi32>) semaphore(%dma_start3A_1023 : memref<!tpu.dma_semaphore, #tpu.memory_space<semaphore_mem>>)
        %get3A_1024 = arith.index_cast %add3A_993 : i32 to index
        %get3A_1025 = arith.constant 32 : index
        %get3A_1026 = tpu.vector_load %arg5[%get3A_1024, %get3A_1025] {strides = array<i32>} : memref<325x128xi32, #tpu.memory_space<vmem>>, vector<1x16xi32>,
        %get3A_1027 = vector.shape_cast %get3A_1026 : vector<1x16xi32> to vector<16xi32>
        %dma_start3A_1028 = arith.constant 3 : i32
        %dma_start3A_1029 = arith.constant 3 : i32
        %dma_start3A_1030 = arith.constant 32 : i32
        %dma_start3A_1031 = arith.constant 0 : i32
        %dma_start3A_1032 = tpu.memref_slice %arg6[%dma_start3A_1028, %dma_start3A_1030, %dma_start3A_1031] : memref<5x128x128xf32, #tpu.memory_space<vmem>> -> memref<1x16x128xf32, #tpu.memory_space<vmem>>
        %dma_start3A_1033 = tpu.memref_squeeze %dma_start3A_1032 : memref<1x16x128xf32, #tpu.memory_space<vmem>> -> memref<16x128xf32, #tpu.memory_space<vmem>>
        %dma_start3A_1034 = arith.constant 0 : i32
        %dma_start3A_1035 = arith.constant 0 : i32
        %dma_start3A_1036 = tpu.memref_slice %arg2[%dma_start3A_1034, %dma_start3A_1035] : memref<2600000x128xf32, #tpu.memory_space<hbm>> -> memref<2600000x128xf32, #tpu.memory_space<hbm>>
        %dma_start3A_1037 = tpu.memref_slice %arg7[%dma_start3A_1029] : memref<5x!tpu.dma_semaphore, #tpu.memory_space<semaphore_mem>> -> memref<1x!tpu.dma_semaphore, #tpu.memory_space<semaphore_mem>>
        %dma_start3A_1038 = tpu.memref_squeeze %dma_start3A_1037 : memref<1x!tpu.dma_semaphore, #tpu.memory_space<semaphore_mem>> -> memref<!tpu.dma_semaphore, #tpu.memory_space<semaphore_mem>>
        tpu.enqueue_indirect_dma source(%dma_start3A_1036 : memref<2600000x128xf32, #tpu.memory_space<hbm>>) target(%dma_start3A_1033 : memref<16x128xf32, #tpu.memory_space<vmem>>) offsets(%get3A_1027 : vector<16xi32>) semaphore(%dma_start3A_1038 : memref<!tpu.dma_semaphore, #tpu.memory_space<semaphore_mem>>)
        %get3A_1039 = arith.index_cast %add3A_993 : i32 to index
        %get3A_1040 = arith.constant 48 : index
        %get3A_1041 = tpu.vector_load %arg5[%get3A_1039, %get3A_1040] {strides = array<i32>} : memref<325x128xi32, #tpu.memory_space<vmem>>, vector<1x16xi32>,
        %get3A_1042 = vector.shape_cast %get3A_1041 : vector<1x16xi32> to vector<16xi32>
        %dma_start3A_1043 = arith.constant 3 : i32
        %dma_start3A_1044 = arith.constant 3 : i32
        %dma_start3A_1045 = arith.constant 48 : i32
        %dma_start3A_1046 = arith.constant 0 : i32
        %dma_start3A_1047 = tpu.memref_slice %arg6[%dma_start3A_1043, %dma_start3A_1045, %dma_start3A_1046] : memref<5x128x128xf32, #tpu.memory_space<vmem>> -> memref<1x16x128xf32, #tpu.memory_space<vmem>>
        %dma_start3A_1048 = tpu.memref_squeeze %dma_start3A_1047 : memref<1x16x128xf32, #tpu.memory_space<vmem>> -> memref<16x128xf32, #tpu.memory_space<vmem>>
        %dma_start3A_1049 = arith.constant 0 : i32
        %dma_start3A_1050 = arith.constant 0 : i32
        %dma_start3A_1051 = tpu.memref_slice %arg2[%dma_start3A_1049, %dma_start3A_1050] : memref<2600000x128xf32, #tpu.memory_space<hbm>> -> memref<2600000x128xf32, #tpu.memory_space<hbm>>
        %dma_start3A_1052 = tpu.memref_slice %arg7[%dma_start3A_1044] : memref<5x!tpu.dma_semaphore, #tpu.memory_space<semaphore_mem>> -> memref<1x!tpu.dma_semaphore, #tpu.memory_space<semaphore_mem>>
        %dma_start3A_1053 = tpu.memref_squeeze %dma_start3A_1052 : memref<1x!tpu.dma_semaphore, #tpu.memory_space<semaphore_mem>> -> memref<!tpu.dma_semaphore, #tpu.memory_space<semaphore_mem>>
        tpu.enqueue_indirect_dma source(%dma_start3A_1051 : memref<2600000x128xf32, #tpu.memory_space<hbm>>) target(%dma_start3A_1048 : memref<16x128xf32, #tpu.memory_space<vmem>>) offsets(%get3A_1042 : vector<16xi32>) semaphore(%dma_start3A_1053 : memref<!tpu.dma_semaphore, #tpu.memory_space<semaphore_mem>>)
        %get3A_1054 = arith.index_cast %add3A_993 : i32 to index
        %get3A_1055 = arith.constant 64 : index
        %get3A_1056 = tpu.vector_load %arg5[%get3A_1054, %get3A_1055] {strides = array<i32>} : memref<325x128xi32, #tpu.memory_space<vmem>>, vector<1x16xi32>,
        %get3A_1057 = vector.shape_cast %get3A_1056 : vector<1x16xi32> to vector<16xi32>
        %dma_start3A_1058 = arith.constant 3 : i32
        %dma_start3A_1059 = arith.constant 3 : i32
        %dma_start3A_1060 = arith.constant 64 : i32
        %dma_start3A_1061 = arith.constant 0 : i32
        %dma_start3A_1062 = tpu.memref_slice %arg6[%dma_start3A_1058, %dma_start3A_1060, %dma_start3A_1061] : memref<5x128x128xf32, #tpu.memory_space<vmem>> -> memref<1x16x128xf32, #tpu.memory_space<vmem>>
        %dma_start3A_1063 = tpu.memref_squeeze %dma_start3A_1062 : memref<1x16x128xf32, #tpu.memory_space<vmem>> -> memref<16x128xf32, #tpu.memory_space<vmem>>
        %dma_start3A_1064 = arith.constant 0 : i32
        %dma_start3A_1065 = arith.constant 0 : i32
        %dma_start3A_1066 = tpu.memref_slice %arg2[%dma_start3A_1064, %dma_start3A_1065] : memref<2600000x128xf32, #tpu.memory_space<hbm>> -> memref<2600000x128xf32, #tpu.memory_space<hbm>>
        %dma_start3A_1067 = tpu.memref_slice %arg7[%dma_start3A_1059] : memref<5x!tpu.dma_semaphore, #tpu.memory_space<semaphore_mem>> -> memref<1x!tpu.dma_semaphore, #tpu.memory_space<semaphore_mem>>
        %dma_start3A_1068 = tpu.memref_squeeze %dma_start3A_1067 : memref<1x!tpu.dma_semaphore, #tpu.memory_space<semaphore_mem>> -> memref<!tpu.dma_semaphore, #tpu.memory_space<semaphore_mem>>
        tpu.enqueue_indirect_dma source(%dma_start3A_1066 : memref<2600000x128xf32, #tpu.memory_space<hbm>>) target(%dma_start3A_1063 : memref<16x128xf32, #tpu.memory_space<vmem>>) offsets(%get3A_1057 : vector<16xi32>) semaphore(%dma_start3A_1068 : memref<!tpu.dma_semaphore, #tpu.memory_space<semaphore_mem>>)
        %get3A_1069 = arith.index_cast %add3A_993 : i32 to index
        %get3A_1070 = arith.constant 80 : index
        %get3A_1071 = tpu.vector_load %arg5[%get3A_1069, %get3A_1070] {strides = array<i32>} : memref<325x128xi32, #tpu.memory_space<vmem>>, vector<1x16xi32>,
        %get3A_1072 = vector.shape_cast %get3A_1071 : vector<1x16xi32> to vector<16xi32>
        %dma_start3A_1073 = arith.constant 3 : i32
        %dma_start3A_1074 = arith.constant 3 : i32
        %dma_start3A_1075 = arith.constant 80 : i32
        %dma_start3A_1076 = arith.constant 0 : i32
        %dma_start3A_1077 = tpu.memref_slice %arg6[%dma_start3A_1073, %dma_start3A_1075, %dma_start3A_1076] : memref<5x128x128xf32, #tpu.memory_space<vmem>> -> memref<1x16x128xf32, #tpu.memory_space<vmem>>
        %dma_start3A_1078 = tpu.memref_squeeze %dma_start3A_1077 : memref<1x16x128xf32, #tpu.memory_space<vmem>> -> memref<16x128xf32, #tpu.memory_space<vmem>>
        %dma_start3A_1079 = arith.constant 0 : i32
        %dma_start3A_1080 = arith.constant 0 : i32
        %dma_start3A_1081 = tpu.memref_slice %arg2[%dma_start3A_1079, %dma_start3A_1080] : memref<2600000x128xf32, #tpu.memory_space<hbm>> -> memref<2600000x128xf32, #tpu.memory_space<hbm>>
        %dma_start3A_1082 = tpu.memref_slice %arg7[%dma_start3A_1074] : memref<5x!tpu.dma_semaphore, #tpu.memory_space<semaphore_mem>> -> memref<1x!tpu.dma_semaphore, #tpu.memory_space<semaphore_mem>>
        %dma_start3A_1083 = tpu.memref_squeeze %dma_start3A_1082 : memref<1x!tpu.dma_semaphore, #tpu.memory_space<semaphore_mem>> -> memref<!tpu.dma_semaphore, #tpu.memory_space<semaphore_mem>>
        tpu.enqueue_indirect_dma source(%dma_start3A_1081 : memref<2600000x128xf32, #tpu.memory_space<hbm>>) target(%dma_start3A_1078 : memref<16x128xf32, #tpu.memory_space<vmem>>) offsets(%get3A_1072 : vector<16xi32>) semaphore(%dma_start3A_1083 : memref<!tpu.dma_semaphore, #tpu.memory_space<semaphore_mem>>)
        %get3A_1084 = arith.index_cast %add3A_993 : i32 to index
        %get3A_1085 = arith.constant 96 : index
        %get3A_1086 = tpu.vector_load %arg5[%get3A_1084, %get3A_1085] {strides = array<i32>} : memref<325x128xi32, #tpu.memory_space<vmem>>, vector<1x16xi32>,
        %get3A_1087 = vector.shape_cast %get3A_1086 : vector<1x16xi32> to vector<16xi32>
        %dma_start3A_1088 = arith.constant 3 : i32
        %dma_start3A_1089 = arith.constant 3 : i32
        %dma_start3A_1090 = arith.constant 96 : i32
        %dma_start3A_1091 = arith.constant 0 : i32
        %dma_start3A_1092 = tpu.memref_slice %arg6[%dma_start3A_1088, %dma_start3A_1090, %dma_start3A_1091] : memref<5x128x128xf32, #tpu.memory_space<vmem>> -> memref<1x16x128xf32, #tpu.memory_space<vmem>>
        %dma_start3A_1093 = tpu.memref_squeeze %dma_start3A_1092 : memref<1x16x128xf32, #tpu.memory_space<vmem>> -> memref<16x128xf32, #tpu.memory_space<vmem>>
        %dma_start3A_1094 = arith.constant 0 : i32
        %dma_start3A_1095 = arith.constant 0 : i32
        %dma_start3A_1096 = tpu.memref_slice %arg2[%dma_start3A_1094, %dma_start3A_1095] : memref<2600000x128xf32, #tpu.memory_space<hbm>> -> memref<2600000x128xf32, #tpu.memory_space<hbm>>
        %dma_start3A_1097 = tpu.memref_slice %arg7[%dma_start3A_1089] : memref<5x!tpu.dma_semaphore, #tpu.memory_space<semaphore_mem>> -> memref<1x!tpu.dma_semaphore, #tpu.memory_space<semaphore_mem>>
        %dma_start3A_1098 = tpu.memref_squeeze %dma_start3A_1097 : memref<1x!tpu.dma_semaphore, #tpu.memory_space<semaphore_mem>> -> memref<!tpu.dma_semaphore, #tpu.memory_space<semaphore_mem>>
        tpu.enqueue_indirect_dma source(%dma_start3A_1096 : memref<2600000x128xf32, #tpu.memory_space<hbm>>) target(%dma_start3A_1093 : memref<16x128xf32, #tpu.memory_space<vmem>>) offsets(%get3A_1087 : vector<16xi32>) semaphore(%dma_start3A_1098 : memref<!tpu.dma_semaphore, #tpu.memory_space<semaphore_mem>>)
        %get3A_1099 = arith.index_cast %add3A_993 : i32 to index
        %get3A_1100 = arith.constant 112 : index
        %get3A_1101 = tpu.vector_load %arg5[%get3A_1099, %get3A_1100] {strides = array<i32>} : memref<325x128xi32, #tpu.memory_space<vmem>>, vector<1x16xi32>,
        %get3A_1102 = vector.shape_cast %get3A_1101 : vector<1x16xi32> to vector<16xi32>
        %dma_start3A_1103 = arith.constant 3 : i32
        %dma_start3A_1104 = arith.constant 3 : i32
        %dma_start3A_1105 = arith.constant 112 : i32
        %dma_start3A_1106 = arith.constant 0 : i32
        %dma_start3A_1107 = tpu.memref_slice %arg6[%dma_start3A_1103, %dma_start3A_1105, %dma_start3A_1106] : memref<5x128x128xf32, #tpu.memory_space<vmem>> -> memref<1x16x128xf32, #tpu.memory_space<vmem>>
        %dma_start3A_1108 = tpu.memref_squeeze %dma_start3A_1107 : memref<1x16x128xf32, #tpu.memory_space<vmem>> -> memref<16x128xf32, #tpu.memory_space<vmem>>
        %dma_start3A_1109 = arith.constant 0 : i32
        %dma_start3A_1110 = arith.constant 0 : i32
        %dma_start3A_1111 = tpu.memref_slice %arg2[%dma_start3A_1109, %dma_start3A_1110] : memref<2600000x128xf32, #tpu.memory_space<hbm>> -> memref<2600000x128xf32, #tpu.memory_space<hbm>>
        %dma_start3A_1112 = tpu.memref_slice %arg7[%dma_start3A_1104] : memref<5x!tpu.dma_semaphore, #tpu.memory_space<semaphore_mem>> -> memref<1x!tpu.dma_semaphore, #tpu.memory_space<semaphore_mem>>
        %dma_start3A_1113 = tpu.memref_squeeze %dma_start3A_1112 : memref<1x!tpu.dma_semaphore, #tpu.memory_space<semaphore_mem>> -> memref<!tpu.dma_semaphore, #tpu.memory_space<semaphore_mem>>
        tpu.enqueue_indirect_dma source(%dma_start3A_1111 : memref<2600000x128xf32, #tpu.memory_space<hbm>>) target(%dma_start3A_1108 : memref<16x128xf32, #tpu.memory_space<vmem>>) offsets(%get3A_1102 : vector<16xi32>) semaphore(%dma_start3A_1113 : memref<!tpu.dma_semaphore, #tpu.memory_space<semaphore_mem>>)
      } else {
      }
      %mul3A_927 = arith.constant 5 : i32
      %mul3A_928 = arith.muli %scan3A_745, %mul3A_927 : i32
      %add3A_929 = arith.constant 4 : i32
      %add3A_930 = arith.addi %mul3A_928, %add3A_929 : i32
      %dma_wait3A_931 = arith.constant 4 : i32
      %dma_wait3A_932 = arith.constant 4 : i32
      %dma_wait3A_933 = arith.constant 0 : i32
      %dma_wait3A_934 = arith.constant 0 : i32
      %dma_wait3A_935 = tpu.memref_slice %arg6[%dma_wait3A_931, %dma_wait3A_933, %dma_wait3A_934] : memref<5x128x128xf32, #tpu.memory_space<vmem>> -> memref<1x128x128xf32, #tpu.memory_space<vmem>>
      %dma_wait3A_936 = tpu.memref_squeeze %dma_wait3A_935 : memref<1x128x128xf32, #tpu.memory_space<vmem>> -> memref<128x128xf32, #tpu.memory_space<vmem>>
      %dma_wait3A_937 = arith.constant 0 : i32
      %dma_wait3A_938 = arith.constant 0 : i32
      %dma_wait3A_939 = tpu.memref_slice %arg2[%dma_wait3A_937, %dma_wait3A_938] : memref<2600000x128xf32, #tpu.memory_space<hbm>> -> memref<128x128xf32, #tpu.memory_space<hbm>>
      %dma_wait3A_940 = tpu.memref_slice %arg7[%dma_wait3A_932] : memref<5x!tpu.dma_semaphore, #tpu.memory_space<semaphore_mem>> -> memref<1x!tpu.dma_semaphore, #tpu.memory_space<semaphore_mem>>
      %dma_wait3A_941 = tpu.memref_squeeze %dma_wait3A_940 : memref<1x!tpu.dma_semaphore, #tpu.memory_space<semaphore_mem>> -> memref<!tpu.dma_semaphore, #tpu.memory_space<semaphore_mem>>
      %dma_wait3A_942 = arith.constant 0 : i32
      %dma_wait3A_943 = arith.constant 0 : i32
      %dma_wait3A_944 = tpu.memref_slice %arg6[%dma_wait3A_931, %dma_wait3A_942, %dma_wait3A_943] : memref<5x128x128xf32, #tpu.memory_space<vmem>> -> memref<1x128x128xf32, #tpu.memory_space<vmem>>
      %dma_wait3A_945 = tpu.memref_squeeze %dma_wait3A_944 : memref<1x128x128xf32, #tpu.memory_space<vmem>> -> memref<128x128xf32, #tpu.memory_space<vmem>>
      %dma_wait3A_946 = arith.constant 0 : i32
      %dma_wait3A_947 = arith.constant 0 : i32
      %dma_wait3A_948 = tpu.memref_slice %arg2[%dma_wait3A_946, %dma_wait3A_947] : memref<2600000x128xf32, #tpu.memory_space<hbm>> -> memref<128x128xf32, #tpu.memory_space<hbm>>
      tpu.wait_dma2 semaphore(%dma_wait3A_941 : memref<!tpu.dma_semaphore, #tpu.memory_space<semaphore_mem>>) src(%dma_wait3A_948 : memref<128x128xf32, #tpu.memory_space<hbm>>) dst(%dma_wait3A_945 : memref<128x128xf32, #tpu.memory_space<vmem>>)
      %add3A_949 = arith.addi %mul3A_2, %add3A_930 : i32
      %mul3A_950 = arith.constant 128 : i32
      %mul3A_951 = arith.muli %add3A_949, %mul3A_950 : i32
      %dma_start3A_952 = arith.constant 4 : i32
      %dma_start3A_953 = arith.constant 4 : i32
      %dma_start3A_954 = arith.constant 0 : i32
      %dma_start3A_955 = arith.constant 0 : i32
      %dma_start3A_956 = tpu.memref_slice %arg6[%dma_start3A_952, %dma_start3A_954, %dma_start3A_955] : memref<5x128x128xf32, #tpu.memory_space<vmem>> -> memref<1x128x128xf32, #tpu.memory_space<vmem>>
      %dma_start3A_957 = tpu.memref_squeeze %dma_start3A_956 : memref<1x128x128xf32, #tpu.memory_space<vmem>> -> memref<128x128xf32, #tpu.memory_space<vmem>>
      %dma_start3A_958 = arith.constant 0 : i32
      %dma_start3A_959 = tpu.memref_slice %arg4[%mul3A_951, %dma_start3A_958] : memref<1331200x128xf32, #tpu.memory_space<hbm>> -> memref<128x128xf32, #tpu.memory_space<hbm>>
      %dma_start3A_960 = tpu.memref_slice %arg8[%dma_start3A_953] : memref<5x!tpu.dma_semaphore, #tpu.memory_space<semaphore_mem>> -> memref<1x!tpu.dma_semaphore, #tpu.memory_space<semaphore_mem>>
      %dma_start3A_961 = tpu.memref_squeeze %dma_start3A_960 : memref<1x!tpu.dma_semaphore, #tpu.memory_space<semaphore_mem>> -> memref<!tpu.dma_semaphore, #tpu.memory_space<semaphore_mem>>
      %dma_start3A_962 = arith.constant 0 : i32
      %dma_start3A_963 = tpu.memref_slice %arg4[%mul3A_951, %dma_start3A_962] : memref<1331200x128xf32, #tpu.memory_space<hbm>> -> memref<128x128xf32, #tpu.memory_space<hbm>>
      %dma_start3A_964 = arith.constant 0 : i32
      %dma_start3A_965 = arith.constant 0 : i32
      %dma_start3A_966 = tpu.memref_slice %arg6[%dma_start3A_952, %dma_start3A_964, %dma_start3A_965] : memref<5x128x128xf32, #tpu.memory_space<vmem>> -> memref<1x128x128xf32, #tpu.memory_space<vmem>>
      %dma_start3A_967 = tpu.memref_squeeze %dma_start3A_966 : memref<1x128x128xf32, #tpu.memory_space<vmem>> -> memref<128x128xf32, #tpu.memory_space<vmem>>
      tpu.enqueue_dma source(%dma_start3A_967 : memref<128x128xf32, #tpu.memory_space<vmem>>) target(%dma_start3A_963 : memref<128x128xf32, #tpu.memory_space<hbm>>) target_semaphore(%dma_start3A_961 : memref<!tpu.dma_semaphore, #tpu.memory_space<semaphore_mem>>)
      %lt3A_968 = arith.constant 64 : i32
      %lt3A_969 = arith.cmpi slt, %scan3A_745, %lt3A_968 : i32
      %convert_element_type3A_970 = arith.extui %lt3A_969 : i1 to i32
      %cond3A_971 = arith.constant 0 : i32
      %cond3A_972 = arith.cmpi ne, %convert_element_type3A_970, %cond3A_971 : i32
      scf.if %cond3A_972 {
        %add3A_973 = arith.addi %mul3A_2, %add3A_930 : i32
        %mul3A_974 = arith.constant 128 : i32
        %mul3A_975 = arith.muli %add3A_973, %mul3A_974 : i32
        %dma_wait3A_976 = arith.constant 4 : i32
        %dma_wait3A_977 = arith.constant 4 : i32
        %dma_wait3A_978 = arith.constant 0 : i32
        %dma_wait3A_979 = arith.constant 0 : i32
        %dma_wait3A_980 = tpu.memref_slice %arg6[%dma_wait3A_976, %dma_wait3A_978, %dma_wait3A_979] : memref<5x128x128xf32, #tpu.memory_space<vmem>> -> memref<1x128x128xf32, #tpu.memory_space<vmem>>
        %dma_wait3A_981 = tpu.memref_squeeze %dma_wait3A_980 : memref<1x128x128xf32, #tpu.memory_space<vmem>> -> memref<128x128xf32, #tpu.memory_space<vmem>>
        %dma_wait3A_982 = arith.constant 0 : i32
        %dma_wait3A_983 = tpu.memref_slice %arg4[%mul3A_975, %dma_wait3A_982] : memref<1331200x128xf32, #tpu.memory_space<hbm>> -> memref<128x128xf32, #tpu.memory_space<hbm>>
        %dma_wait3A_984 = tpu.memref_slice %arg8[%dma_wait3A_977] : memref<5x!tpu.dma_semaphore, #tpu.memory_space<semaphore_mem>> -> memref<1x!tpu.dma_semaphore, #tpu.memory_space<semaphore_mem>>
        %dma_wait3A_985 = tpu.memref_squeeze %dma_wait3A_984 : memref<1x!tpu.dma_semaphore, #tpu.memory_space<semaphore_mem>> -> memref<!tpu.dma_semaphore, #tpu.memory_space<semaphore_mem>>
        %dma_wait3A_986 = arith.constant 0 : i32
        %dma_wait3A_987 = tpu.memref_slice %arg4[%mul3A_975, %dma_wait3A_986] : memref<1331200x128xf32, #tpu.memory_space<hbm>> -> memref<128x128xf32, #tpu.memory_space<hbm>>
        %dma_wait3A_988 = arith.constant 0 : i32
        %dma_wait3A_989 = arith.constant 0 : i32
        %dma_wait3A_990 = tpu.memref_slice %arg6[%dma_wait3A_976, %dma_wait3A_988, %dma_wait3A_989] : memref<5x128x128xf32, #tpu.memory_space<vmem>> -> memref<1x128x128xf32, #tpu.memory_space<vmem>>
        %dma_wait3A_991 = tpu.memref_squeeze %dma_wait3A_990 : memref<1x128x128xf32, #tpu.memory_space<vmem>> -> memref<128x128xf32, #tpu.memory_space<vmem>>
        tpu.wait_dma2 semaphore(%dma_wait3A_985 : memref<!tpu.dma_semaphore, #tpu.memory_space<semaphore_mem>>) src(%dma_wait3A_991 : memref<128x128xf32, #tpu.memory_space<vmem>>) dst(%dma_wait3A_987 : memref<128x128xf32, #tpu.memory_space<hbm>>)
        %add3A_992 = arith.constant 5 : i32
        %add3A_993 = arith.addi %add3A_930, %add3A_992 : i32
        %get3A_994 = arith.index_cast %add3A_993 : i32 to index
        %get3A_995 = arith.constant 0 : index
        %get3A_996 = tpu.vector_load %arg5[%get3A_994, %get3A_995] {strides = array<i32>} : memref<325x128xi32, #tpu.memory_space<vmem>>, vector<1x16xi32>,
        %get3A_997 = vector.shape_cast %get3A_996 : vector<1x16xi32> to vector<16xi32>
        %dma_start3A_998 = arith.constant 4 : i32
        %dma_start3A_999 = arith.constant 4 : i32
        %dma_start3A_1000 = arith.constant 0 : i32
        %dma_start3A_1001 = arith.constant 0 : i32
        %dma_start3A_1002 = tpu.memref_slice %arg6[%dma_start3A_998, %dma_start3A_1000, %dma_start3A_1001] : memref<5x128x128xf32, #tpu.memory_space<vmem>> -> memref<1x16x128xf32, #tpu.memory_space<vmem>>
        %dma_start3A_1003 = tpu.memref_squeeze %dma_start3A_1002 : memref<1x16x128xf32, #tpu.memory_space<vmem>> -> memref<16x128xf32, #tpu.memory_space<vmem>>
        %dma_start3A_1004 = arith.constant 0 : i32
        %dma_start3A_1005 = arith.constant 0 : i32
        %dma_start3A_1006 = tpu.memref_slice %arg2[%dma_start3A_1004, %dma_start3A_1005] : memref<2600000x128xf32, #tpu.memory_space<hbm>> -> memref<2600000x128xf32, #tpu.memory_space<hbm>>
        %dma_start3A_1007 = tpu.memref_slice %arg7[%dma_start3A_999] : memref<5x!tpu.dma_semaphore, #tpu.memory_space<semaphore_mem>> -> memref<1x!tpu.dma_semaphore, #tpu.memory_space<semaphore_mem>>
        %dma_start3A_1008 = tpu.memref_squeeze %dma_start3A_1007 : memref<1x!tpu.dma_semaphore, #tpu.memory_space<semaphore_mem>> -> memref<!tpu.dma_semaphore, #tpu.memory_space<semaphore_mem>>
        tpu.enqueue_indirect_dma source(%dma_start3A_1006 : memref<2600000x128xf32, #tpu.memory_space<hbm>>) target(%dma_start3A_1003 : memref<16x128xf32, #tpu.memory_space<vmem>>) offsets(%get3A_997 : vector<16xi32>) semaphore(%dma_start3A_1008 : memref<!tpu.dma_semaphore, #tpu.memory_space<semaphore_mem>>)
        %get3A_1009 = arith.index_cast %add3A_993 : i32 to index
        %get3A_1010 = arith.constant 16 : index
        %get3A_1011 = tpu.vector_load %arg5[%get3A_1009, %get3A_1010] {strides = array<i32>} : memref<325x128xi32, #tpu.memory_space<vmem>>, vector<1x16xi32>,
        %get3A_1012 = vector.shape_cast %get3A_1011 : vector<1x16xi32> to vector<16xi32>
        %dma_start3A_1013 = arith.constant 4 : i32
        %dma_start3A_1014 = arith.constant 4 : i32
        %dma_start3A_1015 = arith.constant 16 : i32
        %dma_start3A_1016 = arith.constant 0 : i32
        %dma_start3A_1017 = tpu.memref_slice %arg6[%dma_start3A_1013, %dma_start3A_1015, %dma_start3A_1016] : memref<5x128x128xf32, #tpu.memory_space<vmem>> -> memref<1x16x128xf32, #tpu.memory_space<vmem>>
        %dma_start3A_1018 = tpu.memref_squeeze %dma_start3A_1017 : memref<1x16x128xf32, #tpu.memory_space<vmem>> -> memref<16x128xf32, #tpu.memory_space<vmem>>
        %dma_start3A_1019 = arith.constant 0 : i32
        %dma_start3A_1020 = arith.constant 0 : i32
        %dma_start3A_1021 = tpu.memref_slice %arg2[%dma_start3A_1019, %dma_start3A_1020] : memref<2600000x128xf32, #tpu.memory_space<hbm>> -> memref<2600000x128xf32, #tpu.memory_space<hbm>>
        %dma_start3A_1022 = tpu.memref_slice %arg7[%dma_start3A_1014] : memref<5x!tpu.dma_semaphore, #tpu.memory_space<semaphore_mem>> -> memref<1x!tpu.dma_semaphore, #tpu.memory_space<semaphore_mem>>
        %dma_start3A_1023 = tpu.memref_squeeze %dma_start3A_1022 : memref<1x!tpu.dma_semaphore, #tpu.memory_space<semaphore_mem>> -> memref<!tpu.dma_semaphore, #tpu.memory_space<semaphore_mem>>
        tpu.enqueue_indirect_dma source(%dma_start3A_1021 : memref<2600000x128xf32, #tpu.memory_space<hbm>>) target(%dma_start3A_1018 : memref<16x128xf32, #tpu.memory_space<vmem>>) offsets(%get3A_1012 : vector<16xi32>) semaphore(%dma_start3A_1023 : memref<!tpu.dma_semaphore, #tpu.memory_space<semaphore_mem>>)
        %get3A_1024 = arith.index_cast %add3A_993 : i32 to index
        %get3A_1025 = arith.constant 32 : index
        %get3A_1026 = tpu.vector_load %arg5[%get3A_1024, %get3A_1025] {strides = array<i32>} : memref<325x128xi32, #tpu.memory_space<vmem>>, vector<1x16xi32>,
        %get3A_1027 = vector.shape_cast %get3A_1026 : vector<1x16xi32> to vector<16xi32>
        %dma_start3A_1028 = arith.constant 4 : i32
        %dma_start3A_1029 = arith.constant 4 : i32
        %dma_start3A_1030 = arith.constant 32 : i32
        %dma_start3A_1031 = arith.constant 0 : i32
        %dma_start3A_1032 = tpu.memref_slice %arg6[%dma_start3A_1028, %dma_start3A_1030, %dma_start3A_1031] : memref<5x128x128xf32, #tpu.memory_space<vmem>> -> memref<1x16x128xf32, #tpu.memory_space<vmem>>
        %dma_start3A_1033 = tpu.memref_squeeze %dma_start3A_1032 : memref<1x16x128xf32, #tpu.memory_space<vmem>> -> memref<16x128xf32, #tpu.memory_space<vmem>>
        %dma_start3A_1034 = arith.constant 0 : i32
        %dma_start3A_1035 = arith.constant 0 : i32
        %dma_start3A_1036 = tpu.memref_slice %arg2[%dma_start3A_1034, %dma_start3A_1035] : memref<2600000x128xf32, #tpu.memory_space<hbm>> -> memref<2600000x128xf32, #tpu.memory_space<hbm>>
        %dma_start3A_1037 = tpu.memref_slice %arg7[%dma_start3A_1029] : memref<5x!tpu.dma_semaphore, #tpu.memory_space<semaphore_mem>> -> memref<1x!tpu.dma_semaphore, #tpu.memory_space<semaphore_mem>>
        %dma_start3A_1038 = tpu.memref_squeeze %dma_start3A_1037 : memref<1x!tpu.dma_semaphore, #tpu.memory_space<semaphore_mem>> -> memref<!tpu.dma_semaphore, #tpu.memory_space<semaphore_mem>>
        tpu.enqueue_indirect_dma source(%dma_start3A_1036 : memref<2600000x128xf32, #tpu.memory_space<hbm>>) target(%dma_start3A_1033 : memref<16x128xf32, #tpu.memory_space<vmem>>) offsets(%get3A_1027 : vector<16xi32>) semaphore(%dma_start3A_1038 : memref<!tpu.dma_semaphore, #tpu.memory_space<semaphore_mem>>)
        %get3A_1039 = arith.index_cast %add3A_993 : i32 to index
        %get3A_1040 = arith.constant 48 : index
        %get3A_1041 = tpu.vector_load %arg5[%get3A_1039, %get3A_1040] {strides = array<i32>} : memref<325x128xi32, #tpu.memory_space<vmem>>, vector<1x16xi32>,
        %get3A_1042 = vector.shape_cast %get3A_1041 : vector<1x16xi32> to vector<16xi32>
        %dma_start3A_1043 = arith.constant 4 : i32
        %dma_start3A_1044 = arith.constant 4 : i32
        %dma_start3A_1045 = arith.constant 48 : i32
        %dma_start3A_1046 = arith.constant 0 : i32
        %dma_start3A_1047 = tpu.memref_slice %arg6[%dma_start3A_1043, %dma_start3A_1045, %dma_start3A_1046] : memref<5x128x128xf32, #tpu.memory_space<vmem>> -> memref<1x16x128xf32, #tpu.memory_space<vmem>>
        %dma_start3A_1048 = tpu.memref_squeeze %dma_start3A_1047 : memref<1x16x128xf32, #tpu.memory_space<vmem>> -> memref<16x128xf32, #tpu.memory_space<vmem>>
        %dma_start3A_1049 = arith.constant 0 : i32
        %dma_start3A_1050 = arith.constant 0 : i32
        %dma_start3A_1051 = tpu.memref_slice %arg2[%dma_start3A_1049, %dma_start3A_1050] : memref<2600000x128xf32, #tpu.memory_space<hbm>> -> memref<2600000x128xf32, #tpu.memory_space<hbm>>
        %dma_start3A_1052 = tpu.memref_slice %arg7[%dma_start3A_1044] : memref<5x!tpu.dma_semaphore, #tpu.memory_space<semaphore_mem>> -> memref<1x!tpu.dma_semaphore, #tpu.memory_space<semaphore_mem>>
        %dma_start3A_1053 = tpu.memref_squeeze %dma_start3A_1052 : memref<1x!tpu.dma_semaphore, #tpu.memory_space<semaphore_mem>> -> memref<!tpu.dma_semaphore, #tpu.memory_space<semaphore_mem>>
        tpu.enqueue_indirect_dma source(%dma_start3A_1051 : memref<2600000x128xf32, #tpu.memory_space<hbm>>) target(%dma_start3A_1048 : memref<16x128xf32, #tpu.memory_space<vmem>>) offsets(%get3A_1042 : vector<16xi32>) semaphore(%dma_start3A_1053 : memref<!tpu.dma_semaphore, #tpu.memory_space<semaphore_mem>>)
        %get3A_1054 = arith.index_cast %add3A_993 : i32 to index
        %get3A_1055 = arith.constant 64 : index
        %get3A_1056 = tpu.vector_load %arg5[%get3A_1054, %get3A_1055] {strides = array<i32>} : memref<325x128xi32, #tpu.memory_space<vmem>>, vector<1x16xi32>,
        %get3A_1057 = vector.shape_cast %get3A_1056 : vector<1x16xi32> to vector<16xi32>
        %dma_start3A_1058 = arith.constant 4 : i32
        %dma_start3A_1059 = arith.constant 4 : i32
        %dma_start3A_1060 = arith.constant 64 : i32
        %dma_start3A_1061 = arith.constant 0 : i32
        %dma_start3A_1062 = tpu.memref_slice %arg6[%dma_start3A_1058, %dma_start3A_1060, %dma_start3A_1061] : memref<5x128x128xf32, #tpu.memory_space<vmem>> -> memref<1x16x128xf32, #tpu.memory_space<vmem>>
        %dma_start3A_1063 = tpu.memref_squeeze %dma_start3A_1062 : memref<1x16x128xf32, #tpu.memory_space<vmem>> -> memref<16x128xf32, #tpu.memory_space<vmem>>
        %dma_start3A_1064 = arith.constant 0 : i32
        %dma_start3A_1065 = arith.constant 0 : i32
        %dma_start3A_1066 = tpu.memref_slice %arg2[%dma_start3A_1064, %dma_start3A_1065] : memref<2600000x128xf32, #tpu.memory_space<hbm>> -> memref<2600000x128xf32, #tpu.memory_space<hbm>>
        %dma_start3A_1067 = tpu.memref_slice %arg7[%dma_start3A_1059] : memref<5x!tpu.dma_semaphore, #tpu.memory_space<semaphore_mem>> -> memref<1x!tpu.dma_semaphore, #tpu.memory_space<semaphore_mem>>
        %dma_start3A_1068 = tpu.memref_squeeze %dma_start3A_1067 : memref<1x!tpu.dma_semaphore, #tpu.memory_space<semaphore_mem>> -> memref<!tpu.dma_semaphore, #tpu.memory_space<semaphore_mem>>
        tpu.enqueue_indirect_dma source(%dma_start3A_1066 : memref<2600000x128xf32, #tpu.memory_space<hbm>>) target(%dma_start3A_1063 : memref<16x128xf32, #tpu.memory_space<vmem>>) offsets(%get3A_1057 : vector<16xi32>) semaphore(%dma_start3A_1068 : memref<!tpu.dma_semaphore, #tpu.memory_space<semaphore_mem>>)
        %get3A_1069 = arith.index_cast %add3A_993 : i32 to index
        %get3A_1070 = arith.constant 80 : index
        %get3A_1071 = tpu.vector_load %arg5[%get3A_1069, %get3A_1070] {strides = array<i32>} : memref<325x128xi32, #tpu.memory_space<vmem>>, vector<1x16xi32>,
        %get3A_1072 = vector.shape_cast %get3A_1071 : vector<1x16xi32> to vector<16xi32>
        %dma_start3A_1073 = arith.constant 4 : i32
        %dma_start3A_1074 = arith.constant 4 : i32
        %dma_start3A_1075 = arith.constant 80 : i32
        %dma_start3A_1076 = arith.constant 0 : i32
        %dma_start3A_1077 = tpu.memref_slice %arg6[%dma_start3A_1073, %dma_start3A_1075, %dma_start3A_1076] : memref<5x128x128xf32, #tpu.memory_space<vmem>> -> memref<1x16x128xf32, #tpu.memory_space<vmem>>
        %dma_start3A_1078 = tpu.memref_squeeze %dma_start3A_1077 : memref<1x16x128xf32, #tpu.memory_space<vmem>> -> memref<16x128xf32, #tpu.memory_space<vmem>>
        %dma_start3A_1079 = arith.constant 0 : i32
        %dma_start3A_1080 = arith.constant 0 : i32
        %dma_start3A_1081 = tpu.memref_slice %arg2[%dma_start3A_1079, %dma_start3A_1080] : memref<2600000x128xf32, #tpu.memory_space<hbm>> -> memref<2600000x128xf32, #tpu.memory_space<hbm>>
        %dma_start3A_1082 = tpu.memref_slice %arg7[%dma_start3A_1074] : memref<5x!tpu.dma_semaphore, #tpu.memory_space<semaphore_mem>> -> memref<1x!tpu.dma_semaphore, #tpu.memory_space<semaphore_mem>>
        %dma_start3A_1083 = tpu.memref_squeeze %dma_start3A_1082 : memref<1x!tpu.dma_semaphore, #tpu.memory_space<semaphore_mem>> -> memref<!tpu.dma_semaphore, #tpu.memory_space<semaphore_mem>>
        tpu.enqueue_indirect_dma source(%dma_start3A_1081 : memref<2600000x128xf32, #tpu.memory_space<hbm>>) target(%dma_start3A_1078 : memref<16x128xf32, #tpu.memory_space<vmem>>) offsets(%get3A_1072 : vector<16xi32>) semaphore(%dma_start3A_1083 : memref<!tpu.dma_semaphore, #tpu.memory_space<semaphore_mem>>)
        %get3A_1084 = arith.index_cast %add3A_993 : i32 to index
        %get3A_1085 = arith.constant 96 : index
        %get3A_1086 = tpu.vector_load %arg5[%get3A_1084, %get3A_1085] {strides = array<i32>} : memref<325x128xi32, #tpu.memory_space<vmem>>, vector<1x16xi32>,
        %get3A_1087 = vector.shape_cast %get3A_1086 : vector<1x16xi32> to vector<16xi32>
        %dma_start3A_1088 = arith.constant 4 : i32
        %dma_start3A_1089 = arith.constant 4 : i32
        %dma_start3A_1090 = arith.constant 96 : i32
        %dma_start3A_1091 = arith.constant 0 : i32
        %dma_start3A_1092 = tpu.memref_slice %arg6[%dma_start3A_1088, %dma_start3A_1090, %dma_start3A_1091] : memref<5x128x128xf32, #tpu.memory_space<vmem>> -> memref<1x16x128xf32, #tpu.memory_space<vmem>>
        %dma_start3A_1093 = tpu.memref_squeeze %dma_start3A_1092 : memref<1x16x128xf32, #tpu.memory_space<vmem>> -> memref<16x128xf32, #tpu.memory_space<vmem>>
        %dma_start3A_1094 = arith.constant 0 : i32
        %dma_start3A_1095 = arith.constant 0 : i32
        %dma_start3A_1096 = tpu.memref_slice %arg2[%dma_start3A_1094, %dma_start3A_1095] : memref<2600000x128xf32, #tpu.memory_space<hbm>> -> memref<2600000x128xf32, #tpu.memory_space<hbm>>
        %dma_start3A_1097 = tpu.memref_slice %arg7[%dma_start3A_1089] : memref<5x!tpu.dma_semaphore, #tpu.memory_space<semaphore_mem>> -> memref<1x!tpu.dma_semaphore, #tpu.memory_space<semaphore_mem>>
        %dma_start3A_1098 = tpu.memref_squeeze %dma_start3A_1097 : memref<1x!tpu.dma_semaphore, #tpu.memory_space<semaphore_mem>> -> memref<!tpu.dma_semaphore, #tpu.memory_space<semaphore_mem>>
        tpu.enqueue_indirect_dma source(%dma_start3A_1096 : memref<2600000x128xf32, #tpu.memory_space<hbm>>) target(%dma_start3A_1093 : memref<16x128xf32, #tpu.memory_space<vmem>>) offsets(%get3A_1087 : vector<16xi32>) semaphore(%dma_start3A_1098 : memref<!tpu.dma_semaphore, #tpu.memory_space<semaphore_mem>>)
        %get3A_1099 = arith.index_cast %add3A_993 : i32 to index
        %get3A_1100 = arith.constant 112 : index
        %get3A_1101 = tpu.vector_load %arg5[%get3A_1099, %get3A_1100] {strides = array<i32>} : memref<325x128xi32, #tpu.memory_space<vmem>>, vector<1x16xi32>,
        %get3A_1102 = vector.shape_cast %get3A_1101 : vector<1x16xi32> to vector<16xi32>
        %dma_start3A_1103 = arith.constant 4 : i32
        %dma_start3A_1104 = arith.constant 4 : i32
        %dma_start3A_1105 = arith.constant 112 : i32
        %dma_start3A_1106 = arith.constant 0 : i32
        %dma_start3A_1107 = tpu.memref_slice %arg6[%dma_start3A_1103, %dma_start3A_1105, %dma_start3A_1106] : memref<5x128x128xf32, #tpu.memory_space<vmem>> -> memref<1x16x128xf32, #tpu.memory_space<vmem>>
        %dma_start3A_1108 = tpu.memref_squeeze %dma_start3A_1107 : memref<1x16x128xf32, #tpu.memory_space<vmem>> -> memref<16x128xf32, #tpu.memory_space<vmem>>
        %dma_start3A_1109 = arith.constant 0 : i32
        %dma_start3A_1110 = arith.constant 0 : i32
        %dma_start3A_1111 = tpu.memref_slice %arg2[%dma_start3A_1109, %dma_start3A_1110] : memref<2600000x128xf32, #tpu.memory_space<hbm>> -> memref<2600000x128xf32, #tpu.memory_space<hbm>>
        %dma_start3A_1112 = tpu.memref_slice %arg7[%dma_start3A_1104] : memref<5x!tpu.dma_semaphore, #tpu.memory_space<semaphore_mem>> -> memref<1x!tpu.dma_semaphore, #tpu.memory_space<semaphore_mem>>
        %dma_start3A_1113 = tpu.memref_squeeze %dma_start3A_1112 : memref<1x!tpu.dma_semaphore, #tpu.memory_space<semaphore_mem>> -> memref<!tpu.dma_semaphore, #tpu.memory_space<semaphore_mem>>
        tpu.enqueue_indirect_dma source(%dma_start3A_1111 : memref<2600000x128xf32, #tpu.memory_space<hbm>>) target(%dma_start3A_1108 : memref<16x128xf32, #tpu.memory_space<vmem>>) offsets(%get3A_1102 : vector<16xi32>) semaphore(%dma_start3A_1113 : memref<!tpu.dma_semaphore, #tpu.memory_space<semaphore_mem>>)
      } else {
      }
    }
    %scan3A_645 = arith.constant 65 : i32
    %add3A_646 = arith.constant 320 : i32
    %add3A_647 = arith.addi %mul3A_2, %add3A_646 : i32
    %mul3A_648 = arith.constant 128 : i32
    %mul3A_649 = arith.muli %add3A_647, %mul3A_648 : i32
    %dma_wait3A = arith.constant 0 : i32
    %dma_wait3A_650 = arith.constant 0 : i32
    %dma_wait3A_651 = arith.constant 0 : i32
    %dma_wait3A_652 = arith.constant 0 : i32
    %dma_wait3A_653 = tpu.memref_slice %arg6[%dma_wait3A, %dma_wait3A_651, %dma_wait3A_652] : memref<5x128x128xf32, #tpu.memory_space<vmem>> -> memref<1x128x128xf32, #tpu.memory_space<vmem>>
    %dma_wait3A_654 = tpu.memref_squeeze %dma_wait3A_653 : memref<1x128x128xf32, #tpu.memory_space<vmem>> -> memref<128x128xf32, #tpu.memory_space<vmem>>
    %dma_wait3A_655 = arith.constant 0 : i32
    %dma_wait3A_656 = tpu.memref_slice %arg4[%mul3A_649, %dma_wait3A_655] : memref<1331200x128xf32, #tpu.memory_space<hbm>> -> memref<128x128xf32, #tpu.memory_space<hbm>>
    %dma_wait3A_657 = tpu.memref_slice %arg8[%dma_wait3A_650] : memref<5x!tpu.dma_semaphore, #tpu.memory_space<semaphore_mem>> -> memref<1x!tpu.dma_semaphore, #tpu.memory_space<semaphore_mem>>
    %dma_wait3A_658 = tpu.memref_squeeze %dma_wait3A_657 : memref<1x!tpu.dma_semaphore, #tpu.memory_space<semaphore_mem>> -> memref<!tpu.dma_semaphore, #tpu.memory_space<semaphore_mem>>
    %dma_wait3A_659 = arith.constant 0 : i32
    %dma_wait3A_660 = tpu.memref_slice %arg4[%mul3A_649, %dma_wait3A_659] : memref<1331200x128xf32, #tpu.memory_space<hbm>> -> memref<128x128xf32, #tpu.memory_space<hbm>>
    %dma_wait3A_661 = arith.constant 0 : i32
    %dma_wait3A_662 = arith.constant 0 : i32
    %dma_wait3A_663 = tpu.memref_slice %arg6[%dma_wait3A, %dma_wait3A_661, %dma_wait3A_662] : memref<5x128x128xf32, #tpu.memory_space<vmem>> -> memref<1x128x128xf32, #tpu.memory_space<vmem>>
    %dma_wait3A_664 = tpu.memref_squeeze %dma_wait3A_663 : memref<1x128x128xf32, #tpu.memory_space<vmem>> -> memref<128x128xf32, #tpu.memory_space<vmem>>
    tpu.wait_dma2 semaphore(%dma_wait3A_658 : memref<!tpu.dma_semaphore, #tpu.memory_space<semaphore_mem>>) src(%dma_wait3A_664 : memref<128x128xf32, #tpu.memory_space<vmem>>) dst(%dma_wait3A_660 : memref<128x128xf32, #tpu.memory_space<hbm>>)
    %add3A_665 = arith.constant 321 : i32
    %add3A_666 = arith.addi %mul3A_2, %add3A_665 : i32
    %mul3A_667 = arith.constant 128 : i32
    %mul3A_668 = arith.muli %add3A_666, %mul3A_667 : i32
    %dma_wait3A_669 = arith.constant 1 : i32
    %dma_wait3A_670 = arith.constant 1 : i32
    %dma_wait3A_671 = arith.constant 0 : i32
    %dma_wait3A_672 = arith.constant 0 : i32
    %dma_wait3A_673 = tpu.memref_slice %arg6[%dma_wait3A_669, %dma_wait3A_671, %dma_wait3A_672] : memref<5x128x128xf32, #tpu.memory_space<vmem>> -> memref<1x128x128xf32, #tpu.memory_space<vmem>>
    %dma_wait3A_674 = tpu.memref_squeeze %dma_wait3A_673 : memref<1x128x128xf32, #tpu.memory_space<vmem>> -> memref<128x128xf32, #tpu.memory_space<vmem>>
    %dma_wait3A_675 = arith.constant 0 : i32
    %dma_wait3A_676 = tpu.memref_slice %arg4[%mul3A_668, %dma_wait3A_675] : memref<1331200x128xf32, #tpu.memory_space<hbm>> -> memref<128x128xf32, #tpu.memory_space<hbm>>
    %dma_wait3A_677 = tpu.memref_slice %arg8[%dma_wait3A_670] : memref<5x!tpu.dma_semaphore, #tpu.memory_space<semaphore_mem>> -> memref<1x!tpu.dma_semaphore, #tpu.memory_space<semaphore_mem>>
    %dma_wait3A_678 = tpu.memref_squeeze %dma_wait3A_677 : memref<1x!tpu.dma_semaphore, #tpu.memory_space<semaphore_mem>> -> memref<!tpu.dma_semaphore, #tpu.memory_space<semaphore_mem>>
    %dma_wait3A_679 = arith.constant 0 : i32
    %dma_wait3A_680 = tpu.memref_slice %arg4[%mul3A_668, %dma_wait3A_679] : memref<1331200x128xf32, #tpu.memory_space<hbm>> -> memref<128x128xf32, #tpu.memory_space<hbm>>
    %dma_wait3A_681 = arith.constant 0 : i32
    %dma_wait3A_682 = arith.constant 0 : i32
    %dma_wait3A_683 = tpu.memref_slice %arg6[%dma_wait3A_669, %dma_wait3A_681, %dma_wait3A_682] : memref<5x128x128xf32, #tpu.memory_space<vmem>> -> memref<1x128x128xf32, #tpu.memory_space<vmem>>
    %dma_wait3A_684 = tpu.memref_squeeze %dma_wait3A_683 : memref<1x128x128xf32, #tpu.memory_space<vmem>> -> memref<128x128xf32, #tpu.memory_space<vmem>>
    tpu.wait_dma2 semaphore(%dma_wait3A_678 : memref<!tpu.dma_semaphore, #tpu.memory_space<semaphore_mem>>) src(%dma_wait3A_684 : memref<128x128xf32, #tpu.memory_space<vmem>>) dst(%dma_wait3A_680 : memref<128x128xf32, #tpu.memory_space<hbm>>)
    %add3A_685 = arith.constant 322 : i32
    %add3A_686 = arith.addi %mul3A_2, %add3A_685 : i32
    %mul3A_687 = arith.constant 128 : i32
    %mul3A_688 = arith.muli %add3A_686, %mul3A_687 : i32
    %dma_wait3A_689 = arith.constant 2 : i32
    %dma_wait3A_690 = arith.constant 2 : i32
    %dma_wait3A_691 = arith.constant 0 : i32
    %dma_wait3A_692 = arith.constant 0 : i32
    %dma_wait3A_693 = tpu.memref_slice %arg6[%dma_wait3A_689, %dma_wait3A_691, %dma_wait3A_692] : memref<5x128x128xf32, #tpu.memory_space<vmem>> -> memref<1x128x128xf32, #tpu.memory_space<vmem>>
    %dma_wait3A_694 = tpu.memref_squeeze %dma_wait3A_693 : memref<1x128x128xf32, #tpu.memory_space<vmem>> -> memref<128x128xf32, #tpu.memory_space<vmem>>
    %dma_wait3A_695 = arith.constant 0 : i32
    %dma_wait3A_696 = tpu.memref_slice %arg4[%mul3A_688, %dma_wait3A_695] : memref<1331200x128xf32, #tpu.memory_space<hbm>> -> memref<128x128xf32, #tpu.memory_space<hbm>>
    %dma_wait3A_697 = tpu.memref_slice %arg8[%dma_wait3A_690] : memref<5x!tpu.dma_semaphore, #tpu.memory_space<semaphore_mem>> -> memref<1x!tpu.dma_semaphore, #tpu.memory_space<semaphore_mem>>
    %dma_wait3A_698 = tpu.memref_squeeze %dma_wait3A_697 : memref<1x!tpu.dma_semaphore, #tpu.memory_space<semaphore_mem>> -> memref<!tpu.dma_semaphore, #tpu.memory_space<semaphore_mem>>
    %dma_wait3A_699 = arith.constant 0 : i32
    %dma_wait3A_700 = tpu.memref_slice %arg4[%mul3A_688, %dma_wait3A_699] : memref<1331200x128xf32, #tpu.memory_space<hbm>> -> memref<128x128xf32, #tpu.memory_space<hbm>>
    %dma_wait3A_701 = arith.constant 0 : i32
    %dma_wait3A_702 = arith.constant 0 : i32
    %dma_wait3A_703 = tpu.memref_slice %arg6[%dma_wait3A_689, %dma_wait3A_701, %dma_wait3A_702] : memref<5x128x128xf32, #tpu.memory_space<vmem>> -> memref<1x128x128xf32, #tpu.memory_space<vmem>>
    %dma_wait3A_704 = tpu.memref_squeeze %dma_wait3A_703 : memref<1x128x128xf32, #tpu.memory_space<vmem>> -> memref<128x128xf32, #tpu.memory_space<vmem>>
    tpu.wait_dma2 semaphore(%dma_wait3A_698 : memref<!tpu.dma_semaphore, #tpu.memory_space<semaphore_mem>>) src(%dma_wait3A_704 : memref<128x128xf32, #tpu.memory_space<vmem>>) dst(%dma_wait3A_700 : memref<128x128xf32, #tpu.memory_space<hbm>>)
    %add3A_705 = arith.constant 323 : i32
    %add3A_706 = arith.addi %mul3A_2, %add3A_705 : i32
    %mul3A_707 = arith.constant 128 : i32
    %mul3A_708 = arith.muli %add3A_706, %mul3A_707 : i32
    %dma_wait3A_709 = arith.constant 3 : i32
    %dma_wait3A_710 = arith.constant 3 : i32
    %dma_wait3A_711 = arith.constant 0 : i32
    %dma_wait3A_712 = arith.constant 0 : i32
    %dma_wait3A_713 = tpu.memref_slice %arg6[%dma_wait3A_709, %dma_wait3A_711, %dma_wait3A_712] : memref<5x128x128xf32, #tpu.memory_space<vmem>> -> memref<1x128x128xf32, #tpu.memory_space<vmem>>
    %dma_wait3A_714 = tpu.memref_squeeze %dma_wait3A_713 : memref<1x128x128xf32, #tpu.memory_space<vmem>> -> memref<128x128xf32, #tpu.memory_space<vmem>>
    %dma_wait3A_715 = arith.constant 0 : i32
    %dma_wait3A_716 = tpu.memref_slice %arg4[%mul3A_708, %dma_wait3A_715] : memref<1331200x128xf32, #tpu.memory_space<hbm>> -> memref<128x128xf32, #tpu.memory_space<hbm>>
    %dma_wait3A_717 = tpu.memref_slice %arg8[%dma_wait3A_710] : memref<5x!tpu.dma_semaphore, #tpu.memory_space<semaphore_mem>> -> memref<1x!tpu.dma_semaphore, #tpu.memory_space<semaphore_mem>>
    %dma_wait3A_718 = tpu.memref_squeeze %dma_wait3A_717 : memref<1x!tpu.dma_semaphore, #tpu.memory_space<semaphore_mem>> -> memref<!tpu.dma_semaphore, #tpu.memory_space<semaphore_mem>>
    %dma_wait3A_719 = arith.constant 0 : i32
    %dma_wait3A_720 = tpu.memref_slice %arg4[%mul3A_708, %dma_wait3A_719] : memref<1331200x128xf32, #tpu.memory_space<hbm>> -> memref<128x128xf32, #tpu.memory_space<hbm>>
    %dma_wait3A_721 = arith.constant 0 : i32
    %dma_wait3A_722 = arith.constant 0 : i32
    %dma_wait3A_723 = tpu.memref_slice %arg6[%dma_wait3A_709, %dma_wait3A_721, %dma_wait3A_722] : memref<5x128x128xf32, #tpu.memory_space<vmem>> -> memref<1x128x128xf32, #tpu.memory_space<vmem>>
    %dma_wait3A_724 = tpu.memref_squeeze %dma_wait3A_723 : memref<1x128x128xf32, #tpu.memory_space<vmem>> -> memref<128x128xf32, #tpu.memory_space<vmem>>
    tpu.wait_dma2 semaphore(%dma_wait3A_718 : memref<!tpu.dma_semaphore, #tpu.memory_space<semaphore_mem>>) src(%dma_wait3A_724 : memref<128x128xf32, #tpu.memory_space<vmem>>) dst(%dma_wait3A_720 : memref<128x128xf32, #tpu.memory_space<hbm>>)
    %add3A_725 = arith.constant 324 : i32
    %add3A_726 = arith.addi %mul3A_2, %add3A_725 : i32
    %mul3A_727 = arith.constant 128 : i32
    %mul3A_728 = arith.muli %add3A_726, %mul3A_727 : i32
    %dma_wait3A_729 = arith.constant 4 : i32
    %dma_wait3A_730 = arith.constant 4 : i32
    %dma_wait3A_731 = arith.constant 0 : i32
    %dma_wait3A_732 = arith.constant 0 : i32
    %dma_wait3A_733 = tpu.memref_slice %arg6[%dma_wait3A_729, %dma_wait3A_731, %dma_wait3A_732] : memref<5x128x128xf32, #tpu.memory_space<vmem>> -> memref<1x128x128xf32, #tpu.memory_space<vmem>>
    %dma_wait3A_734 = tpu.memref_squeeze %dma_wait3A_733 : memref<1x128x128xf32, #tpu.memory_space<vmem>> -> memref<128x128xf32, #tpu.memory_space<vmem>>
    %dma_wait3A_735 = arith.constant 0 : i32
    %dma_wait3A_736 = tpu.memref_slice %arg4[%mul3A_728, %dma_wait3A_735] : memref<1331200x128xf32, #tpu.memory_space<hbm>> -> memref<128x128xf32, #tpu.memory_space<hbm>>
    %dma_wait3A_737 = tpu.memref_slice %arg8[%dma_wait3A_730] : memref<5x!tpu.dma_semaphore, #tpu.memory_space<semaphore_mem>> -> memref<1x!tpu.dma_semaphore, #tpu.memory_space<semaphore_mem>>
    %dma_wait3A_738 = tpu.memref_squeeze %dma_wait3A_737 : memref<1x!tpu.dma_semaphore, #tpu.memory_space<semaphore_mem>> -> memref<!tpu.dma_semaphore, #tpu.memory_space<semaphore_mem>>
    %dma_wait3A_739 = arith.constant 0 : i32
    %dma_wait3A_740 = tpu.memref_slice %arg4[%mul3A_728, %dma_wait3A_739] : memref<1331200x128xf32, #tpu.memory_space<hbm>> -> memref<128x128xf32, #tpu.memory_space<hbm>>
    %dma_wait3A_741 = arith.constant 0 : i32
    %dma_wait3A_742 = arith.constant 0 : i32
    %dma_wait3A_743 = tpu.memref_slice %arg6[%dma_wait3A_729, %dma_wait3A_741, %dma_wait3A_742] : memref<5x128x128xf32, #tpu.memory_space<vmem>> -> memref<1x128x128xf32, #tpu.memory_space<vmem>>
    %dma_wait3A_744 = tpu.memref_squeeze %dma_wait3A_743 : memref<1x128x128xf32, #tpu.memory_space<vmem>> -> memref<128x128xf32, #tpu.memory_space<vmem>>
    tpu.wait_dma2 semaphore(%dma_wait3A_738 : memref<!tpu.dma_semaphore, #tpu.memory_space<semaphore_mem>>) src(%dma_wait3A_744 : memref<128x128xf32, #tpu.memory_space<vmem>>) dst(%dma_wait3A_740 : memref<128x128xf32, #tpu.memory_space<hbm>>)
    return
  }
}

module attributes {stable_mosaic.version = 14 : i64} {
  func.func @_slot_body(%arg0: memref<1024x64xf32, #tpu.memory_space<vmem>>, %arg1: memref<64x4xf32, #tpu.memory_space<vmem>>, %arg2: memref<1x4xf32, #tpu.memory_space<vmem>>, %arg3: memref<4x26xf32, #tpu.memory_space<vmem>>, %arg4: memref<1x26xf32, #tpu.memory_space<vmem>>, %arg5: memref<1024x26xf32, #tpu.memory_space<vmem>>) attributes {dimension_semantics = [], scalar_prefetch = 0 : i64, scratch_operands = 0 : i64, tpu.core_type = #tpu.core_type<tc>} {
    %get3A = arith.constant 0 : index
    %get3A_0 = arith.constant 0 : index
    %get3A_1 = vector.load %arg0[%get3A, %get3A_0] : memref<1024x64xf32, #tpu.memory_space<vmem>>, vector<1024x64xf32>
    %get3A_2 = arith.constant 0 : index
    %get3A_3 = arith.constant 0 : index
    %get3A_4 = vector.load %arg1[%get3A_2, %get3A_3] : memref<64x4xf32, #tpu.memory_space<vmem>>, vector<64x4xf32>
    %dot_general3A = arith.constant dense<0.000000e+00> : vector<1024x4xf32>
    %dot_general3A_5 = tpu.matmul %get3A_1, %get3A_4, %dot_general3A {dimension_numbers = #tpu.dot_dimension_numbers<[1], [0], [0], [1], [0, 0, 1, 1], [], []>, transpose_lhs_hint = false} : vector<1024x64xf32>, vector<64x4xf32>, vector<1024x4xf32> -> vector<1024x4xf32>
    %get3A_6 = arith.constant 0 : index
    %get3A_7 = arith.constant 0 : index
    %get3A_8 = vector.load %arg2[%get3A_6, %get3A_7] : memref<1x4xf32, #tpu.memory_space<vmem>>, vector<1x4xf32>
    %add3A = vector.broadcast %get3A_8 : vector<1x4xf32> to vector<1024x4xf32>
    %add3A_9 = arith.addf %dot_general3A_5, %add3A : vector<1024x4xf32>
    %max3A = arith.constant 0.000000e+00 : f32
    %max3A_10 = vector.broadcast %max3A : f32 to vector<1024x4xf32>
    %max3A_11 = arith.maximumf %add3A_9, %max3A_10 : vector<1024x4xf32>
    %abs3A = math.absf %add3A_9 : vector<1024x4xf32>
    %neg3A = arith.constant 0.000000e+00 : f32
    %neg3A_12 = vector.broadcast %neg3A : f32 to vector<1024x4xf32>
    %neg3A_13 = arith.subf %neg3A_12, %abs3A : vector<1024x4xf32>
    %exp3A = math.exp %neg3A_13 : vector<1024x4xf32>
    %add3A_14 = arith.constant 1.000000e+00 : f32
    %add3A_15 = vector.broadcast %add3A_14 : f32 to vector<1024x4xf32>
    %add3A_16 = arith.addf %add3A_15, %exp3A : vector<1024x4xf32>
    %log3A = math.log %add3A_16 : vector<1024x4xf32>
    %add3A_17 = arith.addf %max3A_11, %log3A : vector<1024x4xf32>
    %tanh3A = math.tanh %add3A_17 : vector<1024x4xf32>
    %mul3A = arith.mulf %add3A_9, %tanh3A : vector<1024x4xf32>
    %get3A_18 = arith.constant 0 : index
    %get3A_19 = arith.constant 0 : index
    %get3A_20 = vector.load %arg3[%get3A_18, %get3A_19] : memref<4x26xf32, #tpu.memory_space<vmem>>, vector<4x26xf32>
    %dot_general3A_21 = arith.constant dense<0.000000e+00> : vector<1024x26xf32>
    %dot_general3A_22 = tpu.matmul %mul3A, %get3A_20, %dot_general3A_21 {dimension_numbers = #tpu.dot_dimension_numbers<[1], [0], [0], [1], [0, 0, 1, 1], [], []>, transpose_lhs_hint = false} : vector<1024x4xf32>, vector<4x26xf32>, vector<1024x26xf32> -> vector<1024x26xf32>
    %get3A_23 = arith.constant 0 : index
    %get3A_24 = arith.constant 0 : index
    %get3A_25 = vector.load %arg4[%get3A_23, %get3A_24] : memref<1x26xf32, #tpu.memory_space<vmem>>, vector<1x26xf32>
    %add3A_26 = vector.broadcast %get3A_25 : vector<1x26xf32> to vector<1024x26xf32>
    %add3A_27 = arith.addf %dot_general3A_22, %add3A_26 : vector<1024x26xf32>
    %reduce_max3A = arith.constant dense<0xFF800000> : vector<1024xf32>
    %reduce_max3A_28 = vector.multi_reduction <maximumf>, %add3A_27, %reduce_max3A [1] : vector<1024x26xf32> to vector<1024xf32>
    %broadcast_in_dim3A = vector.shape_cast %reduce_max3A_28 : vector<1024xf32> to vector<1024x1xf32>
    %sub3A = vector.broadcast %broadcast_in_dim3A : vector<1024x1xf32> to vector<1024x26xf32>
    %sub3A_29 = arith.subf %add3A_27, %sub3A : vector<1024x26xf32>
    %exp3A_30 = math.exp %sub3A_29 : vector<1024x26xf32>
    %reduce_sum3A = arith.constant dense<0.000000e+00> : vector<1024xf32>
    %reduce_sum3A_31 = vector.multi_reduction <add>, %exp3A_30, %reduce_sum3A [1] : vector<1024x26xf32> to vector<1024xf32>
    %broadcast_in_dim3A_32 = vector.shape_cast %reduce_sum3A_31 : vector<1024xf32> to vector<1024x1xf32>
    %div3A = vector.broadcast %broadcast_in_dim3A_32 : vector<1024x1xf32> to vector<1024x26xf32>
    %div3A_33 = arith.divf %exp3A_30, %div3A : vector<1024x26xf32>
    %swap3A = arith.constant 0 : index
    %swap3A_34 = arith.constant 0 : index
    %swap3A_35 = vector.load %arg5[%swap3A, %swap3A_34] : memref<1024x26xf32, #tpu.memory_space<vmem>>, vector<1024x26xf32>
    tpu.vector_store %arg5[%swap3A, %swap3A_34], %div3A_33 {strides = array<i32>} : memref<1024x26xf32, #tpu.memory_space<vmem>>, vector<1024x26xf32>,
    return
  }
}

module attributes {stable_mosaic.version = 14 : i64} {
  func.func @_mix_body(%arg0: i32, %arg1: memref<26x400x128xf32, #tpu.memory_space<vmem>>, %arg2: memref<400x26xf32, #tpu.memory_space<vmem>>, %arg3: memref<26x64xf32, #tpu.memory_space<vmem>>, %arg4: memref<26x64xf32, #tpu.memory_space<vmem>>, %arg5: memref<64x64xf32, #tpu.memory_space<vmem>>, %arg6: memref<400x64xf32, #tpu.memory_space<vmem>>) attributes {dimension_semantics = [#tpu.dimension_semantics<arbitrary>], iteration_bounds = array<i64: 128>, scalar_prefetch = 0 : i64, scratch_operands = 0 : i64, tpu.core_type = #tpu.core_type<tc>, window_params = [{transform_indices = @transform_0, window_bounds = array<i64: 26, 400, 128>}, {transform_indices = @transform_1, window_bounds = array<i64: 400, 26>}, {pipeline_mode = #tpu.pipeline_mode<synchronous>, transform_indices = @transform_2, window_bounds = array<i64: 26, 64>}, {pipeline_mode = #tpu.pipeline_mode<synchronous>, transform_indices = @transform_3, window_bounds = array<i64: 26, 64>}, {pipeline_mode = #tpu.pipeline_mode<synchronous>, transform_indices = @transform_4, window_bounds = array<i64: 64, 64>}, {transform_indices = @transform_5, window_bounds = array<i64: 400, 64>}]} {
    %get3A = arith.constant 0 : index
    %get3A_0 = arith.constant 0 : index
    %get3A_1 = vector.load %arg2[%get3A, %get3A_0] : memref<400x26xf32, #tpu.memory_space<vmem>>, vector<400x26xf32>
    %get3A_2 = arith.constant 0 : index
    %get3A_3 = arith.constant 0 : index
    %get3A_4 = vector.load %arg5[%get3A_2, %get3A_3] : memref<64x64xf32, #tpu.memory_space<vmem>>, vector<64x64xf32>
    %broadcast_in_dim3A = arith.constant 0.000000e+00 : f32
    %broadcast_in_dim3A_5 = vector.broadcast %broadcast_in_dim3A : f32 to vector<400x64xf32>
    %get3A_6 = arith.constant 0 : index
    %get3A_7 = arith.constant 0 : index
    %get3A_8 = arith.constant 0 : index
    %get3A_9 = vector.load %arg1[%get3A_6, %get3A_7, %get3A_8] : memref<26x400x128xf32, #tpu.memory_space<vmem>>, vector<1x400x128xf32>
    %get3A_10 = vector.shape_cast %get3A_9 : vector<1x400x128xf32> to vector<400x128xf32>
    %slice3A = vector.extract_strided_slice %get3A_10 {offsets = [0, 0], sizes = [400, 64], strides = [1, 1]} : vector<400x128xf32> to vector<400x64xf32>
    %dot_general3A = arith.constant dense<0.000000e+00> : vector<400x64xf32>
    %dot_general3A_11 = tpu.matmul %slice3A, %get3A_4, %dot_general3A {dimension_numbers = #tpu.dot_dimension_numbers<[1], [0], [0], [1], [0, 0, 1, 1], [], []>, transpose_lhs_hint = false} : vector<400x64xf32>, vector<64x64xf32>, vector<400x64xf32> -> vector<400x64xf32>
    %sub3A = arith.subf %slice3A, %dot_general3A_11 : vector<400x64xf32>
    %mul3A = arith.mulf %sub3A, %sub3A : vector<400x64xf32>
    %dot_general3A_12 = arith.constant dense<0.000000e+00> : vector<400x64xf32>
    %dot_general3A_13 = tpu.matmul %mul3A, %get3A_4, %dot_general3A_12 {dimension_numbers = #tpu.dot_dimension_numbers<[1], [0], [0], [1], [0, 0, 1, 1], [], []>, transpose_lhs_hint = false} : vector<400x64xf32>, vector<64x64xf32>, vector<400x64xf32> -> vector<400x64xf32>
    %add3A = arith.constant 9.99999974E-6 : f32
    %add3A_14 = vector.broadcast %add3A : f32 to vector<400x64xf32>
    %add3A_15 = arith.addf %dot_general3A_13, %add3A_14 : vector<400x64xf32>
    %rsqrt3A = math.rsqrt %add3A_15 : vector<400x64xf32>
    %mul3A_16 = arith.mulf %sub3A, %rsqrt3A : vector<400x64xf32>
    %get3A_17 = arith.constant 0 : index
    %get3A_18 = arith.constant 0 : index
    %get3A_19 = vector.load %arg3[%get3A_17, %get3A_18] : memref<26x64xf32, #tpu.memory_space<vmem>>, vector<1x64xf32>
    %mul3A_20 = vector.broadcast %get3A_19 : vector<1x64xf32> to vector<400x64xf32>
    %mul3A_21 = arith.mulf %mul3A_16, %mul3A_20 : vector<400x64xf32>
    %get3A_22 = arith.constant 0 : index
    %get3A_23 = arith.constant 0 : index
    %get3A_24 = vector.load %arg4[%get3A_22, %get3A_23] : memref<26x64xf32, #tpu.memory_space<vmem>>, vector<1x64xf32>
    %add3A_25 = vector.broadcast %get3A_24 : vector<1x64xf32> to vector<400x64xf32>
    %add3A_26 = arith.addf %mul3A_21, %add3A_25 : vector<400x64xf32>
    %slice3A_27 = vector.extract_strided_slice %get3A_1 {offsets = [0, 0], sizes = [400, 1], strides = [1, 1]} : vector<400x26xf32> to vector<400x1xf32>
    %mul3A_28 = vector.broadcast %slice3A_27 : vector<400x1xf32> to vector<400x64xf32>
    %mul3A_29 = arith.mulf %mul3A_28, %add3A_26 : vector<400x64xf32>
    %add3A_30 = arith.addf %broadcast_in_dim3A_5, %mul3A_29 : vector<400x64xf32>
    %get3A_31 = arith.constant 1 : index
    %get3A_32 = arith.constant 0 : index
    %get3A_33 = arith.constant 0 : index
    %get3A_34 = vector.load %arg1[%get3A_31, %get3A_32, %get3A_33] : memref<26x400x128xf32, #tpu.memory_space<vmem>>, vector<1x400x128xf32>
    %get3A_35 = vector.shape_cast %get3A_34 : vector<1x400x128xf32> to vector<400x128xf32>
    %slice3A_36 = vector.extract_strided_slice %get3A_35 {offsets = [0, 0], sizes = [400, 64], strides = [1, 1]} : vector<400x128xf32> to vector<400x64xf32>
    %dot_general3A_37 = arith.constant dense<0.000000e+00> : vector<400x64xf32>
    %dot_general3A_38 = tpu.matmul %slice3A_36, %get3A_4, %dot_general3A_37 {dimension_numbers = #tpu.dot_dimension_numbers<[1], [0], [0], [1], [0, 0, 1, 1], [], []>, transpose_lhs_hint = false} : vector<400x64xf32>, vector<64x64xf32>, vector<400x64xf32> -> vector<400x64xf32>
    %sub3A_39 = arith.subf %slice3A_36, %dot_general3A_38 : vector<400x64xf32>
    %mul3A_40 = arith.mulf %sub3A_39, %sub3A_39 : vector<400x64xf32>
    %dot_general3A_41 = arith.constant dense<0.000000e+00> : vector<400x64xf32>
    %dot_general3A_42 = tpu.matmul %mul3A_40, %get3A_4, %dot_general3A_41 {dimension_numbers = #tpu.dot_dimension_numbers<[1], [0], [0], [1], [0, 0, 1, 1], [], []>, transpose_lhs_hint = false} : vector<400x64xf32>, vector<64x64xf32>, vector<400x64xf32> -> vector<400x64xf32>
    %add3A_43 = arith.constant 9.99999974E-6 : f32
    %add3A_44 = vector.broadcast %add3A_43 : f32 to vector<400x64xf32>
    %add3A_45 = arith.addf %dot_general3A_42, %add3A_44 : vector<400x64xf32>
    %rsqrt3A_46 = math.rsqrt %add3A_45 : vector<400x64xf32>
    %mul3A_47 = arith.mulf %sub3A_39, %rsqrt3A_46 : vector<400x64xf32>
    %get3A_48 = arith.constant 1 : index
    %get3A_49 = arith.constant 0 : index
    %get3A_50 = vector.load %arg3[%get3A_48, %get3A_49] : memref<26x64xf32, #tpu.memory_space<vmem>>, vector<1x64xf32>
    %mul3A_51 = vector.broadcast %get3A_50 : vector<1x64xf32> to vector<400x64xf32>
    %mul3A_52 = arith.mulf %mul3A_47, %mul3A_51 : vector<400x64xf32>
    %get3A_53 = arith.constant 1 : index
    %get3A_54 = arith.constant 0 : index
    %get3A_55 = vector.load %arg4[%get3A_53, %get3A_54] : memref<26x64xf32, #tpu.memory_space<vmem>>, vector<1x64xf32>
    %add3A_56 = vector.broadcast %get3A_55 : vector<1x64xf32> to vector<400x64xf32>
    %add3A_57 = arith.addf %mul3A_52, %add3A_56 : vector<400x64xf32>
    %slice3A_58 = vector.extract_strided_slice %get3A_1 {offsets = [0, 1], sizes = [400, 1], strides = [1, 1]} : vector<400x26xf32> to vector<400x1xf32>
    %mul3A_59 = vector.broadcast %slice3A_58 : vector<400x1xf32> to vector<400x64xf32>
    %mul3A_60 = arith.mulf %mul3A_59, %add3A_57 : vector<400x64xf32>
    %add3A_61 = arith.addf %add3A_30, %mul3A_60 : vector<400x64xf32>
    %get3A_62 = arith.constant 2 : index
    %get3A_63 = arith.constant 0 : index
    %get3A_64 = arith.constant 0 : index
    %get3A_65 = vector.load %arg1[%get3A_62, %get3A_63, %get3A_64] : memref<26x400x128xf32, #tpu.memory_space<vmem>>, vector<1x400x128xf32>
    %get3A_66 = vector.shape_cast %get3A_65 : vector<1x400x128xf32> to vector<400x128xf32>
    %slice3A_67 = vector.extract_strided_slice %get3A_66 {offsets = [0, 0], sizes = [400, 64], strides = [1, 1]} : vector<400x128xf32> to vector<400x64xf32>
    %dot_general3A_68 = arith.constant dense<0.000000e+00> : vector<400x64xf32>
    %dot_general3A_69 = tpu.matmul %slice3A_67, %get3A_4, %dot_general3A_68 {dimension_numbers = #tpu.dot_dimension_numbers<[1], [0], [0], [1], [0, 0, 1, 1], [], []>, transpose_lhs_hint = false} : vector<400x64xf32>, vector<64x64xf32>, vector<400x64xf32> -> vector<400x64xf32>
    %sub3A_70 = arith.subf %slice3A_67, %dot_general3A_69 : vector<400x64xf32>
    %mul3A_71 = arith.mulf %sub3A_70, %sub3A_70 : vector<400x64xf32>
    %dot_general3A_72 = arith.constant dense<0.000000e+00> : vector<400x64xf32>
    %dot_general3A_73 = tpu.matmul %mul3A_71, %get3A_4, %dot_general3A_72 {dimension_numbers = #tpu.dot_dimension_numbers<[1], [0], [0], [1], [0, 0, 1, 1], [], []>, transpose_lhs_hint = false} : vector<400x64xf32>, vector<64x64xf32>, vector<400x64xf32> -> vector<400x64xf32>
    %add3A_74 = arith.constant 9.99999974E-6 : f32
    %add3A_75 = vector.broadcast %add3A_74 : f32 to vector<400x64xf32>
    %add3A_76 = arith.addf %dot_general3A_73, %add3A_75 : vector<400x64xf32>
    %rsqrt3A_77 = math.rsqrt %add3A_76 : vector<400x64xf32>
    %mul3A_78 = arith.mulf %sub3A_70, %rsqrt3A_77 : vector<400x64xf32>
    %get3A_79 = arith.constant 2 : index
    %get3A_80 = arith.constant 0 : index
    %get3A_81 = vector.load %arg3[%get3A_79, %get3A_80] : memref<26x64xf32, #tpu.memory_space<vmem>>, vector<1x64xf32>
    %mul3A_82 = vector.broadcast %get3A_81 : vector<1x64xf32> to vector<400x64xf32>
    %mul3A_83 = arith.mulf %mul3A_78, %mul3A_82 : vector<400x64xf32>
    %get3A_84 = arith.constant 2 : index
    %get3A_85 = arith.constant 0 : index
    %get3A_86 = vector.load %arg4[%get3A_84, %get3A_85] : memref<26x64xf32, #tpu.memory_space<vmem>>, vector<1x64xf32>
    %add3A_87 = vector.broadcast %get3A_86 : vector<1x64xf32> to vector<400x64xf32>
    %add3A_88 = arith.addf %mul3A_83, %add3A_87 : vector<400x64xf32>
    %slice3A_89 = vector.extract_strided_slice %get3A_1 {offsets = [0, 2], sizes = [400, 1], strides = [1, 1]} : vector<400x26xf32> to vector<400x1xf32>
    %mul3A_90 = vector.broadcast %slice3A_89 : vector<400x1xf32> to vector<400x64xf32>
    %mul3A_91 = arith.mulf %mul3A_90, %add3A_88 : vector<400x64xf32>
    %add3A_92 = arith.addf %add3A_61, %mul3A_91 : vector<400x64xf32>
    %get3A_93 = arith.constant 3 : index
    %get3A_94 = arith.constant 0 : index
    %get3A_95 = arith.constant 0 : index
    %get3A_96 = vector.load %arg1[%get3A_93, %get3A_94, %get3A_95] : memref<26x400x128xf32, #tpu.memory_space<vmem>>, vector<1x400x128xf32>
    %get3A_97 = vector.shape_cast %get3A_96 : vector<1x400x128xf32> to vector<400x128xf32>
    %slice3A_98 = vector.extract_strided_slice %get3A_97 {offsets = [0, 0], sizes = [400, 64], strides = [1, 1]} : vector<400x128xf32> to vector<400x64xf32>
    %dot_general3A_99 = arith.constant dense<0.000000e+00> : vector<400x64xf32>
    %dot_general3A_100 = tpu.matmul %slice3A_98, %get3A_4, %dot_general3A_99 {dimension_numbers = #tpu.dot_dimension_numbers<[1], [0], [0], [1], [0, 0, 1, 1], [], []>, transpose_lhs_hint = false} : vector<400x64xf32>, vector<64x64xf32>, vector<400x64xf32> -> vector<400x64xf32>
    %sub3A_101 = arith.subf %slice3A_98, %dot_general3A_100 : vector<400x64xf32>
    %mul3A_102 = arith.mulf %sub3A_101, %sub3A_101 : vector<400x64xf32>
    %dot_general3A_103 = arith.constant dense<0.000000e+00> : vector<400x64xf32>
    %dot_general3A_104 = tpu.matmul %mul3A_102, %get3A_4, %dot_general3A_103 {dimension_numbers = #tpu.dot_dimension_numbers<[1], [0], [0], [1], [0, 0, 1, 1], [], []>, transpose_lhs_hint = false} : vector<400x64xf32>, vector<64x64xf32>, vector<400x64xf32> -> vector<400x64xf32>
    %add3A_105 = arith.constant 9.99999974E-6 : f32
    %add3A_106 = vector.broadcast %add3A_105 : f32 to vector<400x64xf32>
    %add3A_107 = arith.addf %dot_general3A_104, %add3A_106 : vector<400x64xf32>
    %rsqrt3A_108 = math.rsqrt %add3A_107 : vector<400x64xf32>
    %mul3A_109 = arith.mulf %sub3A_101, %rsqrt3A_108 : vector<400x64xf32>
    %get3A_110 = arith.constant 3 : index
    %get3A_111 = arith.constant 0 : index
    %get3A_112 = vector.load %arg3[%get3A_110, %get3A_111] : memref<26x64xf32, #tpu.memory_space<vmem>>, vector<1x64xf32>
    %mul3A_113 = vector.broadcast %get3A_112 : vector<1x64xf32> to vector<400x64xf32>
    %mul3A_114 = arith.mulf %mul3A_109, %mul3A_113 : vector<400x64xf32>
    %get3A_115 = arith.constant 3 : index
    %get3A_116 = arith.constant 0 : index
    %get3A_117 = vector.load %arg4[%get3A_115, %get3A_116] : memref<26x64xf32, #tpu.memory_space<vmem>>, vector<1x64xf32>
    %add3A_118 = vector.broadcast %get3A_117 : vector<1x64xf32> to vector<400x64xf32>
    %add3A_119 = arith.addf %mul3A_114, %add3A_118 : vector<400x64xf32>
    %slice3A_120 = vector.extract_strided_slice %get3A_1 {offsets = [0, 3], sizes = [400, 1], strides = [1, 1]} : vector<400x26xf32> to vector<400x1xf32>
    %mul3A_121 = vector.broadcast %slice3A_120 : vector<400x1xf32> to vector<400x64xf32>
    %mul3A_122 = arith.mulf %mul3A_121, %add3A_119 : vector<400x64xf32>
    %add3A_123 = arith.addf %add3A_92, %mul3A_122 : vector<400x64xf32>
    %get3A_124 = arith.constant 4 : index
    %get3A_125 = arith.constant 0 : index
    %get3A_126 = arith.constant 0 : index
    %get3A_127 = vector.load %arg1[%get3A_124, %get3A_125, %get3A_126] : memref<26x400x128xf32, #tpu.memory_space<vmem>>, vector<1x400x128xf32>
    %get3A_128 = vector.shape_cast %get3A_127 : vector<1x400x128xf32> to vector<400x128xf32>
    %slice3A_129 = vector.extract_strided_slice %get3A_128 {offsets = [0, 0], sizes = [400, 64], strides = [1, 1]} : vector<400x128xf32> to vector<400x64xf32>
    %dot_general3A_130 = arith.constant dense<0.000000e+00> : vector<400x64xf32>
    %dot_general3A_131 = tpu.matmul %slice3A_129, %get3A_4, %dot_general3A_130 {dimension_numbers = #tpu.dot_dimension_numbers<[1], [0], [0], [1], [0, 0, 1, 1], [], []>, transpose_lhs_hint = false} : vector<400x64xf32>, vector<64x64xf32>, vector<400x64xf32> -> vector<400x64xf32>
    %sub3A_132 = arith.subf %slice3A_129, %dot_general3A_131 : vector<400x64xf32>
    %mul3A_133 = arith.mulf %sub3A_132, %sub3A_132 : vector<400x64xf32>
    %dot_general3A_134 = arith.constant dense<0.000000e+00> : vector<400x64xf32>
    %dot_general3A_135 = tpu.matmul %mul3A_133, %get3A_4, %dot_general3A_134 {dimension_numbers = #tpu.dot_dimension_numbers<[1], [0], [0], [1], [0, 0, 1, 1], [], []>, transpose_lhs_hint = false} : vector<400x64xf32>, vector<64x64xf32>, vector<400x64xf32> -> vector<400x64xf32>
    %add3A_136 = arith.constant 9.99999974E-6 : f32
    %add3A_137 = vector.broadcast %add3A_136 : f32 to vector<400x64xf32>
    %add3A_138 = arith.addf %dot_general3A_135, %add3A_137 : vector<400x64xf32>
    %rsqrt3A_139 = math.rsqrt %add3A_138 : vector<400x64xf32>
    %mul3A_140 = arith.mulf %sub3A_132, %rsqrt3A_139 : vector<400x64xf32>
    %get3A_141 = arith.constant 4 : index
    %get3A_142 = arith.constant 0 : index
    %get3A_143 = vector.load %arg3[%get3A_141, %get3A_142] : memref<26x64xf32, #tpu.memory_space<vmem>>, vector<1x64xf32>
    %mul3A_144 = vector.broadcast %get3A_143 : vector<1x64xf32> to vector<400x64xf32>
    %mul3A_145 = arith.mulf %mul3A_140, %mul3A_144 : vector<400x64xf32>
    %get3A_146 = arith.constant 4 : index
    %get3A_147 = arith.constant 0 : index
    %get3A_148 = vector.load %arg4[%get3A_146, %get3A_147] : memref<26x64xf32, #tpu.memory_space<vmem>>, vector<1x64xf32>
    %add3A_149 = vector.broadcast %get3A_148 : vector<1x64xf32> to vector<400x64xf32>
    %add3A_150 = arith.addf %mul3A_145, %add3A_149 : vector<400x64xf32>
    %slice3A_151 = vector.extract_strided_slice %get3A_1 {offsets = [0, 4], sizes = [400, 1], strides = [1, 1]} : vector<400x26xf32> to vector<400x1xf32>
    %mul3A_152 = vector.broadcast %slice3A_151 : vector<400x1xf32> to vector<400x64xf32>
    %mul3A_153 = arith.mulf %mul3A_152, %add3A_150 : vector<400x64xf32>
    %add3A_154 = arith.addf %add3A_123, %mul3A_153 : vector<400x64xf32>
    %get3A_155 = arith.constant 5 : index
    %get3A_156 = arith.constant 0 : index
    %get3A_157 = arith.constant 0 : index
    %get3A_158 = vector.load %arg1[%get3A_155, %get3A_156, %get3A_157] : memref<26x400x128xf32, #tpu.memory_space<vmem>>, vector<1x400x128xf32>
    %get3A_159 = vector.shape_cast %get3A_158 : vector<1x400x128xf32> to vector<400x128xf32>
    %slice3A_160 = vector.extract_strided_slice %get3A_159 {offsets = [0, 0], sizes = [400, 64], strides = [1, 1]} : vector<400x128xf32> to vector<400x64xf32>
    %dot_general3A_161 = arith.constant dense<0.000000e+00> : vector<400x64xf32>
    %dot_general3A_162 = tpu.matmul %slice3A_160, %get3A_4, %dot_general3A_161 {dimension_numbers = #tpu.dot_dimension_numbers<[1], [0], [0], [1], [0, 0, 1, 1], [], []>, transpose_lhs_hint = false} : vector<400x64xf32>, vector<64x64xf32>, vector<400x64xf32> -> vector<400x64xf32>
    %sub3A_163 = arith.subf %slice3A_160, %dot_general3A_162 : vector<400x64xf32>
    %mul3A_164 = arith.mulf %sub3A_163, %sub3A_163 : vector<400x64xf32>
    %dot_general3A_165 = arith.constant dense<0.000000e+00> : vector<400x64xf32>
    %dot_general3A_166 = tpu.matmul %mul3A_164, %get3A_4, %dot_general3A_165 {dimension_numbers = #tpu.dot_dimension_numbers<[1], [0], [0], [1], [0, 0, 1, 1], [], []>, transpose_lhs_hint = false} : vector<400x64xf32>, vector<64x64xf32>, vector<400x64xf32> -> vector<400x64xf32>
    %add3A_167 = arith.constant 9.99999974E-6 : f32
    %add3A_168 = vector.broadcast %add3A_167 : f32 to vector<400x64xf32>
    %add3A_169 = arith.addf %dot_general3A_166, %add3A_168 : vector<400x64xf32>
    %rsqrt3A_170 = math.rsqrt %add3A_169 : vector<400x64xf32>
    %mul3A_171 = arith.mulf %sub3A_163, %rsqrt3A_170 : vector<400x64xf32>
    %get3A_172 = arith.constant 5 : index
    %get3A_173 = arith.constant 0 : index
    %get3A_174 = vector.load %arg3[%get3A_172, %get3A_173] : memref<26x64xf32, #tpu.memory_space<vmem>>, vector<1x64xf32>
    %mul3A_175 = vector.broadcast %get3A_174 : vector<1x64xf32> to vector<400x64xf32>
    %mul3A_176 = arith.mulf %mul3A_171, %mul3A_175 : vector<400x64xf32>
    %get3A_177 = arith.constant 5 : index
    %get3A_178 = arith.constant 0 : index
    %get3A_179 = vector.load %arg4[%get3A_177, %get3A_178] : memref<26x64xf32, #tpu.memory_space<vmem>>, vector<1x64xf32>
    %add3A_180 = vector.broadcast %get3A_179 : vector<1x64xf32> to vector<400x64xf32>
    %add3A_181 = arith.addf %mul3A_176, %add3A_180 : vector<400x64xf32>
    %slice3A_182 = vector.extract_strided_slice %get3A_1 {offsets = [0, 5], sizes = [400, 1], strides = [1, 1]} : vector<400x26xf32> to vector<400x1xf32>
    %mul3A_183 = vector.broadcast %slice3A_182 : vector<400x1xf32> to vector<400x64xf32>
    %mul3A_184 = arith.mulf %mul3A_183, %add3A_181 : vector<400x64xf32>
    %add3A_185 = arith.addf %add3A_154, %mul3A_184 : vector<400x64xf32>
    %get3A_186 = arith.constant 6 : index
    %get3A_187 = arith.constant 0 : index
    %get3A_188 = arith.constant 0 : index
    %get3A_189 = vector.load %arg1[%get3A_186, %get3A_187, %get3A_188] : memref<26x400x128xf32, #tpu.memory_space<vmem>>, vector<1x400x128xf32>
    %get3A_190 = vector.shape_cast %get3A_189 : vector<1x400x128xf32> to vector<400x128xf32>
    %slice3A_191 = vector.extract_strided_slice %get3A_190 {offsets = [0, 0], sizes = [400, 64], strides = [1, 1]} : vector<400x128xf32> to vector<400x64xf32>
    %dot_general3A_192 = arith.constant dense<0.000000e+00> : vector<400x64xf32>
    %dot_general3A_193 = tpu.matmul %slice3A_191, %get3A_4, %dot_general3A_192 {dimension_numbers = #tpu.dot_dimension_numbers<[1], [0], [0], [1], [0, 0, 1, 1], [], []>, transpose_lhs_hint = false} : vector<400x64xf32>, vector<64x64xf32>, vector<400x64xf32> -> vector<400x64xf32>
    %sub3A_194 = arith.subf %slice3A_191, %dot_general3A_193 : vector<400x64xf32>
    %mul3A_195 = arith.mulf %sub3A_194, %sub3A_194 : vector<400x64xf32>
    %dot_general3A_196 = arith.constant dense<0.000000e+00> : vector<400x64xf32>
    %dot_general3A_197 = tpu.matmul %mul3A_195, %get3A_4, %dot_general3A_196 {dimension_numbers = #tpu.dot_dimension_numbers<[1], [0], [0], [1], [0, 0, 1, 1], [], []>, transpose_lhs_hint = false} : vector<400x64xf32>, vector<64x64xf32>, vector<400x64xf32> -> vector<400x64xf32>
    %add3A_198 = arith.constant 9.99999974E-6 : f32
    %add3A_199 = vector.broadcast %add3A_198 : f32 to vector<400x64xf32>
    %add3A_200 = arith.addf %dot_general3A_197, %add3A_199 : vector<400x64xf32>
    %rsqrt3A_201 = math.rsqrt %add3A_200 : vector<400x64xf32>
    %mul3A_202 = arith.mulf %sub3A_194, %rsqrt3A_201 : vector<400x64xf32>
    %get3A_203 = arith.constant 6 : index
    %get3A_204 = arith.constant 0 : index
    %get3A_205 = vector.load %arg3[%get3A_203, %get3A_204] : memref<26x64xf32, #tpu.memory_space<vmem>>, vector<1x64xf32>
    %mul3A_206 = vector.broadcast %get3A_205 : vector<1x64xf32> to vector<400x64xf32>
    %mul3A_207 = arith.mulf %mul3A_202, %mul3A_206 : vector<400x64xf32>
    %get3A_208 = arith.constant 6 : index
    %get3A_209 = arith.constant 0 : index
    %get3A_210 = vector.load %arg4[%get3A_208, %get3A_209] : memref<26x64xf32, #tpu.memory_space<vmem>>, vector<1x64xf32>
    %add3A_211 = vector.broadcast %get3A_210 : vector<1x64xf32> to vector<400x64xf32>
    %add3A_212 = arith.addf %mul3A_207, %add3A_211 : vector<400x64xf32>
    %slice3A_213 = vector.extract_strided_slice %get3A_1 {offsets = [0, 6], sizes = [400, 1], strides = [1, 1]} : vector<400x26xf32> to vector<400x1xf32>
    %mul3A_214 = vector.broadcast %slice3A_213 : vector<400x1xf32> to vector<400x64xf32>
    %mul3A_215 = arith.mulf %mul3A_214, %add3A_212 : vector<400x64xf32>
    %add3A_216 = arith.addf %add3A_185, %mul3A_215 : vector<400x64xf32>
    %get3A_217 = arith.constant 7 : index
    %get3A_218 = arith.constant 0 : index
    %get3A_219 = arith.constant 0 : index
    %get3A_220 = vector.load %arg1[%get3A_217, %get3A_218, %get3A_219] : memref<26x400x128xf32, #tpu.memory_space<vmem>>, vector<1x400x128xf32>
    %get3A_221 = vector.shape_cast %get3A_220 : vector<1x400x128xf32> to vector<400x128xf32>
    %slice3A_222 = vector.extract_strided_slice %get3A_221 {offsets = [0, 0], sizes = [400, 64], strides = [1, 1]} : vector<400x128xf32> to vector<400x64xf32>
    %dot_general3A_223 = arith.constant dense<0.000000e+00> : vector<400x64xf32>
    %dot_general3A_224 = tpu.matmul %slice3A_222, %get3A_4, %dot_general3A_223 {dimension_numbers = #tpu.dot_dimension_numbers<[1], [0], [0], [1], [0, 0, 1, 1], [], []>, transpose_lhs_hint = false} : vector<400x64xf32>, vector<64x64xf32>, vector<400x64xf32> -> vector<400x64xf32>
    %sub3A_225 = arith.subf %slice3A_222, %dot_general3A_224 : vector<400x64xf32>
    %mul3A_226 = arith.mulf %sub3A_225, %sub3A_225 : vector<400x64xf32>
    %dot_general3A_227 = arith.constant dense<0.000000e+00> : vector<400x64xf32>
    %dot_general3A_228 = tpu.matmul %mul3A_226, %get3A_4, %dot_general3A_227 {dimension_numbers = #tpu.dot_dimension_numbers<[1], [0], [0], [1], [0, 0, 1, 1], [], []>, transpose_lhs_hint = false} : vector<400x64xf32>, vector<64x64xf32>, vector<400x64xf32> -> vector<400x64xf32>
    %add3A_229 = arith.constant 9.99999974E-6 : f32
    %add3A_230 = vector.broadcast %add3A_229 : f32 to vector<400x64xf32>
    %add3A_231 = arith.addf %dot_general3A_228, %add3A_230 : vector<400x64xf32>
    %rsqrt3A_232 = math.rsqrt %add3A_231 : vector<400x64xf32>
    %mul3A_233 = arith.mulf %sub3A_225, %rsqrt3A_232 : vector<400x64xf32>
    %get3A_234 = arith.constant 7 : index
    %get3A_235 = arith.constant 0 : index
    %get3A_236 = vector.load %arg3[%get3A_234, %get3A_235] : memref<26x64xf32, #tpu.memory_space<vmem>>, vector<1x64xf32>
    %mul3A_237 = vector.broadcast %get3A_236 : vector<1x64xf32> to vector<400x64xf32>
    %mul3A_238 = arith.mulf %mul3A_233, %mul3A_237 : vector<400x64xf32>
    %get3A_239 = arith.constant 7 : index
    %get3A_240 = arith.constant 0 : index
    %get3A_241 = vector.load %arg4[%get3A_239, %get3A_240] : memref<26x64xf32, #tpu.memory_space<vmem>>, vector<1x64xf32>
    %add3A_242 = vector.broadcast %get3A_241 : vector<1x64xf32> to vector<400x64xf32>
    %add3A_243 = arith.addf %mul3A_238, %add3A_242 : vector<400x64xf32>
    %slice3A_244 = vector.extract_strided_slice %get3A_1 {offsets = [0, 7], sizes = [400, 1], strides = [1, 1]} : vector<400x26xf32> to vector<400x1xf32>
    %mul3A_245 = vector.broadcast %slice3A_244 : vector<400x1xf32> to vector<400x64xf32>
    %mul3A_246 = arith.mulf %mul3A_245, %add3A_243 : vector<400x64xf32>
    %add3A_247 = arith.addf %add3A_216, %mul3A_246 : vector<400x64xf32>
    %get3A_248 = arith.constant 8 : index
    %get3A_249 = arith.constant 0 : index
    %get3A_250 = arith.constant 0 : index
    %get3A_251 = vector.load %arg1[%get3A_248, %get3A_249, %get3A_250] : memref<26x400x128xf32, #tpu.memory_space<vmem>>, vector<1x400x128xf32>
    %get3A_252 = vector.shape_cast %get3A_251 : vector<1x400x128xf32> to vector<400x128xf32>
    %slice3A_253 = vector.extract_strided_slice %get3A_252 {offsets = [0, 0], sizes = [400, 64], strides = [1, 1]} : vector<400x128xf32> to vector<400x64xf32>
    %dot_general3A_254 = arith.constant dense<0.000000e+00> : vector<400x64xf32>
    %dot_general3A_255 = tpu.matmul %slice3A_253, %get3A_4, %dot_general3A_254 {dimension_numbers = #tpu.dot_dimension_numbers<[1], [0], [0], [1], [0, 0, 1, 1], [], []>, transpose_lhs_hint = false} : vector<400x64xf32>, vector<64x64xf32>, vector<400x64xf32> -> vector<400x64xf32>
    %sub3A_256 = arith.subf %slice3A_253, %dot_general3A_255 : vector<400x64xf32>
    %mul3A_257 = arith.mulf %sub3A_256, %sub3A_256 : vector<400x64xf32>
    %dot_general3A_258 = arith.constant dense<0.000000e+00> : vector<400x64xf32>
    %dot_general3A_259 = tpu.matmul %mul3A_257, %get3A_4, %dot_general3A_258 {dimension_numbers = #tpu.dot_dimension_numbers<[1], [0], [0], [1], [0, 0, 1, 1], [], []>, transpose_lhs_hint = false} : vector<400x64xf32>, vector<64x64xf32>, vector<400x64xf32> -> vector<400x64xf32>
    %add3A_260 = arith.constant 9.99999974E-6 : f32
    %add3A_261 = vector.broadcast %add3A_260 : f32 to vector<400x64xf32>
    %add3A_262 = arith.addf %dot_general3A_259, %add3A_261 : vector<400x64xf32>
    %rsqrt3A_263 = math.rsqrt %add3A_262 : vector<400x64xf32>
    %mul3A_264 = arith.mulf %sub3A_256, %rsqrt3A_263 : vector<400x64xf32>
    %get3A_265 = arith.constant 8 : index
    %get3A_266 = arith.constant 0 : index
    %get3A_267 = vector.load %arg3[%get3A_265, %get3A_266] : memref<26x64xf32, #tpu.memory_space<vmem>>, vector<1x64xf32>
    %mul3A_268 = vector.broadcast %get3A_267 : vector<1x64xf32> to vector<400x64xf32>
    %mul3A_269 = arith.mulf %mul3A_264, %mul3A_268 : vector<400x64xf32>
    %get3A_270 = arith.constant 8 : index
    %get3A_271 = arith.constant 0 : index
    %get3A_272 = vector.load %arg4[%get3A_270, %get3A_271] : memref<26x64xf32, #tpu.memory_space<vmem>>, vector<1x64xf32>
    %add3A_273 = vector.broadcast %get3A_272 : vector<1x64xf32> to vector<400x64xf32>
    %add3A_274 = arith.addf %mul3A_269, %add3A_273 : vector<400x64xf32>
    %slice3A_275 = vector.extract_strided_slice %get3A_1 {offsets = [0, 8], sizes = [400, 1], strides = [1, 1]} : vector<400x26xf32> to vector<400x1xf32>
    %mul3A_276 = vector.broadcast %slice3A_275 : vector<400x1xf32> to vector<400x64xf32>
    %mul3A_277 = arith.mulf %mul3A_276, %add3A_274 : vector<400x64xf32>
    %add3A_278 = arith.addf %add3A_247, %mul3A_277 : vector<400x64xf32>
    %get3A_279 = arith.constant 9 : index
    %get3A_280 = arith.constant 0 : index
    %get3A_281 = arith.constant 0 : index
    %get3A_282 = vector.load %arg1[%get3A_279, %get3A_280, %get3A_281] : memref<26x400x128xf32, #tpu.memory_space<vmem>>, vector<1x400x128xf32>
    %get3A_283 = vector.shape_cast %get3A_282 : vector<1x400x128xf32> to vector<400x128xf32>
    %slice3A_284 = vector.extract_strided_slice %get3A_283 {offsets = [0, 0], sizes = [400, 64], strides = [1, 1]} : vector<400x128xf32> to vector<400x64xf32>
    %dot_general3A_285 = arith.constant dense<0.000000e+00> : vector<400x64xf32>
    %dot_general3A_286 = tpu.matmul %slice3A_284, %get3A_4, %dot_general3A_285 {dimension_numbers = #tpu.dot_dimension_numbers<[1], [0], [0], [1], [0, 0, 1, 1], [], []>, transpose_lhs_hint = false} : vector<400x64xf32>, vector<64x64xf32>, vector<400x64xf32> -> vector<400x64xf32>
    %sub3A_287 = arith.subf %slice3A_284, %dot_general3A_286 : vector<400x64xf32>
    %mul3A_288 = arith.mulf %sub3A_287, %sub3A_287 : vector<400x64xf32>
    %dot_general3A_289 = arith.constant dense<0.000000e+00> : vector<400x64xf32>
    %dot_general3A_290 = tpu.matmul %mul3A_288, %get3A_4, %dot_general3A_289 {dimension_numbers = #tpu.dot_dimension_numbers<[1], [0], [0], [1], [0, 0, 1, 1], [], []>, transpose_lhs_hint = false} : vector<400x64xf32>, vector<64x64xf32>, vector<400x64xf32> -> vector<400x64xf32>
    %add3A_291 = arith.constant 9.99999974E-6 : f32
    %add3A_292 = vector.broadcast %add3A_291 : f32 to vector<400x64xf32>
    %add3A_293 = arith.addf %dot_general3A_290, %add3A_292 : vector<400x64xf32>
    %rsqrt3A_294 = math.rsqrt %add3A_293 : vector<400x64xf32>
    %mul3A_295 = arith.mulf %sub3A_287, %rsqrt3A_294 : vector<400x64xf32>
    %get3A_296 = arith.constant 9 : index
    %get3A_297 = arith.constant 0 : index
    %get3A_298 = vector.load %arg3[%get3A_296, %get3A_297] : memref<26x64xf32, #tpu.memory_space<vmem>>, vector<1x64xf32>
    %mul3A_299 = vector.broadcast %get3A_298 : vector<1x64xf32> to vector<400x64xf32>
    %mul3A_300 = arith.mulf %mul3A_295, %mul3A_299 : vector<400x64xf32>
    %get3A_301 = arith.constant 9 : index
    %get3A_302 = arith.constant 0 : index
    %get3A_303 = vector.load %arg4[%get3A_301, %get3A_302] : memref<26x64xf32, #tpu.memory_space<vmem>>, vector<1x64xf32>
    %add3A_304 = vector.broadcast %get3A_303 : vector<1x64xf32> to vector<400x64xf32>
    %add3A_305 = arith.addf %mul3A_300, %add3A_304 : vector<400x64xf32>
    %slice3A_306 = vector.extract_strided_slice %get3A_1 {offsets = [0, 9], sizes = [400, 1], strides = [1, 1]} : vector<400x26xf32> to vector<400x1xf32>
    %mul3A_307 = vector.broadcast %slice3A_306 : vector<400x1xf32> to vector<400x64xf32>
    %mul3A_308 = arith.mulf %mul3A_307, %add3A_305 : vector<400x64xf32>
    %add3A_309 = arith.addf %add3A_278, %mul3A_308 : vector<400x64xf32>
    %get3A_310 = arith.constant 10 : index
    %get3A_311 = arith.constant 0 : index
    %get3A_312 = arith.constant 0 : index
    %get3A_313 = vector.load %arg1[%get3A_310, %get3A_311, %get3A_312] : memref<26x400x128xf32, #tpu.memory_space<vmem>>, vector<1x400x128xf32>
    %get3A_314 = vector.shape_cast %get3A_313 : vector<1x400x128xf32> to vector<400x128xf32>
    %slice3A_315 = vector.extract_strided_slice %get3A_314 {offsets = [0, 0], sizes = [400, 64], strides = [1, 1]} : vector<400x128xf32> to vector<400x64xf32>
    %dot_general3A_316 = arith.constant dense<0.000000e+00> : vector<400x64xf32>
    %dot_general3A_317 = tpu.matmul %slice3A_315, %get3A_4, %dot_general3A_316 {dimension_numbers = #tpu.dot_dimension_numbers<[1], [0], [0], [1], [0, 0, 1, 1], [], []>, transpose_lhs_hint = false} : vector<400x64xf32>, vector<64x64xf32>, vector<400x64xf32> -> vector<400x64xf32>
    %sub3A_318 = arith.subf %slice3A_315, %dot_general3A_317 : vector<400x64xf32>
    %mul3A_319 = arith.mulf %sub3A_318, %sub3A_318 : vector<400x64xf32>
    %dot_general3A_320 = arith.constant dense<0.000000e+00> : vector<400x64xf32>
    %dot_general3A_321 = tpu.matmul %mul3A_319, %get3A_4, %dot_general3A_320 {dimension_numbers = #tpu.dot_dimension_numbers<[1], [0], [0], [1], [0, 0, 1, 1], [], []>, transpose_lhs_hint = false} : vector<400x64xf32>, vector<64x64xf32>, vector<400x64xf32> -> vector<400x64xf32>
    %add3A_322 = arith.constant 9.99999974E-6 : f32
    %add3A_323 = vector.broadcast %add3A_322 : f32 to vector<400x64xf32>
    %add3A_324 = arith.addf %dot_general3A_321, %add3A_323 : vector<400x64xf32>
    %rsqrt3A_325 = math.rsqrt %add3A_324 : vector<400x64xf32>
    %mul3A_326 = arith.mulf %sub3A_318, %rsqrt3A_325 : vector<400x64xf32>
    %get3A_327 = arith.constant 10 : index
    %get3A_328 = arith.constant 0 : index
    %get3A_329 = vector.load %arg3[%get3A_327, %get3A_328] : memref<26x64xf32, #tpu.memory_space<vmem>>, vector<1x64xf32>
    %mul3A_330 = vector.broadcast %get3A_329 : vector<1x64xf32> to vector<400x64xf32>
    %mul3A_331 = arith.mulf %mul3A_326, %mul3A_330 : vector<400x64xf32>
    %get3A_332 = arith.constant 10 : index
    %get3A_333 = arith.constant 0 : index
    %get3A_334 = vector.load %arg4[%get3A_332, %get3A_333] : memref<26x64xf32, #tpu.memory_space<vmem>>, vector<1x64xf32>
    %add3A_335 = vector.broadcast %get3A_334 : vector<1x64xf32> to vector<400x64xf32>
    %add3A_336 = arith.addf %mul3A_331, %add3A_335 : vector<400x64xf32>
    %slice3A_337 = vector.extract_strided_slice %get3A_1 {offsets = [0, 10], sizes = [400, 1], strides = [1, 1]} : vector<400x26xf32> to vector<400x1xf32>
    %mul3A_338 = vector.broadcast %slice3A_337 : vector<400x1xf32> to vector<400x64xf32>
    %mul3A_339 = arith.mulf %mul3A_338, %add3A_336 : vector<400x64xf32>
    %add3A_340 = arith.addf %add3A_309, %mul3A_339 : vector<400x64xf32>
    %get3A_341 = arith.constant 11 : index
    %get3A_342 = arith.constant 0 : index
    %get3A_343 = arith.constant 0 : index
    %get3A_344 = vector.load %arg1[%get3A_341, %get3A_342, %get3A_343] : memref<26x400x128xf32, #tpu.memory_space<vmem>>, vector<1x400x128xf32>
    %get3A_345 = vector.shape_cast %get3A_344 : vector<1x400x128xf32> to vector<400x128xf32>
    %slice3A_346 = vector.extract_strided_slice %get3A_345 {offsets = [0, 0], sizes = [400, 64], strides = [1, 1]} : vector<400x128xf32> to vector<400x64xf32>
    %dot_general3A_347 = arith.constant dense<0.000000e+00> : vector<400x64xf32>
    %dot_general3A_348 = tpu.matmul %slice3A_346, %get3A_4, %dot_general3A_347 {dimension_numbers = #tpu.dot_dimension_numbers<[1], [0], [0], [1], [0, 0, 1, 1], [], []>, transpose_lhs_hint = false} : vector<400x64xf32>, vector<64x64xf32>, vector<400x64xf32> -> vector<400x64xf32>
    %sub3A_349 = arith.subf %slice3A_346, %dot_general3A_348 : vector<400x64xf32>
    %mul3A_350 = arith.mulf %sub3A_349, %sub3A_349 : vector<400x64xf32>
    %dot_general3A_351 = arith.constant dense<0.000000e+00> : vector<400x64xf32>
    %dot_general3A_352 = tpu.matmul %mul3A_350, %get3A_4, %dot_general3A_351 {dimension_numbers = #tpu.dot_dimension_numbers<[1], [0], [0], [1], [0, 0, 1, 1], [], []>, transpose_lhs_hint = false} : vector<400x64xf32>, vector<64x64xf32>, vector<400x64xf32> -> vector<400x64xf32>
    %add3A_353 = arith.constant 9.99999974E-6 : f32
    %add3A_354 = vector.broadcast %add3A_353 : f32 to vector<400x64xf32>
    %add3A_355 = arith.addf %dot_general3A_352, %add3A_354 : vector<400x64xf32>
    %rsqrt3A_356 = math.rsqrt %add3A_355 : vector<400x64xf32>
    %mul3A_357 = arith.mulf %sub3A_349, %rsqrt3A_356 : vector<400x64xf32>
    %get3A_358 = arith.constant 11 : index
    %get3A_359 = arith.constant 0 : index
    %get3A_360 = vector.load %arg3[%get3A_358, %get3A_359] : memref<26x64xf32, #tpu.memory_space<vmem>>, vector<1x64xf32>
    %mul3A_361 = vector.broadcast %get3A_360 : vector<1x64xf32> to vector<400x64xf32>
    %mul3A_362 = arith.mulf %mul3A_357, %mul3A_361 : vector<400x64xf32>
    %get3A_363 = arith.constant 11 : index
    %get3A_364 = arith.constant 0 : index
    %get3A_365 = vector.load %arg4[%get3A_363, %get3A_364] : memref<26x64xf32, #tpu.memory_space<vmem>>, vector<1x64xf32>
    %add3A_366 = vector.broadcast %get3A_365 : vector<1x64xf32> to vector<400x64xf32>
    %add3A_367 = arith.addf %mul3A_362, %add3A_366 : vector<400x64xf32>
    %slice3A_368 = vector.extract_strided_slice %get3A_1 {offsets = [0, 11], sizes = [400, 1], strides = [1, 1]} : vector<400x26xf32> to vector<400x1xf32>
    %mul3A_369 = vector.broadcast %slice3A_368 : vector<400x1xf32> to vector<400x64xf32>
    %mul3A_370 = arith.mulf %mul3A_369, %add3A_367 : vector<400x64xf32>
    %add3A_371 = arith.addf %add3A_340, %mul3A_370 : vector<400x64xf32>
    %get3A_372 = arith.constant 12 : index
    %get3A_373 = arith.constant 0 : index
    %get3A_374 = arith.constant 0 : index
    %get3A_375 = vector.load %arg1[%get3A_372, %get3A_373, %get3A_374] : memref<26x400x128xf32, #tpu.memory_space<vmem>>, vector<1x400x128xf32>
    %get3A_376 = vector.shape_cast %get3A_375 : vector<1x400x128xf32> to vector<400x128xf32>
    %slice3A_377 = vector.extract_strided_slice %get3A_376 {offsets = [0, 0], sizes = [400, 64], strides = [1, 1]} : vector<400x128xf32> to vector<400x64xf32>
    %dot_general3A_378 = arith.constant dense<0.000000e+00> : vector<400x64xf32>
    %dot_general3A_379 = tpu.matmul %slice3A_377, %get3A_4, %dot_general3A_378 {dimension_numbers = #tpu.dot_dimension_numbers<[1], [0], [0], [1], [0, 0, 1, 1], [], []>, transpose_lhs_hint = false} : vector<400x64xf32>, vector<64x64xf32>, vector<400x64xf32> -> vector<400x64xf32>
    %sub3A_380 = arith.subf %slice3A_377, %dot_general3A_379 : vector<400x64xf32>
    %mul3A_381 = arith.mulf %sub3A_380, %sub3A_380 : vector<400x64xf32>
    %dot_general3A_382 = arith.constant dense<0.000000e+00> : vector<400x64xf32>
    %dot_general3A_383 = tpu.matmul %mul3A_381, %get3A_4, %dot_general3A_382 {dimension_numbers = #tpu.dot_dimension_numbers<[1], [0], [0], [1], [0, 0, 1, 1], [], []>, transpose_lhs_hint = false} : vector<400x64xf32>, vector<64x64xf32>, vector<400x64xf32> -> vector<400x64xf32>
    %add3A_384 = arith.constant 9.99999974E-6 : f32
    %add3A_385 = vector.broadcast %add3A_384 : f32 to vector<400x64xf32>
    %add3A_386 = arith.addf %dot_general3A_383, %add3A_385 : vector<400x64xf32>
    %rsqrt3A_387 = math.rsqrt %add3A_386 : vector<400x64xf32>
    %mul3A_388 = arith.mulf %sub3A_380, %rsqrt3A_387 : vector<400x64xf32>
    %get3A_389 = arith.constant 12 : index
    %get3A_390 = arith.constant 0 : index
    %get3A_391 = vector.load %arg3[%get3A_389, %get3A_390] : memref<26x64xf32, #tpu.memory_space<vmem>>, vector<1x64xf32>
    %mul3A_392 = vector.broadcast %get3A_391 : vector<1x64xf32> to vector<400x64xf32>
    %mul3A_393 = arith.mulf %mul3A_388, %mul3A_392 : vector<400x64xf32>
    %get3A_394 = arith.constant 12 : index
    %get3A_395 = arith.constant 0 : index
    %get3A_396 = vector.load %arg4[%get3A_394, %get3A_395] : memref<26x64xf32, #tpu.memory_space<vmem>>, vector<1x64xf32>
    %add3A_397 = vector.broadcast %get3A_396 : vector<1x64xf32> to vector<400x64xf32>
    %add3A_398 = arith.addf %mul3A_393, %add3A_397 : vector<400x64xf32>
    %slice3A_399 = vector.extract_strided_slice %get3A_1 {offsets = [0, 12], sizes = [400, 1], strides = [1, 1]} : vector<400x26xf32> to vector<400x1xf32>
    %mul3A_400 = vector.broadcast %slice3A_399 : vector<400x1xf32> to vector<400x64xf32>
    %mul3A_401 = arith.mulf %mul3A_400, %add3A_398 : vector<400x64xf32>
    %add3A_402 = arith.addf %add3A_371, %mul3A_401 : vector<400x64xf32>
    %get3A_403 = arith.constant 13 : index
    %get3A_404 = arith.constant 0 : index
    %get3A_405 = arith.constant 0 : index
    %get3A_406 = vector.load %arg1[%get3A_403, %get3A_404, %get3A_405] : memref<26x400x128xf32, #tpu.memory_space<vmem>>, vector<1x400x128xf32>
    %get3A_407 = vector.shape_cast %get3A_406 : vector<1x400x128xf32> to vector<400x128xf32>
    %slice3A_408 = vector.extract_strided_slice %get3A_407 {offsets = [0, 0], sizes = [400, 64], strides = [1, 1]} : vector<400x128xf32> to vector<400x64xf32>
    %dot_general3A_409 = arith.constant dense<0.000000e+00> : vector<400x64xf32>
    %dot_general3A_410 = tpu.matmul %slice3A_408, %get3A_4, %dot_general3A_409 {dimension_numbers = #tpu.dot_dimension_numbers<[1], [0], [0], [1], [0, 0, 1, 1], [], []>, transpose_lhs_hint = false} : vector<400x64xf32>, vector<64x64xf32>, vector<400x64xf32> -> vector<400x64xf32>
    %sub3A_411 = arith.subf %slice3A_408, %dot_general3A_410 : vector<400x64xf32>
    %mul3A_412 = arith.mulf %sub3A_411, %sub3A_411 : vector<400x64xf32>
    %dot_general3A_413 = arith.constant dense<0.000000e+00> : vector<400x64xf32>
    %dot_general3A_414 = tpu.matmul %mul3A_412, %get3A_4, %dot_general3A_413 {dimension_numbers = #tpu.dot_dimension_numbers<[1], [0], [0], [1], [0, 0, 1, 1], [], []>, transpose_lhs_hint = false} : vector<400x64xf32>, vector<64x64xf32>, vector<400x64xf32> -> vector<400x64xf32>
    %add3A_415 = arith.constant 9.99999974E-6 : f32
    %add3A_416 = vector.broadcast %add3A_415 : f32 to vector<400x64xf32>
    %add3A_417 = arith.addf %dot_general3A_414, %add3A_416 : vector<400x64xf32>
    %rsqrt3A_418 = math.rsqrt %add3A_417 : vector<400x64xf32>
    %mul3A_419 = arith.mulf %sub3A_411, %rsqrt3A_418 : vector<400x64xf32>
    %get3A_420 = arith.constant 13 : index
    %get3A_421 = arith.constant 0 : index
    %get3A_422 = vector.load %arg3[%get3A_420, %get3A_421] : memref<26x64xf32, #tpu.memory_space<vmem>>, vector<1x64xf32>
    %mul3A_423 = vector.broadcast %get3A_422 : vector<1x64xf32> to vector<400x64xf32>
    %mul3A_424 = arith.mulf %mul3A_419, %mul3A_423 : vector<400x64xf32>
    %get3A_425 = arith.constant 13 : index
    %get3A_426 = arith.constant 0 : index
    %get3A_427 = vector.load %arg4[%get3A_425, %get3A_426] : memref<26x64xf32, #tpu.memory_space<vmem>>, vector<1x64xf32>
    %add3A_428 = vector.broadcast %get3A_427 : vector<1x64xf32> to vector<400x64xf32>
    %add3A_429 = arith.addf %mul3A_424, %add3A_428 : vector<400x64xf32>
    %slice3A_430 = vector.extract_strided_slice %get3A_1 {offsets = [0, 13], sizes = [400, 1], strides = [1, 1]} : vector<400x26xf32> to vector<400x1xf32>
    %mul3A_431 = vector.broadcast %slice3A_430 : vector<400x1xf32> to vector<400x64xf32>
    %mul3A_432 = arith.mulf %mul3A_431, %add3A_429 : vector<400x64xf32>
    %add3A_433 = arith.addf %add3A_402, %mul3A_432 : vector<400x64xf32>
    %get3A_434 = arith.constant 14 : index
    %get3A_435 = arith.constant 0 : index
    %get3A_436 = arith.constant 0 : index
    %get3A_437 = vector.load %arg1[%get3A_434, %get3A_435, %get3A_436] : memref<26x400x128xf32, #tpu.memory_space<vmem>>, vector<1x400x128xf32>
    %get3A_438 = vector.shape_cast %get3A_437 : vector<1x400x128xf32> to vector<400x128xf32>
    %slice3A_439 = vector.extract_strided_slice %get3A_438 {offsets = [0, 0], sizes = [400, 64], strides = [1, 1]} : vector<400x128xf32> to vector<400x64xf32>
    %dot_general3A_440 = arith.constant dense<0.000000e+00> : vector<400x64xf32>
    %dot_general3A_441 = tpu.matmul %slice3A_439, %get3A_4, %dot_general3A_440 {dimension_numbers = #tpu.dot_dimension_numbers<[1], [0], [0], [1], [0, 0, 1, 1], [], []>, transpose_lhs_hint = false} : vector<400x64xf32>, vector<64x64xf32>, vector<400x64xf32> -> vector<400x64xf32>
    %sub3A_442 = arith.subf %slice3A_439, %dot_general3A_441 : vector<400x64xf32>
    %mul3A_443 = arith.mulf %sub3A_442, %sub3A_442 : vector<400x64xf32>
    %dot_general3A_444 = arith.constant dense<0.000000e+00> : vector<400x64xf32>
    %dot_general3A_445 = tpu.matmul %mul3A_443, %get3A_4, %dot_general3A_444 {dimension_numbers = #tpu.dot_dimension_numbers<[1], [0], [0], [1], [0, 0, 1, 1], [], []>, transpose_lhs_hint = false} : vector<400x64xf32>, vector<64x64xf32>, vector<400x64xf32> -> vector<400x64xf32>
    %add3A_446 = arith.constant 9.99999974E-6 : f32
    %add3A_447 = vector.broadcast %add3A_446 : f32 to vector<400x64xf32>
    %add3A_448 = arith.addf %dot_general3A_445, %add3A_447 : vector<400x64xf32>
    %rsqrt3A_449 = math.rsqrt %add3A_448 : vector<400x64xf32>
    %mul3A_450 = arith.mulf %sub3A_442, %rsqrt3A_449 : vector<400x64xf32>
    %get3A_451 = arith.constant 14 : index
    %get3A_452 = arith.constant 0 : index
    %get3A_453 = vector.load %arg3[%get3A_451, %get3A_452] : memref<26x64xf32, #tpu.memory_space<vmem>>, vector<1x64xf32>
    %mul3A_454 = vector.broadcast %get3A_453 : vector<1x64xf32> to vector<400x64xf32>
    %mul3A_455 = arith.mulf %mul3A_450, %mul3A_454 : vector<400x64xf32>
    %get3A_456 = arith.constant 14 : index
    %get3A_457 = arith.constant 0 : index
    %get3A_458 = vector.load %arg4[%get3A_456, %get3A_457] : memref<26x64xf32, #tpu.memory_space<vmem>>, vector<1x64xf32>
    %add3A_459 = vector.broadcast %get3A_458 : vector<1x64xf32> to vector<400x64xf32>
    %add3A_460 = arith.addf %mul3A_455, %add3A_459 : vector<400x64xf32>
    %slice3A_461 = vector.extract_strided_slice %get3A_1 {offsets = [0, 14], sizes = [400, 1], strides = [1, 1]} : vector<400x26xf32> to vector<400x1xf32>
    %mul3A_462 = vector.broadcast %slice3A_461 : vector<400x1xf32> to vector<400x64xf32>
    %mul3A_463 = arith.mulf %mul3A_462, %add3A_460 : vector<400x64xf32>
    %add3A_464 = arith.addf %add3A_433, %mul3A_463 : vector<400x64xf32>
    %get3A_465 = arith.constant 15 : index
    %get3A_466 = arith.constant 0 : index
    %get3A_467 = arith.constant 0 : index
    %get3A_468 = vector.load %arg1[%get3A_465, %get3A_466, %get3A_467] : memref<26x400x128xf32, #tpu.memory_space<vmem>>, vector<1x400x128xf32>
    %get3A_469 = vector.shape_cast %get3A_468 : vector<1x400x128xf32> to vector<400x128xf32>
    %slice3A_470 = vector.extract_strided_slice %get3A_469 {offsets = [0, 0], sizes = [400, 64], strides = [1, 1]} : vector<400x128xf32> to vector<400x64xf32>
    %dot_general3A_471 = arith.constant dense<0.000000e+00> : vector<400x64xf32>
    %dot_general3A_472 = tpu.matmul %slice3A_470, %get3A_4, %dot_general3A_471 {dimension_numbers = #tpu.dot_dimension_numbers<[1], [0], [0], [1], [0, 0, 1, 1], [], []>, transpose_lhs_hint = false} : vector<400x64xf32>, vector<64x64xf32>, vector<400x64xf32> -> vector<400x64xf32>
    %sub3A_473 = arith.subf %slice3A_470, %dot_general3A_472 : vector<400x64xf32>
    %mul3A_474 = arith.mulf %sub3A_473, %sub3A_473 : vector<400x64xf32>
    %dot_general3A_475 = arith.constant dense<0.000000e+00> : vector<400x64xf32>
    %dot_general3A_476 = tpu.matmul %mul3A_474, %get3A_4, %dot_general3A_475 {dimension_numbers = #tpu.dot_dimension_numbers<[1], [0], [0], [1], [0, 0, 1, 1], [], []>, transpose_lhs_hint = false} : vector<400x64xf32>, vector<64x64xf32>, vector<400x64xf32> -> vector<400x64xf32>
    %add3A_477 = arith.constant 9.99999974E-6 : f32
    %add3A_478 = vector.broadcast %add3A_477 : f32 to vector<400x64xf32>
    %add3A_479 = arith.addf %dot_general3A_476, %add3A_478 : vector<400x64xf32>
    %rsqrt3A_480 = math.rsqrt %add3A_479 : vector<400x64xf32>
    %mul3A_481 = arith.mulf %sub3A_473, %rsqrt3A_480 : vector<400x64xf32>
    %get3A_482 = arith.constant 15 : index
    %get3A_483 = arith.constant 0 : index
    %get3A_484 = vector.load %arg3[%get3A_482, %get3A_483] : memref<26x64xf32, #tpu.memory_space<vmem>>, vector<1x64xf32>
    %mul3A_485 = vector.broadcast %get3A_484 : vector<1x64xf32> to vector<400x64xf32>
    %mul3A_486 = arith.mulf %mul3A_481, %mul3A_485 : vector<400x64xf32>
    %get3A_487 = arith.constant 15 : index
    %get3A_488 = arith.constant 0 : index
    %get3A_489 = vector.load %arg4[%get3A_487, %get3A_488] : memref<26x64xf32, #tpu.memory_space<vmem>>, vector<1x64xf32>
    %add3A_490 = vector.broadcast %get3A_489 : vector<1x64xf32> to vector<400x64xf32>
    %add3A_491 = arith.addf %mul3A_486, %add3A_490 : vector<400x64xf32>
    %slice3A_492 = vector.extract_strided_slice %get3A_1 {offsets = [0, 15], sizes = [400, 1], strides = [1, 1]} : vector<400x26xf32> to vector<400x1xf32>
    %mul3A_493 = vector.broadcast %slice3A_492 : vector<400x1xf32> to vector<400x64xf32>
    %mul3A_494 = arith.mulf %mul3A_493, %add3A_491 : vector<400x64xf32>
    %add3A_495 = arith.addf %add3A_464, %mul3A_494 : vector<400x64xf32>
    %get3A_496 = arith.constant 16 : index
    %get3A_497 = arith.constant 0 : index
    %get3A_498 = arith.constant 0 : index
    %get3A_499 = vector.load %arg1[%get3A_496, %get3A_497, %get3A_498] : memref<26x400x128xf32, #tpu.memory_space<vmem>>, vector<1x400x128xf32>
    %get3A_500 = vector.shape_cast %get3A_499 : vector<1x400x128xf32> to vector<400x128xf32>
    %slice3A_501 = vector.extract_strided_slice %get3A_500 {offsets = [0, 0], sizes = [400, 64], strides = [1, 1]} : vector<400x128xf32> to vector<400x64xf32>
    %dot_general3A_502 = arith.constant dense<0.000000e+00> : vector<400x64xf32>
    %dot_general3A_503 = tpu.matmul %slice3A_501, %get3A_4, %dot_general3A_502 {dimension_numbers = #tpu.dot_dimension_numbers<[1], [0], [0], [1], [0, 0, 1, 1], [], []>, transpose_lhs_hint = false} : vector<400x64xf32>, vector<64x64xf32>, vector<400x64xf32> -> vector<400x64xf32>
    %sub3A_504 = arith.subf %slice3A_501, %dot_general3A_503 : vector<400x64xf32>
    %mul3A_505 = arith.mulf %sub3A_504, %sub3A_504 : vector<400x64xf32>
    %dot_general3A_506 = arith.constant dense<0.000000e+00> : vector<400x64xf32>
    %dot_general3A_507 = tpu.matmul %mul3A_505, %get3A_4, %dot_general3A_506 {dimension_numbers = #tpu.dot_dimension_numbers<[1], [0], [0], [1], [0, 0, 1, 1], [], []>, transpose_lhs_hint = false} : vector<400x64xf32>, vector<64x64xf32>, vector<400x64xf32> -> vector<400x64xf32>
    %add3A_508 = arith.constant 9.99999974E-6 : f32
    %add3A_509 = vector.broadcast %add3A_508 : f32 to vector<400x64xf32>
    %add3A_510 = arith.addf %dot_general3A_507, %add3A_509 : vector<400x64xf32>
    %rsqrt3A_511 = math.rsqrt %add3A_510 : vector<400x64xf32>
    %mul3A_512 = arith.mulf %sub3A_504, %rsqrt3A_511 : vector<400x64xf32>
    %get3A_513 = arith.constant 16 : index
    %get3A_514 = arith.constant 0 : index
    %get3A_515 = vector.load %arg3[%get3A_513, %get3A_514] : memref<26x64xf32, #tpu.memory_space<vmem>>, vector<1x64xf32>
    %mul3A_516 = vector.broadcast %get3A_515 : vector<1x64xf32> to vector<400x64xf32>
    %mul3A_517 = arith.mulf %mul3A_512, %mul3A_516 : vector<400x64xf32>
    %get3A_518 = arith.constant 16 : index
    %get3A_519 = arith.constant 0 : index
    %get3A_520 = vector.load %arg4[%get3A_518, %get3A_519] : memref<26x64xf32, #tpu.memory_space<vmem>>, vector<1x64xf32>
    %add3A_521 = vector.broadcast %get3A_520 : vector<1x64xf32> to vector<400x64xf32>
    %add3A_522 = arith.addf %mul3A_517, %add3A_521 : vector<400x64xf32>
    %slice3A_523 = vector.extract_strided_slice %get3A_1 {offsets = [0, 16], sizes = [400, 1], strides = [1, 1]} : vector<400x26xf32> to vector<400x1xf32>
    %mul3A_524 = vector.broadcast %slice3A_523 : vector<400x1xf32> to vector<400x64xf32>
    %mul3A_525 = arith.mulf %mul3A_524, %add3A_522 : vector<400x64xf32>
    %add3A_526 = arith.addf %add3A_495, %mul3A_525 : vector<400x64xf32>
    %get3A_527 = arith.constant 17 : index
    %get3A_528 = arith.constant 0 : index
    %get3A_529 = arith.constant 0 : index
    %get3A_530 = vector.load %arg1[%get3A_527, %get3A_528, %get3A_529] : memref<26x400x128xf32, #tpu.memory_space<vmem>>, vector<1x400x128xf32>
    %get3A_531 = vector.shape_cast %get3A_530 : vector<1x400x128xf32> to vector<400x128xf32>
    %slice3A_532 = vector.extract_strided_slice %get3A_531 {offsets = [0, 0], sizes = [400, 64], strides = [1, 1]} : vector<400x128xf32> to vector<400x64xf32>
    %dot_general3A_533 = arith.constant dense<0.000000e+00> : vector<400x64xf32>
    %dot_general3A_534 = tpu.matmul %slice3A_532, %get3A_4, %dot_general3A_533 {dimension_numbers = #tpu.dot_dimension_numbers<[1], [0], [0], [1], [0, 0, 1, 1], [], []>, transpose_lhs_hint = false} : vector<400x64xf32>, vector<64x64xf32>, vector<400x64xf32> -> vector<400x64xf32>
    %sub3A_535 = arith.subf %slice3A_532, %dot_general3A_534 : vector<400x64xf32>
    %mul3A_536 = arith.mulf %sub3A_535, %sub3A_535 : vector<400x64xf32>
    %dot_general3A_537 = arith.constant dense<0.000000e+00> : vector<400x64xf32>
    %dot_general3A_538 = tpu.matmul %mul3A_536, %get3A_4, %dot_general3A_537 {dimension_numbers = #tpu.dot_dimension_numbers<[1], [0], [0], [1], [0, 0, 1, 1], [], []>, transpose_lhs_hint = false} : vector<400x64xf32>, vector<64x64xf32>, vector<400x64xf32> -> vector<400x64xf32>
    %add3A_539 = arith.constant 9.99999974E-6 : f32
    %add3A_540 = vector.broadcast %add3A_539 : f32 to vector<400x64xf32>
    %add3A_541 = arith.addf %dot_general3A_538, %add3A_540 : vector<400x64xf32>
    %rsqrt3A_542 = math.rsqrt %add3A_541 : vector<400x64xf32>
    %mul3A_543 = arith.mulf %sub3A_535, %rsqrt3A_542 : vector<400x64xf32>
    %get3A_544 = arith.constant 17 : index
    %get3A_545 = arith.constant 0 : index
    %get3A_546 = vector.load %arg3[%get3A_544, %get3A_545] : memref<26x64xf32, #tpu.memory_space<vmem>>, vector<1x64xf32>
    %mul3A_547 = vector.broadcast %get3A_546 : vector<1x64xf32> to vector<400x64xf32>
    %mul3A_548 = arith.mulf %mul3A_543, %mul3A_547 : vector<400x64xf32>
    %get3A_549 = arith.constant 17 : index
    %get3A_550 = arith.constant 0 : index
    %get3A_551 = vector.load %arg4[%get3A_549, %get3A_550] : memref<26x64xf32, #tpu.memory_space<vmem>>, vector<1x64xf32>
    %add3A_552 = vector.broadcast %get3A_551 : vector<1x64xf32> to vector<400x64xf32>
    %add3A_553 = arith.addf %mul3A_548, %add3A_552 : vector<400x64xf32>
    %slice3A_554 = vector.extract_strided_slice %get3A_1 {offsets = [0, 17], sizes = [400, 1], strides = [1, 1]} : vector<400x26xf32> to vector<400x1xf32>
    %mul3A_555 = vector.broadcast %slice3A_554 : vector<400x1xf32> to vector<400x64xf32>
    %mul3A_556 = arith.mulf %mul3A_555, %add3A_553 : vector<400x64xf32>
    %add3A_557 = arith.addf %add3A_526, %mul3A_556 : vector<400x64xf32>
    %get3A_558 = arith.constant 18 : index
    %get3A_559 = arith.constant 0 : index
    %get3A_560 = arith.constant 0 : index
    %get3A_561 = vector.load %arg1[%get3A_558, %get3A_559, %get3A_560] : memref<26x400x128xf32, #tpu.memory_space<vmem>>, vector<1x400x128xf32>
    %get3A_562 = vector.shape_cast %get3A_561 : vector<1x400x128xf32> to vector<400x128xf32>
    %slice3A_563 = vector.extract_strided_slice %get3A_562 {offsets = [0, 0], sizes = [400, 64], strides = [1, 1]} : vector<400x128xf32> to vector<400x64xf32>
    %dot_general3A_564 = arith.constant dense<0.000000e+00> : vector<400x64xf32>
    %dot_general3A_565 = tpu.matmul %slice3A_563, %get3A_4, %dot_general3A_564 {dimension_numbers = #tpu.dot_dimension_numbers<[1], [0], [0], [1], [0, 0, 1, 1], [], []>, transpose_lhs_hint = false} : vector<400x64xf32>, vector<64x64xf32>, vector<400x64xf32> -> vector<400x64xf32>
    %sub3A_566 = arith.subf %slice3A_563, %dot_general3A_565 : vector<400x64xf32>
    %mul3A_567 = arith.mulf %sub3A_566, %sub3A_566 : vector<400x64xf32>
    %dot_general3A_568 = arith.constant dense<0.000000e+00> : vector<400x64xf32>
    %dot_general3A_569 = tpu.matmul %mul3A_567, %get3A_4, %dot_general3A_568 {dimension_numbers = #tpu.dot_dimension_numbers<[1], [0], [0], [1], [0, 0, 1, 1], [], []>, transpose_lhs_hint = false} : vector<400x64xf32>, vector<64x64xf32>, vector<400x64xf32> -> vector<400x64xf32>
    %add3A_570 = arith.constant 9.99999974E-6 : f32
    %add3A_571 = vector.broadcast %add3A_570 : f32 to vector<400x64xf32>
    %add3A_572 = arith.addf %dot_general3A_569, %add3A_571 : vector<400x64xf32>
    %rsqrt3A_573 = math.rsqrt %add3A_572 : vector<400x64xf32>
    %mul3A_574 = arith.mulf %sub3A_566, %rsqrt3A_573 : vector<400x64xf32>
    %get3A_575 = arith.constant 18 : index
    %get3A_576 = arith.constant 0 : index
    %get3A_577 = vector.load %arg3[%get3A_575, %get3A_576] : memref<26x64xf32, #tpu.memory_space<vmem>>, vector<1x64xf32>
    %mul3A_578 = vector.broadcast %get3A_577 : vector<1x64xf32> to vector<400x64xf32>
    %mul3A_579 = arith.mulf %mul3A_574, %mul3A_578 : vector<400x64xf32>
    %get3A_580 = arith.constant 18 : index
    %get3A_581 = arith.constant 0 : index
    %get3A_582 = vector.load %arg4[%get3A_580, %get3A_581] : memref<26x64xf32, #tpu.memory_space<vmem>>, vector<1x64xf32>
    %add3A_583 = vector.broadcast %get3A_582 : vector<1x64xf32> to vector<400x64xf32>
    %add3A_584 = arith.addf %mul3A_579, %add3A_583 : vector<400x64xf32>
    %slice3A_585 = vector.extract_strided_slice %get3A_1 {offsets = [0, 18], sizes = [400, 1], strides = [1, 1]} : vector<400x26xf32> to vector<400x1xf32>
    %mul3A_586 = vector.broadcast %slice3A_585 : vector<400x1xf32> to vector<400x64xf32>
    %mul3A_587 = arith.mulf %mul3A_586, %add3A_584 : vector<400x64xf32>
    %add3A_588 = arith.addf %add3A_557, %mul3A_587 : vector<400x64xf32>
    %get3A_589 = arith.constant 19 : index
    %get3A_590 = arith.constant 0 : index
    %get3A_591 = arith.constant 0 : index
    %get3A_592 = vector.load %arg1[%get3A_589, %get3A_590, %get3A_591] : memref<26x400x128xf32, #tpu.memory_space<vmem>>, vector<1x400x128xf32>
    %get3A_593 = vector.shape_cast %get3A_592 : vector<1x400x128xf32> to vector<400x128xf32>
    %slice3A_594 = vector.extract_strided_slice %get3A_593 {offsets = [0, 0], sizes = [400, 64], strides = [1, 1]} : vector<400x128xf32> to vector<400x64xf32>
    %dot_general3A_595 = arith.constant dense<0.000000e+00> : vector<400x64xf32>
    %dot_general3A_596 = tpu.matmul %slice3A_594, %get3A_4, %dot_general3A_595 {dimension_numbers = #tpu.dot_dimension_numbers<[1], [0], [0], [1], [0, 0, 1, 1], [], []>, transpose_lhs_hint = false} : vector<400x64xf32>, vector<64x64xf32>, vector<400x64xf32> -> vector<400x64xf32>
    %sub3A_597 = arith.subf %slice3A_594, %dot_general3A_596 : vector<400x64xf32>
    %mul3A_598 = arith.mulf %sub3A_597, %sub3A_597 : vector<400x64xf32>
    %dot_general3A_599 = arith.constant dense<0.000000e+00> : vector<400x64xf32>
    %dot_general3A_600 = tpu.matmul %mul3A_598, %get3A_4, %dot_general3A_599 {dimension_numbers = #tpu.dot_dimension_numbers<[1], [0], [0], [1], [0, 0, 1, 1], [], []>, transpose_lhs_hint = false} : vector<400x64xf32>, vector<64x64xf32>, vector<400x64xf32> -> vector<400x64xf32>
    %add3A_601 = arith.constant 9.99999974E-6 : f32
    %add3A_602 = vector.broadcast %add3A_601 : f32 to vector<400x64xf32>
    %add3A_603 = arith.addf %dot_general3A_600, %add3A_602 : vector<400x64xf32>
    %rsqrt3A_604 = math.rsqrt %add3A_603 : vector<400x64xf32>
    %mul3A_605 = arith.mulf %sub3A_597, %rsqrt3A_604 : vector<400x64xf32>
    %get3A_606 = arith.constant 19 : index
    %get3A_607 = arith.constant 0 : index
    %get3A_608 = vector.load %arg3[%get3A_606, %get3A_607] : memref<26x64xf32, #tpu.memory_space<vmem>>, vector<1x64xf32>
    %mul3A_609 = vector.broadcast %get3A_608 : vector<1x64xf32> to vector<400x64xf32>
    %mul3A_610 = arith.mulf %mul3A_605, %mul3A_609 : vector<400x64xf32>
    %get3A_611 = arith.constant 19 : index
    %get3A_612 = arith.constant 0 : index
    %get3A_613 = vector.load %arg4[%get3A_611, %get3A_612] : memref<26x64xf32, #tpu.memory_space<vmem>>, vector<1x64xf32>
    %add3A_614 = vector.broadcast %get3A_613 : vector<1x64xf32> to vector<400x64xf32>
    %add3A_615 = arith.addf %mul3A_610, %add3A_614 : vector<400x64xf32>
    %slice3A_616 = vector.extract_strided_slice %get3A_1 {offsets = [0, 19], sizes = [400, 1], strides = [1, 1]} : vector<400x26xf32> to vector<400x1xf32>
    %mul3A_617 = vector.broadcast %slice3A_616 : vector<400x1xf32> to vector<400x64xf32>
    %mul3A_618 = arith.mulf %mul3A_617, %add3A_615 : vector<400x64xf32>
    %add3A_619 = arith.addf %add3A_588, %mul3A_618 : vector<400x64xf32>
    %get3A_620 = arith.constant 20 : index
    %get3A_621 = arith.constant 0 : index
    %get3A_622 = arith.constant 0 : index
    %get3A_623 = vector.load %arg1[%get3A_620, %get3A_621, %get3A_622] : memref<26x400x128xf32, #tpu.memory_space<vmem>>, vector<1x400x128xf32>
    %get3A_624 = vector.shape_cast %get3A_623 : vector<1x400x128xf32> to vector<400x128xf32>
    %slice3A_625 = vector.extract_strided_slice %get3A_624 {offsets = [0, 0], sizes = [400, 64], strides = [1, 1]} : vector<400x128xf32> to vector<400x64xf32>
    %dot_general3A_626 = arith.constant dense<0.000000e+00> : vector<400x64xf32>
    %dot_general3A_627 = tpu.matmul %slice3A_625, %get3A_4, %dot_general3A_626 {dimension_numbers = #tpu.dot_dimension_numbers<[1], [0], [0], [1], [0, 0, 1, 1], [], []>, transpose_lhs_hint = false} : vector<400x64xf32>, vector<64x64xf32>, vector<400x64xf32> -> vector<400x64xf32>
    %sub3A_628 = arith.subf %slice3A_625, %dot_general3A_627 : vector<400x64xf32>
    %mul3A_629 = arith.mulf %sub3A_628, %sub3A_628 : vector<400x64xf32>
    %dot_general3A_630 = arith.constant dense<0.000000e+00> : vector<400x64xf32>
    %dot_general3A_631 = tpu.matmul %mul3A_629, %get3A_4, %dot_general3A_630 {dimension_numbers = #tpu.dot_dimension_numbers<[1], [0], [0], [1], [0, 0, 1, 1], [], []>, transpose_lhs_hint = false} : vector<400x64xf32>, vector<64x64xf32>, vector<400x64xf32> -> vector<400x64xf32>
    %add3A_632 = arith.constant 9.99999974E-6 : f32
    %add3A_633 = vector.broadcast %add3A_632 : f32 to vector<400x64xf32>
    %add3A_634 = arith.addf %dot_general3A_631, %add3A_633 : vector<400x64xf32>
    %rsqrt3A_635 = math.rsqrt %add3A_634 : vector<400x64xf32>
    %mul3A_636 = arith.mulf %sub3A_628, %rsqrt3A_635 : vector<400x64xf32>
    %get3A_637 = arith.constant 20 : index
    %get3A_638 = arith.constant 0 : index
    %get3A_639 = vector.load %arg3[%get3A_637, %get3A_638] : memref<26x64xf32, #tpu.memory_space<vmem>>, vector<1x64xf32>
    %mul3A_640 = vector.broadcast %get3A_639 : vector<1x64xf32> to vector<400x64xf32>
    %mul3A_641 = arith.mulf %mul3A_636, %mul3A_640 : vector<400x64xf32>
    %get3A_642 = arith.constant 20 : index
    %get3A_643 = arith.constant 0 : index
    %get3A_644 = vector.load %arg4[%get3A_642, %get3A_643] : memref<26x64xf32, #tpu.memory_space<vmem>>, vector<1x64xf32>
    %add3A_645 = vector.broadcast %get3A_644 : vector<1x64xf32> to vector<400x64xf32>
    %add3A_646 = arith.addf %mul3A_641, %add3A_645 : vector<400x64xf32>
    %slice3A_647 = vector.extract_strided_slice %get3A_1 {offsets = [0, 20], sizes = [400, 1], strides = [1, 1]} : vector<400x26xf32> to vector<400x1xf32>
    %mul3A_648 = vector.broadcast %slice3A_647 : vector<400x1xf32> to vector<400x64xf32>
    %mul3A_649 = arith.mulf %mul3A_648, %add3A_646 : vector<400x64xf32>
    %add3A_650 = arith.addf %add3A_619, %mul3A_649 : vector<400x64xf32>
    %get3A_651 = arith.constant 21 : index
    %get3A_652 = arith.constant 0 : index
    %get3A_653 = arith.constant 0 : index
    %get3A_654 = vector.load %arg1[%get3A_651, %get3A_652, %get3A_653] : memref<26x400x128xf32, #tpu.memory_space<vmem>>, vector<1x400x128xf32>
    %get3A_655 = vector.shape_cast %get3A_654 : vector<1x400x128xf32> to vector<400x128xf32>
    %slice3A_656 = vector.extract_strided_slice %get3A_655 {offsets = [0, 0], sizes = [400, 64], strides = [1, 1]} : vector<400x128xf32> to vector<400x64xf32>
    %dot_general3A_657 = arith.constant dense<0.000000e+00> : vector<400x64xf32>
    %dot_general3A_658 = tpu.matmul %slice3A_656, %get3A_4, %dot_general3A_657 {dimension_numbers = #tpu.dot_dimension_numbers<[1], [0], [0], [1], [0, 0, 1, 1], [], []>, transpose_lhs_hint = false} : vector<400x64xf32>, vector<64x64xf32>, vector<400x64xf32> -> vector<400x64xf32>
    %sub3A_659 = arith.subf %slice3A_656, %dot_general3A_658 : vector<400x64xf32>
    %mul3A_660 = arith.mulf %sub3A_659, %sub3A_659 : vector<400x64xf32>
    %dot_general3A_661 = arith.constant dense<0.000000e+00> : vector<400x64xf32>
    %dot_general3A_662 = tpu.matmul %mul3A_660, %get3A_4, %dot_general3A_661 {dimension_numbers = #tpu.dot_dimension_numbers<[1], [0], [0], [1], [0, 0, 1, 1], [], []>, transpose_lhs_hint = false} : vector<400x64xf32>, vector<64x64xf32>, vector<400x64xf32> -> vector<400x64xf32>
    %add3A_663 = arith.constant 9.99999974E-6 : f32
    %add3A_664 = vector.broadcast %add3A_663 : f32 to vector<400x64xf32>
    %add3A_665 = arith.addf %dot_general3A_662, %add3A_664 : vector<400x64xf32>
    %rsqrt3A_666 = math.rsqrt %add3A_665 : vector<400x64xf32>
    %mul3A_667 = arith.mulf %sub3A_659, %rsqrt3A_666 : vector<400x64xf32>
    %get3A_668 = arith.constant 21 : index
    %get3A_669 = arith.constant 0 : index
    %get3A_670 = vector.load %arg3[%get3A_668, %get3A_669] : memref<26x64xf32, #tpu.memory_space<vmem>>, vector<1x64xf32>
    %mul3A_671 = vector.broadcast %get3A_670 : vector<1x64xf32> to vector<400x64xf32>
    %mul3A_672 = arith.mulf %mul3A_667, %mul3A_671 : vector<400x64xf32>
    %get3A_673 = arith.constant 21 : index
    %get3A_674 = arith.constant 0 : index
    %get3A_675 = vector.load %arg4[%get3A_673, %get3A_674] : memref<26x64xf32, #tpu.memory_space<vmem>>, vector<1x64xf32>
    %add3A_676 = vector.broadcast %get3A_675 : vector<1x64xf32> to vector<400x64xf32>
    %add3A_677 = arith.addf %mul3A_672, %add3A_676 : vector<400x64xf32>
    %slice3A_678 = vector.extract_strided_slice %get3A_1 {offsets = [0, 21], sizes = [400, 1], strides = [1, 1]} : vector<400x26xf32> to vector<400x1xf32>
    %mul3A_679 = vector.broadcast %slice3A_678 : vector<400x1xf32> to vector<400x64xf32>
    %mul3A_680 = arith.mulf %mul3A_679, %add3A_677 : vector<400x64xf32>
    %add3A_681 = arith.addf %add3A_650, %mul3A_680 : vector<400x64xf32>
    %get3A_682 = arith.constant 22 : index
    %get3A_683 = arith.constant 0 : index
    %get3A_684 = arith.constant 0 : index
    %get3A_685 = vector.load %arg1[%get3A_682, %get3A_683, %get3A_684] : memref<26x400x128xf32, #tpu.memory_space<vmem>>, vector<1x400x128xf32>
    %get3A_686 = vector.shape_cast %get3A_685 : vector<1x400x128xf32> to vector<400x128xf32>
    %slice3A_687 = vector.extract_strided_slice %get3A_686 {offsets = [0, 0], sizes = [400, 64], strides = [1, 1]} : vector<400x128xf32> to vector<400x64xf32>
    %dot_general3A_688 = arith.constant dense<0.000000e+00> : vector<400x64xf32>
    %dot_general3A_689 = tpu.matmul %slice3A_687, %get3A_4, %dot_general3A_688 {dimension_numbers = #tpu.dot_dimension_numbers<[1], [0], [0], [1], [0, 0, 1, 1], [], []>, transpose_lhs_hint = false} : vector<400x64xf32>, vector<64x64xf32>, vector<400x64xf32> -> vector<400x64xf32>
    %sub3A_690 = arith.subf %slice3A_687, %dot_general3A_689 : vector<400x64xf32>
    %mul3A_691 = arith.mulf %sub3A_690, %sub3A_690 : vector<400x64xf32>
    %dot_general3A_692 = arith.constant dense<0.000000e+00> : vector<400x64xf32>
    %dot_general3A_693 = tpu.matmul %mul3A_691, %get3A_4, %dot_general3A_692 {dimension_numbers = #tpu.dot_dimension_numbers<[1], [0], [0], [1], [0, 0, 1, 1], [], []>, transpose_lhs_hint = false} : vector<400x64xf32>, vector<64x64xf32>, vector<400x64xf32> -> vector<400x64xf32>
    %add3A_694 = arith.constant 9.99999974E-6 : f32
    %add3A_695 = vector.broadcast %add3A_694 : f32 to vector<400x64xf32>
    %add3A_696 = arith.addf %dot_general3A_693, %add3A_695 : vector<400x64xf32>
    %rsqrt3A_697 = math.rsqrt %add3A_696 : vector<400x64xf32>
    %mul3A_698 = arith.mulf %sub3A_690, %rsqrt3A_697 : vector<400x64xf32>
    %get3A_699 = arith.constant 22 : index
    %get3A_700 = arith.constant 0 : index
    %get3A_701 = vector.load %arg3[%get3A_699, %get3A_700] : memref<26x64xf32, #tpu.memory_space<vmem>>, vector<1x64xf32>
    %mul3A_702 = vector.broadcast %get3A_701 : vector<1x64xf32> to vector<400x64xf32>
    %mul3A_703 = arith.mulf %mul3A_698, %mul3A_702 : vector<400x64xf32>
    %get3A_704 = arith.constant 22 : index
    %get3A_705 = arith.constant 0 : index
    %get3A_706 = vector.load %arg4[%get3A_704, %get3A_705] : memref<26x64xf32, #tpu.memory_space<vmem>>, vector<1x64xf32>
    %add3A_707 = vector.broadcast %get3A_706 : vector<1x64xf32> to vector<400x64xf32>
    %add3A_708 = arith.addf %mul3A_703, %add3A_707 : vector<400x64xf32>
    %slice3A_709 = vector.extract_strided_slice %get3A_1 {offsets = [0, 22], sizes = [400, 1], strides = [1, 1]} : vector<400x26xf32> to vector<400x1xf32>
    %mul3A_710 = vector.broadcast %slice3A_709 : vector<400x1xf32> to vector<400x64xf32>
    %mul3A_711 = arith.mulf %mul3A_710, %add3A_708 : vector<400x64xf32>
    %add3A_712 = arith.addf %add3A_681, %mul3A_711 : vector<400x64xf32>
    %get3A_713 = arith.constant 23 : index
    %get3A_714 = arith.constant 0 : index
    %get3A_715 = arith.constant 0 : index
    %get3A_716 = vector.load %arg1[%get3A_713, %get3A_714, %get3A_715] : memref<26x400x128xf32, #tpu.memory_space<vmem>>, vector<1x400x128xf32>
    %get3A_717 = vector.shape_cast %get3A_716 : vector<1x400x128xf32> to vector<400x128xf32>
    %slice3A_718 = vector.extract_strided_slice %get3A_717 {offsets = [0, 0], sizes = [400, 64], strides = [1, 1]} : vector<400x128xf32> to vector<400x64xf32>
    %dot_general3A_719 = arith.constant dense<0.000000e+00> : vector<400x64xf32>
    %dot_general3A_720 = tpu.matmul %slice3A_718, %get3A_4, %dot_general3A_719 {dimension_numbers = #tpu.dot_dimension_numbers<[1], [0], [0], [1], [0, 0, 1, 1], [], []>, transpose_lhs_hint = false} : vector<400x64xf32>, vector<64x64xf32>, vector<400x64xf32> -> vector<400x64xf32>
    %sub3A_721 = arith.subf %slice3A_718, %dot_general3A_720 : vector<400x64xf32>
    %mul3A_722 = arith.mulf %sub3A_721, %sub3A_721 : vector<400x64xf32>
    %dot_general3A_723 = arith.constant dense<0.000000e+00> : vector<400x64xf32>
    %dot_general3A_724 = tpu.matmul %mul3A_722, %get3A_4, %dot_general3A_723 {dimension_numbers = #tpu.dot_dimension_numbers<[1], [0], [0], [1], [0, 0, 1, 1], [], []>, transpose_lhs_hint = false} : vector<400x64xf32>, vector<64x64xf32>, vector<400x64xf32> -> vector<400x64xf32>
    %add3A_725 = arith.constant 9.99999974E-6 : f32
    %add3A_726 = vector.broadcast %add3A_725 : f32 to vector<400x64xf32>
    %add3A_727 = arith.addf %dot_general3A_724, %add3A_726 : vector<400x64xf32>
    %rsqrt3A_728 = math.rsqrt %add3A_727 : vector<400x64xf32>
    %mul3A_729 = arith.mulf %sub3A_721, %rsqrt3A_728 : vector<400x64xf32>
    %get3A_730 = arith.constant 23 : index
    %get3A_731 = arith.constant 0 : index
    %get3A_732 = vector.load %arg3[%get3A_730, %get3A_731] : memref<26x64xf32, #tpu.memory_space<vmem>>, vector<1x64xf32>
    %mul3A_733 = vector.broadcast %get3A_732 : vector<1x64xf32> to vector<400x64xf32>
    %mul3A_734 = arith.mulf %mul3A_729, %mul3A_733 : vector<400x64xf32>
    %get3A_735 = arith.constant 23 : index
    %get3A_736 = arith.constant 0 : index
    %get3A_737 = vector.load %arg4[%get3A_735, %get3A_736] : memref<26x64xf32, #tpu.memory_space<vmem>>, vector<1x64xf32>
    %add3A_738 = vector.broadcast %get3A_737 : vector<1x64xf32> to vector<400x64xf32>
    %add3A_739 = arith.addf %mul3A_734, %add3A_738 : vector<400x64xf32>
    %slice3A_740 = vector.extract_strided_slice %get3A_1 {offsets = [0, 23], sizes = [400, 1], strides = [1, 1]} : vector<400x26xf32> to vector<400x1xf32>
    %mul3A_741 = vector.broadcast %slice3A_740 : vector<400x1xf32> to vector<400x64xf32>
    %mul3A_742 = arith.mulf %mul3A_741, %add3A_739 : vector<400x64xf32>
    %add3A_743 = arith.addf %add3A_712, %mul3A_742 : vector<400x64xf32>
    %get3A_744 = arith.constant 24 : index
    %get3A_745 = arith.constant 0 : index
    %get3A_746 = arith.constant 0 : index
    %get3A_747 = vector.load %arg1[%get3A_744, %get3A_745, %get3A_746] : memref<26x400x128xf32, #tpu.memory_space<vmem>>, vector<1x400x128xf32>
    %get3A_748 = vector.shape_cast %get3A_747 : vector<1x400x128xf32> to vector<400x128xf32>
    %slice3A_749 = vector.extract_strided_slice %get3A_748 {offsets = [0, 0], sizes = [400, 64], strides = [1, 1]} : vector<400x128xf32> to vector<400x64xf32>
    %dot_general3A_750 = arith.constant dense<0.000000e+00> : vector<400x64xf32>
    %dot_general3A_751 = tpu.matmul %slice3A_749, %get3A_4, %dot_general3A_750 {dimension_numbers = #tpu.dot_dimension_numbers<[1], [0], [0], [1], [0, 0, 1, 1], [], []>, transpose_lhs_hint = false} : vector<400x64xf32>, vector<64x64xf32>, vector<400x64xf32> -> vector<400x64xf32>
    %sub3A_752 = arith.subf %slice3A_749, %dot_general3A_751 : vector<400x64xf32>
    %mul3A_753 = arith.mulf %sub3A_752, %sub3A_752 : vector<400x64xf32>
    %dot_general3A_754 = arith.constant dense<0.000000e+00> : vector<400x64xf32>
    %dot_general3A_755 = tpu.matmul %mul3A_753, %get3A_4, %dot_general3A_754 {dimension_numbers = #tpu.dot_dimension_numbers<[1], [0], [0], [1], [0, 0, 1, 1], [], []>, transpose_lhs_hint = false} : vector<400x64xf32>, vector<64x64xf32>, vector<400x64xf32> -> vector<400x64xf32>
    %add3A_756 = arith.constant 9.99999974E-6 : f32
    %add3A_757 = vector.broadcast %add3A_756 : f32 to vector<400x64xf32>
    %add3A_758 = arith.addf %dot_general3A_755, %add3A_757 : vector<400x64xf32>
    %rsqrt3A_759 = math.rsqrt %add3A_758 : vector<400x64xf32>
    %mul3A_760 = arith.mulf %sub3A_752, %rsqrt3A_759 : vector<400x64xf32>
    %get3A_761 = arith.constant 24 : index
    %get3A_762 = arith.constant 0 : index
    %get3A_763 = vector.load %arg3[%get3A_761, %get3A_762] : memref<26x64xf32, #tpu.memory_space<vmem>>, vector<1x64xf32>
    %mul3A_764 = vector.broadcast %get3A_763 : vector<1x64xf32> to vector<400x64xf32>
    %mul3A_765 = arith.mulf %mul3A_760, %mul3A_764 : vector<400x64xf32>
    %get3A_766 = arith.constant 24 : index
    %get3A_767 = arith.constant 0 : index
    %get3A_768 = vector.load %arg4[%get3A_766, %get3A_767] : memref<26x64xf32, #tpu.memory_space<vmem>>, vector<1x64xf32>
    %add3A_769 = vector.broadcast %get3A_768 : vector<1x64xf32> to vector<400x64xf32>
    %add3A_770 = arith.addf %mul3A_765, %add3A_769 : vector<400x64xf32>
    %slice3A_771 = vector.extract_strided_slice %get3A_1 {offsets = [0, 24], sizes = [400, 1], strides = [1, 1]} : vector<400x26xf32> to vector<400x1xf32>
    %mul3A_772 = vector.broadcast %slice3A_771 : vector<400x1xf32> to vector<400x64xf32>
    %mul3A_773 = arith.mulf %mul3A_772, %add3A_770 : vector<400x64xf32>
    %add3A_774 = arith.addf %add3A_743, %mul3A_773 : vector<400x64xf32>
    %get3A_775 = arith.constant 25 : index
    %get3A_776 = arith.constant 0 : index
    %get3A_777 = arith.constant 0 : index
    %get3A_778 = vector.load %arg1[%get3A_775, %get3A_776, %get3A_777] : memref<26x400x128xf32, #tpu.memory_space<vmem>>, vector<1x400x128xf32>
    %get3A_779 = vector.shape_cast %get3A_778 : vector<1x400x128xf32> to vector<400x128xf32>
    %slice3A_780 = vector.extract_strided_slice %get3A_779 {offsets = [0, 0], sizes = [400, 64], strides = [1, 1]} : vector<400x128xf32> to vector<400x64xf32>
    %dot_general3A_781 = arith.constant dense<0.000000e+00> : vector<400x64xf32>
    %dot_general3A_782 = tpu.matmul %slice3A_780, %get3A_4, %dot_general3A_781 {dimension_numbers = #tpu.dot_dimension_numbers<[1], [0], [0], [1], [0, 0, 1, 1], [], []>, transpose_lhs_hint = false} : vector<400x64xf32>, vector<64x64xf32>, vector<400x64xf32> -> vector<400x64xf32>
    %sub3A_783 = arith.subf %slice3A_780, %dot_general3A_782 : vector<400x64xf32>
    %mul3A_784 = arith.mulf %sub3A_783, %sub3A_783 : vector<400x64xf32>
    %dot_general3A_785 = arith.constant dense<0.000000e+00> : vector<400x64xf32>
    %dot_general3A_786 = tpu.matmul %mul3A_784, %get3A_4, %dot_general3A_785 {dimension_numbers = #tpu.dot_dimension_numbers<[1], [0], [0], [1], [0, 0, 1, 1], [], []>, transpose_lhs_hint = false} : vector<400x64xf32>, vector<64x64xf32>, vector<400x64xf32> -> vector<400x64xf32>
    %add3A_787 = arith.constant 9.99999974E-6 : f32
    %add3A_788 = vector.broadcast %add3A_787 : f32 to vector<400x64xf32>
    %add3A_789 = arith.addf %dot_general3A_786, %add3A_788 : vector<400x64xf32>
    %rsqrt3A_790 = math.rsqrt %add3A_789 : vector<400x64xf32>
    %mul3A_791 = arith.mulf %sub3A_783, %rsqrt3A_790 : vector<400x64xf32>
    %get3A_792 = arith.constant 25 : index
    %get3A_793 = arith.constant 0 : index
    %get3A_794 = vector.load %arg3[%get3A_792, %get3A_793] : memref<26x64xf32, #tpu.memory_space<vmem>>, vector<1x64xf32>
    %mul3A_795 = vector.broadcast %get3A_794 : vector<1x64xf32> to vector<400x64xf32>
    %mul3A_796 = arith.mulf %mul3A_791, %mul3A_795 : vector<400x64xf32>
    %get3A_797 = arith.constant 25 : index
    %get3A_798 = arith.constant 0 : index
    %get3A_799 = vector.load %arg4[%get3A_797, %get3A_798] : memref<26x64xf32, #tpu.memory_space<vmem>>, vector<1x64xf32>
    %add3A_800 = vector.broadcast %get3A_799 : vector<1x64xf32> to vector<400x64xf32>
    %add3A_801 = arith.addf %mul3A_796, %add3A_800 : vector<400x64xf32>
    %slice3A_802 = vector.extract_strided_slice %get3A_1 {offsets = [0, 25], sizes = [400, 1], strides = [1, 1]} : vector<400x26xf32> to vector<400x1xf32>
    %mul3A_803 = vector.broadcast %slice3A_802 : vector<400x1xf32> to vector<400x64xf32>
    %mul3A_804 = arith.mulf %mul3A_803, %add3A_801 : vector<400x64xf32>
    %add3A_805 = arith.addf %add3A_774, %mul3A_804 : vector<400x64xf32>
    %swap3A = arith.constant 0 : index
    %swap3A_806 = arith.constant 0 : index
    %swap3A_807 = vector.load %arg6[%swap3A, %swap3A_806] : memref<400x64xf32, #tpu.memory_space<vmem>>, vector<400x64xf32>
    tpu.vector_store %arg6[%swap3A, %swap3A_806], %add3A_805 {strides = array<i32>} : memref<400x64xf32, #tpu.memory_space<vmem>>, vector<400x64xf32>,
    return
  }
  func.func @transform_0(%arg0: i32) -> (i32, i32, i32) {
    %c0_i32 = arith.constant 0 : i32
    %c0_i32_0 = arith.constant 0 : i32
    %c0_i32_1 = arith.constant 0 : i32
    return %c0_i32, %arg0, %c0_i32_0 : i32, i32, i32
  }
  func.func @transform_1(%arg0: i32) -> (i32, i32) {
    %c0_i32 = arith.constant 0 : i32
    %c0_i32_0 = arith.constant 0 : i32
    return %arg0, %c0_i32 : i32, i32
  }
  func.func @transform_2(%arg0: i32) -> (i32, i32) {
    %c0_i32 = arith.constant 0 : i32
    %c0_i32_0 = arith.constant 0 : i32
    %c0_i32_1 = arith.constant 0 : i32
    return %c0_i32, %c0_i32_0 : i32, i32
  }
  func.func @transform_3(%arg0: i32) -> (i32, i32) {
    %c0_i32 = arith.constant 0 : i32
    %c0_i32_0 = arith.constant 0 : i32
    %c0_i32_1 = arith.constant 0 : i32
    return %c0_i32, %c0_i32_0 : i32, i32
  }
  func.func @transform_4(%arg0: i32) -> (i32, i32) {
    %c0_i32 = arith.constant 0 : i32
    %c0_i32_0 = arith.constant 0 : i32
    %c0_i32_1 = arith.constant 0 : i32
    return %c0_i32, %c0_i32_0 : i32, i32
  }
  func.func @transform_5(%arg0: i32) -> (i32, i32) {
    %c0_i32 = arith.constant 0 : i32
    %c0_i32_0 = arith.constant 0 : i32
    return %arg0, %c0_i32 : i32, i32
  }
}

</mosaic_0001>

<sc_bundles>
// kernel: kernel.5.cloned.1.call-start
scs
__scs_entry_jumppad:
0x0: {  	(pc) =	sbr.rel $0x88, $3  }
0x1: {  	(tag) =	ssettag $0x0;
	lr =	simm.s32 $0x1  }
0x2: {  	[smem:$0x3F98] =	sst lr;
	_ =	strace $0xD0000000  }
0x3: {  	_ = 	snop  }
0x4: {  	_ = 	snop  }
0x5: {  	_ = 	snop  }
0x6: {  	_ = 	snop  }
0x7: {  	_ = 	snop  }
__scs_overlays_trampoline_lowered:
0x8: {  	[smem:$0x3FA7] =	sst s0  }
0x9: {  	[smem:$0x3FA8] =	sst s1  }
0xa: {  	[smem:$0x3FA9] =	sst s2  }
0xb: {  	[smem:$0x3FAA] =	sst s3  }
0xc: {  	[smem:$0x3FAB] =	sst s4  }
0xd: {  	[smem:$0x3FAC] =	sst s5  }
0xe: {  	[smem:$0x3FAD] =	sst s6  }
0xf: {  	[smem:$0x3FAE] =	sst s7  }
0x10: {  	[smem:$0x3FAF] =	sst s8  }
0x11: {  	[smem:$0x3FB0] =	sst s9;
	s0 =	simm.s32 @!p0 $0x0  }
0x12: {  	s1 =	sld [smem:$0x3F96];
	s0 =	simm.s32 @p0 $0x1  }
0x13: {  	[smem:$0x3FB1] =	sst s0;
	s0 =	simm.s32 @!p1 $0x0  }
0x14: {  	s2 =	sld [smem:$0x3F95];
	s0 =	simm.s32 @p1 $0x1  }
0x15: {  	[smem:$0x3FB2] =	sst s0;
	s0 =	simm.s32 @!p2 $0x0  }
0x16: {  	s3 =	sld [smem:$0x3FDB];
	s0 =	simm.s32 @p2 $0x1  }
0x17: {  	s4 =	simm.s32 $0x1BF5;
	[smem:$0x3FB4] =	sst s0  }
0x18: {  	s0 =	sld [smem:$0x3F97];
	_ =	swait.ge [sflag:s4], $0x0  }
0x19: {  	s7 =	sld [smem:$0x3F98]  }
0x1a: {  	s8 =	sadd.s32 $0xFFFFE003, lr  }
0x1b: {  	s9 =	sadd.s32 $0xFFFFFEF7, lr;
	s5 =	simm.s32 $0xFFFFFFFF;
	p2 =	slt.u32 s8, $0xFFFFF086  }
0x1c: {  	p1 =	slt.u32 s9, $0xF7A;
	s5 =	simm.s32 @!p2 $0x0  }
0x1d: {  	s5 =	simm.s32 @p1 $0x1;
	p0 =	seq.s32 s7, s2  }
0x1e: {  	s7 =	smul.u32 @!p0 $0xF7A, s2;
	p2 =	seq.s32 @!p0 s5, $0x0  }
0x1f: {  	s9 =	smul.u32 $0xF7A, s1;
	s8 =	simm.s32 @!p0 $0x1BF5;
	p2 =	por !p2, p0  }
0x20: {  	[sflag:s8] =	ssyncset.s32 @!p0 $0xFFFFF086;
	s6 =	sadd.s32 @!p0 s3, s7;
	s7 =	simm.s32 @!p0 $0x108  }
0x21: {  	s3 =	sadd.s32 s3, s9;
	s6 =	sadd.s32 @!p0 $0x88, s6;
	s7 =	simm.s32 @p2 $0x1082  }
0x22: {  	[simem:s7], [sflag:s8] =	dma.local @!p0 [hbm:s6], $0xF7A  }
0x23: {  	s9 =	sor.u32 $0xD0000000, s2;
	s6 =	simm.s32 $0x108;
	_ =	swait.ge @!p0 [sflag:s8], $0x0  }
0x24: {  	s3 =	sadd.s32 $0x88, s3;
	s6 =	simm.s32 @!p1 $0x1082;
	[sflag:s4] =	ssyncset.s32 $0xFFFFF086  }
0x25: {  	[simem:s6], [sflag:s4] =	dma.local [hbm:s3], $0xF7A  }
0x26: {  	[smem:$0x3F98] =	sst s1;
	(tag) =	ssettag s2;
	_ =	strace s9  }
0x27: {  	s1 =	sld [smem:$0x3FA8]  }
0x28: {  	s2 =	sld [smem:$0x3FA9]  }
0x29: {  	s4 =	sld [smem:$0x3FAB]  }
0x2a: {  	p0 =	seq.s32 s5, $0x0;
	s5 =	sld [smem:$0x3FAC]  }
0x2b: {  	s6 =	sld [smem:$0x3FAD]  }
0x2c: {  	s7 =	sld [smem:$0x3FAE]  }
0x2d: {  	s3 =	simm.s32 $0x108;
	s8 =	sld [smem:$0x3FAF]  }
0x2e: {  	s3 =	simm.s32 @!p0 $0x1082;
	s9 =	sld [smem:$0x3FB0]  }
0x2f: {  	lr =	sadd.s32 s0, s3;
	s0 =	sld [smem:$0x3FA7]  }
0x30: {  	s3 =	sld [smem:$0x3FAA]  }
0x31: {  	[smem:$0x3FB3] =	sst s10  }
0x32: {  	s10 =	sld [smem:$0x3FB1];
	_ =	sdelay $0x3  }
0x33: {  	p0 =	seq.s32 s10, $0x1;
	s10 =	sld [smem:$0x3FB3];
	_ =	sdelay $0x3  }
0x34: {  	[smem:$0x3FB3] =	sst s10  }
0x35: {  	s10 =	sld [smem:$0x3FB2];
	_ =	sdelay $0x3  }
0x36: {  	p1 =	seq.s32 s10, $0x1;
	s10 =	sld [smem:$0x3FB3];
	_ =	sdelay $0x3  }
0x37: {  	[smem:$0x3FB3] =	sst s10  }
0x38: {  	s10 =	sld [smem:$0x3FB4]  }
0x39: {  	_ = 	snop;
	(pc) =	sbr.ind lr, $3  }
0x3a: {  	_ = 	snop  }
0x3b: {  	_ = 	snop  }
0x3c: {  	p2 =	seq.s32 s10, $0x1;
	s10 =	sld [smem:$0x3FB3]  }
0x3d: {  	_ =	shalt  }
0x3e: {  	_ =	shalt  }
0x3f: {  	_ =	shalt  }
0x40: {  	_ =	shalt  }
0x41: {  	_ =	shalt  }
0x42: {  	_ =	shalt  }
0x43: {  	_ =	shalt  }
0x44: {  	_ =	shalt  }
0x45: {  	_ =	shalt  }
0x46: {  	_ =	shalt  }
0x47: {  	_ =	shalt  }
0x48: {  	_ =	shalt  }
0x49: {  	_ =	shalt  }
0x4a: {  	_ =	shalt  }
0x4b: {  	_ =	shalt  }
0x4c: {  	_ =	shalt  }
0x4d: {  	_ =	shalt  }
0x4e: {  	_ =	shalt  }
0x4f: {  	_ =	shalt  }
0x50: {  	_ =	shalt  }
0x51: {  	_ =	shalt  }
0x52: {  	_ =	shalt  }
0x53: {  	_ =	shalt  }
0x54: {  	_ =	shalt  }
0x55: {  	_ =	shalt  }
0x56: {  	_ =	shalt  }
0x57: {  	_ =	shalt  }
0x58: {  	_ =	shalt  }
0x59: {  	_ =	shalt  }
0x5a: {  	_ =	shalt  }
0x5b: {  	_ =	shalt  }
0x5c: {  	_ =	shalt  }
0x5d: {  	_ =	shalt  }
0x5e: {  	_ =	shalt  }
0x5f: {  	_ =	shalt  }
0x60: {  	_ =	shalt  }
0x61: {  	_ =	shalt  }
0x62: {  	_ =	shalt  }
0x63: {  	_ =	shalt  }
0x64: {  	_ =	shalt  }
0x65: {  	_ =	shalt  }
0x66: {  	_ =	shalt  }
0x67: {  	_ =	shalt  }
0x68: {  	_ =	shalt  }
0x69: {  	_ =	shalt  }
0x6a: {  	_ =	shalt  }
0x6b: {  	_ =	shalt  }
0x6c: {  	_ =	shalt  }
0x6d: {  	_ =	shalt  }
0x6e: {  	_ =	shalt  }
0x6f: {  	_ =	shalt  }
0x70: {  	_ =	shalt  }
0x71: {  	_ =	shalt  }
0x72: {  	_ =	shalt  }
0x73: {  	_ =	shalt  }
0x74: {  	_ =	shalt  }
0x75: {  	_ =	shalt  }
0x76: {  	_ =	shalt  }
0x77: {  	_ =	shalt  }
0x78: {  	_ =	shalt  }
0x79: {  	_ =	shalt  }
0x7a: {  	_ =	shalt  }
0x7b: {  	_ =	shalt  }
0x7c: {  	_ =	shalt  }
0x7d: {  	_ =	shalt  }
0x7e: {  	_ =	shalt  }
0x7f: {  	_ =	shalt  }
0x80: {  	_ =	shalt  }
0x81: {  	_ =	shalt  }
0x82: {  	_ =	shalt  }
0x83: {  	_ =	shalt  }
0x84: {  	_ =	shalt  }
0x85: {  	_ =	shalt  }
0x86: {  	_ =	shalt  }
0x87: {  	_ =	shalt  }
.Lfunc_end0:
.L_simem_size_0:
called_computation.1_lowered:
.L_overlay_start_0:
0x88: {  	s2 =	sld [smem:$0x3FD9]  }
0x89: {  	s3 =	sld [smem:$0x3FFE];
	_ =	sdelay $0x1  }
0x8a: {  	s1 =	srdreg.scid  }
0x8b: {  	s0 =	sand.u32 $0x1, s1  }
0x8c: {  	s17 =	sshll.u32 s0, $0xA;
	s2 =	sadd.s32 s3, s2  }
0x8d: {  	s2 =	sadd.s32 s2, s17  }
0x8e: {  	[smem:$0x3FBF] =	sst s2  }
0x8f: {  	_ = 	snop  }
0x90: {  	s2 =	sld [smem:$0x3FD0];
	(tm) =	ssettm $0x1  }
0x91: {  	s18 =	sld [smem:$0x3FFB];
	_ =	sdelay $0x3  }
0x92: {  	_ =	strace s18  }
0x93: {  	s3 =	sld [smem:$0x3FFC];
	_ =	sdelay $0x3  }
0x94: {  	_ =	strace s3  }
0x95: {  	s3 =	sld [smem:$0x3FFD];
	_ =	sdelay $0x3  }
0x96: {  	_ =	strace s3  }
0x97: {  	_ =	strace $0x8FFFFFFF  }
0x98: {  	s19 =	sld [smem:$0x3FDB];
	_ =	sdelay $0x1  }
0x99: {  	s4 =	simm.s32 $_scs_section_size  }
0x9a: {  	s5 =	simm.s32 $_size__tile_overlayer_lowered;
	s6 =	simm.s32 $_tile_overlayer_lowered  }
0x9b: {  	s22 =	simm.s32 $0x1BFF;
	s21 =	sshll.u32 s6, $0x1;
	s3 =	sadd.s32 s4, s19  }
0x9c: {  	s7 =	simm.s32 $0x0;
	s20 =	sshll.u32 s5, $0x1;
	s5 =	sadd.s32 s21, s3  }
0x9d: {  	[timem:s7], [sflag:s22] =	dma.local [hbm:s5], s20  }
0x9e: {  	_ =	swait.ge [sflag:s22], s20  }
0x9f: {  	s4 =	ssub.s32 $0x0, s20;
	[sflag:s22] =	ssyncset.done $0x0  }
0xa0: {  	[sflag:s22] =	ssyncadd.s32 s4;
	_ =	sdelay $0x1  }
0xa1: {  	s23 =	simm.s32 $0x1B8B  }
0xa2: {  	_ =	swait.ge [sflag:s23], $0x1  }
0xa3: {  	[sflag:s23] =	ssyncset.done $0x0  }
0xa4: {  	s25 =	simm.s32 $0x1B8E;
	s24 =	sld [smem:$0x3FFE];
	[sflag:s23] =	ssyncadd.s32 $0xFFFFFFFF  }
0xa5: {  	s26 =	simm.s32 $execute0_lowered;
	[smem:$0x3FD2] =	sst s25  }
0xa6: {  	s5 =	sshll.u32 s26, $0x1;
	_ =	strace $0x80000049;
	[dreg:$0x1] =	wrdreg $0xFFFFFFFF  }
0xa7: {  	s28 =	simm.s32 $_size_execute0_lowered;
	s3 =	sadd.s32 s3, s5;
	[dreg:$0x0] =	wrdreg $0x0  }
0xa8: {  	s5 =	sshll.u32 s28, $0x1;
	[dreg:$0x2] =	wrdreg s3  }
0xa9: {  	[dreg:$0x3] =	wrdreg s5  }
0xaa: {  	[dreg:$0x4] =	wrdreg $0xC0  }
0xab: {  	_ =	task [dreg:s7], $0x5FFFF  }
0xac: {  	[dreg:$0x1] =	wrdreg $0xFFFFFFFF  }
0xad: {  	[dreg:$0x0] =	wrdreg $0x60  }
0xae: {  	[dreg:$0x2] =	wrdreg s24  }
0xaf: {  	[dreg:$0x3] =	wrdreg s2  }
0xb0: {  	[dreg:$0x4] =	wrdreg $0x9  }
0xb1: {  	_ =	task.clear_ibuf [dreg:s7], $0x5FFFF;
	_ =	strace $0x90000049  }
0xb2: {  	s29 =	simm.s32 $0x9;
	_ =	strace $0x8000004B  }
0xb3: {  	_ =	swait.ge [sflag:s29], $0x1  }
0xb4: {  	[sflag:s29] =	ssyncadd.s32 $0xFFFFFFFF  }
0xb5: {  	_ =	strace $0x9000004B  }
0xb6: {  	_ =	sfence  }
0xb7: {  	s30 =	sld [smem:$0x0];
	_ =	sdelay $0x2  }
0xb8: {  	s31 =	sshll.u32 s1, $0xD;
	s1 =	sshrl.u32 s1, $0x2  }
0xb9: {  	s3 =	sand.u32 $0x4000, s31;
	s1 =	sadd.s32 s1, s30  }
0xba: {  	s0 =	sor.u32 s3, s0;
	s1 =	sshll.u32 s1, $0x11  }
0xbb: {  	s0 =	sor.u32 s1, s0  }
0xbc: {  	s0 =	sadd.s32 $0x8F2B, s0  }
0xbd: {  	[sflag:s0] =	ssyncadd.remote.s32 $0x1  }
0xbe: {  	_ =	sfence.sel $0xFFFF  }
0xbf: {  	[dreg:$0x0] =	wrdreg $0xFFFFFFFF;
	(pc) =	sbr.abs _section_cstart, $3  }
0xc0: {  	[dreg:$0x1] =	wrdreg $0xFFFFFFFF  }
0xc1: {  	_ =	task.clear_ibuf [dreg:s7], $0x2FFFF;
	_ =	strace $0x9FFFFFFF  }
0xc2: {  	(tm) =	ssettm $0x7FFFFFFF  }
0xc3: {  	_ =	shalt  }
tec
execute0_lowered:
.L_overlay_start_1:
0x0: {  	(tag) =	ssettag $0x1  }
0x1: {  	s0 =	rddreg [dreg:$0x0]  }
0x2: {  	s2 =	rddreg [dreg:$0x1];
	s1 =	simm.s32 $0x0  }
0x3: {  	s4 =	srdreg.scid;
	s10 =	stileid.u32;
	s12 =	simm.s32 $0xA400  }
0x4: {  	s20 =	simm.s32 $0xE400;
	s29 =	simm.s32 $0x12400;
	s16 =	simm.s32 $0x16400  }
0x5: {  	s28 =	simm.s32 $0x1B400;
	s30 =	simm.s32 $0x1BC00;
	s31 =	simm.s32 $0x1C400  }
0x6: {  	s13 =	simm.s32 $0x1DC00;
	s14 =	simm.s32 $0x1;
	s15 =	simm.s32 $0x2  }
0x7: {  	s17 =	simm.s32 $0x3;
	s18 =	simm.s32 $0x4;
	s19 =	simm.s32 $0x5  }
0x8: {  	[smem:$0x7FF] =	sst s1;
	s3 =	sadd.s32 $0x27ADC00, s0;
	s6 =	smul.u32 $0x28A, s10  }
0x9: {  	s4 =	sand.u32 $0x1, s4;
	s5 =	sshll.u32 s10, $0x1;
	s22 =	smul.u32 $0x145000, s10  }
0xa: {  	s0 =	sadd.s32 $0x1800, s0;
	_ =	strace $0x8000004A;
	s8 =	smul.u32 $0x145, s4  }
0xb: {  	s7 =	ssub.s32 $0x2, s4;
	s5 =	sor.u32 s4, s5;
	s23 =	smul.u32 $0xA2800, s4  }
0xc: {  	s4 =	simm.s32 $0xA;
	s9 =	sshrl.u32 s7, $0x1;
	s5 =	smul.u32 $0x1480, s5  }
0xd: {  	s26 =	sadd.s32 s22, s0;
	s7 =	ssub.s32 s7, s9;
	s6 =	sadd.s32 s8, s6  }
0xe: {  	s2 =	sadd.s32 s2, s5;
	s24 =	sshll.u32 s6, $0xB;
	s25 =	smax.u32 s7, $0x1  }
.Ltmp0:
0xf: {  	s6 =	sadd.s32 s23, s26;
	[dreg:$0x3] =	wrdreg s2;
	(pc) =	sbr.rel .LBB2_1-.Ltmp0, $4  }
0x10: {  	s26 =	simm.s32 $0x1AC00;
	s5 =	simm.s32 $0x0;
	[dreg:$0x4] =	wrdreg s25  }
0x11: {  	s0 =	sadd.s32 s0, s24;
	s25 =	simm.s32 $0x1A400;
	s2 =	simm.s32 $0x1D400  }
0x12: {  	s24 =	simm.s32 $0x9;
	s7 =	sadd.s32 $0x800, s0;
	s8 =	sadd.s32 $0x1000, s0  }
0x13: {  	vm0 =	vmmov $0xffff;
	s9 =	sadd.s32 $0x1800, s0;
	s10 =	sadd.s32 $0x2000, s0;
	s0 =	simm.s32 $0x1CC00  }
.LBB2_4:
0x14: {  	s11 =	simm.s32 $0x6  }
0x15: {  	_ =	swait.ge [sflag:s11], $0x4000  }
0x16: {  	[sflag:s11] =	ssyncset.done $0x0  }
0x17: {  	s21 =	simm.s32 $0x7;
	[sflag:s11] =	ssyncadd.s32 $0xFFFFC000  }
0x18: {  	_ =	swait.ge [sflag:s21], $0x4000  }
0x19: {  	[sflag:s21] =	ssyncset.done $0x0  }
0x1a: {  	s22 =	simm.s32 $0x8;
	[sflag:s21] =	ssyncadd.s32 $0xFFFFC000  }
0x1b: {  	_ =	swait.ge [sflag:s22], $0x4000  }
0x1c: {  	[sflag:s22] =	ssyncset.done $0x0  }
0x1d: {  	[sflag:s22] =	ssyncadd.s32 $0xFFFFC000  }
0x1e: {  	_ =	swait.ge [sflag:s24], $0x4000  }
0x1f: {  	[sflag:s24] =	ssyncset.done $0x0  }
0x20: {  	[sflag:s24] =	ssyncadd.s32 $0xFFFFC000  }
0x21: {  	_ =	swait.ge [sflag:s4], $0x4000  }
0x22: {  	s5 =	sadd.s32 $0x1, s5;
	s23 =	rddreg [dreg:$0x4]  }
0x23: {  	p0 =	sne.s32 s5, s23  }
.Ltmp1:
0x24: {  	_ = 	snop;
	(pc) =	sbr.rel @!p0 .LBB2_5-.Ltmp1, $3  }
0x25: {  	_ =	sdelay $0x1  }
0x26: {  	[sflag:s4] =	ssyncset.done $0x0  }
0x27: {  	[sflag:s4] =	ssyncadd.s32 $0xFFFFC000  }
.LBB2_1:
0x28: {  	s11 =	rddreg [dreg:$0x3];
	s22 =	simm.s32 $0xB  }
0x29: {  	[tilespmem:s1], [sflag:$0xB] =	stream.linear.gather [hbm4b:s11+s1], $0xA280, $0x38;
	[tilespmem:$0x1E400] =	vst v63  }
0x2a: {  	_ =	swait.ge [sflag:s22], $0xA280  }
0x2b: {  	[sflag:s22] =	ssyncset.done $0x0  }
0x2c: {  	[sflag:s22] =	ssyncadd.s32 $0xFFFF5D80  }
0x2d: {  	v0 =	vld [tilespmem:$0x0];
	_ =	sdelay $0x7  }
0x2e: {  	[tilespmem:s12], [sflag:$0x1] =	stream.indirect_vreg.gather [hbm4b:s3+s1], $0x80, v0, vm0, $0xb8;
	[tilespmem:$0x1E400] =	vst v63  }
0x2f: {  	v0 =	vld [tilespmem:$0x10];
	_ =	sdelay $0x6  }
0x30: {  	s23 =	simm.s32 $0xAC00  }
0x31: {  	[tilespmem:s23], [sflag:$0x1] =	stream.indirect_vreg.gather [hbm4b:s3+s1], $0x80, v0, vm0, $0xb8;
	[tilespmem:$0x1E400] =	vst v63  }
0x32: {  	v0 =	vld [tilespmem:$0x20];
	_ =	sdelay $0x6  }
0x33: {  	s21 =	simm.s32 $0xB400  }
0x34: {  	[tilespmem:s21], [sflag:$0x1] =	stream.indirect_vreg.gather [hbm4b:s3+s1], $0x80, v0, vm0, $0xb8;
	[tilespmem:$0x1E400] =	vst v63  }
0x35: {  	v0 =	vld [tilespmem:$0x30];
	_ =	sdelay $0x6  }
0x36: {  	s22 =	simm.s32 $0xBC00  }
0x37: {  	[tilespmem:s22], [sflag:$0x1] =	stream.indirect_vreg.gather [hbm4b:s3+s1], $0x80, v0, vm0, $0xb8;
	[tilespmem:$0x1E400] =	vst v63  }
0x38: {  	v0 =	vld [tilespmem:$0x40];
	_ =	sdelay $0x6  }
0x39: {  	s23 =	simm.s32 $0xC400  }
0x3a: {  	[tilespmem:s23], [sflag:$0x1] =	stream.indirect_vreg.gather [hbm4b:s3+s1], $0x80, v0, vm0, $0xb8;
	[tilespmem:$0x1E400] =	vst v63  }
0x3b: {  	v0 =	vld [tilespmem:$0x50];
	_ =	sdelay $0x6  }
0x3c: {  	s21 =	simm.s32 $0xCC00  }
0x3d: {  	[tilespmem:s21], [sflag:$0x1] =	stream.indirect_vreg.gather [hbm4b:s3+s1], $0x80, v0, vm0, $0xb8;
	[tilespmem:$0x1E400] =	vst v63  }
0x3e: {  	v0 =	vld [tilespmem:$0x60];
	_ =	sdelay $0x6  }
0x3f: {  	s22 =	simm.s32 $0xD400  }
0x40: {  	[tilespmem:s22], [sflag:$0x1] =	stream.indirect_vreg.gather [hbm4b:s3+s1], $0x80, v0, vm0, $0xb8;
	[tilespmem:$0x1E400] =	vst v63  }
0x41: {  	v0 =	vld [tilespmem:$0x70];
	_ =	sdelay $0x6  }
0x42: {  	s23 =	simm.s32 $0xDC00  }
0x43: {  	[tilespmem:s23], [sflag:$0x1] =	stream.indirect_vreg.gather [hbm4b:s3+s1], $0x80, v0, vm0, $0xb8;
	[tilespmem:$0x1E400] =	vst v63  }
0x44: {  	v0 =	vld [tilespmem:$0x80];
	_ =	sdelay $0x7  }
0x45: {  	[tilespmem:s20], [sflag:$0x2] =	stream.indirect_vreg.gather [hbm4b:s3+s1], $0x80, v0, vm0, $0xb8;
	[tilespmem:$0x1E400] =	vst v63  }
0x46: {  	v0 =	vld [tilespmem:$0x90];
	_ =	sdelay $0x6  }
0x47: {  	s21 =	simm.s32 $0xEC00  }
0x48: {  	[tilespmem:s21], [sflag:$0x2] =	stream.indirect_vreg.gather [hbm4b:s3+s1], $0x80, v0, vm0, $0xb8;
	[tilespmem:$0x1E400] =	vst v63  }
0x49: {  	v0 =	vld [tilespmem:$0xA0];
	_ =	sdelay $0x6  }
0x4a: {  	s22 =	simm.s32 $0xF400  }
0x4b: {  	[tilespmem:s22], [sflag:$0x2] =	stream.indirect_vreg.gather [hbm4b:s3+s1], $0x80, v0, vm0, $0xb8;
	[tilespmem:$0x1E400] =	vst v63  }
0x4c: {  	v0 =	vld [tilespmem:$0xB0];
	_ =	sdelay $0x6  }
0x4d: {  	s23 =	simm.s32 $0xFC00  }
0x4e: {  	[tilespmem:s23], [sflag:$0x2] =	stream.indirect_vreg.gather [hbm4b:s3+s1], $0x80, v0, vm0, $0xb8;
	[tilespmem:$0x1E400] =	vst v63  }
0x4f: {  	v0 =	vld [tilespmem:$0xC0];
	_ =	sdelay $0x6  }
0x50: {  	s21 =	simm.s32 $0x10400  }
0x51: {  	[tilespmem:s21], [sflag:$0x2] =	stream.indirect_vreg.gather [hbm4b:s3+s1], $0x80, v0, vm0, $0xb8;
	[tilespmem:$0x1E400] =	vst v63  }
0x52: {  	v0 =	vld [tilespmem:$0xD0];
	_ =	sdelay $0x6  }
0x53: {  	s22 =	simm.s32 $0x10C00  }
0x54: {  	[tilespmem:s22], [sflag:$0x2] =	stream.indirect_vreg.gather [hbm4b:s3+s1], $0x80, v0, vm0, $0xb8;
	[tilespmem:$0x1E400] =	vst v63  }
0x55: {  	v0 =	vld [tilespmem:$0xE0];
	_ =	sdelay $0x6  }
0x56: {  	s23 =	simm.s32 $0x11400  }
0x57: {  	[tilespmem:s23], [sflag:$0x2] =	stream.indirect_vreg.gather [hbm4b:s3+s1], $0x80, v0, vm0, $0xb8;
	[tilespmem:$0x1E400] =	vst v63  }
0x58: {  	v0 =	vld [tilespmem:$0xF0];
	_ =	sdelay $0x6  }
0x59: {  	s21 =	simm.s32 $0x11C00  }
0x5a: {  	[tilespmem:s21], [sflag:$0x2] =	stream.indirect_vreg.gather [hbm4b:s3+s1], $0x80, v0, vm0, $0xb8;
	[tilespmem:$0x1E400] =	vst v63  }
0x5b: {  	v0 =	vld [tilespmem:$0x100];
	_ =	sdelay $0x7  }
0x5c: {  	[tilespmem:s29], [sflag:$0x3] =	stream.indirect_vreg.gather [hbm4b:s3+s1], $0x80, v0, vm0, $0xb8;
	[tilespmem:$0x1E400] =	vst v63  }
0x5d: {  	v0 =	vld [tilespmem:$0x110];
	_ =	sdelay $0x6  }
0x5e: {  	s22 =	simm.s32 $0x12C00  }
0x5f: {  	[tilespmem:s22], [sflag:$0x3] =	stream.indirect_vreg.gather [hbm4b:s3+s1], $0x80, v0, vm0, $0xb8;
	[tilespmem:$0x1E400] =	vst v63  }
0x60: {  	v0 =	vld [tilespmem:$0x120];
	_ =	sdelay $0x6  }
0x61: {  	s23 =	simm.s32 $0x13400  }
0x62: {  	[tilespmem:s23], [sflag:$0x3] =	stream.indirect_vreg.gather [hbm4b:s3+s1], $0x80, v0, vm0, $0xb8;
	[tilespmem:$0x1E400] =	vst v63  }
0x63: {  	v0 =	vld [tilespmem:$0x130];
	_ =	sdelay $0x6  }
0x64: {  	s21 =	simm.s32 $0x13C00  }
0x65: {  	[tilespmem:s21], [sflag:$0x3] =	stream.indirect_vreg.gather [hbm4b:s3+s1], $0x80, v0, vm0, $0xb8;
	[tilespmem:$0x1E400] =	vst v63  }
0x66: {  	v0 =	vld [tilespmem:$0x140];
	_ =	sdelay $0x6  }
0x67: {  	s22 =	simm.s32 $0x14400  }
0x68: {  	[tilespmem:s22], [sflag:$0x3] =	stream.indirect_vreg.gather [hbm4b:s3+s1], $0x80, v0, vm0, $0xb8;
	[tilespmem:$0x1E400] =	vst v63  }
0x69: {  	v0 =	vld [tilespmem:$0x150];
	_ =	sdelay $0x6  }
0x6a: {  	s23 =	simm.s32 $0x14C00  }
0x6b: {  	[tilespmem:s23], [sflag:$0x3] =	stream.indirect_vreg.gather [hbm4b:s3+s1], $0x80, v0, vm0, $0xb8;
	[tilespmem:$0x1E400] =	vst v63  }
0x6c: {  	v0 =	vld [tilespmem:$0x160];
	_ =	sdelay $0x6  }
0x6d: {  	s21 =	simm.s32 $0x15400  }
0x6e: {  	[tilespmem:s21], [sflag:$0x3] =	stream.indirect_vreg.gather [hbm4b:s3+s1], $0x80, v0, vm0, $0xb8;
	[tilespmem:$0x1E400] =	vst v63  }
0x6f: {  	v0 =	vld [tilespmem:$0x170];
	_ =	sdelay $0x6  }
0x70: {  	s22 =	simm.s32 $0x15C00  }
0x71: {  	[tilespmem:s22], [sflag:$0x3] =	stream.indirect_vreg.gather [hbm4b:s3+s1], $0x80, v0, vm0, $0xb8;
	[tilespmem:$0x1E400] =	vst v63  }
0x72: {  	v0 =	vld [tilespmem:$0x180];
	_ =	sdelay $0x7  }
0x73: {  	[tilespmem:s16], [sflag:$0x4] =	stream.indirect_vreg.gather [hbm4b:s3+s1], $0x80, v0, vm0, $0xb8;
	[tilespmem:$0x1E400] =	vst v63  }
0x74: {  	v0 =	vld [tilespmem:$0x190];
	_ =	sdelay $0x6  }
0x75: {  	s23 =	simm.s32 $0x16C00  }
0x76: {  	[tilespmem:s23], [sflag:$0x4] =	stream.indirect_vreg.gather [hbm4b:s3+s1], $0x80, v0, vm0, $0xb8;
	[tilespmem:$0x1E400] =	vst v63  }
0x77: {  	v0 =	vld [tilespmem:$0x1A0];
	_ =	sdelay $0x6  }
0x78: {  	s21 =	simm.s32 $0x17400  }
0x79: {  	[tilespmem:s21], [sflag:$0x4] =	stream.indirect_vreg.gather [hbm4b:s3+s1], $0x80, v0, vm0, $0xb8;
	[tilespmem:$0x1E400] =	vst v63  }
0x7a: {  	v0 =	vld [tilespmem:$0x1B0];
	_ =	sdelay $0x6  }
0x7b: {  	s22 =	simm.s32 $0x17C00  }
0x7c: {  	[tilespmem:s22], [sflag:$0x4] =	stream.indirect_vreg.gather [hbm4b:s3+s1], $0x80, v0, vm0, $0xb8;
	[tilespmem:$0x1E400] =	vst v63  }
0x7d: {  	v0 =	vld [tilespmem:$0x1C0];
	_ =	sdelay $0x6  }
0x7e: {  	s23 =	simm.s32 $0x18400  }
0x7f: {  	[tilespmem:s23], [sflag:$0x4] =	stream.indirect_vreg.gather [hbm4b:s3+s1], $0x80, v0, vm0, $0xb8;
	[tilespmem:$0x1E400] =	vst v63  }
0x80: {  	v0 =	vld [tilespmem:$0x1D0];
	_ =	sdelay $0x6  }
0x81: {  	s21 =	simm.s32 $0x18C00  }
0x82: {  	[tilespmem:s21], [sflag:$0x4] =	stream.indirect_vreg.gather [hbm4b:s3+s1], $0x80, v0, vm0, $0xb8;
	[tilespmem:$0x1E400] =	vst v63  }
0x83: {  	v0 =	vld [tilespmem:$0x1E0];
	_ =	sdelay $0x6  }
0x84: {  	s22 =	simm.s32 $0x19400  }
0x85: {  	[tilespmem:s22], [sflag:$0x4] =	stream.indirect_vreg.gather [hbm4b:s3+s1], $0x80, v0, vm0, $0xb8;
	[tilespmem:$0x1E400] =	vst v63  }
0x86: {  	v0 =	vld [tilespmem:$0x1F0];
	_ =	sdelay $0x6  }
0x87: {  	s23 =	simm.s32 $0x19C00  }
0x88: {  	[tilespmem:s23], [sflag:$0x4] =	stream.indirect_vreg.gather [hbm4b:s3+s1], $0x80, v0, vm0, $0xb8;
	[tilespmem:$0x1E400] =	vst v63  }
0x89: {  	v0 =	vld [tilespmem:$0x200];
	_ =	sdelay $0x7  }
0x8a: {  	[tilespmem:s25], [sflag:$0x5] =	stream.indirect_vreg.gather [hbm4b:s3+s1], $0x80, v0, vm0, $0xb8;
	[tilespmem:$0x1E400] =	vst v63  }
0x8b: {  	v0 =	vld [tilespmem:$0x210];
	_ =	sdelay $0x7  }
0x8c: {  	[tilespmem:s26], [sflag:$0x5] =	stream.indirect_vreg.gather [hbm4b:s3+s1], $0x80, v0, vm0, $0xb8;
	[tilespmem:$0x1E400] =	vst v63  }
0x8d: {  	v0 =	vld [tilespmem:$0x220];
	_ =	sdelay $0x7  }
0x8e: {  	[tilespmem:s28], [sflag:$0x5] =	stream.indirect_vreg.gather [hbm4b:s3+s1], $0x80, v0, vm0, $0xb8;
	[tilespmem:$0x1E400] =	vst v63  }
0x8f: {  	v0 =	vld [tilespmem:$0x230];
	_ =	sdelay $0x7  }
0x90: {  	[tilespmem:s30], [sflag:$0x5] =	stream.indirect_vreg.gather [hbm4b:s3+s1], $0x80, v0, vm0, $0xb8;
	[tilespmem:$0x1E400] =	vst v63  }
0x91: {  	v0 =	vld [tilespmem:$0x240];
	_ =	sdelay $0x7  }
0x92: {  	[tilespmem:s31], [sflag:$0x5] =	stream.indirect_vreg.gather [hbm4b:s3+s1], $0x80, v0, vm0, $0xb8;
	[tilespmem:$0x1E400] =	vst v63  }
0x93: {  	v0 =	vld [tilespmem:$0x250];
	_ =	sdelay $0x7  }
0x94: {  	[tilespmem:s0], [sflag:$0x5] =	stream.indirect_vreg.gather [hbm4b:s3+s1], $0x80, v0, vm0, $0xb8;
	[tilespmem:$0x1E400] =	vst v63  }
0x95: {  	v0 =	vld [tilespmem:$0x260];
	_ =	sdelay $0x7  }
0x96: {  	[tilespmem:s2], [sflag:$0x5] =	stream.indirect_vreg.gather [hbm4b:s3+s1], $0x80, v0, vm0, $0xb8;
	[tilespmem:$0x1E400] =	vst v63  }
0x97: {  	v0 =	vld [tilespmem:$0x270];
	_ =	sdelay $0x6  }
0x98: {  	s11 =	simm.s32 $0x4F0;
	s21 =	simm.s32 $0x0  }
0x99: {  	[tilespmem:s13], [sflag:$0x5] =	stream.indirect_vreg.gather [hbm4b:s3+s1], $0x80, v0, vm0, $0xb8;
	[tilespmem:$0x1E400] =	vst v63  }
.LBB2_2:
0x9a: {  	_ =	swait.ge [sflag:s14], $0x4000  }
0x9b: {  	[sflag:s14] =	ssyncset.done $0x0  }
0x9c: {  	s22 =	sadd.s32 s21, s6;
	p0 =	seq.s32 s21, $0xA0000;
	[sflag:s14] =	ssyncadd.s32 $0xFFFFC000  }
0x9d: {  	[hbm4b:s22+s1] =	stream.linear.scatter [tilespmem:s12], [sflag:$0x6], $0x4000, $0x38;
	[tilespmem:$0x1E400] =	vst v63  }
0x9e: {  	s22 =	simm.s32 @!p0 $0x6  }
0x9f: {  	_ =	swait.ge @!p0 [sflag:s22], $0x4000  }
0xa0: {  	[sflag:s22] =	ssyncset.done @!p0 $0x0  }
0xa1: {  	[sflag:s22] =	ssyncadd.s32 @!p0 $0xFFFFC000  }
0xa2: {  	v0 =	vld @!p0 [tilespmem:s11+$0xFFFFFD90];
	_ =	sdelay $0x6  }
0xa3: {  	vm1 =	vmmov @!p0 $0xffff;
	s23 =	simm.s32 @!p0 $0xA400;
	s22 =	simm.s32 @!p0 $0x0  }
0xa4: {  	[tilespmem:s23], [sflag:$0x1] =	stream.indirect_vreg.gather @!p0 [hbm4b:s3+s22], $0x80, v0, vm1, $0xb8;
	[tilespmem:$0x1E400] =	vst v63  }
0xa5: {  	v0 =	vld @!p0 [tilespmem:s11+$0xFFFFFDA0];
	_ =	sdelay $0x6  }
0xa6: {  	s23 =	simm.s32 @!p0 $0xAC00  }
0xa7: {  	[tilespmem:s23], [sflag:$0x1] =	stream.indirect_vreg.gather @!p0 [hbm4b:s3+s22], $0x80, v0, vm1, $0xb8;
	[tilespmem:$0x1E400] =	vst v63  }
0xa8: {  	v0 =	vld @!p0 [tilespmem:s11+$0xFFFFFDB0];
	_ =	sdelay $0x6  }
0xa9: {  	s23 =	simm.s32 @!p0 $0xB400  }
0xaa: {  	[tilespmem:s23], [sflag:$0x1] =	stream.indirect_vreg.gather @!p0 [hbm4b:s3+s22], $0x80, v0, vm1, $0xb8;
	[tilespmem:$0x1E400] =	vst v63  }
0xab: {  	v0 =	vld @!p0 [tilespmem:s11+$0xFFFFFDC0];
	_ =	sdelay $0x6  }
0xac: {  	s23 =	simm.s32 @!p0 $0xBC00  }
0xad: {  	[tilespmem:s23], [sflag:$0x1] =	stream.indirect_vreg.gather @!p0 [hbm4b:s3+s22], $0x80, v0, vm1, $0xb8;
	[tilespmem:$0x1E400] =	vst v63  }
0xae: {  	v0 =	vld @!p0 [tilespmem:s11+$0xFFFFFDD0];
	_ =	sdelay $0x6  }
0xaf: {  	s23 =	simm.s32 @!p0 $0xC400  }
0xb0: {  	[tilespmem:s23], [sflag:$0x1] =	stream.indirect_vreg.gather @!p0 [hbm4b:s3+s22], $0x80, v0, vm1, $0xb8;
	[tilespmem:$0x1E400] =	vst v63  }
0xb1: {  	v0 =	vld @!p0 [tilespmem:s11+$0xFFFFFDE0];
	_ =	sdelay $0x6  }
0xb2: {  	s23 =	simm.s32 @!p0 $0xCC00  }
0xb3: {  	[tilespmem:s23], [sflag:$0x1] =	stream.indirect_vreg.gather @!p0 [hbm4b:s3+s22], $0x80, v0, vm1, $0xb8;
	[tilespmem:$0x1E400] =	vst v63  }
0xb4: {  	v0 =	vld @!p0 [tilespmem:s11+$0xFFFFFDF0];
	_ =	sdelay $0x6  }
0xb5: {  	s23 =	simm.s32 @!p0 $0xD400  }
0xb6: {  	[tilespmem:s23], [sflag:$0x1] =	stream.indirect_vreg.gather @!p0 [hbm4b:s3+s22], $0x80, v0, vm1, $0xb8;
	[tilespmem:$0x1E400] =	vst v63  }
0xb7: {  	v0 =	vld @!p0 [tilespmem:s11+$0xFFFFFE00];
	_ =	sdelay $0x6  }
0xb8: {  	s23 =	simm.s32 @!p0 $0xDC00  }
0xb9: {  	[tilespmem:s23], [sflag:$0x1] =	stream.indirect_vreg.gather @!p0 [hbm4b:s3+s22], $0x80, v0, vm1, $0xb8;
	[tilespmem:$0x1E400] =	vst v63  }
0xba: {  	_ =	swait.ge [sflag:s15], $0x4000  }
0xbb: {  	[sflag:s15] =	ssyncset.done $0x0  }
0xbc: {  	s23 =	sadd.s32 s21, s7;
	[sflag:s15] =	ssyncadd.s32 $0xFFFFC000  }
0xbd: {  	[hbm4b:s23+s1] =	stream.linear.scatter [tilespmem:s20], [sflag:$0x7], $0x4000, $0x38;
	[tilespmem:$0x1E400] =	vst v63  }
0xbe: {  	s23 =	simm.s32 @!p0 $0x7  }
0xbf: {  	_ =	swait.ge @!p0 [sflag:s23], $0x4000  }
0xc0: {  	[sflag:s23] =	ssyncset.done @!p0 $0x0  }
0xc1: {  	[sflag:s23] =	ssyncadd.s32 @!p0 $0xFFFFC000  }
0xc2: {  	v0 =	vld @!p0 [tilespmem:s11+$0xFFFFFE10];
	_ =	sdelay $0x6  }
0xc3: {  	s23 =	simm.s32 @!p0 $0xE400  }
0xc4: {  	[tilespmem:s23], [sflag:$0x2] =	stream.indirect_vreg.gather @!p0 [hbm4b:s3+s22], $0x80, v0, vm1, $0xb8;
	[tilespmem:$0x1E400] =	vst v63  }
0xc5: {  	v0 =	vld @!p0 [tilespmem:s11+$0xFFFFFE20];
	_ =	sdelay $0x6  }
0xc6: {  	s23 =	simm.s32 @!p0 $0xEC00  }
0xc7: {  	[tilespmem:s23], [sflag:$0x2] =	stream.indirect_vreg.gather @!p0 [hbm4b:s3+s22], $0x80, v0, vm1, $0xb8;
	[tilespmem:$0x1E400] =	vst v63  }
0xc8: {  	v0 =	vld @!p0 [tilespmem:s11+$0xFFFFFE30];
	_ =	sdelay $0x6  }
0xc9: {  	s23 =	simm.s32 @!p0 $0xF400  }
0xca: {  	[tilespmem:s23], [sflag:$0x2] =	stream.indirect_vreg.gather @!p0 [hbm4b:s3+s22], $0x80, v0, vm1, $0xb8;
	[tilespmem:$0x1E400] =	vst v63  }
0xcb: {  	v0 =	vld @!p0 [tilespmem:s11+$0xFFFFFE40];
	_ =	sdelay $0x6  }
0xcc: {  	s23 =	simm.s32 @!p0 $0xFC00  }
0xcd: {  	[tilespmem:s23], [sflag:$0x2] =	stream.indirect_vreg.gather @!p0 [hbm4b:s3+s22], $0x80, v0, vm1, $0xb8;
	[tilespmem:$0x1E400] =	vst v63  }
0xce: {  	v0 =	vld @!p0 [tilespmem:s11+$0xFFFFFE50];
	_ =	sdelay $0x6  }
0xcf: {  	s23 =	simm.s32 @!p0 $0x10400  }
0xd0: {  	[tilespmem:s23], [sflag:$0x2] =	stream.indirect_vreg.gather @!p0 [hbm4b:s3+s22], $0x80, v0, vm1, $0xb8;
	[tilespmem:$0x1E400] =	vst v63  }
0xd1: {  	v0 =	vld @!p0 [tilespmem:s11+$0xFFFFFE60];
	_ =	sdelay $0x6  }
0xd2: {  	s23 =	simm.s32 @!p0 $0x10C00  }
0xd3: {  	[tilespmem:s23], [sflag:$0x2] =	stream.indirect_vreg.gather @!p0 [hbm4b:s3+s22], $0x80, v0, vm1, $0xb8;
	[tilespmem:$0x1E400] =	vst v63  }
0xd4: {  	v0 =	vld @!p0 [tilespmem:s11+$0xFFFFFE70];
	_ =	sdelay $0x6  }
0xd5: {  	s23 =	simm.s32 @!p0 $0x11400  }
0xd6: {  	[tilespmem:s23], [sflag:$0x2] =	stream.indirect_vreg.gather @!p0 [hbm4b:s3+s22], $0x80, v0, vm1, $0xb8;
	[tilespmem:$0x1E400] =	vst v63  }
0xd7: {  	v0 =	vld @!p0 [tilespmem:s11+$0xFFFFFE80];
	_ =	sdelay $0x6  }
0xd8: {  	s23 =	simm.s32 @!p0 $0x11C00  }
0xd9: {  	[tilespmem:s23], [sflag:$0x2] =	stream.indirect_vreg.gather @!p0 [hbm4b:s3+s22], $0x80, v0, vm1, $0xb8;
	[tilespmem:$0x1E400] =	vst v63  }
0xda: {  	_ =	swait.ge [sflag:s17], $0x4000  }
0xdb: {  	[sflag:s17] =	ssyncset.done $0x0  }
0xdc: {  	s23 =	sadd.s32 s21, s8;
	[sflag:s17] =	ssyncadd.s32 $0xFFFFC000  }
0xdd: {  	[hbm4b:s23+s1] =	stream.linear.scatter [tilespmem:s29], [sflag:$0x8], $0x4000, $0x38;
	[tilespmem:$0x1E400] =	vst v63  }
0xde: {  	s23 =	simm.s32 @!p0 $0x8  }
0xdf: {  	_ =	swait.ge @!p0 [sflag:s23], $0x4000  }
0xe0: {  	[sflag:s23] =	ssyncset.done @!p0 $0x0  }
0xe1: {  	[sflag:s23] =	ssyncadd.s32 @!p0 $0xFFFFC000  }
0xe2: {  	v0 =	vld @!p0 [tilespmem:s11+$0xFFFFFE90];
	_ =	sdelay $0x6  }
0xe3: {  	s23 =	simm.s32 @!p0 $0x12400  }
0xe4: {  	[tilespmem:s23], [sflag:$0x3] =	stream.indirect_vreg.gather @!p0 [hbm4b:s3+s22], $0x80, v0, vm1, $0xb8;
	[tilespmem:$0x1E400] =	vst v63  }
0xe5: {  	v0 =	vld @!p0 [tilespmem:s11+$0xFFFFFEA0];
	_ =	sdelay $0x6  }
0xe6: {  	s23 =	simm.s32 @!p0 $0x12C00  }
0xe7: {  	[tilespmem:s23], [sflag:$0x3] =	stream.indirect_vreg.gather @!p0 [hbm4b:s3+s22], $0x80, v0, vm1, $0xb8;
	[tilespmem:$0x1E400] =	vst v63  }
0xe8: {  	v0 =	vld @!p0 [tilespmem:s11+$0xFFFFFEB0];
	_ =	sdelay $0x6  }
0xe9: {  	s23 =	simm.s32 @!p0 $0x13400  }
0xea: {  	[tilespmem:s23], [sflag:$0x3] =	stream.indirect_vreg.gather @!p0 [hbm4b:s3+s22], $0x80, v0, vm1, $0xb8;
	[tilespmem:$0x1E400] =	vst v63  }
0xeb: {  	v0 =	vld @!p0 [tilespmem:s11+$0xFFFFFEC0];
	_ =	sdelay $0x6  }
0xec: {  	s23 =	simm.s32 @!p0 $0x13C00  }
0xed: {  	[tilespmem:s23], [sflag:$0x3] =	stream.indirect_vreg.gather @!p0 [hbm4b:s3+s22], $0x80, v0, vm1, $0xb8;
	[tilespmem:$0x1E400] =	vst v63  }
0xee: {  	v0 =	vld @!p0 [tilespmem:s11+$0xFFFFFED0];
	_ =	sdelay $0x6  }
0xef: {  	s23 =	simm.s32 @!p0 $0x14400  }
0xf0: {  	[tilespmem:s23], [sflag:$0x3] =	stream.indirect_vreg.gather @!p0 [hbm4b:s3+s22], $0x80, v0, vm1, $0xb8;
	[tilespmem:$0x1E400] =	vst v63  }
0xf1: {  	v0 =	vld @!p0 [tilespmem:s11+$0xFFFFFEE0];
	_ =	sdelay $0x6  }
0xf2: {  	s23 =	simm.s32 @!p0 $0x14C00  }
0xf3: {  	[tilespmem:s23], [sflag:$0x3] =	stream.indirect_vreg.gather @!p0 [hbm4b:s3+s22], $0x80, v0, vm1, $0xb8;
	[tilespmem:$0x1E400] =	vst v63  }
0xf4: {  	v0 =	vld @!p0 [tilespmem:s11+$0xFFFFFEF0];
	_ =	sdelay $0x6  }
0xf5: {  	s23 =	simm.s32 @!p0 $0x15400  }
0xf6: {  	[tilespmem:s23], [sflag:$0x3] =	stream.indirect_vreg.gather @!p0 [hbm4b:s3+s22], $0x80, v0, vm1, $0xb8;
	[tilespmem:$0x1E400] =	vst v63  }
0xf7: {  	v0 =	vld @!p0 [tilespmem:s11+$0xFFFFFF00];
	_ =	sdelay $0x6  }
0xf8: {  	s23 =	simm.s32 @!p0 $0x15C00  }
0xf9: {  	[tilespmem:s23], [sflag:$0x3] =	stream.indirect_vreg.gather @!p0 [hbm4b:s3+s22], $0x80, v0, vm1, $0xb8;
	[tilespmem:$0x1E400] =	vst v63  }
0xfa: {  	_ =	swait.ge [sflag:s18], $0x4000  }
0xfb: {  	[sflag:s18] =	ssyncset.done $0x0  }
0xfc: {  	s23 =	sadd.s32 s21, s9;
	[sflag:s18] =	ssyncadd.s32 $0xFFFFC000  }
0xfd: {  	[hbm4b:s23+s1] =	stream.linear.scatter [tilespmem:s16], [sflag:$0x9], $0x4000, $0x38;
	[tilespmem:$0x1E400] =	vst v63  }
0xfe: {  	s23 =	simm.s32 @!p0 $0x9  }
0xff: {  	_ =	swait.ge @!p0 [sflag:s23], $0x4000  }
0x100: {  	[sflag:s23] =	ssyncset.done @!p0 $0x0  }
0x101: {  	[sflag:s23] =	ssyncadd.s32 @!p0 $0xFFFFC000  }
0x102: {  	v0 =	vld @!p0 [tilespmem:s11+$0xFFFFFF10];
	_ =	sdelay $0x6  }
0x103: {  	s23 =	simm.s32 @!p0 $0x16400  }
0x104: {  	[tilespmem:s23], [sflag:$0x4] =	stream.indirect_vreg.gather @!p0 [hbm4b:s3+s22], $0x80, v0, vm1, $0xb8;
	[tilespmem:$0x1E400] =	vst v63  }
0x105: {  	v0 =	vld @!p0 [tilespmem:s11+$0xFFFFFF20];
	_ =	sdelay $0x6  }
0x106: {  	s23 =	simm.s32 @!p0 $0x16C00  }
0x107: {  	[tilespmem:s23], [sflag:$0x4] =	stream.indirect_vreg.gather @!p0 [hbm4b:s3+s22], $0x80, v0, vm1, $0xb8;
	[tilespmem:$0x1E400] =	vst v63  }
0x108: {  	v0 =	vld @!p0 [tilespmem:s11+$0xFFFFFF30];
	_ =	sdelay $0x6  }
0x109: {  	s23 =	simm.s32 @!p0 $0x17400  }
0x10a: {  	[tilespmem:s23], [sflag:$0x4] =	stream.indirect_vreg.gather @!p0 [hbm4b:s3+s22], $0x80, v0, vm1, $0xb8;
	[tilespmem:$0x1E400] =	vst v63  }
0x10b: {  	v0 =	vld @!p0 [tilespmem:s11+$0xFFFFFF40];
	_ =	sdelay $0x6  }
0x10c: {  	s23 =	simm.s32 @!p0 $0x17C00  }
0x10d: {  	[tilespmem:s23], [sflag:$0x4] =	stream.indirect_vreg.gather @!p0 [hbm4b:s3+s22], $0x80, v0, vm1, $0xb8;
	[tilespmem:$0x1E400] =	vst v63  }
0x10e: {  	v0 =	vld @!p0 [tilespmem:s11+$0xFFFFFF50];
	_ =	sdelay $0x6  }
0x10f: {  	s23 =	simm.s32 @!p0 $0x18400  }
0x110: {  	[tilespmem:s23], [sflag:$0x4] =	stream.indirect_vreg.gather @!p0 [hbm4b:s3+s22], $0x80, v0, vm1, $0xb8;
	[tilespmem:$0x1E400] =	vst v63  }
0x111: {  	v0 =	vld @!p0 [tilespmem:s11+$0xFFFFFF60];
	_ =	sdelay $0x6  }
0x112: {  	s23 =	simm.s32 @!p0 $0x18C00  }
0x113: {  	[tilespmem:s23], [sflag:$0x4] =	stream.indirect_vreg.gather @!p0 [hbm4b:s3+s22], $0x80, v0, vm1, $0xb8;
	[tilespmem:$0x1E400] =	vst v63  }
0x114: {  	v0 =	vld @!p0 [tilespmem:s11+$0xFFFFFF70];
	_ =	sdelay $0x6  }
0x115: {  	s23 =	simm.s32 @!p0 $0x19400  }
0x116: {  	[tilespmem:s23], [sflag:$0x4] =	stream.indirect_vreg.gather @!p0 [hbm4b:s3+s22], $0x80, v0, vm1, $0xb8;
	[tilespmem:$0x1E400] =	vst v63  }
0x117: {  	v0 =	vld @!p0 [tilespmem:s11+$0xFFFFFF80];
	_ =	sdelay $0x6  }
0x118: {  	s23 =	simm.s32 @!p0 $0x19C00  }
0x119: {  	[tilespmem:s23], [sflag:$0x4] =	stream.indirect_vreg.gather @!p0 [hbm4b:s3+s22], $0x80, v0, vm1, $0xb8;
	[tilespmem:$0x1E400] =	vst v63  }
.Ltmp2:
0x11a: {  	_ = 	snop;
	(pc) =	sbr.rel @p0 .LBB2_4-.Ltmp2, $4  }
0x11b: {  	_ =	swait.ge [sflag:s19], $0x4000  }
0x11c: {  	[sflag:s19] =	ssyncset.done $0x0  }
0x11d: {  	s23 =	sadd.s32 s21, s10;
	[sflag:s19] =	ssyncadd.s32 $0xFFFFC000  }
0x11e: {  	[hbm4b:s23+s1] =	stream.linear.scatter [tilespmem:s25], [sflag:$0xA], $0x4000, $0x38;
	[tilespmem:$0x1E400] =	vst v63  }
0x11f: {  	_ =	swait.ge [sflag:s4], $0x4000  }
0x120: {  	[sflag:s4] =	ssyncset.done $0x0  }
0x121: {  	[sflag:s4] =	ssyncadd.s32 $0xFFFFC000  }
0x122: {  	v0 =	vld [tilespmem:s11+$0xFFFFFF90];
	_ =	sdelay $0x7  }
0x123: {  	[tilespmem:s25], [sflag:$0x5] =	stream.indirect_vreg.gather [hbm4b:s3+s1], $0x80, v0, vm0, $0xb8;
	[tilespmem:$0x1E400] =	vst v63  }
0x124: {  	v0 =	vld [tilespmem:s11+$0xFFFFFFA0];
	_ =	sdelay $0x7  }
0x125: {  	[tilespmem:s26], [sflag:$0x5] =	stream.indirect_vreg.gather [hbm4b:s3+s1], $0x80, v0, vm0, $0xb8;
	[tilespmem:$0x1E400] =	vst v63  }
0x126: {  	v0 =	vld [tilespmem:s11+$0xFFFFFFB0];
	_ =	sdelay $0x7  }
0x127: {  	[tilespmem:s28], [sflag:$0x5] =	stream.indirect_vreg.gather [hbm4b:s3+s1], $0x80, v0, vm0, $0xb8;
	[tilespmem:$0x1E400] =	vst v63  }
0x128: {  	v0 =	vld [tilespmem:s11+$0xFFFFFFC0];
	_ =	sdelay $0x7  }
0x129: {  	[tilespmem:s30], [sflag:$0x5] =	stream.indirect_vreg.gather [hbm4b:s3+s1], $0x80, v0, vm0, $0xb8;
	[tilespmem:$0x1E400] =	vst v63  }
0x12a: {  	v0 =	vld [tilespmem:s11+$0xFFFFFFD0];
	_ =	sdelay $0x7  }
0x12b: {  	[tilespmem:s31], [sflag:$0x5] =	stream.indirect_vreg.gather [hbm4b:s3+s1], $0x80, v0, vm0, $0xb8;
	[tilespmem:$0x1E400] =	vst v63  }
0x12c: {  	v0 =	vld [tilespmem:s11+$0xFFFFFFE0];
	_ =	sdelay $0x7  }
0x12d: {  	[tilespmem:s0], [sflag:$0x5] =	stream.indirect_vreg.gather [hbm4b:s3+s1], $0x80, v0, vm0, $0xb8;
	[tilespmem:$0x1E400] =	vst v63  }
0x12e: {  	v0 =	vld [tilespmem:s11+$0xFFFFFFF0];
	_ =	sdelay $0x7  }
0x12f: {  	[tilespmem:s2], [sflag:$0x5] =	stream.indirect_vreg.gather [hbm4b:s3+s1], $0x80, v0, vm0, $0xb8;
	[tilespmem:$0x1E400] =	vst v63  }
0x130: {  	v0 =	vld [tilespmem:s11+$0x0];
	_ =	sdelay $0x3  }
.Ltmp3:
0x131: {  	_ = 	snop;
	(pc) =	sbr.rel .LBB2_2-.Ltmp3, $3  }
0x132: {  	_ =	sdelay $0x1  }
0x133: {  	s21 =	sadd.s32 $0x2800, s21;
	s11 =	sadd.s32 $0x280, s11  }
0x134: {  	[tilespmem:s13], [sflag:$0x5] =	stream.indirect_vreg.gather [hbm4b:s3+s1], $0x80, v0, vm0, $0xb8;
	[tilespmem:$0x1E400] =	vst v63  }
.LBB2_5:
0x135: {  	_ =	sfence.sel $0x180000  }
0x136: {  	[bflag:$0x0] =	sbarrier.arrive $0xFFFF  }
0x137: {  	_ =	strace $0x9000004A  }
0x138: {  	s0 =	stileid.u32;
	[bflag:$0x2] =	sbarrier.arrive $0xFFFF  }
0x139: {  	p0 =	sne.s32 s0, $0x0;
	s0 =	rddreg [dreg:$0x2]  }
0x13a: {  	s0 =	sadd.s32 @!p0 $0x100000, s0  }
0x13b: {  	[sflag:s0] =	ssyncadd.tile.s32 @!p0 $0x1;
	_ =	shalt  }
.Lfunc_end2:
_tile_overlayer_lowered:
.L_overlay_start_2:
0x13c: {  	(tag) =	ssettag $0x2  }
0x13d: {  	s0 =	rddreg [dreg:$0x0];
	s2 =	stileid.u32  }
0x13e: {  	s1 =	rddreg [dreg:$0x1];
	p0 =	sne.s32 s2, $0x0  }
0x13f: {  	s3 =	rddreg [dreg:$0x2];
	[bflag:$0x3] =	sbarrier.arrive $0xFFFF;
	s2 =	simm.s32 @!p0 $0x1C0B  }
0x140: {  	[timem:s3], [sflag:s2] =	dma.local @!p0 [hbm:s0], s1  }
0x141: {  	s0 =	simm.s32 @!p0 $0xB  }
0x142: {  	_ =	swait.ge @!p0 [sflag:s0], s1  }
0x143: {  	s1 =	ssub.s32 @!p0 $0x0, s1;
	[sflag:s0] =	ssyncset.done @!p0 $0x0  }
0x144: {  	[sflag:s0] =	ssyncadd.s32 @!p0 s1  }
0x145: {  	[bflag:$0x3] =	sbarrier.arrive $0xFFFF  }
0x146: {  	_ =	shalt  }

// kernel: sparse-core-data-format-call.cloned.1.call-start
scs
called_computation_lowered:
.L_overlay_start_0:
0x0: {  	s2 =	sld [smem:$0x3FD9]  }
0x1: {  	s3 =	sld [smem:$0x3FFE];
	_ =	sdelay $0x1  }
0x2: {  	s1 =	srdreg.scid  }
0x3: {  	s0 =	sand.u32 $0x1, s1  }
0x4: {  	s18 =	sshll.u32 s0, $0xA;
	s2 =	sadd.s32 s3, s2  }
0x5: {  	s2 =	sadd.s32 s2, s18  }
0x6: {  	[smem:$0x3FBF] =	sst s2  }
0x7: {  	_ = 	snop  }
0x8: {  	s2 =	sld [smem:$0x3FC7];
	(tm) =	ssettm $0x1  }
0x9: {  	s19 =	sld [smem:$0x3FFB];
	_ =	sdelay $0x3  }
0xa: {  	_ =	strace s19  }
0xb: {  	s3 =	sld [smem:$0x3FFC];
	_ =	sdelay $0x3  }
0xc: {  	_ =	strace s3  }
0xd: {  	s3 =	sld [smem:$0x3FFD];
	_ =	sdelay $0x3  }
0xe: {  	_ =	strace s3  }
0xf: {  	_ =	strace $0x8FFFFFFF  }
0x10: {  	s20 =	sld [smem:$0x3FDB];
	_ =	sdelay $0x1  }
0x11: {  	s4 =	simm.s32 $_scs_section_size  }
0x12: {  	s5 =	simm.s32 $_size__tile_overlayer_lowered;
	s6 =	simm.s32 $_tile_overlayer_lowered  }
0x13: {  	s23 =	simm.s32 $0x1BFF;
	s22 =	sshll.u32 s6, $0x1;
	s3 =	sadd.s32 s4, s20  }
0x14: {  	s7 =	simm.s32 $0x0;
	s21 =	sshll.u32 s5, $0x1;
	s5 =	sadd.s32 s22, s3  }
0x15: {  	[timem:s7], [sflag:s23] =	dma.local [hbm:s5], s21  }
0x16: {  	_ =	swait.ge [sflag:s23], s21  }
0x17: {  	s4 =	ssub.s32 $0x0, s21;
	[sflag:s23] =	ssyncset.done $0x0  }
0x18: {  	[sflag:s23] =	ssyncadd.s32 s4;
	_ =	sdelay $0x1  }
0x19: {  	s24 =	simm.s32 $0x1B8B  }
0x1a: {  	_ =	swait.ge [sflag:s24], $0x1  }
0x1b: {  	[sflag:s24] =	ssyncset.done $0x0  }
0x1c: {  	s26 =	simm.s32 $0x1B8E;
	s25 =	sld [smem:$0x3FFE];
	[sflag:s24] =	ssyncadd.s32 $0xFFFFFFFF  }
0x1d: {  	s27 =	simm.s32 $execute0_lowered;
	[smem:$0x3FD2] =	sst s26  }
0x1e: {  	s5 =	sshll.u32 s27, $0x1;
	_ =	strace $0x80000046;
	[dreg:$0x1] =	wrdreg $0xFFFFFFFF  }
0x1f: {  	s28 =	simm.s32 $_size_execute0_lowered;
	s3 =	sadd.s32 s3, s5;
	[dreg:$0x0] =	wrdreg $0x0  }
0x20: {  	s5 =	sshll.u32 s28, $0x1;
	[dreg:$0x2] =	wrdreg s3  }
0x21: {  	[dreg:$0x3] =	wrdreg s5  }
0x22: {  	[dreg:$0x4] =	wrdreg $0xC0  }
0x23: {  	_ =	task [dreg:s7], $0x5FFFF  }
0x24: {  	[dreg:$0x1] =	wrdreg $0xFFFFFFFF  }
0x25: {  	[dreg:$0x0] =	wrdreg $0x60  }
0x26: {  	[dreg:$0x2] =	wrdreg s2  }
0x27: {  	[dreg:$0x3] =	wrdreg s25  }
0x28: {  	[dreg:$0x4] =	wrdreg $0x9  }
0x29: {  	_ =	task.clear_ibuf [dreg:s7], $0x5FFFF;
	_ =	strace $0x90000046  }
0x2a: {  	s29 =	simm.s32 $0x9;
	_ =	strace $0x80000048  }
0x2b: {  	_ =	swait.ge [sflag:s29], $0x1  }
0x2c: {  	[sflag:s29] =	ssyncadd.s32 $0xFFFFFFFF  }
0x2d: {  	_ =	strace $0x90000048  }
0x2e: {  	_ =	sfence  }
0x2f: {  	s30 =	sld [smem:$0x0];
	_ =	sdelay $0x2  }
0x30: {  	s31 =	sshll.u32 s1, $0xD;
	s1 =	sshrl.u32 s1, $0x2  }
0x31: {  	s3 =	sand.u32 $0x4000, s31;
	s1 =	sadd.s32 s1, s30  }
0x32: {  	s0 =	sor.u32 s3, s0;
	s1 =	sshll.u32 s1, $0x11  }
0x33: {  	s0 =	sor.u32 s1, s0  }
0x34: {  	s0 =	sadd.s32 $0x8F2B, s0  }
0x35: {  	[sflag:s0] =	ssyncadd.remote.s32 $0x1  }
0x36: {  	_ =	sfence.sel $0xFFFF  }
0x37: {  	[dreg:$0x0] =	wrdreg $0xFFFFFFFF;
	(pc) =	sbr.abs _section_cstart, $3  }
0x38: {  	[dreg:$0x1] =	wrdreg $0xFFFFFFFF  }
0x39: {  	_ =	task.clear_ibuf [dreg:s7], $0x2FFFF;
	_ =	strace $0x9FFFFFFF  }
0x3a: {  	(tm) =	ssettm $0x7FFFFFFF  }
0x3b: {  	_ =	shalt  }
tec
execute0_lowered:
.L_overlay_start_1:
0x0: {  	(tag) =	ssettag $0x1  }
0x1: {  	s2 =	rddreg [dreg:$0x0]  }
0x2: {  	s0 =	srdreg.scid;
	s5 =	rddreg [dreg:$0x1]  }
0x3: {  	s31 =	simm.s32 $0x2;
	s16 =	simm.s32 $0x0;
	p0 =	por $0x0, $0x0  }
0x4: {  	s8 =	simm.s32 $0x80;
	s17 =	simm.s32 $0x0;
	s1 =	sshll.u32 s0, $0x4  }
0x5: {  	s18 =	simm.s32 $0x0;
	s0 =	stileid.u32;
	s1 =	sand.u32 $0x10, s1  }
0x6: {  	s9 =	simm.s32 $0x0;
	s10 =	simm.s32 $0x0;
	s1 =	sor.u32 s0, s1  }
0x7: {  	s11 =	simm.s32 $0x0;
	s13 =	simm.s32 $0x0;
	s3 =	sshll.u32 s1, $0x8  }
.Ltmp0:
0x8: {  	s14 =	simm.s32 $0x0;
	s4 =	ssub.s32 $0x18600, s3;
	(pc) =	sbr.rel .LBB1_1-.Ltmp0, $4  }
0x9: {  	s15 =	simm.s32 $0x0;
	s1 =	rddreg [dreg:$0x2];
	s6 =	sshrl.u32 s4, $0xD  }
0xa: {  	_ =	strace $0x80000047;
	s4 =	simm.s32 $0x1;
	s7 =	smul.u32 $0x1A, s6  }
0xb: {  	s5 =	sadd.s32 $0x1800, s5;
	s12 =	smov.u32 s3;
	[sflag:s4] =	ssyncpa.u1 $0x0  }
0xc: {  	[sflag:s31] =	ssyncpa.u1 $0x0;
	s6 =	sadd.s32 $0x1A, s7;
	s7 =	sadd.s32 $0x1B, s7  }
.LBB1_5:
0xd: {  	p1 =	slt.u32 s15, $0x2  }
0xe: {  	s19 =	smov.u32 s18;
	p2 =	sgt.s32 @!p1 s18, $0x19  }
0xf: {  	s20 =	sshra.s32 @!p1 s18, $0x1F;
	p3 =	sgt.s32 @!p1 s16, $0x185A0;
	p4 =	sgt.s32 @!p1 s17, $0x40  }
0x10: {  	s21 =	sshra.s32 @!p1 s17, $0x1F;
	p2 =	por !p2, p1;
	s18 =	sand.u32 @!p1 s20, s18  }
0x11: {  	p4 =	por !p4, p1;
	s20 =	smov.u32 s17;
	s19 =	simm.s32 @p2 $0x19  }
0x12: {  	s17 =	sand.u32 @!p1 s21, s17;
	s20 =	simm.s32 @p4 $0x40;
	s18 =	ssub.s32 @!p1 s19, s18  }
0x13: {  	p3 =	por !p3, p1;
	s17 =	ssub.s32 @!p1 s20, s17;
	s19 =	sadd.s32 @!p1 $0xFFFFFFE7, s18  }
0x14: {  	s20 =	sshra.s32 @!p1 s16, $0x1F;
	s18 =	ssub.s32 @!p1 $0x1A, s18;
	p2 =	sgt.s32 @!p1 s19, $0x0  }
0x15: {  	s19 =	smov.u32 s16;
	s16 =	sand.u32 @!p1 s20, s16;
	s20 =	sadd.s32 @!p1 $0xFFFFFFC0, s17  }
0x16: {  	s17 =	ssub.s32 @!p1 $0x80, s17;
	s19 =	simm.s32 @p3 $0x185A0;
	p2 =	por !p2, p1  }
0x17: {  	s18 =	simm.s32 @!p2 $0x0;
	s16 =	ssub.s32 @!p1 s19, s16;
	p2 =	sgt.s32 @!p1 s20, $0x3F  }
0x18: {  	s20 =	smov.u32 s13;
	s19 =	sadd.s32 @!p1 $0xFFFE7A60, s16;
	p2 =	por !p2, p1  }
0x19: {  	s16 =	ssub.s32 @!p1 $0x186A0, s16;
	s17 =	simm.s32 @!p2 $0x0;
	p2 =	sgt.s32 @!p1 s19, $0xFF  }
0x1a: {  	s19 =	sadd.s32 $0x2000, s12;
	p2 =	por !p2, p1;
	s17 =	smul.u32 @!p1 s18, s17  }
0x1b: {  	s18 =	sadd.s32 $0x40, s13;
	s16 =	simm.s32 @!p2 $0x0;
	p2 =	sgt.s32 s19, $0x1869F  }
0x1c: {  	s16 =	smul.u32 @!p1 s16, s17;
	s20 =	smov.u32 @p2 s18  }
0x1d: {  	s19 =	smov.u32 @p2 s3;
	s17 =	simm.s32 $0x1;
	p2 =	sgt.s32 s20, $0x3F  }
0x1e: {  	s17 =	simm.s32 @!p2 $0x0  }
0x1f: {  	p0 =	por !p0, !p0;
	s23 =	sadd.s32 s17, s14  }
0x20: {  	s21 =	simm.s32 @!p1 $0x2;
	s20 =	simm.s32 @p2 $0x0;
	p2 =	sgt.s32 s23, $0x19  }
0x21: {  	s18 =	smov.u32 s11;
	s23 =	simm.s32 @p2 $0x0;
	p2 =	sne.s32 s15, s7  }
.Ltmp1:
0x22: {  	s11 =	smov.u32 s14;
	s16 =	sand.u32 @!p1 $0x3FFFFFFF, s16;
	(pc) =	sbr.rel @!p2 .LBB1_6-.Ltmp1, $4  }
0x23: {  	_ =	swait.ge @!p1 [sflag:s21], s16;
	s22 =	ssub.s32 @!p1 $0x0, s16;
	s16 =	smov.u32 s9  }
0x24: {  	s17 =	smov.u32 s10;
	s9 =	smov.u32 s12;
	s10 =	smov.u32 s13  }
0x25: {  	s12 =	smov.u32 s19;
	s13 =	smov.u32 s20;
	[sflag:s21] =	ssyncset.done @!p1 $0x0  }
0x26: {  	s15 =	sadd.s32 $0x1, s15;
	[sflag:s21] =	ssyncadd.s32 @!p1 s22;
	s14 =	smov.u32 s23  }
.LBB1_1:
0x27: {  	p1 =	sge.u32 s15, s6  }
0x28: {  	s19 =	sshrl.u32 @!p1 s13, $0x3  }
0x29: {  	s20 =	sshll.u32 @!p1 s12, $0x3;
	s19 =	smul.u32 @!p1 $0xC3800, s19  }
0x2a: {  	s21 =	sshll.u32 @!p1 s13, $0x7;
	s20 =	sand.u32 @!p1 $0xFFFFFC00, s20  }
0x2b: {  	s19 =	sadd.s32 @!p1 s19, s20;
	s20 =	sand.u32 @!p1 $0x380, s21  }
0x2c: {  	s21 =	sand.u32 @!p1 $0x7F, s12;
	s19 =	sor.u32 @!p1 s20, s19  }
0x2d: {  	s20 =	sor.u32 @!p1 s21, s19  }
0x2e: {  	s21 =	smulhi.u32 @!p1 $0xA79C7B17, s20  }
0x2f: {  	s19 =	smulhi.u32 @!p1 $0xA79C7B17, s19  }
0x30: {  	s21 =	sshrl.u32 @!p1 s21, $0x10  }
0x31: {  	s19 =	sshrl.u32 @!p1 s19, $0x10;
	s21 =	smul.u32 @!p1 $0x18700, s21  }
0x32: {  	s22 =	sxor.u32 @!p1 $0xFFFFFFFF, s15;
	s23 =	smul.u32 @!p1 $0xC3800, s14;
	s19 =	sand.u32 @!p1 $0x3F, s19  }
0x33: {  	s22 =	sshll.u32 @!p1 s22, $0xE;
	s19 =	smul.u32 @!p1 $0x30E0, s19;
	s20 =	ssub.s32 @!p1 s20, s21  }
0x34: {  	s21 =	sand.u32 @!p1 $0x4000, s22;
	s22 =	sadd.s32 @!p1 s2, s23;
	s23 =	sand.u32 @!p1 $0x7, s20  }
0x35: {  	s20 =	sshrl.u32 @!p1 s20, $0x3;
	s19 =	sadd.s32 @!p1 s19, s22;
	s22 =	sshll.u32 @!p1 s23, $0x12  }
0x36: {  	s19 =	sadd.s32 @!p1 s20, s19;
	s20 =	sor.u32 @!p1 $0x800, s22;
	s22 =	simm.s32 @!p1 $0xC3800  }
0x37: {  	[tilespmem:s21], [sflag:$0x1] =	stream.strided.gather @!p1 [hbm4b:s19+s20], $0x4000, s22, s20, $0x38;
	[tilespmem:$0x10200] =	vst v63  }
0x38: {  	p1 =	seq.s32 s15, $0x0  }
0x39: {  	p2 =	sge.u32 @!p1 s15, s7  }
0x3a: {  	p1 =	por p1, p2  }
.Ltmp2:
0x3b: {  	_ = 	snop;
	(pc) =	sbr.rel @p1 .LBB1_5-.Ltmp2, $1  }
0x3c: {  	_ =	sdelay $0x3  }
0x3d: {  	s21 =	simm.s32 $0x0  }
0x3e: {  	s22 =	sand.u32 $0x3800, s21;
	s23 =	sand.u32 $0x380, s21  }
0x3f: {  	s19 =	sand.u32 $0x1, s15;
	s23 =	sor.u32 s23, s22  }
0x40: {  	_ =	swait.ge [sflag:s4], $0x4000;
	s20 =	sshll.u32 s19, $0xE;
	s22 =	sand.u32 $0x3B00, s23  }
0x41: {  	[sflag:s4] =	ssyncset.done $0x0;
	s21 =	sand.u32 $0x80, s21;
	s22 =	sadd.s32 s22, s20  }
0x42: {  	[sflag:s4] =	ssyncadd.s32 $0xFFFFC000;
	s25 =	sadd.s32 s21, s22  }
0x43: {  	v4 =	vld [tilespmem:s25+$0x400]  }
0x44: {  	s24 =	simm.s32 $0x1;
	v5 =	vld [tilespmem:s25+$0x0]  }
0x45: {  	s24 =	simm.s32 @!p0 $0x0;
	v6 =	vld [tilespmem:s25+$0x10]  }
0x46: {  	v0 =	vmov s20;
	s31 =	smul.u32 $0x10400, s24;
	v7 =	vld [tilespmem:s25+$0x20]  }
0x47: {  	v9 =	vld [tilespmem:s25+$0x30]  }
0x48: {  	s21 =	sshrl.u32 s31, $0x2;
	v10 =	vld [tilespmem:s25+$0x40]  }
0x49: {  	s21 =	sor.u32 $0x8000, s21;
	v11 =	vld [tilespmem:s25+$0x50]  }
0x4a: {  	v8 =	vld [tilespmem:s25+$0x60];
	s22 =	sadd.s32 $0x0, s21  }
0x4b: {  	v1 =	vld.idx.msk [tilespmem:v0+s23+$0x410 ss:$0x1], $0xffff;
	[tilespmem:s22+$0x2080 ss:$0x41] =	vst.msk $0xffff, v4  }
0x4c: {  	v2 =	vld.idx.msk [tilespmem:v0+s23+$0x420 ss:$0x1], $0xffff;
	[tilespmem:s22+$0x0 ss:$0x41] =	vst.msk $0xffff, v5  }
0x4d: {  	v3 =	vld.idx.msk [tilespmem:v0+s23+$0x430 ss:$0x1], $0xffff;
	[tilespmem:s22+$0x410 ss:$0x41] =	vst.msk $0xffff, v6  }
0x4e: {  	s19 =	smul.u32 $0x10400, s19;
	[tilespmem:s22+$0x820 ss:$0x41] =	vst.msk $0xffff, v7;
	v7 =	vld [tilespmem:s25+$0x70]  }
0x4f: {  	s26 =	simm.s32 $0x80;
	s27 =	simm.s32 $0x8;
	[tilespmem:s22+$0xC30 ss:$0x41] =	vst.msk $0xffff, v9;
	v4 =	vld.idx.msk [tilespmem:v0+s23+$0x440 ss:$0x1], $0xffff  }
0x50: {  	s29 =	sand.u32 $0x380, s26;
	s19 =	sshrl.u32 s19, $0x2;
	[tilespmem:s22+$0x1040 ss:$0x41] =	vst.msk $0xffff, v10;
	v5 =	vld.idx.msk [tilespmem:v0+s23+$0x450 ss:$0x1], $0xffff;
	s25 =	simm.s32 $0x100  }
0x51: {  	s24 =	simm.s32 $0x4;
	s19 =	sor.u32 $0x8000, s19;
	[tilespmem:s22+$0x1450 ss:$0x41] =	vst.msk $0xffff, v11;
	v6 =	vld.idx.msk [tilespmem:v0+s23+$0x460 ss:$0x1], $0xffff;
	s28 =	sand.u32 $0x3800, s25  }
.LBB1_3:
0x52: {  	p1 =	sne.s32 s27, $0xFC;
	[tilespmem:s22+$0x1860 ss:$0x41] =	vst.msk $0xffff, v8;
	v8 =	vld.idx.msk [tilespmem:v0+s23+$0x470 ss:$0x1], $0xffff;
	s23 =	sor.u32 s29, s28  }
0x53: {  	s28 =	sand.u32 $0x3B00, s23;
	v9 =	vld.idx.msk [tilespmem:v0+s23+$0x410 ss:$0x1], $0xffff;
	[tilespmem:s22+$0x1C70 ss:$0x41] =	vst.msk $0xffff, v7  }
0x54: {  	s29 =	sand.u32 $0x80, s26;
	s28 =	sadd.s32 s28, s20;
	v7 =	vld.idx.msk [tilespmem:v0+s23+$0x420 ss:$0x1], $0xffff;
	[tilespmem:s22+$0x2490 ss:$0x41] =	vst.msk $0xffff, v1  }
0x55: {  	s28 =	sadd.s32 s29, s28;
	v10 =	vld.idx.msk [tilespmem:v0+s23+$0x430 ss:$0x1], $0xffff;
	[tilespmem:s22+$0x28A0 ss:$0x41] =	vst.msk $0xffff, v2  }
0x56: {  	v11 =	vld [tilespmem:s28+$0x400];
	[tilespmem:s22+$0x2CB0 ss:$0x41] =	vst.msk $0xffff, v3  }
0x57: {  	v12 =	vld [tilespmem:s28+$0x0];
	[tilespmem:s22+$0x30C0 ss:$0x41] =	vst.msk $0xffff, v4  }
0x58: {  	v4 =	vld [tilespmem:s28+$0x10];
	[tilespmem:s22+$0x34D0 ss:$0x41] =	vst.msk $0xffff, v5  }
0x59: {  	s29 =	sshra.s32 s24, $0x2;
	s24 =	smov.u32 s27;
	v1 =	vmov v9;
	v5 =	vld [tilespmem:s28+$0x20];
	[tilespmem:s22+$0x38E0 ss:$0x41] =	vst.msk $0xffff, v6  }
0x5a: {  	v2 =	vmov v7;
	v6 =	vld [tilespmem:s28+$0x30];
	[tilespmem:s22+$0x3CF0 ss:$0x41] =	vst.msk $0xffff, v8;
	s22 =	sadd.s32 s29, s21  }
0x5b: {  	v3 =	vmov v10;
	v9 =	vld [tilespmem:s28+$0x40];
	[tilespmem:s22+$0x2080 ss:$0x41] =	vst.msk $0xffff, v11  }
0x5c: {  	[tilespmem:s22+$0x0 ss:$0x41] =	vst.msk $0xffff, v12;
	v10 =	vld [tilespmem:s28+$0x50]  }
.Ltmp3:
0x5d: {  	[tilespmem:s22+$0x410 ss:$0x41] =	vst.msk $0xffff, v4;
	v8 =	vld [tilespmem:s28+$0x60];
	(pc) =	sbr.rel @p1 .LBB1_3-.Ltmp3, $4  }
0x5e: {  	[tilespmem:s22+$0x820 ss:$0x41] =	vst.msk $0xffff, v5;
	v7 =	vld [tilespmem:s28+$0x70]  }
0x5f: {  	[tilespmem:s22+$0xC30 ss:$0x41] =	vst.msk $0xffff, v6;
	v4 =	vld.idx.msk [tilespmem:v0+s23+$0x440 ss:$0x1], $0xffff  }
0x60: {  	s26 =	sadd.s32 $0x80, s26;
	s25 =	sadd.s32 $0x100, s25;
	[tilespmem:s22+$0x1040 ss:$0x41] =	vst.msk $0xffff, v9;
	v5 =	vld.idx.msk [tilespmem:v0+s23+$0x450 ss:$0x1], $0xffff  }
0x61: {  	s27 =	sadd.s32 $0x4, s27;
	s29 =	sand.u32 $0x380, s26;
	s28 =	sand.u32 $0x3800, s25;
	[tilespmem:s22+$0x1450 ss:$0x41] =	vst.msk $0xffff, v10;
	v6 =	vld.idx.msk [tilespmem:v0+s23+$0x460 ss:$0x1], $0xffff  }
0x62: {  	_ =	sdelay $0x3  }
0x63: {  	s25 =	sor.u32 s29, s28;
	v47 =	vld.idx.msk [tilespmem:v0+s23+$0x470 ss:$0x1], $0xffff  }
0x64: {  	[tilespmem:s22+$0x1860 ss:$0x41] =	vst.msk $0xffff, v8;
	v57 =	vld.idx.msk [tilespmem:v0+s25+$0x410 ss:$0x1], $0xffff  }
0x65: {  	[tilespmem:s22+$0x2490 ss:$0x41] =	vst.msk $0xffff, v1;
	v58 =	vld.idx.msk [tilespmem:v0+s25+$0x420 ss:$0x1], $0xffff  }
0x66: {  	[tilespmem:s22+$0x28A0 ss:$0x41] =	vst.msk $0xffff, v2;
	v59 =	vld.idx.msk [tilespmem:v0+s25+$0x430 ss:$0x1], $0xffff  }
0x67: {  	[tilespmem:s22+$0x2CB0 ss:$0x41] =	vst.msk $0xffff, v3;
	v60 =	vld.idx.msk [tilespmem:v0+s25+$0x440 ss:$0x1], $0xffff  }
0x68: {  	s26 =	sand.u32 $0x80, s26;
	s27 =	sand.u32 $0x3B00, s25;
	[tilespmem:s22+$0x1C70 ss:$0x41] =	vst.msk $0xffff, v7;
	v61 =	vld.idx.msk [tilespmem:v0+s25+$0x450 ss:$0x1], $0xffff  }
0x69: {  	s29 =	sshll.u32 s10, $0x3;
	s24 =	sshra.s32 s24, $0x2;
	v62 =	vld.idx.msk [tilespmem:v0+s25+$0x460 ss:$0x1], $0xffff;
	s20 =	sadd.s32 s27, s20;
	[tilespmem:s22+$0x30C0 ss:$0x41] =	vst.msk $0xffff, v4  }
0x6a: {  	p1 =	sgt.s32 s11, $0x19;
	s31 =	sand.u32 $0xFFFFFC00, s29;
	v63 =	vld.idx.msk [tilespmem:v0+s25+$0x470 ss:$0x1], $0xffff;
	s23 =	sadd.s32 s26, s20;
	[tilespmem:s22+$0x34D0 ss:$0x41] =	vst.msk $0xffff, v5  }
0x6b: {  	p2 =	sgt.s32 s10, $0x40;
	s29 =	sshra.s32 s11, $0x1F;
	s25 =	smul.u32 $0x186A00, s11;
	v48 =	vld [tilespmem:s23+$0x400];
	[tilespmem:s22+$0x38E0 ss:$0x41] =	vst.msk $0xffff, v6  }
0x6c: {  	s26 =	sshll.u32 s9, $0x7;
	s20 =	sadd.s32 s24, s21;
	s24 =	sand.u32 s29, s11;
	v49 =	vld [tilespmem:s23+$0x0];
	[tilespmem:s22+$0x3CF0 ss:$0x41] =	vst.msk $0xffff, v47  }
0x6d: {  	s29 =	sshra.s32 s9, $0x1F;
	v50 =	vld [tilespmem:s23+$0x10];
	s30 =	sand.u32 $0xFFFFFC00, s26;
	s28 =	sand.u32 $0x380, s26;
	[tilespmem:s20+$0x2490 ss:$0x41] =	vst.msk $0xffff, v57  }
0x6e: {  	v51 =	vld [tilespmem:s23+$0x20];
	s27 =	sadd.s32 s31, s30;
	s22 =	smov.u32 s11;
	s31 =	sshra.s32 s10, $0x1F;
	[tilespmem:s20+$0x28A0 ss:$0x41] =	vst.msk $0xffff, v58  }
0x6f: {  	v52 =	vld [tilespmem:s23+$0x30];
	s21 =	sor.u32 s28, s27;
	s22 =	simm.s32 @!p1 $0x19;
	s28 =	sand.u32 s31, s10;
	[tilespmem:s20+$0x2CB0 ss:$0x41] =	vst.msk $0xffff, v59  }
0x70: {  	v53 =	vld [tilespmem:s23+$0x40];
	s27 =	smov.u32 s9;
	[tilespmem:s20+$0x30C0 ss:$0x41] =	vst.msk $0xffff, v60;
	s21 =	sshrl.u32 s21, $0x7;
	s22 =	ssub.s32 s22, s24  }
0x71: {  	v54 =	vld [tilespmem:s23+$0x50];
	[tilespmem:s20+$0x34D0 ss:$0x41] =	vst.msk $0xffff, v61;
	s24 =	smov.u32 s10;
	s26 =	smulhi.u32 $0x14F8B59, s21;
	s30 =	sadd.s32 $0xFFFFFFE7, s22  }
0x72: {  	v55 =	vld [tilespmem:s23+$0x60];
	[tilespmem:s20+$0x38E0 ss:$0x41] =	vst.msk $0xffff, v62;
	s24 =	simm.s32 @!p2 $0x40;
	p2 =	sgt.s32 s9, $0x185A0;
	s22 =	ssub.s32 $0x1A, s22  }
0x73: {  	v56 =	vld [tilespmem:s23+$0x70];
	[tilespmem:s20+$0x3CF0 ss:$0x41] =	vst.msk $0xffff, v63;
	p1 =	sgt.s32 s30, $0x0;
	s23 =	ssub.s32 s24, s28;
	s27 =	simm.s32 @!p2 $0x185A0  }
0x74: {  	[tilespmem:s20+$0x2080 ss:$0x41] =	vst.msk $0xffff, v48;
	s24 =	sand.u32 s29, s9;
	s28 =	sand.u32 $0x7, s10;
	s26 =	sshrl.u32 s26, $0x9  }
0x75: {  	[tilespmem:s20+$0x0 ss:$0x41] =	vst.msk $0xffff, v49;
	s24 =	ssub.s32 s27, s24;
	s30 =	sadd.s32 $0xFFFFFFC0, s23;
	s22 =	simm.s32 @p1 $0x0  }
0x76: {  	[tilespmem:s20+$0x410 ss:$0x41] =	vst.msk $0xffff, v50;
	s23 =	ssub.s32 $0x80, s23;
	s27 =	sshrl.u32 s10, $0x3;
	p1 =	sgt.s32 s30, $0x3F  }
0x77: {  	[tilespmem:s20+$0x820 ss:$0x41] =	vst.msk $0xffff, v51;
	s26 =	smul.u32 $0x186A0, s26;
	s31 =	sadd.s32 $0xFFFE7A60, s24;
	s23 =	simm.s32 @p1 $0x0  }
0x78: {  	[tilespmem:s20+$0xC30 ss:$0x41] =	vst.msk $0xffff, v52;
	s24 =	ssub.s32 $0x186A0, s24;
	p1 =	sgt.s32 s31, $0xFF;
	s22 =	smul.u32 s22, s23  }
.Ltmp4:
0x79: {  	[tilespmem:s20+$0x1040 ss:$0x41] =	vst.msk $0xffff, v53;
	s24 =	simm.s32 @p1 $0x0;
	s21 =	ssub.s32 s21, s26;
	(pc) =	sbr.rel .LBB1_5-.Ltmp4, $4  }
0x7a: {  	[tilespmem:s20+$0x1450 ss:$0x41] =	vst.msk $0xffff, v54;
	s23 =	sadd.s32 s5, s25;
	s22 =	smul.u32 s24, s22;
	s24 =	sand.u32 $0xF, s27  }
0x7b: {  	[tilespmem:s20+$0x1860 ss:$0x41] =	vst.msk $0xffff, v55;
	s29 =	sshll.u32 s28, $0x12;
	s21 =	sshll.u32 s21, $0x4;
	s23 =	sadd.s32 s24, s23  }
0x7c: {  	[tilespmem:s20+$0x1C70 ss:$0x41] =	vst.msk $0xffff, v56;
	s31 =	sor.u32 $0x40, s29;
	s30 =	sand.u32 $0x3FFFFFFF, s22;
	s21 =	sadd.s32 s21, s23  }
0x7d: {  	[hbm4b:s21+s31] =	stream.strided.scatter [tilespmem:s19], [sflag:$0x2], s30, s8, s31, $0x18;
	[tilespmem:$0x10200] =	vst v63  }
.LBB1_6:
0x7e: {  	_ =	sfence.sel $0x180000  }
0x7f: {  	s2 =	simm.s32 $0x1;
	[bflag:$0x0] =	sbarrier.arrive $0xFFFF  }
0x80: {  	s31 =	simm.s32 $0x2;
	[sflag:s2] =	ssyncpa.u1 $0x1  }
0x81: {  	[sflag:s31] =	ssyncpa.u1 $0x1  }
0x82: {  	p0 =	sne.s32 s0, $0x0;
	_ =	strace $0x90000047  }
0x83: {  	s0 =	sadd.s32 @!p0 $0x100000, s1;
	[bflag:$0x2] =	sbarrier.arrive $0xFFFF  }
0x84: {  	[sflag:s0] =	ssyncadd.tile.s32 @!p0 $0x1;
	_ =	shalt  }
.Lfunc_end1:
_tile_overlayer_lowered:
.L_overlay_start_2:
0x85: {  	(tag) =	ssettag $0x2  }
0x86: {  	s0 =	rddreg [dreg:$0x0];
	s2 =	stileid.u32  }
0x87: {  	s1 =	rddreg [dreg:$0x1];
	p0 =	sne.s32 s2, $0x0  }
0x88: {  	s3 =	rddreg [dreg:$0x2];
	[bflag:$0x3] =	sbarrier.arrive $0xFFFF;
	s2 =	simm.s32 @!p0 $0x1C01  }
0x89: {  	[timem:s3], [sflag:s2] =	dma.local @!p0 [hbm:s0], s1  }
0x8a: {  	s0 =	simm.s32 @!p0 $0x1  }
0x8b: {  	_ =	swait.ge @!p0 [sflag:s0], s1  }
0x8c: {  	s1 =	ssub.s32 @!p0 $0x0, s1;
	[sflag:s0] =	ssyncset.done @!p0 $0x0  }
0x8d: {  	[sflag:s0] =	ssyncadd.s32 @!p0 s1  }
0x8e: {  	[bflag:$0x3] =	sbarrier.arrive $0xFFFF  }
0x8f: {  	_ =	shalt  }

</sc_bundles>
